<compile_context>
chip_gen: v7x
topology: tpu7x:2x2x1
jax: 0.10.2.dev20260603
libtpu: 0.0.44.dev20260713+nightly
codegen_flags: <defaults>
</compile_context>

<pallas_src>
import jax
import jax.numpy as jnp
from jax import lax
from jax.experimental import pallas as pl
from jax.experimental.pallas import tpu as pltpu
from jax.experimental.pallas import tpu_sc as plsc

VOCAB = 50265
HIDDEN = 768
MAX_POS = 514
PAD = 1
EPS = 1e-05
B, L = 64, 512

LANES = 16
NV = HIDDEN // LANES
NW = 32
TPW = (B * L) // NW
ROWS_PW = TPW // L
CHUNK = 32
NCHUNK = TPW // CHUNK

_MAGIC = 0x5F3759DF


def _rsqrt_scalar(a):
    seed = jnp.int32(_MAGIC) - (lax.bitcast_convert_type(a, jnp.int32) >> 1)
    y = lax.bitcast_convert_type(seed, jnp.float32)
    half = jnp.float32(0.5) * a
    for _ in range(3):
        y = y * (jnp.float32(1.5) - half * y * y)
    return y


def _sc_body(ids_hbm, word_hbm, pos_hbm, g_hbm, b_hbm, out_hbm,
             ids_v, pos_v, wbuf, pbuf, gam_v, bet_v, stat_s,
             sem_w, sem_p, sem_o):
    wid = lax.axis_index("s") * 2 + lax.axis_index("c")
    base = wid * TPW

    pltpu.sync_copy(ids_hbm.at[pl.ds(base, TPW)], ids_v)
    pltpu.sync_copy(g_hbm, gam_v)
    pltpu.sync_copy(b_hbm, bet_v)

    one16 = jnp.full((LANES,), 1, jnp.int32)
    zero16i = jnp.zeros((LANES,), jnp.int32)
    for r in range(ROWS_PW):
        def pos_body(j, carry, r=r):
            off = pl.multiple_of(r * L + j * LANES, LANES)
            v = ids_v[pl.ds(off, LANES)]
            m = jnp.where(v != PAD, one16, zero16i)
            cs = plsc.cumsum(m) + carry
            pos_v[pl.ds(off, LANES)] = cs * m + PAD
            return carry + jnp.sum(m)
        lax.fori_loop(0, L // LANES, pos_body, jnp.int32(0))

    def gather_src(c):
        off = pl.multiple_of(c * CHUNK, 8)
        return (word_hbm.at[ids_v.at[pl.ds(off, CHUNK)]],
                pos_hbm.at[pos_v.at[pl.ds(off, CHUNK)]])

    def issue_gathers(c, q):
        srcw, srcp = gather_src(c)
        pltpu.async_copy(srcw, wbuf.at[q], sem_w.at[q])
        pltpu.async_copy(srcp, pbuf.at[q], sem_p.at[q])

    def wait_gathers(c, p):
        srcw, srcp = gather_src(c)
        pltpu.make_async_copy(srcw, wbuf.at[p], sem_w.at[p]).wait()
        pltpu.make_async_copy(srcp, pbuf.at[p], sem_p.at[p]).wait()

    TB = 16
    NB = CHUNK // TB

    def out_half_pair(c, p, tb):
        src = wbuf.at[p, pl.ds(tb * TB, TB)]
        dst = out_hbm.at[pl.ds(base + c * CHUNK + tb * TB, TB)]
        return src, dst

    zero16 = jnp.zeros((LANES,), jnp.float32)
    inv_h = jnp.float32(1.0 / HIDDEN)

    def compute(c, p):
        @plsc.parallel_loop(0, CHUNK, unroll=2)
        def token_body(t):
            s = [zero16, zero16, zero16, zero16]
            s2 = [zero16, zero16, zero16, zero16]
            for j in range(NV):
                ds = pl.ds(j * LANES, LANES)
                x = wbuf[p, t, ds] + pbuf[p, t, ds]
                wbuf[p, t, ds] = x
                s[j % 4] = s[j % 4] + x
                s2[j % 4] = s2[j % 4] + x * x
            sv = (s[0] + s[1]) + (s[2] + s[3])
            s2v = (s2[0] + s2[1]) + (s2[2] + s2[3])
            mean = jnp.sum(sv) * inv_h
            var = jnp.sum(s2v) * inv_h - mean * mean
            rs = _rsqrt_scalar(var + jnp.float32(EPS))
            stat_s[0, t] = rs
            stat_s[1, t] = -mean * rs

        for tb in range(NB):
            @plsc.parallel_loop(0, NV)
            def slice_body(j, tb=tb):
                ds = pl.ds(j * LANES, LANES)
                g = gam_v[ds]
                b = bet_v[ds]
                for t in range(tb * TB, (tb + 1) * TB):
                    a_v = jnp.broadcast_to(stat_s[0, t], (LANES,))
                    c_v = jnp.broadcast_to(stat_s[1, t], (LANES,))
                    x = wbuf[p, t, ds]
                    wbuf[p, t, ds] = (x * a_v + c_v) * g + b
            src, dst = out_half_pair(c, p, tb)
            pltpu.async_copy(src, dst, sem_o.at[p])

    issue_gathers(0, 0)

    def step(c, _):
        p = jnp.bitwise_and(c, 1)
        q = 1 - p

        @pl.when(c > 0)
        def _():
            for tb in range(NB):
                src, dst = out_half_pair(c - 1, q, tb)
                pltpu.make_async_copy(src, dst, sem_o.at[q]).wait()

        @pl.when(c < NCHUNK - 1)
        def _():
            issue_gathers(c + 1, q)

        wait_gathers(c, p)
        compute(c, p)
        return 0

    lax.fori_loop(0, NCHUNK, step, 0)

    last = NCHUNK - 1
    for tb in range(NB):
        src, dst = out_half_pair(last, last % 2, tb)
        pltpu.make_async_copy(src, dst, sem_o.at[last % 2]).wait()


@jax.jit
def _embed(ids_flat, word_table, pos_table, ln_gamma, ln_beta):
    mesh = plsc.VectorSubcoreMesh(core_axis_name="c", subcore_axis_name="s")
    fn = pl.kernel(
        _sc_body,
        out_type=jax.ShapeDtypeStruct((B * L, HIDDEN), jnp.float32),
        mesh=mesh,
        compiler_params=pltpu.CompilerParams(needs_layout_passes=False),
        scratch_types=[
            pltpu.VMEM((TPW,), jnp.int32),
            pltpu.VMEM((TPW,), jnp.int32),
            pltpu.VMEM((2, CHUNK, HIDDEN), jnp.float32),
            pltpu.VMEM((2, CHUNK, HIDDEN), jnp.float32),
            pltpu.VMEM((HIDDEN,), jnp.float32),
            pltpu.VMEM((HIDDEN,), jnp.float32),
            pltpu.SMEM((2, CHUNK), jnp.float32),
            pltpu.SemaphoreType.DMA((2,)),
            pltpu.SemaphoreType.DMA((2,)),
            pltpu.SemaphoreType.DMA((2,)),
        ],
    )
    return fn(ids_flat, word_table, pos_table, ln_gamma, ln_beta)


def kernel(input_ids, word_table, pos_table, ln_gamma, ln_beta):
    ids_flat = input_ids.astype(jnp.int32).reshape(B * L)
    out = _embed(ids_flat, word_table, pos_table, ln_gamma, ln_beta)
    return out.reshape(B, L, HIDDEN)

# --- scband reference (transcript-rebuilt; emitter-appended) ---
"""Pipeline reference for scband-roberta-embeddings-82420422410298 (READ-ONLY COPY).

The authoritative reference and input builder live on the scoring server;
editing this copy changes nothing except your own understanding.
"""

import jax, jax.numpy as jnp
import numpy as np

VOCAB = 50265
HIDDEN = 768
MAX_POS = 514
PAD = 1
EPS = 1e-05
B, L = 64, 512


def setup_inputs(seed: int = 0) -> dict:
    key = jax.random.key(seed)
    k1, k2, k3 = jax.random.split(key, 3)
    input_ids = jax.random.randint(k1, (B, L), 0, VOCAB, dtype=jnp.int64) if jax.config.jax_enable_x64 else jax.random.randint(k1, (B, L), 0, VOCAB, dtype=jnp.int32)
    word_table = jax.random.normal(k2, (VOCAB, HIDDEN), dtype=jnp.float32) * 0.02
    word_table = word_table.at[PAD].set(0.0)  # padding_idx row is zero in nn.Embedding
    pos_table = jax.random.normal(k3, (MAX_POS, HIDDEN), dtype=jnp.float32) * 0.02
    pos_table = pos_table.at[PAD].set(0.0)
    ln_gamma = jnp.ones((HIDDEN,), dtype=jnp.float32)
    ln_beta = jnp.zeros((HIDDEN,), dtype=jnp.float32)
    return {"input_ids": input_ids, "word_table": word_table, "pos_table": pos_table,
            "ln_gamma": ln_gamma, "ln_beta": ln_beta}


def create_pos_ids(input_ids, padding_idx=PAD):
    mask = (input_ids != padding_idx).astype(input_ids.dtype)
    pos_ids = jnp.cumsum(mask, axis=1) * mask
    return pos_ids + padding_idx


def reference(input_ids, word_table, pos_table, ln_gamma, ln_beta):
    pos_ids = create_pos_ids(input_ids)
    res = jnp.take(word_table, input_ids, axis=0)  # gather [B, L, H]
    res = res + jnp.take(pos_table, pos_ids, axis=0)
    mean = jnp.mean(res, axis=-1, keepdims=True)
    var = jnp.mean(jnp.square(res - mean), axis=-1, keepdims=True)
    out = (res - mean) / jnp.sqrt(var + EPS)
    out = out * ln_gamma + ln_beta
    # dropout is identity in eval mode
    return out

if __name__ == "__main__":
    import jax
    _d = setup_inputs()
    print(jax.jit(kernel)(*tuple(_d.values())))

</pallas_src>

<mosaic_0001>
#map = affine_map<(d0, d1) -> (0)>
#map1 = affine_map<(d0, d1) -> (0, 0)>
module attributes {stable_mosaic.version = 14 : i64} {
  func.func @_sc_body(%arg0: i32, %arg1: i32, %arg2: memref<32768xi32, #tpu.memory_space<hbm>>, %arg3: memref<50265x768xf32, #tpu.memory_space<hbm>>, %arg4: memref<514x768xf32, #tpu.memory_space<hbm>>, %arg5: memref<768xf32, #tpu.memory_space<hbm>>, %arg6: memref<768xf32, #tpu.memory_space<hbm>>, %arg7: memref<32768x768xf32, #tpu.memory_space<hbm>>, %arg8: memref<1024xi32, #tpu.memory_space<vmem>>, %arg9: memref<1024xi32, #tpu.memory_space<vmem>>, %arg10: memref<2x32x768xf32, #tpu.memory_space<vmem>>, %arg11: memref<2x32x768xf32, #tpu.memory_space<vmem>>, %arg12: memref<768xf32, #tpu.memory_space<vmem>>, %arg13: memref<768xf32, #tpu.memory_space<vmem>>, %arg14: memref<2x32xf32, #tpu.memory_space<smem>>, %arg15: memref<2x!tpu.dma_semaphore, #tpu.memory_space<semaphore_mem>>, %arg16: memref<2x!tpu.dma_semaphore, #tpu.memory_space<semaphore_mem>>, %arg17: memref<2x!tpu.dma_semaphore, #tpu.memory_space<semaphore_mem>>) attributes {dimension_semantics = [#tpu.dimension_semantics<core_parallel>, #tpu.dimension_semantics<subcore_parallel>], iteration_bounds = array<i64: 2, 16>, scalar_prefetch = 0 : i64, scratch_operands = 10 : i64, tpu.core_type = #tpu.core_type<sc_vector_subcore>, window_params = [{transform_indices = #map}, {transform_indices = #map1}, {transform_indices = #map1}, {transform_indices = #map}, {transform_indices = #map}, {transform_indices = #map1}]} {
    %mul3A = arith.constant 2 : i32
    %mul3A_0 = arith.muli %arg1, %mul3A : i32
    %add3A = arith.addi %mul3A_0, %arg0 : i32
    %mul3A_1 = arith.constant 1024 : i32
    %mul3A_2 = arith.muli %add3A, %mul3A_1 : i32
    "tpu.region"() ({
      %run_scoped3A = tpu.sem_alloc : memref<!tpu.dma_semaphore, #tpu.memory_space<semaphore_mem>>
      %dma_start3A_92 = tpu.memref_slice %arg2[%mul3A_2] : memref<32768xi32, #tpu.memory_space<hbm>> -> memref<1024xi32, #tpu.memory_space<hbm>>
      %dma_start3A_93 = tpu.memref_slice %arg2[%mul3A_2] : memref<32768xi32, #tpu.memory_space<hbm>> -> memref<1024xi32, #tpu.memory_space<hbm>>
      tpu.enqueue_dma source(%dma_start3A_93 : memref<1024xi32, #tpu.memory_space<hbm>>) target(%arg8 : memref<1024xi32, #tpu.memory_space<vmem>>) target_semaphore(%run_scoped3A : memref<!tpu.dma_semaphore, #tpu.memory_space<semaphore_mem>>)
      %dma_wait3A_94 = tpu.memref_slice %arg2[%mul3A_2] : memref<32768xi32, #tpu.memory_space<hbm>> -> memref<1024xi32, #tpu.memory_space<hbm>>
      %dma_wait3A_95 = tpu.memref_slice %arg2[%mul3A_2] : memref<32768xi32, #tpu.memory_space<hbm>> -> memref<1024xi32, #tpu.memory_space<hbm>>
      tpu.wait_dma2 semaphore(%run_scoped3A : memref<!tpu.dma_semaphore, #tpu.memory_space<semaphore_mem>>) src(%dma_wait3A_95 : memref<1024xi32, #tpu.memory_space<hbm>>) dst(%arg8 : memref<1024xi32, #tpu.memory_space<vmem>>)
      tpu.yield
    }) : () -> ()
    "tpu.region"() ({
      %run_scoped3A = tpu.sem_alloc : memref<!tpu.dma_semaphore, #tpu.memory_space<semaphore_mem>>
      tpu.enqueue_dma source(%arg5 : memref<768xf32, #tpu.memory_space<hbm>>) target(%arg12 : memref<768xf32, #tpu.memory_space<vmem>>) target_semaphore(%run_scoped3A : memref<!tpu.dma_semaphore, #tpu.memory_space<semaphore_mem>>)
      tpu.wait_dma2 semaphore(%run_scoped3A : memref<!tpu.dma_semaphore, #tpu.memory_space<semaphore_mem>>) src(%arg5 : memref<768xf32, #tpu.memory_space<hbm>>) dst(%arg12 : memref<768xf32, #tpu.memory_space<vmem>>)
      tpu.yield
    }) : () -> ()
    "tpu.region"() ({
      %run_scoped3A = tpu.sem_alloc : memref<!tpu.dma_semaphore, #tpu.memory_space<semaphore_mem>>
      tpu.enqueue_dma source(%arg6 : memref<768xf32, #tpu.memory_space<hbm>>) target(%arg13 : memref<768xf32, #tpu.memory_space<vmem>>) target_semaphore(%run_scoped3A : memref<!tpu.dma_semaphore, #tpu.memory_space<semaphore_mem>>)
      tpu.wait_dma2 semaphore(%run_scoped3A : memref<!tpu.dma_semaphore, #tpu.memory_space<semaphore_mem>>) src(%arg6 : memref<768xf32, #tpu.memory_space<hbm>>) dst(%arg13 : memref<768xf32, #tpu.memory_space<vmem>>)
      tpu.yield
    }) : () -> ()
    %broadcast_in_dim3A = arith.constant 1 : i32
    %broadcast_in_dim3A_3 = vector.broadcast %broadcast_in_dim3A : i32 to vector<16xi32>
    %broadcast_in_dim3A_4 = arith.constant 0 : i32
    %broadcast_in_dim3A_5 = vector.broadcast %broadcast_in_dim3A_4 : i32 to vector<16xi32>
    %scan3A = arith.constant 0 : i32
    %scan3A_6 = arith.constant 0 : i32
    %scan3A_7 = arith.constant 32 : i32
    %scan3A_8 = arith.addi %scan3A_6, %scan3A_7 : i32
    %scan3A_9 = arith.constant 1 : i32
    %scan3A_10 = scf.for %scan3A_92 = %scan3A_6 to %scan3A_8 step %scan3A_9 iter_args(%scan3A_93 = %scan3A) -> (i32)  : i32 {
      %mul3A_94 = arith.constant 16 : i32
      %mul3A_95 = arith.muli %scan3A_92, %mul3A_94 : i32
      %add3A_96 = arith.constant 0 : i32
      %add3A_97 = arith.addi %add3A_96, %mul3A_95 : i32
      %multiple_of3A_98 = tpu.assume_multiple %add3A_97, 16 : i32
      %get3A = arith.index_cast %multiple_of3A_98 : i32 to index
      %get3A_99 = tpu.vector_load %arg8[%get3A] {strides = array<i32>} : memref<1024xi32, #tpu.memory_space<vmem>>, vector<16xi32>,
      %ne3A = arith.constant 1 : i32
      %ne3A_100 = vector.broadcast %ne3A : i32 to vector<16xi32>
      %ne3A_101 = arith.cmpi ne, %get3A_99, %ne3A_100 : vector<16xi32>
      %select_n3A = arith.select %ne3A_101, %broadcast_in_dim3A_3, %broadcast_in_dim3A_5 : vector<16xi1>, vector<16xi32>
      %broadcast_in_dim3A_102 = arith.constant true
      %broadcast_in_dim3A_103 = vector.broadcast %broadcast_in_dim3A_102 : i1 to vector<16xi1>
      %masked_cumsum3A = tpu.scan <sum>, %select_n3A masked %broadcast_in_dim3A_103 : vector<16xi32>, vector<16xi1> -> vector<16xi32>
      %add3A_104 = vector.broadcast %scan3A_93 : i32 to vector<16xi32>
      %add3A_105 = arith.addi %masked_cumsum3A, %add3A_104 : vector<16xi32>
      %mul3A_106 = arith.muli %add3A_105, %select_n3A : vector<16xi32>
      %add3A_107 = arith.constant 1 : i32
      %add3A_108 = vector.broadcast %add3A_107 : i32 to vector<16xi32>
      %add3A_109 = arith.addi %mul3A_106, %add3A_108 : vector<16xi32>
      %swap3A = arith.index_cast %multiple_of3A_98 : i32 to index
      %swap3A_110 = tpu.vector_load %arg9[%swap3A] {strides = array<i32>} : memref<1024xi32, #tpu.memory_space<vmem>>, vector<16xi32>,
      tpu.vector_store %arg9[%swap3A], %add3A_109 {strides = array<i32>} : memref<1024xi32, #tpu.memory_space<vmem>>, vector<16xi32>,
      %reduce_sum3A = arith.constant true
      %reduce_sum3A_111 = vector.broadcast %reduce_sum3A : i1 to vector<16xi1>
      %reduce_sum3A_112 = tpu.scan <sum>, %select_n3A masked %reduce_sum3A_111 : vector<16xi32>, vector<16xi1> -> vector<16xi32>
      %reduce_sum3A_113 = vector.extract %reduce_sum3A_112[15] : i32 from vector<16xi32>
      %add3A_114 = arith.addi %scan3A_93, %reduce_sum3A_113 : i32
      scf.yield %add3A_114 : i32
    }
    %scan3A_11 = arith.constant 32 : i32
    %scan3A_12 = arith.constant 0 : i32
    %scan3A_13 = arith.constant 0 : i32
    %scan3A_14 = arith.constant 32 : i32
    %scan3A_15 = arith.addi %scan3A_13, %scan3A_14 : i32
    %scan3A_16 = arith.constant 1 : i32
    %scan3A_17 = scf.for %scan3A_92 = %scan3A_13 to %scan3A_15 step %scan3A_16 iter_args(%scan3A_93 = %scan3A_12) -> (i32)  : i32 {
      %mul3A_94 = arith.constant 16 : i32
      %mul3A_95 = arith.muli %scan3A_92, %mul3A_94 : i32
      %add3A_96 = arith.constant 512 : i32
      %add3A_97 = arith.addi %add3A_96, %mul3A_95 : i32
      %multiple_of3A_98 = tpu.assume_multiple %add3A_97, 16 : i32
      %get3A = arith.index_cast %multiple_of3A_98 : i32 to index
      %get3A_99 = tpu.vector_load %arg8[%get3A] {strides = array<i32>} : memref<1024xi32, #tpu.memory_space<vmem>>, vector<16xi32>,
      %ne3A = arith.constant 1 : i32
      %ne3A_100 = vector.broadcast %ne3A : i32 to vector<16xi32>
      %ne3A_101 = arith.cmpi ne, %get3A_99, %ne3A_100 : vector<16xi32>
      %select_n3A = arith.select %ne3A_101, %broadcast_in_dim3A_3, %broadcast_in_dim3A_5 : vector<16xi1>, vector<16xi32>
      %broadcast_in_dim3A_102 = arith.constant true
      %broadcast_in_dim3A_103 = vector.broadcast %broadcast_in_dim3A_102 : i1 to vector<16xi1>
      %masked_cumsum3A = tpu.scan <sum>, %select_n3A masked %broadcast_in_dim3A_103 : vector<16xi32>, vector<16xi1> -> vector<16xi32>
      %add3A_104 = vector.broadcast %scan3A_93 : i32 to vector<16xi32>
      %add3A_105 = arith.addi %masked_cumsum3A, %add3A_104 : vector<16xi32>
      %mul3A_106 = arith.muli %add3A_105, %select_n3A : vector<16xi32>
      %add3A_107 = arith.constant 1 : i32
      %add3A_108 = vector.broadcast %add3A_107 : i32 to vector<16xi32>
      %add3A_109 = arith.addi %mul3A_106, %add3A_108 : vector<16xi32>
      %swap3A = arith.index_cast %multiple_of3A_98 : i32 to index
      %swap3A_110 = tpu.vector_load %arg9[%swap3A] {strides = array<i32>} : memref<1024xi32, #tpu.memory_space<vmem>>, vector<16xi32>,
      tpu.vector_store %arg9[%swap3A], %add3A_109 {strides = array<i32>} : memref<1024xi32, #tpu.memory_space<vmem>>, vector<16xi32>,
      %reduce_sum3A = arith.constant true
      %reduce_sum3A_111 = vector.broadcast %reduce_sum3A : i1 to vector<16xi1>
      %reduce_sum3A_112 = tpu.scan <sum>, %select_n3A masked %reduce_sum3A_111 : vector<16xi32>, vector<16xi1> -> vector<16xi32>
      %reduce_sum3A_113 = vector.extract %reduce_sum3A_112[15] : i32 from vector<16xi32>
      %add3A_114 = arith.addi %scan3A_93, %reduce_sum3A_113 : i32
      scf.yield %add3A_114 : i32
    }
    %scan3A_18 = arith.constant 32 : i32
    %broadcast_in_dim3A_19 = arith.constant 0.000000e+00 : f32
    %broadcast_in_dim3A_20 = vector.broadcast %broadcast_in_dim3A_19 : f32 to vector<16xf32>
    %multiple_of3A = arith.constant 0 : i32
    %multiple_of3A_21 = tpu.assume_multiple %multiple_of3A, 8 : i32
    %dma_start3A = arith.constant 0 : i32
    %dma_start3A_22 = arith.constant 0 : i32
    %dma_start3A_23 = arith.constant 0 : i32
    %dma_start3A_24 = arith.constant 0 : i32
    %dma_start3A_25 = tpu.memref_slice %arg10[%dma_start3A, %dma_start3A_23, %dma_start3A_24] : memref<2x32x768xf32, #tpu.memory_space<vmem>> -> memref<1x32x768xf32, #tpu.memory_space<vmem>>
    %dma_start3A_26 = tpu.memref_squeeze %dma_start3A_25 : memref<1x32x768xf32, #tpu.memory_space<vmem>> -> memref<32x768xf32, #tpu.memory_space<vmem>>
    %dma_start3A_27 = tpu.memref_slice %arg8[%multiple_of3A_21] : memref<1024xi32, #tpu.memory_space<vmem>> -> memref<32xi32, #tpu.memory_space<vmem>>
    %dma_start3A_28 = arith.constant 0 : i32
    %dma_start3A_29 = arith.constant 0 : i32
    %dma_start3A_30 = tpu.memref_slice %arg3[%dma_start3A_28, %dma_start3A_29] : memref<50265x768xf32, #tpu.memory_space<hbm>> -> memref<50265x768xf32, #tpu.memory_space<hbm>>
    %dma_start3A_31 = tpu.memref_slice %arg15[%dma_start3A_22] : memref<2x!tpu.dma_semaphore, #tpu.memory_space<semaphore_mem>> -> memref<1x!tpu.dma_semaphore, #tpu.memory_space<semaphore_mem>>
    %dma_start3A_32 = tpu.memref_squeeze %dma_start3A_31 : memref<1x!tpu.dma_semaphore, #tpu.memory_space<semaphore_mem>> -> memref<!tpu.dma_semaphore, #tpu.memory_space<semaphore_mem>>
    tpu.enqueue_indirect_dma source(%dma_start3A_30 : memref<50265x768xf32, #tpu.memory_space<hbm>>) target(%dma_start3A_26 : memref<32x768xf32, #tpu.memory_space<vmem>>) offsets(%dma_start3A_27 : memref<32xi32, #tpu.memory_space<vmem>>) semaphore(%dma_start3A_32 : memref<!tpu.dma_semaphore, #tpu.memory_space<semaphore_mem>>)
    %dma_start3A_33 = arith.constant 0 : i32
    %dma_start3A_34 = arith.constant 0 : i32
    %dma_start3A_35 = arith.constant 0 : i32
    %dma_start3A_36 = arith.constant 0 : i32
    %dma_start3A_37 = tpu.memref_slice %arg11[%dma_start3A_33, %dma_start3A_35, %dma_start3A_36] : memref<2x32x768xf32, #tpu.memory_space<vmem>> -> memref<1x32x768xf32, #tpu.memory_space<vmem>>
    %dma_start3A_38 = tpu.memref_squeeze %dma_start3A_37 : memref<1x32x768xf32, #tpu.memory_space<vmem>> -> memref<32x768xf32, #tpu.memory_space<vmem>>
    %dma_start3A_39 = tpu.memref_slice %arg9[%multiple_of3A_21] : memref<1024xi32, #tpu.memory_space<vmem>> -> memref<32xi32, #tpu.memory_space<vmem>>
    %dma_start3A_40 = arith.constant 0 : i32
    %dma_start3A_41 = arith.constant 0 : i32
    %dma_start3A_42 = tpu.memref_slice %arg4[%dma_start3A_40, %dma_start3A_41] : memref<514x768xf32, #tpu.memory_space<hbm>> -> memref<514x768xf32, #tpu.memory_space<hbm>>
    %dma_start3A_43 = tpu.memref_slice %arg16[%dma_start3A_34] : memref<2x!tpu.dma_semaphore, #tpu.memory_space<semaphore_mem>> -> memref<1x!tpu.dma_semaphore, #tpu.memory_space<semaphore_mem>>
    %dma_start3A_44 = tpu.memref_squeeze %dma_start3A_43 : memref<1x!tpu.dma_semaphore, #tpu.memory_space<semaphore_mem>> -> memref<!tpu.dma_semaphore, #tpu.memory_space<semaphore_mem>>
    tpu.enqueue_indirect_dma source(%dma_start3A_42 : memref<514x768xf32, #tpu.memory_space<hbm>>) target(%dma_start3A_38 : memref<32x768xf32, #tpu.memory_space<vmem>>) offsets(%dma_start3A_39 : memref<32xi32, #tpu.memory_space<vmem>>) semaphore(%dma_start3A_44 : memref<!tpu.dma_semaphore, #tpu.memory_space<semaphore_mem>>)
    %scan3A_45 = arith.constant 0.00130208337 : f32
    %scan3A_46 = arith.constant 0 : i32
    %scan3A_47 = arith.constant 0 : i32
    %scan3A_48 = arith.constant 32 : i32
    %scan3A_49 = arith.addi %scan3A_47, %scan3A_48 : i32
    %scan3A_50 = arith.constant 1 : i32
    %scan3A_51 = scf.for %scan3A_92 = %scan3A_47 to %scan3A_49 step %scan3A_50 iter_args(%scan3A_93 = %scan3A_46) -> (i32)  : i32 {
      %and3A = arith.constant 1 : i32
      %and3A_94 = arith.andi %scan3A_92, %and3A : i32
      %sub3A = arith.constant 1 : i32
      %sub3A_95 = arith.subi %sub3A, %and3A_94 : i32
      %gt3A = arith.constant 0 : i32
      %gt3A_96 = arith.cmpi sgt, %scan3A_92, %gt3A : i32
      %convert_element_type3A = arith.extui %gt3A_96 : i1 to i32
      %cond3A = arith.constant 0 : i32
      %cond3A_97 = arith.cmpi ne, %convert_element_type3A, %cond3A : i32
      scf.if %cond3A_97 {
        %sub3A_172 = arith.constant 1 : i32
        %sub3A_173 = arith.subi %scan3A_92, %sub3A_172 : i32
        %mul3A_174 = arith.constant 32 : i32
        %mul3A_175 = arith.muli %sub3A_173, %mul3A_174 : i32
        %add3A_176 = arith.addi %mul3A_2, %mul3A_175 : i32
        %add3A_177 = arith.constant 0 : i32
        %add3A_178 = arith.addi %add3A_176, %add3A_177 : i32
        %dma_wait3A_179 = arith.constant 0 : i32
        %dma_wait3A_180 = arith.constant 0 : i32
        %dma_wait3A_181 = tpu.memref_slice %arg10[%sub3A_95, %dma_wait3A_179, %dma_wait3A_180] : memref<2x32x768xf32, #tpu.memory_space<vmem>> -> memref<1x16x768xf32, #tpu.memory_space<vmem>>
        %dma_wait3A_182 = tpu.memref_squeeze %dma_wait3A_181 : memref<1x16x768xf32, #tpu.memory_space<vmem>> -> memref<16x768xf32, #tpu.memory_space<vmem>>
        %dma_wait3A_183 = arith.constant 0 : i32
        %dma_wait3A_184 = tpu.memref_slice %arg7[%add3A_178, %dma_wait3A_183] : memref<32768x768xf32, #tpu.memory_space<hbm>> -> memref<16x768xf32, #tpu.memory_space<hbm>>
        %dma_wait3A_185 = tpu.memref_slice %arg17[%sub3A_95] : memref<2x!tpu.dma_semaphore, #tpu.memory_space<semaphore_mem>> -> memref<1x!tpu.dma_semaphore, #tpu.memory_space<semaphore_mem>>
        %dma_wait3A_186 = tpu.memref_squeeze %dma_wait3A_185 : memref<1x!tpu.dma_semaphore, #tpu.memory_space<semaphore_mem>> -> memref<!tpu.dma_semaphore, #tpu.memory_space<semaphore_mem>>
        %dma_wait3A_187 = arith.constant 0 : i32
        %dma_wait3A_188 = tpu.memref_slice %arg7[%add3A_178, %dma_wait3A_187] : memref<32768x768xf32, #tpu.memory_space<hbm>> -> memref<16x768xf32, #tpu.memory_space<hbm>>
        %dma_wait3A_189 = arith.constant 0 : i32
        %dma_wait3A_190 = arith.constant 0 : i32
        %dma_wait3A_191 = tpu.memref_slice %arg10[%sub3A_95, %dma_wait3A_189, %dma_wait3A_190] : memref<2x32x768xf32, #tpu.memory_space<vmem>> -> memref<1x16x768xf32, #tpu.memory_space<vmem>>
        %dma_wait3A_192 = tpu.memref_squeeze %dma_wait3A_191 : memref<1x16x768xf32, #tpu.memory_space<vmem>> -> memref<16x768xf32, #tpu.memory_space<vmem>>
        tpu.wait_dma2 semaphore(%dma_wait3A_186 : memref<!tpu.dma_semaphore, #tpu.memory_space<semaphore_mem>>) src(%dma_wait3A_192 : memref<16x768xf32, #tpu.memory_space<vmem>>) dst(%dma_wait3A_188 : memref<16x768xf32, #tpu.memory_space<hbm>>)
        %sub3A_193 = arith.constant 1 : i32
        %sub3A_194 = arith.subi %scan3A_92, %sub3A_193 : i32
        %mul3A_195 = arith.constant 32 : i32
        %mul3A_196 = arith.muli %sub3A_194, %mul3A_195 : i32
        %add3A_197 = arith.addi %mul3A_2, %mul3A_196 : i32
        %add3A_198 = arith.constant 16 : i32
        %add3A_199 = arith.addi %add3A_197, %add3A_198 : i32
        %dma_wait3A_200 = arith.constant 16 : i32
        %dma_wait3A_201 = arith.constant 0 : i32
        %dma_wait3A_202 = tpu.memref_slice %arg10[%sub3A_95, %dma_wait3A_200, %dma_wait3A_201] : memref<2x32x768xf32, #tpu.memory_space<vmem>> -> memref<1x16x768xf32, #tpu.memory_space<vmem>>
        %dma_wait3A_203 = tpu.memref_squeeze %dma_wait3A_202 : memref<1x16x768xf32, #tpu.memory_space<vmem>> -> memref<16x768xf32, #tpu.memory_space<vmem>>
        %dma_wait3A_204 = arith.constant 0 : i32
        %dma_wait3A_205 = tpu.memref_slice %arg7[%add3A_199, %dma_wait3A_204] : memref<32768x768xf32, #tpu.memory_space<hbm>> -> memref<16x768xf32, #tpu.memory_space<hbm>>
        %dma_wait3A_206 = tpu.memref_slice %arg17[%sub3A_95] : memref<2x!tpu.dma_semaphore, #tpu.memory_space<semaphore_mem>> -> memref<1x!tpu.dma_semaphore, #tpu.memory_space<semaphore_mem>>
        %dma_wait3A_207 = tpu.memref_squeeze %dma_wait3A_206 : memref<1x!tpu.dma_semaphore, #tpu.memory_space<semaphore_mem>> -> memref<!tpu.dma_semaphore, #tpu.memory_space<semaphore_mem>>
        %dma_wait3A_208 = arith.constant 0 : i32
        %dma_wait3A_209 = tpu.memref_slice %arg7[%add3A_199, %dma_wait3A_208] : memref<32768x768xf32, #tpu.memory_space<hbm>> -> memref<16x768xf32, #tpu.memory_space<hbm>>
        %dma_wait3A_210 = arith.constant 16 : i32
        %dma_wait3A_211 = arith.constant 0 : i32
        %dma_wait3A_212 = tpu.memref_slice %arg10[%sub3A_95, %dma_wait3A_210, %dma_wait3A_211] : memref<2x32x768xf32, #tpu.memory_space<vmem>> -> memref<1x16x768xf32, #tpu.memory_space<vmem>>
        %dma_wait3A_213 = tpu.memref_squeeze %dma_wait3A_212 : memref<1x16x768xf32, #tpu.memory_space<vmem>> -> memref<16x768xf32, #tpu.memory_space<vmem>>
        tpu.wait_dma2 semaphore(%dma_wait3A_207 : memref<!tpu.dma_semaphore, #tpu.memory_space<semaphore_mem>>) src(%dma_wait3A_213 : memref<16x768xf32, #tpu.memory_space<vmem>>) dst(%dma_wait3A_209 : memref<16x768xf32, #tpu.memory_space<hbm>>)
      } else {
      }
      %lt3A = arith.constant 31 : i32
      %lt3A_98 = arith.cmpi slt, %scan3A_92, %lt3A : i32
      %convert_element_type3A_99 = arith.extui %lt3A_98 : i1 to i32
      %cond3A_100 = arith.constant 0 : i32
      %cond3A_101 = arith.cmpi ne, %convert_element_type3A_99, %cond3A_100 : i32
      scf.if %cond3A_101 {
        %add3A_172 = arith.constant 1 : i32
        %add3A_173 = arith.addi %scan3A_92, %add3A_172 : i32
        %mul3A_174 = arith.constant 32 : i32
        %mul3A_175 = arith.muli %add3A_173, %mul3A_174 : i32
        %multiple_of3A_176 = tpu.assume_multiple %mul3A_175, 8 : i32
        %dma_start3A_177 = arith.constant 0 : i32
        %dma_start3A_178 = arith.constant 0 : i32
        %dma_start3A_179 = tpu.memref_slice %arg10[%sub3A_95, %dma_start3A_177, %dma_start3A_178] : memref<2x32x768xf32, #tpu.memory_space<vmem>> -> memref<1x32x768xf32, #tpu.memory_space<vmem>>
        %dma_start3A_180 = tpu.memref_squeeze %dma_start3A_179 : memref<1x32x768xf32, #tpu.memory_space<vmem>> -> memref<32x768xf32, #tpu.memory_space<vmem>>
        %dma_start3A_181 = tpu.memref_slice %arg8[%multiple_of3A_176] : memref<1024xi32, #tpu.memory_space<vmem>> -> memref<32xi32, #tpu.memory_space<vmem>>
        %dma_start3A_182 = arith.constant 0 : i32
        %dma_start3A_183 = arith.constant 0 : i32
        %dma_start3A_184 = tpu.memref_slice %arg3[%dma_start3A_182, %dma_start3A_183] : memref<50265x768xf32, #tpu.memory_space<hbm>> -> memref<50265x768xf32, #tpu.memory_space<hbm>>
        %dma_start3A_185 = tpu.memref_slice %arg15[%sub3A_95] : memref<2x!tpu.dma_semaphore, #tpu.memory_space<semaphore_mem>> -> memref<1x!tpu.dma_semaphore, #tpu.memory_space<semaphore_mem>>
        %dma_start3A_186 = tpu.memref_squeeze %dma_start3A_185 : memref<1x!tpu.dma_semaphore, #tpu.memory_space<semaphore_mem>> -> memref<!tpu.dma_semaphore, #tpu.memory_space<semaphore_mem>>
        tpu.enqueue_indirect_dma source(%dma_start3A_184 : memref<50265x768xf32, #tpu.memory_space<hbm>>) target(%dma_start3A_180 : memref<32x768xf32, #tpu.memory_space<vmem>>) offsets(%dma_start3A_181 : memref<32xi32, #tpu.memory_space<vmem>>) semaphore(%dma_start3A_186 : memref<!tpu.dma_semaphore, #tpu.memory_space<semaphore_mem>>)
        %dma_start3A_187 = arith.constant 0 : i32
        %dma_start3A_188 = arith.constant 0 : i32
        %dma_start3A_189 = tpu.memref_slice %arg11[%sub3A_95, %dma_start3A_187, %dma_start3A_188] : memref<2x32x768xf32, #tpu.memory_space<vmem>> -> memref<1x32x768xf32, #tpu.memory_space<vmem>>
        %dma_start3A_190 = tpu.memref_squeeze %dma_start3A_189 : memref<1x32x768xf32, #tpu.memory_space<vmem>> -> memref<32x768xf32, #tpu.memory_space<vmem>>
        %dma_start3A_191 = tpu.memref_slice %arg9[%multiple_of3A_176] : memref<1024xi32, #tpu.memory_space<vmem>> -> memref<32xi32, #tpu.memory_space<vmem>>
        %dma_start3A_192 = arith.constant 0 : i32
        %dma_start3A_193 = arith.constant 0 : i32
        %dma_start3A_194 = tpu.memref_slice %arg4[%dma_start3A_192, %dma_start3A_193] : memref<514x768xf32, #tpu.memory_space<hbm>> -> memref<514x768xf32, #tpu.memory_space<hbm>>
        %dma_start3A_195 = tpu.memref_slice %arg16[%sub3A_95] : memref<2x!tpu.dma_semaphore, #tpu.memory_space<semaphore_mem>> -> memref<1x!tpu.dma_semaphore, #tpu.memory_space<semaphore_mem>>
        %dma_start3A_196 = tpu.memref_squeeze %dma_start3A_195 : memref<1x!tpu.dma_semaphore, #tpu.memory_space<semaphore_mem>> -> memref<!tpu.dma_semaphore, #tpu.memory_space<semaphore_mem>>
        tpu.enqueue_indirect_dma source(%dma_start3A_194 : memref<514x768xf32, #tpu.memory_space<hbm>>) target(%dma_start3A_190 : memref<32x768xf32, #tpu.memory_space<vmem>>) offsets(%dma_start3A_191 : memref<32xi32, #tpu.memory_space<vmem>>) semaphore(%dma_start3A_196 : memref<!tpu.dma_semaphore, #tpu.memory_space<semaphore_mem>>)
      } else {
      }
      %mul3A_102 = arith.constant 32 : i32
      %mul3A_103 = arith.muli %scan3A_92, %mul3A_102 : i32
      %multiple_of3A_104 = tpu.assume_multiple %mul3A_103, 8 : i32
      %dma_wait3A_105 = arith.constant 0 : i32
      %dma_wait3A_106 = arith.constant 0 : i32
      %dma_wait3A_107 = tpu.memref_slice %arg10[%and3A_94, %dma_wait3A_105, %dma_wait3A_106] : memref<2x32x768xf32, #tpu.memory_space<vmem>> -> memref<1x32x768xf32, #tpu.memory_space<vmem>>
      %dma_wait3A_108 = tpu.memref_squeeze %dma_wait3A_107 : memref<1x32x768xf32, #tpu.memory_space<vmem>> -> memref<32x768xf32, #tpu.memory_space<vmem>>
      %dma_wait3A_109 = tpu.memref_slice %arg8[%multiple_of3A_104] : memref<1024xi32, #tpu.memory_space<vmem>> -> memref<32xi32, #tpu.memory_space<vmem>>
      %dma_wait3A_110 = arith.constant 0 : i32
      %dma_wait3A_111 = arith.constant 0 : i32
      %dma_wait3A_112 = tpu.memref_slice %arg3[%dma_wait3A_110, %dma_wait3A_111] : memref<50265x768xf32, #tpu.memory_space<hbm>> -> memref<50265x768xf32, #tpu.memory_space<hbm>>
      %dma_wait3A_113 = tpu.memref_slice %arg15[%and3A_94] : memref<2x!tpu.dma_semaphore, #tpu.memory_space<semaphore_mem>> -> memref<1x!tpu.dma_semaphore, #tpu.memory_space<semaphore_mem>>
      %dma_wait3A_114 = tpu.memref_squeeze %dma_wait3A_113 : memref<1x!tpu.dma_semaphore, #tpu.memory_space<semaphore_mem>> -> memref<!tpu.dma_semaphore, #tpu.memory_space<semaphore_mem>>
      tpu.wait_indirect_dma semaphore(%dma_wait3A_114 : memref<!tpu.dma_semaphore, #tpu.memory_space<semaphore_mem>>) src(%dma_wait3A_112 : memref<50265x768xf32, #tpu.memory_space<hbm>>) dst(%dma_wait3A_108 : memref<32x768xf32, #tpu.memory_space<vmem>>)
      %dma_wait3A_115 = arith.constant 0 : i32
      %dma_wait3A_116 = arith.constant 0 : i32
      %dma_wait3A_117 = tpu.memref_slice %arg11[%and3A_94, %dma_wait3A_115, %dma_wait3A_116] : memref<2x32x768xf32, #tpu.memory_space<vmem>> -> memref<1x32x768xf32, #tpu.memory_space<vmem>>
      %dma_wait3A_118 = tpu.memref_squeeze %dma_wait3A_117 : memref<1x32x768xf32, #tpu.memory_space<vmem>> -> memref<32x768xf32, #tpu.memory_space<vmem>>
      %dma_wait3A_119 = tpu.memref_slice %arg9[%multiple_of3A_104] : memref<1024xi32, #tpu.memory_space<vmem>> -> memref<32xi32, #tpu.memory_space<vmem>>
      %dma_wait3A_120 = arith.constant 0 : i32
      %dma_wait3A_121 = arith.constant 0 : i32
      %dma_wait3A_122 = tpu.memref_slice %arg4[%dma_wait3A_120, %dma_wait3A_121] : memref<514x768xf32, #tpu.memory_space<hbm>> -> memref<514x768xf32, #tpu.memory_space<hbm>>
      %dma_wait3A_123 = tpu.memref_slice %arg16[%and3A_94] : memref<2x!tpu.dma_semaphore, #tpu.memory_space<semaphore_mem>> -> memref<1x!tpu.dma_semaphore, #tpu.memory_space<semaphore_mem>>
      %dma_wait3A_124 = tpu.memref_squeeze %dma_wait3A_123 : memref<1x!tpu.dma_semaphore, #tpu.memory_space<semaphore_mem>> -> memref<!tpu.dma_semaphore, #tpu.memory_space<semaphore_mem>>
      tpu.wait_indirect_dma semaphore(%dma_wait3A_124 : memref<!tpu.dma_semaphore, #tpu.memory_space<semaphore_mem>>) src(%dma_wait3A_122 : memref<514x768xf32, #tpu.memory_space<hbm>>) dst(%dma_wait3A_118 : memref<32x768xf32, #tpu.memory_space<vmem>>)
      %parallel_loop3A = arith.constant 0 : i32
      %parallel_loop3A_125 = arith.constant 32 : i32
      %parallel_loop3A_126 = arith.constant 1 : i32
      scf.for %parallel_loop3A_172 = %parallel_loop3A to %parallel_loop3A_125 step %parallel_loop3A_126  : i32 {
        %parallel_loop3A_173 = arith.index_cast %and3A_94 : i32 to index
        %parallel_loop3A_174 = arith.index_cast %parallel_loop3A_172 : i32 to index
        %parallel_loop3A_175 = arith.constant 0 : index
        %parallel_loop3A_176 = tpu.vector_load %arg10[%parallel_loop3A_173, %parallel_loop3A_174, %parallel_loop3A_175] {strides = array<i32>} : memref<2x32x768xf32, #tpu.memory_space<vmem>>, vector<16xf32>,
        %parallel_loop3A_177 = arith.index_cast %and3A_94 : i32 to index
        %parallel_loop3A_178 = arith.index_cast %parallel_loop3A_172 : i32 to index
        %parallel_loop3A_179 = arith.constant 0 : index
        %parallel_loop3A_180 = tpu.vector_load %arg11[%parallel_loop3A_177, %parallel_loop3A_178, %parallel_loop3A_179] {strides = array<i32>} : memref<2x32x768xf32, #tpu.memory_space<vmem>>, vector<16xf32>,
        %parallel_loop3A_181 = arith.addf %parallel_loop3A_176, %parallel_loop3A_180 : vector<16xf32>
        %parallel_loop3A_182 = arith.index_cast %and3A_94 : i32 to index
        %parallel_loop3A_183 = arith.index_cast %parallel_loop3A_172 : i32 to index
        %parallel_loop3A_184 = arith.constant 0 : index
        %parallel_loop3A_185 = tpu.vector_load %arg10[%parallel_loop3A_182, %parallel_loop3A_183, %parallel_loop3A_184] {strides = array<i32>} : memref<2x32x768xf32, #tpu.memory_space<vmem>>, vector<16xf32>,
        tpu.vector_store %arg10[%parallel_loop3A_182, %parallel_loop3A_183, %parallel_loop3A_184], %parallel_loop3A_181 {strides = array<i32>} : memref<2x32x768xf32, #tpu.memory_space<vmem>>, vector<16xf32>,
        %parallel_loop3A_186 = arith.addf %broadcast_in_dim3A_20, %parallel_loop3A_181 : vector<16xf32>
        %parallel_loop3A_187 = arith.mulf %parallel_loop3A_181, %parallel_loop3A_181 : vector<16xf32>
        %parallel_loop3A_188 = arith.addf %broadcast_in_dim3A_20, %parallel_loop3A_187 : vector<16xf32>
        %parallel_loop3A_189 = arith.index_cast %and3A_94 : i32 to index
        %parallel_loop3A_190 = arith.index_cast %parallel_loop3A_172 : i32 to index
        %parallel_loop3A_191 = arith.constant 16 : index
        %parallel_loop3A_192 = tpu.vector_load %arg10[%parallel_loop3A_189, %parallel_loop3A_190, %parallel_loop3A_191] {strides = array<i32>} : memref<2x32x768xf32, #tpu.memory_space<vmem>>, vector<16xf32>,
        %parallel_loop3A_193 = arith.index_cast %and3A_94 : i32 to index
        %parallel_loop3A_194 = arith.index_cast %parallel_loop3A_172 : i32 to index
        %parallel_loop3A_195 = arith.constant 16 : index
        %parallel_loop3A_196 = tpu.vector_load %arg11[%parallel_loop3A_193, %parallel_loop3A_194, %parallel_loop3A_195] {strides = array<i32>} : memref<2x32x768xf32, #tpu.memory_space<vmem>>, vector<16xf32>,
        %parallel_loop3A_197 = arith.addf %parallel_loop3A_192, %parallel_loop3A_196 : vector<16xf32>
        %parallel_loop3A_198 = arith.index_cast %and3A_94 : i32 to index
        %parallel_loop3A_199 = arith.index_cast %parallel_loop3A_172 : i32 to index
        %parallel_loop3A_200 = arith.constant 16 : index
        %parallel_loop3A_201 = tpu.vector_load %arg10[%parallel_loop3A_198, %parallel_loop3A_199, %parallel_loop3A_200] {strides = array<i32>} : memref<2x32x768xf32, #tpu.memory_space<vmem>>, vector<16xf32>,
        tpu.vector_store %arg10[%parallel_loop3A_198, %parallel_loop3A_199, %parallel_loop3A_200], %parallel_loop3A_197 {strides = array<i32>} : memref<2x32x768xf32, #tpu.memory_space<vmem>>, vector<16xf32>,
        %parallel_loop3A_202 = arith.addf %broadcast_in_dim3A_20, %parallel_loop3A_197 : vector<16xf32>
        %parallel_loop3A_203 = arith.mulf %parallel_loop3A_197, %parallel_loop3A_197 : vector<16xf32>
        %parallel_loop3A_204 = arith.addf %broadcast_in_dim3A_20, %parallel_loop3A_203 : vector<16xf32>
        %parallel_loop3A_205 = arith.index_cast %and3A_94 : i32 to index
        %parallel_loop3A_206 = arith.index_cast %parallel_loop3A_172 : i32 to index
        %parallel_loop3A_207 = arith.constant 32 : index
        %parallel_loop3A_208 = tpu.vector_load %arg10[%parallel_loop3A_205, %parallel_loop3A_206, %parallel_loop3A_207] {strides = array<i32>} : memref<2x32x768xf32, #tpu.memory_space<vmem>>, vector<16xf32>,
        %parallel_loop3A_209 = arith.index_cast %and3A_94 : i32 to index
        %parallel_loop3A_210 = arith.index_cast %parallel_loop3A_172 : i32 to index
        %parallel_loop3A_211 = arith.constant 32 : index
        %parallel_loop3A_212 = tpu.vector_load %arg11[%parallel_loop3A_209, %parallel_loop3A_210, %parallel_loop3A_211] {strides = array<i32>} : memref<2x32x768xf32, #tpu.memory_space<vmem>>, vector<16xf32>,
        %parallel_loop3A_213 = arith.addf %parallel_loop3A_208, %parallel_loop3A_212 : vector<16xf32>
        %parallel_loop3A_214 = arith.index_cast %and3A_94 : i32 to index
        %parallel_loop3A_215 = arith.index_cast %parallel_loop3A_172 : i32 to index
        %parallel_loop3A_216 = arith.constant 32 : index
        %parallel_loop3A_217 = tpu.vector_load %arg10[%parallel_loop3A_214, %parallel_loop3A_215, %parallel_loop3A_216] {strides = array<i32>} : memref<2x32x768xf32, #tpu.memory_space<vmem>>, vector<16xf32>,
        tpu.vector_store %arg10[%parallel_loop3A_214, %parallel_loop3A_215, %parallel_loop3A_216], %parallel_loop3A_213 {strides = array<i32>} : memref<2x32x768xf32, #tpu.memory_space<vmem>>, vector<16xf32>,
        %parallel_loop3A_218 = arith.addf %broadcast_in_dim3A_20, %parallel_loop3A_213 : vector<16xf32>
        %parallel_loop3A_219 = arith.mulf %parallel_loop3A_213, %parallel_loop3A_213 : vector<16xf32>
        %parallel_loop3A_220 = arith.addf %broadcast_in_dim3A_20, %parallel_loop3A_219 : vector<16xf32>
        %parallel_loop3A_221 = arith.index_cast %and3A_94 : i32 to index
        %parallel_loop3A_222 = arith.index_cast %parallel_loop3A_172 : i32 to index
        %parallel_loop3A_223 = arith.constant 48 : index
        %parallel_loop3A_224 = tpu.vector_load %arg10[%parallel_loop3A_221, %parallel_loop3A_222, %parallel_loop3A_223] {strides = array<i32>} : memref<2x32x768xf32, #tpu.memory_space<vmem>>, vector<16xf32>,
        %parallel_loop3A_225 = arith.index_cast %and3A_94 : i32 to index
        %parallel_loop3A_226 = arith.index_cast %parallel_loop3A_172 : i32 to index
        %parallel_loop3A_227 = arith.constant 48 : index
        %parallel_loop3A_228 = tpu.vector_load %arg11[%parallel_loop3A_225, %parallel_loop3A_226, %parallel_loop3A_227] {strides = array<i32>} : memref<2x32x768xf32, #tpu.memory_space<vmem>>, vector<16xf32>,
        %parallel_loop3A_229 = arith.addf %parallel_loop3A_224, %parallel_loop3A_228 : vector<16xf32>
        %parallel_loop3A_230 = arith.index_cast %and3A_94 : i32 to index
        %parallel_loop3A_231 = arith.index_cast %parallel_loop3A_172 : i32 to index
        %parallel_loop3A_232 = arith.constant 48 : index
        %parallel_loop3A_233 = tpu.vector_load %arg10[%parallel_loop3A_230, %parallel_loop3A_231, %parallel_loop3A_232] {strides = array<i32>} : memref<2x32x768xf32, #tpu.memory_space<vmem>>, vector<16xf32>,
        tpu.vector_store %arg10[%parallel_loop3A_230, %parallel_loop3A_231, %parallel_loop3A_232], %parallel_loop3A_229 {strides = array<i32>} : memref<2x32x768xf32, #tpu.memory_space<vmem>>, vector<16xf32>,
        %parallel_loop3A_234 = arith.addf %broadcast_in_dim3A_20, %parallel_loop3A_229 : vector<16xf32>
        %parallel_loop3A_235 = arith.mulf %parallel_loop3A_229, %parallel_loop3A_229 : vector<16xf32>
        %parallel_loop3A_236 = arith.addf %broadcast_in_dim3A_20, %parallel_loop3A_235 : vector<16xf32>
        %parallel_loop3A_237 = arith.index_cast %and3A_94 : i32 to index
        %parallel_loop3A_238 = arith.index_cast %parallel_loop3A_172 : i32 to index
        %parallel_loop3A_239 = arith.constant 64 : index
        %parallel_loop3A_240 = tpu.vector_load %arg10[%parallel_loop3A_237, %parallel_loop3A_238, %parallel_loop3A_239] {strides = array<i32>} : memref<2x32x768xf32, #tpu.memory_space<vmem>>, vector<16xf32>,
        %parallel_loop3A_241 = arith.index_cast %and3A_94 : i32 to index
        %parallel_loop3A_242 = arith.index_cast %parallel_loop3A_172 : i32 to index
        %parallel_loop3A_243 = arith.constant 64 : index
        %parallel_loop3A_244 = tpu.vector_load %arg11[%parallel_loop3A_241, %parallel_loop3A_242, %parallel_loop3A_243] {strides = array<i32>} : memref<2x32x768xf32, #tpu.memory_space<vmem>>, vector<16xf32>,
        %parallel_loop3A_245 = arith.addf %parallel_loop3A_240, %parallel_loop3A_244 : vector<16xf32>
        %parallel_loop3A_246 = arith.index_cast %and3A_94 : i32 to index
        %parallel_loop3A_247 = arith.index_cast %parallel_loop3A_172 : i32 to index
        %parallel_loop3A_248 = arith.constant 64 : index
        %parallel_loop3A_249 = tpu.vector_load %arg10[%parallel_loop3A_246, %parallel_loop3A_247, %parallel_loop3A_248] {strides = array<i32>} : memref<2x32x768xf32, #tpu.memory_space<vmem>>, vector<16xf32>,
        tpu.vector_store %arg10[%parallel_loop3A_246, %parallel_loop3A_247, %parallel_loop3A_248], %parallel_loop3A_245 {strides = array<i32>} : memref<2x32x768xf32, #tpu.memory_space<vmem>>, vector<16xf32>,
        %parallel_loop3A_250 = arith.addf %parallel_loop3A_186, %parallel_loop3A_245 : vector<16xf32>
        %parallel_loop3A_251 = arith.mulf %parallel_loop3A_245, %parallel_loop3A_245 : vector<16xf32>
        %parallel_loop3A_252 = arith.addf %parallel_loop3A_188, %parallel_loop3A_251 : vector<16xf32>
        %parallel_loop3A_253 = arith.index_cast %and3A_94 : i32 to index
        %parallel_loop3A_254 = arith.index_cast %parallel_loop3A_172 : i32 to index
        %parallel_loop3A_255 = arith.constant 80 : index
        %parallel_loop3A_256 = tpu.vector_load %arg10[%parallel_loop3A_253, %parallel_loop3A_254, %parallel_loop3A_255] {strides = array<i32>} : memref<2x32x768xf32, #tpu.memory_space<vmem>>, vector<16xf32>,
        %parallel_loop3A_257 = arith.index_cast %and3A_94 : i32 to index
        %parallel_loop3A_258 = arith.index_cast %parallel_loop3A_172 : i32 to index
        %parallel_loop3A_259 = arith.constant 80 : index
        %parallel_loop3A_260 = tpu.vector_load %arg11[%parallel_loop3A_257, %parallel_loop3A_258, %parallel_loop3A_259] {strides = array<i32>} : memref<2x32x768xf32, #tpu.memory_space<vmem>>, vector<16xf32>,
        %parallel_loop3A_261 = arith.addf %parallel_loop3A_256, %parallel_loop3A_260 : vector<16xf32>
        %parallel_loop3A_262 = arith.index_cast %and3A_94 : i32 to index
        %parallel_loop3A_263 = arith.index_cast %parallel_loop3A_172 : i32 to index
        %parallel_loop3A_264 = arith.constant 80 : index
        %parallel_loop3A_265 = tpu.vector_load %arg10[%parallel_loop3A_262, %parallel_loop3A_263, %parallel_loop3A_264] {strides = array<i32>} : memref<2x32x768xf32, #tpu.memory_space<vmem>>, vector<16xf32>,
        tpu.vector_store %arg10[%parallel_loop3A_262, %parallel_loop3A_263, %parallel_loop3A_264], %parallel_loop3A_261 {strides = array<i32>} : memref<2x32x768xf32, #tpu.memory_space<vmem>>, vector<16xf32>,
        %parallel_loop3A_266 = arith.addf %parallel_loop3A_202, %parallel_loop3A_261 : vector<16xf32>
        %parallel_loop3A_267 = arith.mulf %parallel_loop3A_261, %parallel_loop3A_261 : vector<16xf32>
        %parallel_loop3A_268 = arith.addf %parallel_loop3A_204, %parallel_loop3A_267 : vector<16xf32>
        %parallel_loop3A_269 = arith.index_cast %and3A_94 : i32 to index
        %parallel_loop3A_270 = arith.index_cast %parallel_loop3A_172 : i32 to index
        %parallel_loop3A_271 = arith.constant 96 : index
        %parallel_loop3A_272 = tpu.vector_load %arg10[%parallel_loop3A_269, %parallel_loop3A_270, %parallel_loop3A_271] {strides = array<i32>} : memref<2x32x768xf32, #tpu.memory_space<vmem>>, vector<16xf32>,
        %parallel_loop3A_273 = arith.index_cast %and3A_94 : i32 to index
        %parallel_loop3A_274 = arith.index_cast %parallel_loop3A_172 : i32 to index
        %parallel_loop3A_275 = arith.constant 96 : index
        %parallel_loop3A_276 = tpu.vector_load %arg11[%parallel_loop3A_273, %parallel_loop3A_274, %parallel_loop3A_275] {strides = array<i32>} : memref<2x32x768xf32, #tpu.memory_space<vmem>>, vector<16xf32>,
        %parallel_loop3A_277 = arith.addf %parallel_loop3A_272, %parallel_loop3A_276 : vector<16xf32>
        %parallel_loop3A_278 = arith.index_cast %and3A_94 : i32 to index
        %parallel_loop3A_279 = arith.index_cast %parallel_loop3A_172 : i32 to index
        %parallel_loop3A_280 = arith.constant 96 : index
        %parallel_loop3A_281 = tpu.vector_load %arg10[%parallel_loop3A_278, %parallel_loop3A_279, %parallel_loop3A_280] {strides = array<i32>} : memref<2x32x768xf32, #tpu.memory_space<vmem>>, vector<16xf32>,
        tpu.vector_store %arg10[%parallel_loop3A_278, %parallel_loop3A_279, %parallel_loop3A_280], %parallel_loop3A_277 {strides = array<i32>} : memref<2x32x768xf32, #tpu.memory_space<vmem>>, vector<16xf32>,
        %parallel_loop3A_282 = arith.addf %parallel_loop3A_218, %parallel_loop3A_277 : vector<16xf32>
        %parallel_loop3A_283 = arith.mulf %parallel_loop3A_277, %parallel_loop3A_277 : vector<16xf32>
        %parallel_loop3A_284 = arith.addf %parallel_loop3A_220, %parallel_loop3A_283 : vector<16xf32>
        %parallel_loop3A_285 = arith.index_cast %and3A_94 : i32 to index
        %parallel_loop3A_286 = arith.index_cast %parallel_loop3A_172 : i32 to index
        %parallel_loop3A_287 = arith.constant 112 : index
        %parallel_loop3A_288 = tpu.vector_load %arg10[%parallel_loop3A_285, %parallel_loop3A_286, %parallel_loop3A_287] {strides = array<i32>} : memref<2x32x768xf32, #tpu.memory_space<vmem>>, vector<16xf32>,
        %parallel_loop3A_289 = arith.index_cast %and3A_94 : i32 to index
        %parallel_loop3A_290 = arith.index_cast %parallel_loop3A_172 : i32 to index
        %parallel_loop3A_291 = arith.constant 112 : index
        %parallel_loop3A_292 = tpu.vector_load %arg11[%parallel_loop3A_289, %parallel_loop3A_290, %parallel_loop3A_291] {strides = array<i32>} : memref<2x32x768xf32, #tpu.memory_space<vmem>>, vector<16xf32>,
        %parallel_loop3A_293 = arith.addf %parallel_loop3A_288, %parallel_loop3A_292 : vector<16xf32>
        %parallel_loop3A_294 = arith.index_cast %and3A_94 : i32 to index
        %parallel_loop3A_295 = arith.index_cast %parallel_loop3A_172 : i32 to index
        %parallel_loop3A_296 = arith.constant 112 : index
        %parallel_loop3A_297 = tpu.vector_load %arg10[%parallel_loop3A_294, %parallel_loop3A_295, %parallel_loop3A_296] {strides = array<i32>} : memref<2x32x768xf32, #tpu.memory_space<vmem>>, vector<16xf32>,
        tpu.vector_store %arg10[%parallel_loop3A_294, %parallel_loop3A_295, %parallel_loop3A_296], %parallel_loop3A_293 {strides = array<i32>} : memref<2x32x768xf32, #tpu.memory_space<vmem>>, vector<16xf32>,
        %parallel_loop3A_298 = arith.addf %parallel_loop3A_234, %parallel_loop3A_293 : vector<16xf32>
        %parallel_loop3A_299 = arith.mulf %parallel_loop3A_293, %parallel_loop3A_293 : vector<16xf32>
        %parallel_loop3A_300 = arith.addf %parallel_loop3A_236, %parallel_loop3A_299 : vector<16xf32>
        %parallel_loop3A_301 = arith.index_cast %and3A_94 : i32 to index
        %parallel_loop3A_302 = arith.index_cast %parallel_loop3A_172 : i32 to index
        %parallel_loop3A_303 = arith.constant 128 : index
        %parallel_loop3A_304 = tpu.vector_load %arg10[%parallel_loop3A_301, %parallel_loop3A_302, %parallel_loop3A_303] {strides = array<i32>} : memref<2x32x768xf32, #tpu.memory_space<vmem>>, vector<16xf32>,
        %parallel_loop3A_305 = arith.index_cast %and3A_94 : i32 to index
        %parallel_loop3A_306 = arith.index_cast %parallel_loop3A_172 : i32 to index
        %parallel_loop3A_307 = arith.constant 128 : index
        %parallel_loop3A_308 = tpu.vector_load %arg11[%parallel_loop3A_305, %parallel_loop3A_306, %parallel_loop3A_307] {strides = array<i32>} : memref<2x32x768xf32, #tpu.memory_space<vmem>>, vector<16xf32>,
        %parallel_loop3A_309 = arith.addf %parallel_loop3A_304, %parallel_loop3A_308 : vector<16xf32>
        %parallel_loop3A_310 = arith.index_cast %and3A_94 : i32 to index
        %parallel_loop3A_311 = arith.index_cast %parallel_loop3A_172 : i32 to index
        %parallel_loop3A_312 = arith.constant 128 : index
        %parallel_loop3A_313 = tpu.vector_load %arg10[%parallel_loop3A_310, %parallel_loop3A_311, %parallel_loop3A_312] {strides = array<i32>} : memref<2x32x768xf32, #tpu.memory_space<vmem>>, vector<16xf32>,
        tpu.vector_store %arg10[%parallel_loop3A_310, %parallel_loop3A_311, %parallel_loop3A_312], %parallel_loop3A_309 {strides = array<i32>} : memref<2x32x768xf32, #tpu.memory_space<vmem>>, vector<16xf32>,
        %parallel_loop3A_314 = arith.addf %parallel_loop3A_250, %parallel_loop3A_309 : vector<16xf32>
        %parallel_loop3A_315 = arith.mulf %parallel_loop3A_309, %parallel_loop3A_309 : vector<16xf32>
        %parallel_loop3A_316 = arith.addf %parallel_loop3A_252, %parallel_loop3A_315 : vector<16xf32>
        %parallel_loop3A_317 = arith.index_cast %and3A_94 : i32 to index
        %parallel_loop3A_318 = arith.index_cast %parallel_loop3A_172 : i32 to index
        %parallel_loop3A_319 = arith.constant 144 : index
        %parallel_loop3A_320 = tpu.vector_load %arg10[%parallel_loop3A_317, %parallel_loop3A_318, %parallel_loop3A_319] {strides = array<i32>} : memref<2x32x768xf32, #tpu.memory_space<vmem>>, vector<16xf32>,
        %parallel_loop3A_321 = arith.index_cast %and3A_94 : i32 to index
        %parallel_loop3A_322 = arith.index_cast %parallel_loop3A_172 : i32 to index
        %parallel_loop3A_323 = arith.constant 144 : index
        %parallel_loop3A_324 = tpu.vector_load %arg11[%parallel_loop3A_321, %parallel_loop3A_322, %parallel_loop3A_323] {strides = array<i32>} : memref<2x32x768xf32, #tpu.memory_space<vmem>>, vector<16xf32>,
        %parallel_loop3A_325 = arith.addf %parallel_loop3A_320, %parallel_loop3A_324 : vector<16xf32>
        %parallel_loop3A_326 = arith.index_cast %and3A_94 : i32 to index
        %parallel_loop3A_327 = arith.index_cast %parallel_loop3A_172 : i32 to index
        %parallel_loop3A_328 = arith.constant 144 : index
        %parallel_loop3A_329 = tpu.vector_load %arg10[%parallel_loop3A_326, %parallel_loop3A_327, %parallel_loop3A_328] {strides = array<i32>} : memref<2x32x768xf32, #tpu.memory_space<vmem>>, vector<16xf32>,
        tpu.vector_store %arg10[%parallel_loop3A_326, %parallel_loop3A_327, %parallel_loop3A_328], %parallel_loop3A_325 {strides = array<i32>} : memref<2x32x768xf32, #tpu.memory_space<vmem>>, vector<16xf32>,
        %parallel_loop3A_330 = arith.addf %parallel_loop3A_266, %parallel_loop3A_325 : vector<16xf32>
        %parallel_loop3A_331 = arith.mulf %parallel_loop3A_325, %parallel_loop3A_325 : vector<16xf32>
        %parallel_loop3A_332 = arith.addf %parallel_loop3A_268, %parallel_loop3A_331 : vector<16xf32>
        %parallel_loop3A_333 = arith.index_cast %and3A_94 : i32 to index
        %parallel_loop3A_334 = arith.index_cast %parallel_loop3A_172 : i32 to index
        %parallel_loop3A_335 = arith.constant 160 : index
        %parallel_loop3A_336 = tpu.vector_load %arg10[%parallel_loop3A_333, %parallel_loop3A_334, %parallel_loop3A_335] {strides = array<i32>} : memref<2x32x768xf32, #tpu.memory_space<vmem>>, vector<16xf32>,
        %parallel_loop3A_337 = arith.index_cast %and3A_94 : i32 to index
        %parallel_loop3A_338 = arith.index_cast %parallel_loop3A_172 : i32 to index
        %parallel_loop3A_339 = arith.constant 160 : index
        %parallel_loop3A_340 = tpu.vector_load %arg11[%parallel_loop3A_337, %parallel_loop3A_338, %parallel_loop3A_339] {strides = array<i32>} : memref<2x32x768xf32, #tpu.memory_space<vmem>>, vector<16xf32>,
        %parallel_loop3A_341 = arith.addf %parallel_loop3A_336, %parallel_loop3A_340 : vector<16xf32>
        %parallel_loop3A_342 = arith.index_cast %and3A_94 : i32 to index
        %parallel_loop3A_343 = arith.index_cast %parallel_loop3A_172 : i32 to index
        %parallel_loop3A_344 = arith.constant 160 : index
        %parallel_loop3A_345 = tpu.vector_load %arg10[%parallel_loop3A_342, %parallel_loop3A_343, %parallel_loop3A_344] {strides = array<i32>} : memref<2x32x768xf32, #tpu.memory_space<vmem>>, vector<16xf32>,
        tpu.vector_store %arg10[%parallel_loop3A_342, %parallel_loop3A_343, %parallel_loop3A_344], %parallel_loop3A_341 {strides = array<i32>} : memref<2x32x768xf32, #tpu.memory_space<vmem>>, vector<16xf32>,
        %parallel_loop3A_346 = arith.addf %parallel_loop3A_282, %parallel_loop3A_341 : vector<16xf32>
        %parallel_loop3A_347 = arith.mulf %parallel_loop3A_341, %parallel_loop3A_341 : vector<16xf32>
        %parallel_loop3A_348 = arith.addf %parallel_loop3A_284, %parallel_loop3A_347 : vector<16xf32>
        %parallel_loop3A_349 = arith.index_cast %and3A_94 : i32 to index
        %parallel_loop3A_350 = arith.index_cast %parallel_loop3A_172 : i32 to index
        %parallel_loop3A_351 = arith.constant 176 : index
        %parallel_loop3A_352 = tpu.vector_load %arg10[%parallel_loop3A_349, %parallel_loop3A_350, %parallel_loop3A_351] {strides = array<i32>} : memref<2x32x768xf32, #tpu.memory_space<vmem>>, vector<16xf32>,
        %parallel_loop3A_353 = arith.index_cast %and3A_94 : i32 to index
        %parallel_loop3A_354 = arith.index_cast %parallel_loop3A_172 : i32 to index
        %parallel_loop3A_355 = arith.constant 176 : index
        %parallel_loop3A_356 = tpu.vector_load %arg11[%parallel_loop3A_353, %parallel_loop3A_354, %parallel_loop3A_355] {strides = array<i32>} : memref<2x32x768xf32, #tpu.memory_space<vmem>>, vector<16xf32>,
        %parallel_loop3A_357 = arith.addf %parallel_loop3A_352, %parallel_loop3A_356 : vector<16xf32>
        %parallel_loop3A_358 = arith.index_cast %and3A_94 : i32 to index
        %parallel_loop3A_359 = arith.index_cast %parallel_loop3A_172 : i32 to index
        %parallel_loop3A_360 = arith.constant 176 : index
        %parallel_loop3A_361 = tpu.vector_load %arg10[%parallel_loop3A_358, %parallel_loop3A_359, %parallel_loop3A_360] {strides = array<i32>} : memref<2x32x768xf32, #tpu.memory_space<vmem>>, vector<16xf32>,
        tpu.vector_store %arg10[%parallel_loop3A_358, %parallel_loop3A_359, %parallel_loop3A_360], %parallel_loop3A_357 {strides = array<i32>} : memref<2x32x768xf32, #tpu.memory_space<vmem>>, vector<16xf32>,
        %parallel_loop3A_362 = arith.addf %parallel_loop3A_298, %parallel_loop3A_357 : vector<16xf32>
        %parallel_loop3A_363 = arith.mulf %parallel_loop3A_357, %parallel_loop3A_357 : vector<16xf32>
        %parallel_loop3A_364 = arith.addf %parallel_loop3A_300, %parallel_loop3A_363 : vector<16xf32>
        %parallel_loop3A_365 = arith.index_cast %and3A_94 : i32 to index
        %parallel_loop3A_366 = arith.index_cast %parallel_loop3A_172 : i32 to index
        %parallel_loop3A_367 = arith.constant 192 : index
        %parallel_loop3A_368 = tpu.vector_load %arg10[%parallel_loop3A_365, %parallel_loop3A_366, %parallel_loop3A_367] {strides = array<i32>} : memref<2x32x768xf32, #tpu.memory_space<vmem>>, vector<16xf32>,
        %parallel_loop3A_369 = arith.index_cast %and3A_94 : i32 to index
        %parallel_loop3A_370 = arith.index_cast %parallel_loop3A_172 : i32 to index
        %parallel_loop3A_371 = arith.constant 192 : index
        %parallel_loop3A_372 = tpu.vector_load %arg11[%parallel_loop3A_369, %parallel_loop3A_370, %parallel_loop3A_371] {strides = array<i32>} : memref<2x32x768xf32, #tpu.memory_space<vmem>>, vector<16xf32>,
        %parallel_loop3A_373 = arith.addf %parallel_loop3A_368, %parallel_loop3A_372 : vector<16xf32>
        %parallel_loop3A_374 = arith.index_cast %and3A_94 : i32 to index
        %parallel_loop3A_375 = arith.index_cast %parallel_loop3A_172 : i32 to index
        %parallel_loop3A_376 = arith.constant 192 : index
        %parallel_loop3A_377 = tpu.vector_load %arg10[%parallel_loop3A_374, %parallel_loop3A_375, %parallel_loop3A_376] {strides = array<i32>} : memref<2x32x768xf32, #tpu.memory_space<vmem>>, vector<16xf32>,
        tpu.vector_store %arg10[%parallel_loop3A_374, %parallel_loop3A_375, %parallel_loop3A_376], %parallel_loop3A_373 {strides = array<i32>} : memref<2x32x768xf32, #tpu.memory_space<vmem>>, vector<16xf32>,
        %parallel_loop3A_378 = arith.addf %parallel_loop3A_314, %parallel_loop3A_373 : vector<16xf32>
        %parallel_loop3A_379 = arith.mulf %parallel_loop3A_373, %parallel_loop3A_373 : vector<16xf32>
        %parallel_loop3A_380 = arith.addf %parallel_loop3A_316, %parallel_loop3A_379 : vector<16xf32>
        %parallel_loop3A_381 = arith.index_cast %and3A_94 : i32 to index
        %parallel_loop3A_382 = arith.index_cast %parallel_loop3A_172 : i32 to index
        %parallel_loop3A_383 = arith.constant 208 : index
        %parallel_loop3A_384 = tpu.vector_load %arg10[%parallel_loop3A_381, %parallel_loop3A_382, %parallel_loop3A_383] {strides = array<i32>} : memref<2x32x768xf32, #tpu.memory_space<vmem>>, vector<16xf32>,
        %parallel_loop3A_385 = arith.index_cast %and3A_94 : i32 to index
        %parallel_loop3A_386 = arith.index_cast %parallel_loop3A_172 : i32 to index
        %parallel_loop3A_387 = arith.constant 208 : index
        %parallel_loop3A_388 = tpu.vector_load %arg11[%parallel_loop3A_385, %parallel_loop3A_386, %parallel_loop3A_387] {strides = array<i32>} : memref<2x32x768xf32, #tpu.memory_space<vmem>>, vector<16xf32>,
        %parallel_loop3A_389 = arith.addf %parallel_loop3A_384, %parallel_loop3A_388 : vector<16xf32>
        %parallel_loop3A_390 = arith.index_cast %and3A_94 : i32 to index
        %parallel_loop3A_391 = arith.index_cast %parallel_loop3A_172 : i32 to index
        %parallel_loop3A_392 = arith.constant 208 : index
        %parallel_loop3A_393 = tpu.vector_load %arg10[%parallel_loop3A_390, %parallel_loop3A_391, %parallel_loop3A_392] {strides = array<i32>} : memref<2x32x768xf32, #tpu.memory_space<vmem>>, vector<16xf32>,
        tpu.vector_store %arg10[%parallel_loop3A_390, %parallel_loop3A_391, %parallel_loop3A_392], %parallel_loop3A_389 {strides = array<i32>} : memref<2x32x768xf32, #tpu.memory_space<vmem>>, vector<16xf32>,
        %parallel_loop3A_394 = arith.addf %parallel_loop3A_330, %parallel_loop3A_389 : vector<16xf32>
        %parallel_loop3A_395 = arith.mulf %parallel_loop3A_389, %parallel_loop3A_389 : vector<16xf32>
        %parallel_loop3A_396 = arith.addf %parallel_loop3A_332, %parallel_loop3A_395 : vector<16xf32>
        %parallel_loop3A_397 = arith.index_cast %and3A_94 : i32 to index
        %parallel_loop3A_398 = arith.index_cast %parallel_loop3A_172 : i32 to index
        %parallel_loop3A_399 = arith.constant 224 : index
        %parallel_loop3A_400 = tpu.vector_load %arg10[%parallel_loop3A_397, %parallel_loop3A_398, %parallel_loop3A_399] {strides = array<i32>} : memref<2x32x768xf32, #tpu.memory_space<vmem>>, vector<16xf32>,
        %parallel_loop3A_401 = arith.index_cast %and3A_94 : i32 to index
        %parallel_loop3A_402 = arith.index_cast %parallel_loop3A_172 : i32 to index
        %parallel_loop3A_403 = arith.constant 224 : index
        %parallel_loop3A_404 = tpu.vector_load %arg11[%parallel_loop3A_401, %parallel_loop3A_402, %parallel_loop3A_403] {strides = array<i32>} : memref<2x32x768xf32, #tpu.memory_space<vmem>>, vector<16xf32>,
        %parallel_loop3A_405 = arith.addf %parallel_loop3A_400, %parallel_loop3A_404 : vector<16xf32>
        %parallel_loop3A_406 = arith.index_cast %and3A_94 : i32 to index
        %parallel_loop3A_407 = arith.index_cast %parallel_loop3A_172 : i32 to index
        %parallel_loop3A_408 = arith.constant 224 : index
        %parallel_loop3A_409 = tpu.vector_load %arg10[%parallel_loop3A_406, %parallel_loop3A_407, %parallel_loop3A_408] {strides = array<i32>} : memref<2x32x768xf32, #tpu.memory_space<vmem>>, vector<16xf32>,
        tpu.vector_store %arg10[%parallel_loop3A_406, %parallel_loop3A_407, %parallel_loop3A_408], %parallel_loop3A_405 {strides = array<i32>} : memref<2x32x768xf32, #tpu.memory_space<vmem>>, vector<16xf32>,
        %parallel_loop3A_410 = arith.addf %parallel_loop3A_346, %parallel_loop3A_405 : vector<16xf32>
        %parallel_loop3A_411 = arith.mulf %parallel_loop3A_405, %parallel_loop3A_405 : vector<16xf32>
        %parallel_loop3A_412 = arith.addf %parallel_loop3A_348, %parallel_loop3A_411 : vector<16xf32>
        %parallel_loop3A_413 = arith.index_cast %and3A_94 : i32 to index
        %parallel_loop3A_414 = arith.index_cast %parallel_loop3A_172 : i32 to index
        %parallel_loop3A_415 = arith.constant 240 : index
        %parallel_loop3A_416 = tpu.vector_load %arg10[%parallel_loop3A_413, %parallel_loop3A_414, %parallel_loop3A_415] {strides = array<i32>} : memref<2x32x768xf32, #tpu.memory_space<vmem>>, vector<16xf32>,
        %parallel_loop3A_417 = arith.index_cast %and3A_94 : i32 to index
        %parallel_loop3A_418 = arith.index_cast %parallel_loop3A_172 : i32 to index
        %parallel_loop3A_419 = arith.constant 240 : index
        %parallel_loop3A_420 = tpu.vector_load %arg11[%parallel_loop3A_417, %parallel_loop3A_418, %parallel_loop3A_419] {strides = array<i32>} : memref<2x32x768xf32, #tpu.memory_space<vmem>>, vector<16xf32>,
        %parallel_loop3A_421 = arith.addf %parallel_loop3A_416, %parallel_loop3A_420 : vector<16xf32>
        %parallel_loop3A_422 = arith.index_cast %and3A_94 : i32 to index
        %parallel_loop3A_423 = arith.index_cast %parallel_loop3A_172 : i32 to index
        %parallel_loop3A_424 = arith.constant 240 : index
        %parallel_loop3A_425 = tpu.vector_load %arg10[%parallel_loop3A_422, %parallel_loop3A_423, %parallel_loop3A_424] {strides = array<i32>} : memref<2x32x768xf32, #tpu.memory_space<vmem>>, vector<16xf32>,
        tpu.vector_store %arg10[%parallel_loop3A_422, %parallel_loop3A_423, %parallel_loop3A_424], %parallel_loop3A_421 {strides = array<i32>} : memref<2x32x768xf32, #tpu.memory_space<vmem>>, vector<16xf32>,
        %parallel_loop3A_426 = arith.addf %parallel_loop3A_362, %parallel_loop3A_421 : vector<16xf32>
        %parallel_loop3A_427 = arith.mulf %parallel_loop3A_421, %parallel_loop3A_421 : vector<16xf32>
        %parallel_loop3A_428 = arith.addf %parallel_loop3A_364, %parallel_loop3A_427 : vector<16xf32>
        %parallel_loop3A_429 = arith.index_cast %and3A_94 : i32 to index
        %parallel_loop3A_430 = arith.index_cast %parallel_loop3A_172 : i32 to index
        %parallel_loop3A_431 = arith.constant 256 : index
        %parallel_loop3A_432 = tpu.vector_load %arg10[%parallel_loop3A_429, %parallel_loop3A_430, %parallel_loop3A_431] {strides = array<i32>} : memref<2x32x768xf32, #tpu.memory_space<vmem>>, vector<16xf32>,
        %parallel_loop3A_433 = arith.index_cast %and3A_94 : i32 to index
        %parallel_loop3A_434 = arith.index_cast %parallel_loop3A_172 : i32 to index
        %parallel_loop3A_435 = arith.constant 256 : index
        %parallel_loop3A_436 = tpu.vector_load %arg11[%parallel_loop3A_433, %parallel_loop3A_434, %parallel_loop3A_435] {strides = array<i32>} : memref<2x32x768xf32, #tpu.memory_space<vmem>>, vector<16xf32>,
        %parallel_loop3A_437 = arith.addf %parallel_loop3A_432, %parallel_loop3A_436 : vector<16xf32>
        %parallel_loop3A_438 = arith.index_cast %and3A_94 : i32 to index
        %parallel_loop3A_439 = arith.index_cast %parallel_loop3A_172 : i32 to index
        %parallel_loop3A_440 = arith.constant 256 : index
        %parallel_loop3A_441 = tpu.vector_load %arg10[%parallel_loop3A_438, %parallel_loop3A_439, %parallel_loop3A_440] {strides = array<i32>} : memref<2x32x768xf32, #tpu.memory_space<vmem>>, vector<16xf32>,
        tpu.vector_store %arg10[%parallel_loop3A_438, %parallel_loop3A_439, %parallel_loop3A_440], %parallel_loop3A_437 {strides = array<i32>} : memref<2x32x768xf32, #tpu.memory_space<vmem>>, vector<16xf32>,
        %parallel_loop3A_442 = arith.addf %parallel_loop3A_378, %parallel_loop3A_437 : vector<16xf32>
        %parallel_loop3A_443 = arith.mulf %parallel_loop3A_437, %parallel_loop3A_437 : vector<16xf32>
        %parallel_loop3A_444 = arith.addf %parallel_loop3A_380, %parallel_loop3A_443 : vector<16xf32>
        %parallel_loop3A_445 = arith.index_cast %and3A_94 : i32 to index
        %parallel_loop3A_446 = arith.index_cast %parallel_loop3A_172 : i32 to index
        %parallel_loop3A_447 = arith.constant 272 : index
        %parallel_loop3A_448 = tpu.vector_load %arg10[%parallel_loop3A_445, %parallel_loop3A_446, %parallel_loop3A_447] {strides = array<i32>} : memref<2x32x768xf32, #tpu.memory_space<vmem>>, vector<16xf32>,
        %parallel_loop3A_449 = arith.index_cast %and3A_94 : i32 to index
        %parallel_loop3A_450 = arith.index_cast %parallel_loop3A_172 : i32 to index
        %parallel_loop3A_451 = arith.constant 272 : index
        %parallel_loop3A_452 = tpu.vector_load %arg11[%parallel_loop3A_449, %parallel_loop3A_450, %parallel_loop3A_451] {strides = array<i32>} : memref<2x32x768xf32, #tpu.memory_space<vmem>>, vector<16xf32>,
        %parallel_loop3A_453 = arith.addf %parallel_loop3A_448, %parallel_loop3A_452 : vector<16xf32>
        %parallel_loop3A_454 = arith.index_cast %and3A_94 : i32 to index
        %parallel_loop3A_455 = arith.index_cast %parallel_loop3A_172 : i32 to index
        %parallel_loop3A_456 = arith.constant 272 : index
        %parallel_loop3A_457 = tpu.vector_load %arg10[%parallel_loop3A_454, %parallel_loop3A_455, %parallel_loop3A_456] {strides = array<i32>} : memref<2x32x768xf32, #tpu.memory_space<vmem>>, vector<16xf32>,
        tpu.vector_store %arg10[%parallel_loop3A_454, %parallel_loop3A_455, %parallel_loop3A_456], %parallel_loop3A_453 {strides = array<i32>} : memref<2x32x768xf32, #tpu.memory_space<vmem>>, vector<16xf32>,
        %parallel_loop3A_458 = arith.addf %parallel_loop3A_394, %parallel_loop3A_453 : vector<16xf32>
        %parallel_loop3A_459 = arith.mulf %parallel_loop3A_453, %parallel_loop3A_453 : vector<16xf32>
        %parallel_loop3A_460 = arith.addf %parallel_loop3A_396, %parallel_loop3A_459 : vector<16xf32>
        %parallel_loop3A_461 = arith.index_cast %and3A_94 : i32 to index
        %parallel_loop3A_462 = arith.index_cast %parallel_loop3A_172 : i32 to index
        %parallel_loop3A_463 = arith.constant 288 : index
        %parallel_loop3A_464 = tpu.vector_load %arg10[%parallel_loop3A_461, %parallel_loop3A_462, %parallel_loop3A_463] {strides = array<i32>} : memref<2x32x768xf32, #tpu.memory_space<vmem>>, vector<16xf32>,
        %parallel_loop3A_465 = arith.index_cast %and3A_94 : i32 to index
        %parallel_loop3A_466 = arith.index_cast %parallel_loop3A_172 : i32 to index
        %parallel_loop3A_467 = arith.constant 288 : index
        %parallel_loop3A_468 = tpu.vector_load %arg11[%parallel_loop3A_465, %parallel_loop3A_466, %parallel_loop3A_467] {strides = array<i32>} : memref<2x32x768xf32, #tpu.memory_space<vmem>>, vector<16xf32>,
        %parallel_loop3A_469 = arith.addf %parallel_loop3A_464, %parallel_loop3A_468 : vector<16xf32>
        %parallel_loop3A_470 = arith.index_cast %and3A_94 : i32 to index
        %parallel_loop3A_471 = arith.index_cast %parallel_loop3A_172 : i32 to index
        %parallel_loop3A_472 = arith.constant 288 : index
        %parallel_loop3A_473 = tpu.vector_load %arg10[%parallel_loop3A_470, %parallel_loop3A_471, %parallel_loop3A_472] {strides = array<i32>} : memref<2x32x768xf32, #tpu.memory_space<vmem>>, vector<16xf32>,
        tpu.vector_store %arg10[%parallel_loop3A_470, %parallel_loop3A_471, %parallel_loop3A_472], %parallel_loop3A_469 {strides = array<i32>} : memref<2x32x768xf32, #tpu.memory_space<vmem>>, vector<16xf32>,
        %parallel_loop3A_474 = arith.addf %parallel_loop3A_410, %parallel_loop3A_469 : vector<16xf32>
        %parallel_loop3A_475 = arith.mulf %parallel_loop3A_469, %parallel_loop3A_469 : vector<16xf32>
        %parallel_loop3A_476 = arith.addf %parallel_loop3A_412, %parallel_loop3A_475 : vector<16xf32>
        %parallel_loop3A_477 = arith.index_cast %and3A_94 : i32 to index
        %parallel_loop3A_478 = arith.index_cast %parallel_loop3A_172 : i32 to index
        %parallel_loop3A_479 = arith.constant 304 : index
        %parallel_loop3A_480 = tpu.vector_load %arg10[%parallel_loop3A_477, %parallel_loop3A_478, %parallel_loop3A_479] {strides = array<i32>} : memref<2x32x768xf32, #tpu.memory_space<vmem>>, vector<16xf32>,
        %parallel_loop3A_481 = arith.index_cast %and3A_94 : i32 to index
        %parallel_loop3A_482 = arith.index_cast %parallel_loop3A_172 : i32 to index
        %parallel_loop3A_483 = arith.constant 304 : index
        %parallel_loop3A_484 = tpu.vector_load %arg11[%parallel_loop3A_481, %parallel_loop3A_482, %parallel_loop3A_483] {strides = array<i32>} : memref<2x32x768xf32, #tpu.memory_space<vmem>>, vector<16xf32>,
        %parallel_loop3A_485 = arith.addf %parallel_loop3A_480, %parallel_loop3A_484 : vector<16xf32>
        %parallel_loop3A_486 = arith.index_cast %and3A_94 : i32 to index
        %parallel_loop3A_487 = arith.index_cast %parallel_loop3A_172 : i32 to index
        %parallel_loop3A_488 = arith.constant 304 : index
        %parallel_loop3A_489 = tpu.vector_load %arg10[%parallel_loop3A_486, %parallel_loop3A_487, %parallel_loop3A_488] {strides = array<i32>} : memref<2x32x768xf32, #tpu.memory_space<vmem>>, vector<16xf32>,
        tpu.vector_store %arg10[%parallel_loop3A_486, %parallel_loop3A_487, %parallel_loop3A_488], %parallel_loop3A_485 {strides = array<i32>} : memref<2x32x768xf32, #tpu.memory_space<vmem>>, vector<16xf32>,
        %parallel_loop3A_490 = arith.addf %parallel_loop3A_426, %parallel_loop3A_485 : vector<16xf32>
        %parallel_loop3A_491 = arith.mulf %parallel_loop3A_485, %parallel_loop3A_485 : vector<16xf32>
        %parallel_loop3A_492 = arith.addf %parallel_loop3A_428, %parallel_loop3A_491 : vector<16xf32>
        %parallel_loop3A_493 = arith.index_cast %and3A_94 : i32 to index
        %parallel_loop3A_494 = arith.index_cast %parallel_loop3A_172 : i32 to index
        %parallel_loop3A_495 = arith.constant 320 : index
        %parallel_loop3A_496 = tpu.vector_load %arg10[%parallel_loop3A_493, %parallel_loop3A_494, %parallel_loop3A_495] {strides = array<i32>} : memref<2x32x768xf32, #tpu.memory_space<vmem>>, vector<16xf32>,
        %parallel_loop3A_497 = arith.index_cast %and3A_94 : i32 to index
        %parallel_loop3A_498 = arith.index_cast %parallel_loop3A_172 : i32 to index
        %parallel_loop3A_499 = arith.constant 320 : index
        %parallel_loop3A_500 = tpu.vector_load %arg11[%parallel_loop3A_497, %parallel_loop3A_498, %parallel_loop3A_499] {strides = array<i32>} : memref<2x32x768xf32, #tpu.memory_space<vmem>>, vector<16xf32>,
        %parallel_loop3A_501 = arith.addf %parallel_loop3A_496, %parallel_loop3A_500 : vector<16xf32>
        %parallel_loop3A_502 = arith.index_cast %and3A_94 : i32 to index
        %parallel_loop3A_503 = arith.index_cast %parallel_loop3A_172 : i32 to index
        %parallel_loop3A_504 = arith.constant 320 : index
        %parallel_loop3A_505 = tpu.vector_load %arg10[%parallel_loop3A_502, %parallel_loop3A_503, %parallel_loop3A_504] {strides = array<i32>} : memref<2x32x768xf32, #tpu.memory_space<vmem>>, vector<16xf32>,
        tpu.vector_store %arg10[%parallel_loop3A_502, %parallel_loop3A_503, %parallel_loop3A_504], %parallel_loop3A_501 {strides = array<i32>} : memref<2x32x768xf32, #tpu.memory_space<vmem>>, vector<16xf32>,
        %parallel_loop3A_506 = arith.addf %parallel_loop3A_442, %parallel_loop3A_501 : vector<16xf32>
        %parallel_loop3A_507 = arith.mulf %parallel_loop3A_501, %parallel_loop3A_501 : vector<16xf32>
        %parallel_loop3A_508 = arith.addf %parallel_loop3A_444, %parallel_loop3A_507 : vector<16xf32>
        %parallel_loop3A_509 = arith.index_cast %and3A_94 : i32 to index
        %parallel_loop3A_510 = arith.index_cast %parallel_loop3A_172 : i32 to index
        %parallel_loop3A_511 = arith.constant 336 : index
        %parallel_loop3A_512 = tpu.vector_load %arg10[%parallel_loop3A_509, %parallel_loop3A_510, %parallel_loop3A_511] {strides = array<i32>} : memref<2x32x768xf32, #tpu.memory_space<vmem>>, vector<16xf32>,
        %parallel_loop3A_513 = arith.index_cast %and3A_94 : i32 to index
        %parallel_loop3A_514 = arith.index_cast %parallel_loop3A_172 : i32 to index
        %parallel_loop3A_515 = arith.constant 336 : index
        %parallel_loop3A_516 = tpu.vector_load %arg11[%parallel_loop3A_513, %parallel_loop3A_514, %parallel_loop3A_515] {strides = array<i32>} : memref<2x32x768xf32, #tpu.memory_space<vmem>>, vector<16xf32>,
        %parallel_loop3A_517 = arith.addf %parallel_loop3A_512, %parallel_loop3A_516 : vector<16xf32>
        %parallel_loop3A_518 = arith.index_cast %and3A_94 : i32 to index
        %parallel_loop3A_519 = arith.index_cast %parallel_loop3A_172 : i32 to index
        %parallel_loop3A_520 = arith.constant 336 : index
        %parallel_loop3A_521 = tpu.vector_load %arg10[%parallel_loop3A_518, %parallel_loop3A_519, %parallel_loop3A_520] {strides = array<i32>} : memref<2x32x768xf32, #tpu.memory_space<vmem>>, vector<16xf32>,
        tpu.vector_store %arg10[%parallel_loop3A_518, %parallel_loop3A_519, %parallel_loop3A_520], %parallel_loop3A_517 {strides = array<i32>} : memref<2x32x768xf32, #tpu.memory_space<vmem>>, vector<16xf32>,
        %parallel_loop3A_522 = arith.addf %parallel_loop3A_458, %parallel_loop3A_517 : vector<16xf32>
        %parallel_loop3A_523 = arith.mulf %parallel_loop3A_517, %parallel_loop3A_517 : vector<16xf32>
        %parallel_loop3A_524 = arith.addf %parallel_loop3A_460, %parallel_loop3A_523 : vector<16xf32>
        %parallel_loop3A_525 = arith.index_cast %and3A_94 : i32 to index
        %parallel_loop3A_526 = arith.index_cast %parallel_loop3A_172 : i32 to index
        %parallel_loop3A_527 = arith.constant 352 : index
        %parallel_loop3A_528 = tpu.vector_load %arg10[%parallel_loop3A_525, %parallel_loop3A_526, %parallel_loop3A_527] {strides = array<i32>} : memref<2x32x768xf32, #tpu.memory_space<vmem>>, vector<16xf32>,
        %parallel_loop3A_529 = arith.index_cast %and3A_94 : i32 to index
        %parallel_loop3A_530 = arith.index_cast %parallel_loop3A_172 : i32 to index
        %parallel_loop3A_531 = arith.constant 352 : index
        %parallel_loop3A_532 = tpu.vector_load %arg11[%parallel_loop3A_529, %parallel_loop3A_530, %parallel_loop3A_531] {strides = array<i32>} : memref<2x32x768xf32, #tpu.memory_space<vmem>>, vector<16xf32>,
        %parallel_loop3A_533 = arith.addf %parallel_loop3A_528, %parallel_loop3A_532 : vector<16xf32>
        %parallel_loop3A_534 = arith.index_cast %and3A_94 : i32 to index
        %parallel_loop3A_535 = arith.index_cast %parallel_loop3A_172 : i32 to index
        %parallel_loop3A_536 = arith.constant 352 : index
        %parallel_loop3A_537 = tpu.vector_load %arg10[%parallel_loop3A_534, %parallel_loop3A_535, %parallel_loop3A_536] {strides = array<i32>} : memref<2x32x768xf32, #tpu.memory_space<vmem>>, vector<16xf32>,
        tpu.vector_store %arg10[%parallel_loop3A_534, %parallel_loop3A_535, %parallel_loop3A_536], %parallel_loop3A_533 {strides = array<i32>} : memref<2x32x768xf32, #tpu.memory_space<vmem>>, vector<16xf32>,
        %parallel_loop3A_538 = arith.addf %parallel_loop3A_474, %parallel_loop3A_533 : vector<16xf32>
        %parallel_loop3A_539 = arith.mulf %parallel_loop3A_533, %parallel_loop3A_533 : vector<16xf32>
        %parallel_loop3A_540 = arith.addf %parallel_loop3A_476, %parallel_loop3A_539 : vector<16xf32>
        %parallel_loop3A_541 = arith.index_cast %and3A_94 : i32 to index
        %parallel_loop3A_542 = arith.index_cast %parallel_loop3A_172 : i32 to index
        %parallel_loop3A_543 = arith.constant 368 : index
        %parallel_loop3A_544 = tpu.vector_load %arg10[%parallel_loop3A_541, %parallel_loop3A_542, %parallel_loop3A_543] {strides = array<i32>} : memref<2x32x768xf32, #tpu.memory_space<vmem>>, vector<16xf32>,
        %parallel_loop3A_545 = arith.index_cast %and3A_94 : i32 to index
        %parallel_loop3A_546 = arith.index_cast %parallel_loop3A_172 : i32 to index
        %parallel_loop3A_547 = arith.constant 368 : index
        %parallel_loop3A_548 = tpu.vector_load %arg11[%parallel_loop3A_545, %parallel_loop3A_546, %parallel_loop3A_547] {strides = array<i32>} : memref<2x32x768xf32, #tpu.memory_space<vmem>>, vector<16xf32>,
        %parallel_loop3A_549 = arith.addf %parallel_loop3A_544, %parallel_loop3A_548 : vector<16xf32>
        %parallel_loop3A_550 = arith.index_cast %and3A_94 : i32 to index
        %parallel_loop3A_551 = arith.index_cast %parallel_loop3A_172 : i32 to index
        %parallel_loop3A_552 = arith.constant 368 : index
        %parallel_loop3A_553 = tpu.vector_load %arg10[%parallel_loop3A_550, %parallel_loop3A_551, %parallel_loop3A_552] {strides = array<i32>} : memref<2x32x768xf32, #tpu.memory_space<vmem>>, vector<16xf32>,
        tpu.vector_store %arg10[%parallel_loop3A_550, %parallel_loop3A_551, %parallel_loop3A_552], %parallel_loop3A_549 {strides = array<i32>} : memref<2x32x768xf32, #tpu.memory_space<vmem>>, vector<16xf32>,
        %parallel_loop3A_554 = arith.addf %parallel_loop3A_490, %parallel_loop3A_549 : vector<16xf32>
        %parallel_loop3A_555 = arith.mulf %parallel_loop3A_549, %parallel_loop3A_549 : vector<16xf32>
        %parallel_loop3A_556 = arith.addf %parallel_loop3A_492, %parallel_loop3A_555 : vector<16xf32>
        %parallel_loop3A_557 = arith.index_cast %and3A_94 : i32 to index
        %parallel_loop3A_558 = arith.index_cast %parallel_loop3A_172 : i32 to index
        %parallel_loop3A_559 = arith.constant 384 : index
        %parallel_loop3A_560 = tpu.vector_load %arg10[%parallel_loop3A_557, %parallel_loop3A_558, %parallel_loop3A_559] {strides = array<i32>} : memref<2x32x768xf32, #tpu.memory_space<vmem>>, vector<16xf32>,
        %parallel_loop3A_561 = arith.index_cast %and3A_94 : i32 to index
        %parallel_loop3A_562 = arith.index_cast %parallel_loop3A_172 : i32 to index
        %parallel_loop3A_563 = arith.constant 384 : index
        %parallel_loop3A_564 = tpu.vector_load %arg11[%parallel_loop3A_561, %parallel_loop3A_562, %parallel_loop3A_563] {strides = array<i32>} : memref<2x32x768xf32, #tpu.memory_space<vmem>>, vector<16xf32>,
        %parallel_loop3A_565 = arith.addf %parallel_loop3A_560, %parallel_loop3A_564 : vector<16xf32>
        %parallel_loop3A_566 = arith.index_cast %and3A_94 : i32 to index
        %parallel_loop3A_567 = arith.index_cast %parallel_loop3A_172 : i32 to index
        %parallel_loop3A_568 = arith.constant 384 : index
        %parallel_loop3A_569 = tpu.vector_load %arg10[%parallel_loop3A_566, %parallel_loop3A_567, %parallel_loop3A_568] {strides = array<i32>} : memref<2x32x768xf32, #tpu.memory_space<vmem>>, vector<16xf32>,
        tpu.vector_store %arg10[%parallel_loop3A_566, %parallel_loop3A_567, %parallel_loop3A_568], %parallel_loop3A_565 {strides = array<i32>} : memref<2x32x768xf32, #tpu.memory_space<vmem>>, vector<16xf32>,
        %parallel_loop3A_570 = arith.addf %parallel_loop3A_506, %parallel_loop3A_565 : vector<16xf32>
        %parallel_loop3A_571 = arith.mulf %parallel_loop3A_565, %parallel_loop3A_565 : vector<16xf32>
        %parallel_loop3A_572 = arith.addf %parallel_loop3A_508, %parallel_loop3A_571 : vector<16xf32>
        %parallel_loop3A_573 = arith.index_cast %and3A_94 : i32 to index
        %parallel_loop3A_574 = arith.index_cast %parallel_loop3A_172 : i32 to index
        %parallel_loop3A_575 = arith.constant 400 : index
        %parallel_loop3A_576 = tpu.vector_load %arg10[%parallel_loop3A_573, %parallel_loop3A_574, %parallel_loop3A_575] {strides = array<i32>} : memref<2x32x768xf32, #tpu.memory_space<vmem>>, vector<16xf32>,
        %parallel_loop3A_577 = arith.index_cast %and3A_94 : i32 to index
        %parallel_loop3A_578 = arith.index_cast %parallel_loop3A_172 : i32 to index
        %parallel_loop3A_579 = arith.constant 400 : index
        %parallel_loop3A_580 = tpu.vector_load %arg11[%parallel_loop3A_577, %parallel_loop3A_578, %parallel_loop3A_579] {strides = array<i32>} : memref<2x32x768xf32, #tpu.memory_space<vmem>>, vector<16xf32>,
        %parallel_loop3A_581 = arith.addf %parallel_loop3A_576, %parallel_loop3A_580 : vector<16xf32>
        %parallel_loop3A_582 = arith.index_cast %and3A_94 : i32 to index
        %parallel_loop3A_583 = arith.index_cast %parallel_loop3A_172 : i32 to index
        %parallel_loop3A_584 = arith.constant 400 : index
        %parallel_loop3A_585 = tpu.vector_load %arg10[%parallel_loop3A_582, %parallel_loop3A_583, %parallel_loop3A_584] {strides = array<i32>} : memref<2x32x768xf32, #tpu.memory_space<vmem>>, vector<16xf32>,
        tpu.vector_store %arg10[%parallel_loop3A_582, %parallel_loop3A_583, %parallel_loop3A_584], %parallel_loop3A_581 {strides = array<i32>} : memref<2x32x768xf32, #tpu.memory_space<vmem>>, vector<16xf32>,
        %parallel_loop3A_586 = arith.addf %parallel_loop3A_522, %parallel_loop3A_581 : vector<16xf32>
        %parallel_loop3A_587 = arith.mulf %parallel_loop3A_581, %parallel_loop3A_581 : vector<16xf32>
        %parallel_loop3A_588 = arith.addf %parallel_loop3A_524, %parallel_loop3A_587 : vector<16xf32>
        %parallel_loop3A_589 = arith.index_cast %and3A_94 : i32 to index
        %parallel_loop3A_590 = arith.index_cast %parallel_loop3A_172 : i32 to index
        %parallel_loop3A_591 = arith.constant 416 : index
        %parallel_loop3A_592 = tpu.vector_load %arg10[%parallel_loop3A_589, %parallel_loop3A_590, %parallel_loop3A_591] {strides = array<i32>} : memref<2x32x768xf32, #tpu.memory_space<vmem>>, vector<16xf32>,
        %parallel_loop3A_593 = arith.index_cast %and3A_94 : i32 to index
        %parallel_loop3A_594 = arith.index_cast %parallel_loop3A_172 : i32 to index
        %parallel_loop3A_595 = arith.constant 416 : index
        %parallel_loop3A_596 = tpu.vector_load %arg11[%parallel_loop3A_593, %parallel_loop3A_594, %parallel_loop3A_595] {strides = array<i32>} : memref<2x32x768xf32, #tpu.memory_space<vmem>>, vector<16xf32>,
        %parallel_loop3A_597 = arith.addf %parallel_loop3A_592, %parallel_loop3A_596 : vector<16xf32>
        %parallel_loop3A_598 = arith.index_cast %and3A_94 : i32 to index
        %parallel_loop3A_599 = arith.index_cast %parallel_loop3A_172 : i32 to index
        %parallel_loop3A_600 = arith.constant 416 : index
        %parallel_loop3A_601 = tpu.vector_load %arg10[%parallel_loop3A_598, %parallel_loop3A_599, %parallel_loop3A_600] {strides = array<i32>} : memref<2x32x768xf32, #tpu.memory_space<vmem>>, vector<16xf32>,
        tpu.vector_store %arg10[%parallel_loop3A_598, %parallel_loop3A_599, %parallel_loop3A_600], %parallel_loop3A_597 {strides = array<i32>} : memref<2x32x768xf32, #tpu.memory_space<vmem>>, vector<16xf32>,
        %parallel_loop3A_602 = arith.addf %parallel_loop3A_538, %parallel_loop3A_597 : vector<16xf32>
        %parallel_loop3A_603 = arith.mulf %parallel_loop3A_597, %parallel_loop3A_597 : vector<16xf32>
        %parallel_loop3A_604 = arith.addf %parallel_loop3A_540, %parallel_loop3A_603 : vector<16xf32>
        %parallel_loop3A_605 = arith.index_cast %and3A_94 : i32 to index
        %parallel_loop3A_606 = arith.index_cast %parallel_loop3A_172 : i32 to index
        %parallel_loop3A_607 = arith.constant 432 : index
        %parallel_loop3A_608 = tpu.vector_load %arg10[%parallel_loop3A_605, %parallel_loop3A_606, %parallel_loop3A_607] {strides = array<i32>} : memref<2x32x768xf32, #tpu.memory_space<vmem>>, vector<16xf32>,
        %parallel_loop3A_609 = arith.index_cast %and3A_94 : i32 to index
        %parallel_loop3A_610 = arith.index_cast %parallel_loop3A_172 : i32 to index
        %parallel_loop3A_611 = arith.constant 432 : index
        %parallel_loop3A_612 = tpu.vector_load %arg11[%parallel_loop3A_609, %parallel_loop3A_610, %parallel_loop3A_611] {strides = array<i32>} : memref<2x32x768xf32, #tpu.memory_space<vmem>>, vector<16xf32>,
        %parallel_loop3A_613 = arith.addf %parallel_loop3A_608, %parallel_loop3A_612 : vector<16xf32>
        %parallel_loop3A_614 = arith.index_cast %and3A_94 : i32 to index
        %parallel_loop3A_615 = arith.index_cast %parallel_loop3A_172 : i32 to index
        %parallel_loop3A_616 = arith.constant 432 : index
        %parallel_loop3A_617 = tpu.vector_load %arg10[%parallel_loop3A_614, %parallel_loop3A_615, %parallel_loop3A_616] {strides = array<i32>} : memref<2x32x768xf32, #tpu.memory_space<vmem>>, vector<16xf32>,
        tpu.vector_store %arg10[%parallel_loop3A_614, %parallel_loop3A_615, %parallel_loop3A_616], %parallel_loop3A_613 {strides = array<i32>} : memref<2x32x768xf32, #tpu.memory_space<vmem>>, vector<16xf32>,
        %parallel_loop3A_618 = arith.addf %parallel_loop3A_554, %parallel_loop3A_613 : vector<16xf32>
        %parallel_loop3A_619 = arith.mulf %parallel_loop3A_613, %parallel_loop3A_613 : vector<16xf32>
        %parallel_loop3A_620 = arith.addf %parallel_loop3A_556, %parallel_loop3A_619 : vector<16xf32>
        %parallel_loop3A_621 = arith.index_cast %and3A_94 : i32 to index
        %parallel_loop3A_622 = arith.index_cast %parallel_loop3A_172 : i32 to index
        %parallel_loop3A_623 = arith.constant 448 : index
        %parallel_loop3A_624 = tpu.vector_load %arg10[%parallel_loop3A_621, %parallel_loop3A_622, %parallel_loop3A_623] {strides = array<i32>} : memref<2x32x768xf32, #tpu.memory_space<vmem>>, vector<16xf32>,
        %parallel_loop3A_625 = arith.index_cast %and3A_94 : i32 to index
        %parallel_loop3A_626 = arith.index_cast %parallel_loop3A_172 : i32 to index
        %parallel_loop3A_627 = arith.constant 448 : index
        %parallel_loop3A_628 = tpu.vector_load %arg11[%parallel_loop3A_625, %parallel_loop3A_626, %parallel_loop3A_627] {strides = array<i32>} : memref<2x32x768xf32, #tpu.memory_space<vmem>>, vector<16xf32>,
        %parallel_loop3A_629 = arith.addf %parallel_loop3A_624, %parallel_loop3A_628 : vector<16xf32>
        %parallel_loop3A_630 = arith.index_cast %and3A_94 : i32 to index
        %parallel_loop3A_631 = arith.index_cast %parallel_loop3A_172 : i32 to index
        %parallel_loop3A_632 = arith.constant 448 : index
        %parallel_loop3A_633 = tpu.vector_load %arg10[%parallel_loop3A_630, %parallel_loop3A_631, %parallel_loop3A_632] {strides = array<i32>} : memref<2x32x768xf32, #tpu.memory_space<vmem>>, vector<16xf32>,
        tpu.vector_store %arg10[%parallel_loop3A_630, %parallel_loop3A_631, %parallel_loop3A_632], %parallel_loop3A_629 {strides = array<i32>} : memref<2x32x768xf32, #tpu.memory_space<vmem>>, vector<16xf32>,
        %parallel_loop3A_634 = arith.addf %parallel_loop3A_570, %parallel_loop3A_629 : vector<16xf32>
        %parallel_loop3A_635 = arith.mulf %parallel_loop3A_629, %parallel_loop3A_629 : vector<16xf32>
        %parallel_loop3A_636 = arith.addf %parallel_loop3A_572, %parallel_loop3A_635 : vector<16xf32>
        %parallel_loop3A_637 = arith.index_cast %and3A_94 : i32 to index
        %parallel_loop3A_638 = arith.index_cast %parallel_loop3A_172 : i32 to index
        %parallel_loop3A_639 = arith.constant 464 : index
        %parallel_loop3A_640 = tpu.vector_load %arg10[%parallel_loop3A_637, %parallel_loop3A_638, %parallel_loop3A_639] {strides = array<i32>} : memref<2x32x768xf32, #tpu.memory_space<vmem>>, vector<16xf32>,
        %parallel_loop3A_641 = arith.index_cast %and3A_94 : i32 to index
        %parallel_loop3A_642 = arith.index_cast %parallel_loop3A_172 : i32 to index
        %parallel_loop3A_643 = arith.constant 464 : index
        %parallel_loop3A_644 = tpu.vector_load %arg11[%parallel_loop3A_641, %parallel_loop3A_642, %parallel_loop3A_643] {strides = array<i32>} : memref<2x32x768xf32, #tpu.memory_space<vmem>>, vector<16xf32>,
        %parallel_loop3A_645 = arith.addf %parallel_loop3A_640, %parallel_loop3A_644 : vector<16xf32>
        %parallel_loop3A_646 = arith.index_cast %and3A_94 : i32 to index
        %parallel_loop3A_647 = arith.index_cast %parallel_loop3A_172 : i32 to index
        %parallel_loop3A_648 = arith.constant 464 : index
        %parallel_loop3A_649 = tpu.vector_load %arg10[%parallel_loop3A_646, %parallel_loop3A_647, %parallel_loop3A_648] {strides = array<i32>} : memref<2x32x768xf32, #tpu.memory_space<vmem>>, vector<16xf32>,
        tpu.vector_store %arg10[%parallel_loop3A_646, %parallel_loop3A_647, %parallel_loop3A_648], %parallel_loop3A_645 {strides = array<i32>} : memref<2x32x768xf32, #tpu.memory_space<vmem>>, vector<16xf32>,
        %parallel_loop3A_650 = arith.addf %parallel_loop3A_586, %parallel_loop3A_645 : vector<16xf32>
        %parallel_loop3A_651 = arith.mulf %parallel_loop3A_645, %parallel_loop3A_645 : vector<16xf32>
        %parallel_loop3A_652 = arith.addf %parallel_loop3A_588, %parallel_loop3A_651 : vector<16xf32>
        %parallel_loop3A_653 = arith.index_cast %and3A_94 : i32 to index
        %parallel_loop3A_654 = arith.index_cast %parallel_loop3A_172 : i32 to index
        %parallel_loop3A_655 = arith.constant 480 : index
        %parallel_loop3A_656 = tpu.vector_load %arg10[%parallel_loop3A_653, %parallel_loop3A_654, %parallel_loop3A_655] {strides = array<i32>} : memref<2x32x768xf32, #tpu.memory_space<vmem>>, vector<16xf32>,
        %parallel_loop3A_657 = arith.index_cast %and3A_94 : i32 to index
        %parallel_loop3A_658 = arith.index_cast %parallel_loop3A_172 : i32 to index
        %parallel_loop3A_659 = arith.constant 480 : index
        %parallel_loop3A_660 = tpu.vector_load %arg11[%parallel_loop3A_657, %parallel_loop3A_658, %parallel_loop3A_659] {strides = array<i32>} : memref<2x32x768xf32, #tpu.memory_space<vmem>>, vector<16xf32>,
        %parallel_loop3A_661 = arith.addf %parallel_loop3A_656, %parallel_loop3A_660 : vector<16xf32>
        %parallel_loop3A_662 = arith.index_cast %and3A_94 : i32 to index
        %parallel_loop3A_663 = arith.index_cast %parallel_loop3A_172 : i32 to index
        %parallel_loop3A_664 = arith.constant 480 : index
        %parallel_loop3A_665 = tpu.vector_load %arg10[%parallel_loop3A_662, %parallel_loop3A_663, %parallel_loop3A_664] {strides = array<i32>} : memref<2x32x768xf32, #tpu.memory_space<vmem>>, vector<16xf32>,
        tpu.vector_store %arg10[%parallel_loop3A_662, %parallel_loop3A_663, %parallel_loop3A_664], %parallel_loop3A_661 {strides = array<i32>} : memref<2x32x768xf32, #tpu.memory_space<vmem>>, vector<16xf32>,
        %parallel_loop3A_666 = arith.addf %parallel_loop3A_602, %parallel_loop3A_661 : vector<16xf32>
        %parallel_loop3A_667 = arith.mulf %parallel_loop3A_661, %parallel_loop3A_661 : vector<16xf32>
        %parallel_loop3A_668 = arith.addf %parallel_loop3A_604, %parallel_loop3A_667 : vector<16xf32>
        %parallel_loop3A_669 = arith.index_cast %and3A_94 : i32 to index
        %parallel_loop3A_670 = arith.index_cast %parallel_loop3A_172 : i32 to index
        %parallel_loop3A_671 = arith.constant 496 : index
        %parallel_loop3A_672 = tpu.vector_load %arg10[%parallel_loop3A_669, %parallel_loop3A_670, %parallel_loop3A_671] {strides = array<i32>} : memref<2x32x768xf32, #tpu.memory_space<vmem>>, vector<16xf32>,
        %parallel_loop3A_673 = arith.index_cast %and3A_94 : i32 to index
        %parallel_loop3A_674 = arith.index_cast %parallel_loop3A_172 : i32 to index
        %parallel_loop3A_675 = arith.constant 496 : index
        %parallel_loop3A_676 = tpu.vector_load %arg11[%parallel_loop3A_673, %parallel_loop3A_674, %parallel_loop3A_675] {strides = array<i32>} : memref<2x32x768xf32, #tpu.memory_space<vmem>>, vector<16xf32>,
        %parallel_loop3A_677 = arith.addf %parallel_loop3A_672, %parallel_loop3A_676 : vector<16xf32>
        %parallel_loop3A_678 = arith.index_cast %and3A_94 : i32 to index
        %parallel_loop3A_679 = arith.index_cast %parallel_loop3A_172 : i32 to index
        %parallel_loop3A_680 = arith.constant 496 : index
        %parallel_loop3A_681 = tpu.vector_load %arg10[%parallel_loop3A_678, %parallel_loop3A_679, %parallel_loop3A_680] {strides = array<i32>} : memref<2x32x768xf32, #tpu.memory_space<vmem>>, vector<16xf32>,
        tpu.vector_store %arg10[%parallel_loop3A_678, %parallel_loop3A_679, %parallel_loop3A_680], %parallel_loop3A_677 {strides = array<i32>} : memref<2x32x768xf32, #tpu.memory_space<vmem>>, vector<16xf32>,
        %parallel_loop3A_682 = arith.addf %parallel_loop3A_618, %parallel_loop3A_677 : vector<16xf32>
        %parallel_loop3A_683 = arith.mulf %parallel_loop3A_677, %parallel_loop3A_677 : vector<16xf32>
        %parallel_loop3A_684 = arith.addf %parallel_loop3A_620, %parallel_loop3A_683 : vector<16xf32>
        %parallel_loop3A_685 = arith.index_cast %and3A_94 : i32 to index
        %parallel_loop3A_686 = arith.index_cast %parallel_loop3A_172 : i32 to index
        %parallel_loop3A_687 = arith.constant 512 : index
        %parallel_loop3A_688 = tpu.vector_load %arg10[%parallel_loop3A_685, %parallel_loop3A_686, %parallel_loop3A_687] {strides = array<i32>} : memref<2x32x768xf32, #tpu.memory_space<vmem>>, vector<16xf32>,
        %parallel_loop3A_689 = arith.index_cast %and3A_94 : i32 to index
        %parallel_loop3A_690 = arith.index_cast %parallel_loop3A_172 : i32 to index
        %parallel_loop3A_691 = arith.constant 512 : index
        %parallel_loop3A_692 = tpu.vector_load %arg11[%parallel_loop3A_689, %parallel_loop3A_690, %parallel_loop3A_691] {strides = array<i32>} : memref<2x32x768xf32, #tpu.memory_space<vmem>>, vector<16xf32>,
        %parallel_loop3A_693 = arith.addf %parallel_loop3A_688, %parallel_loop3A_692 : vector<16xf32>
        %parallel_loop3A_694 = arith.index_cast %and3A_94 : i32 to index
        %parallel_loop3A_695 = arith.index_cast %parallel_loop3A_172 : i32 to index
        %parallel_loop3A_696 = arith.constant 512 : index
        %parallel_loop3A_697 = tpu.vector_load %arg10[%parallel_loop3A_694, %parallel_loop3A_695, %parallel_loop3A_696] {strides = array<i32>} : memref<2x32x768xf32, #tpu.memory_space<vmem>>, vector<16xf32>,
        tpu.vector_store %arg10[%parallel_loop3A_694, %parallel_loop3A_695, %parallel_loop3A_696], %parallel_loop3A_693 {strides = array<i32>} : memref<2x32x768xf32, #tpu.memory_space<vmem>>, vector<16xf32>,
        %parallel_loop3A_698 = arith.addf %parallel_loop3A_634, %parallel_loop3A_693 : vector<16xf32>
        %parallel_loop3A_699 = arith.mulf %parallel_loop3A_693, %parallel_loop3A_693 : vector<16xf32>
        %parallel_loop3A_700 = arith.addf %parallel_loop3A_636, %parallel_loop3A_699 : vector<16xf32>
        %parallel_loop3A_701 = arith.index_cast %and3A_94 : i32 to index
        %parallel_loop3A_702 = arith.index_cast %parallel_loop3A_172 : i32 to index
        %parallel_loop3A_703 = arith.constant 528 : index
        %parallel_loop3A_704 = tpu.vector_load %arg10[%parallel_loop3A_701, %parallel_loop3A_702, %parallel_loop3A_703] {strides = array<i32>} : memref<2x32x768xf32, #tpu.memory_space<vmem>>, vector<16xf32>,
        %parallel_loop3A_705 = arith.index_cast %and3A_94 : i32 to index
        %parallel_loop3A_706 = arith.index_cast %parallel_loop3A_172 : i32 to index
        %parallel_loop3A_707 = arith.constant 528 : index
        %parallel_loop3A_708 = tpu.vector_load %arg11[%parallel_loop3A_705, %parallel_loop3A_706, %parallel_loop3A_707] {strides = array<i32>} : memref<2x32x768xf32, #tpu.memory_space<vmem>>, vector<16xf32>,
        %parallel_loop3A_709 = arith.addf %parallel_loop3A_704, %parallel_loop3A_708 : vector<16xf32>
        %parallel_loop3A_710 = arith.index_cast %and3A_94 : i32 to index
        %parallel_loop3A_711 = arith.index_cast %parallel_loop3A_172 : i32 to index
        %parallel_loop3A_712 = arith.constant 528 : index
        %parallel_loop3A_713 = tpu.vector_load %arg10[%parallel_loop3A_710, %parallel_loop3A_711, %parallel_loop3A_712] {strides = array<i32>} : memref<2x32x768xf32, #tpu.memory_space<vmem>>, vector<16xf32>,
        tpu.vector_store %arg10[%parallel_loop3A_710, %parallel_loop3A_711, %parallel_loop3A_712], %parallel_loop3A_709 {strides = array<i32>} : memref<2x32x768xf32, #tpu.memory_space<vmem>>, vector<16xf32>,
        %parallel_loop3A_714 = arith.addf %parallel_loop3A_650, %parallel_loop3A_709 : vector<16xf32>
        %parallel_loop3A_715 = arith.mulf %parallel_loop3A_709, %parallel_loop3A_709 : vector<16xf32>
        %parallel_loop3A_716 = arith.addf %parallel_loop3A_652, %parallel_loop3A_715 : vector<16xf32>
        %parallel_loop3A_717 = arith.index_cast %and3A_94 : i32 to index
        %parallel_loop3A_718 = arith.index_cast %parallel_loop3A_172 : i32 to index
        %parallel_loop3A_719 = arith.constant 544 : index
        %parallel_loop3A_720 = tpu.vector_load %arg10[%parallel_loop3A_717, %parallel_loop3A_718, %parallel_loop3A_719] {strides = array<i32>} : memref<2x32x768xf32, #tpu.memory_space<vmem>>, vector<16xf32>,
        %parallel_loop3A_721 = arith.index_cast %and3A_94 : i32 to index
        %parallel_loop3A_722 = arith.index_cast %parallel_loop3A_172 : i32 to index
        %parallel_loop3A_723 = arith.constant 544 : index
        %parallel_loop3A_724 = tpu.vector_load %arg11[%parallel_loop3A_721, %parallel_loop3A_722, %parallel_loop3A_723] {strides = array<i32>} : memref<2x32x768xf32, #tpu.memory_space<vmem>>, vector<16xf32>,
        %parallel_loop3A_725 = arith.addf %parallel_loop3A_720, %parallel_loop3A_724 : vector<16xf32>
        %parallel_loop3A_726 = arith.index_cast %and3A_94 : i32 to index
        %parallel_loop3A_727 = arith.index_cast %parallel_loop3A_172 : i32 to index
        %parallel_loop3A_728 = arith.constant 544 : index
        %parallel_loop3A_729 = tpu.vector_load %arg10[%parallel_loop3A_726, %parallel_loop3A_727, %parallel_loop3A_728] {strides = array<i32>} : memref<2x32x768xf32, #tpu.memory_space<vmem>>, vector<16xf32>,
        tpu.vector_store %arg10[%parallel_loop3A_726, %parallel_loop3A_727, %parallel_loop3A_728], %parallel_loop3A_725 {strides = array<i32>} : memref<2x32x768xf32, #tpu.memory_space<vmem>>, vector<16xf32>,
        %parallel_loop3A_730 = arith.addf %parallel_loop3A_666, %parallel_loop3A_725 : vector<16xf32>
        %parallel_loop3A_731 = arith.mulf %parallel_loop3A_725, %parallel_loop3A_725 : vector<16xf32>
        %parallel_loop3A_732 = arith.addf %parallel_loop3A_668, %parallel_loop3A_731 : vector<16xf32>
        %parallel_loop3A_733 = arith.index_cast %and3A_94 : i32 to index
        %parallel_loop3A_734 = arith.index_cast %parallel_loop3A_172 : i32 to index
        %parallel_loop3A_735 = arith.constant 560 : index
        %parallel_loop3A_736 = tpu.vector_load %arg10[%parallel_loop3A_733, %parallel_loop3A_734, %parallel_loop3A_735] {strides = array<i32>} : memref<2x32x768xf32, #tpu.memory_space<vmem>>, vector<16xf32>,
        %parallel_loop3A_737 = arith.index_cast %and3A_94 : i32 to index
        %parallel_loop3A_738 = arith.index_cast %parallel_loop3A_172 : i32 to index
        %parallel_loop3A_739 = arith.constant 560 : index
        %parallel_loop3A_740 = tpu.vector_load %arg11[%parallel_loop3A_737, %parallel_loop3A_738, %parallel_loop3A_739] {strides = array<i32>} : memref<2x32x768xf32, #tpu.memory_space<vmem>>, vector<16xf32>,
        %parallel_loop3A_741 = arith.addf %parallel_loop3A_736, %parallel_loop3A_740 : vector<16xf32>
        %parallel_loop3A_742 = arith.index_cast %and3A_94 : i32 to index
        %parallel_loop3A_743 = arith.index_cast %parallel_loop3A_172 : i32 to index
        %parallel_loop3A_744 = arith.constant 560 : index
        %parallel_loop3A_745 = tpu.vector_load %arg10[%parallel_loop3A_742, %parallel_loop3A_743, %parallel_loop3A_744] {strides = array<i32>} : memref<2x32x768xf32, #tpu.memory_space<vmem>>, vector<16xf32>,
        tpu.vector_store %arg10[%parallel_loop3A_742, %parallel_loop3A_743, %parallel_loop3A_744], %parallel_loop3A_741 {strides = array<i32>} : memref<2x32x768xf32, #tpu.memory_space<vmem>>, vector<16xf32>,
        %parallel_loop3A_746 = arith.addf %parallel_loop3A_682, %parallel_loop3A_741 : vector<16xf32>
        %parallel_loop3A_747 = arith.mulf %parallel_loop3A_741, %parallel_loop3A_741 : vector<16xf32>
        %parallel_loop3A_748 = arith.addf %parallel_loop3A_684, %parallel_loop3A_747 : vector<16xf32>
        %parallel_loop3A_749 = arith.index_cast %and3A_94 : i32 to index
        %parallel_loop3A_750 = arith.index_cast %parallel_loop3A_172 : i32 to index
        %parallel_loop3A_751 = arith.constant 576 : index
        %parallel_loop3A_752 = tpu.vector_load %arg10[%parallel_loop3A_749, %parallel_loop3A_750, %parallel_loop3A_751] {strides = array<i32>} : memref<2x32x768xf32, #tpu.memory_space<vmem>>, vector<16xf32>,
        %parallel_loop3A_753 = arith.index_cast %and3A_94 : i32 to index
        %parallel_loop3A_754 = arith.index_cast %parallel_loop3A_172 : i32 to index
        %parallel_loop3A_755 = arith.constant 576 : index
        %parallel_loop3A_756 = tpu.vector_load %arg11[%parallel_loop3A_753, %parallel_loop3A_754, %parallel_loop3A_755] {strides = array<i32>} : memref<2x32x768xf32, #tpu.memory_space<vmem>>, vector<16xf32>,
        %parallel_loop3A_757 = arith.addf %parallel_loop3A_752, %parallel_loop3A_756 : vector<16xf32>
        %parallel_loop3A_758 = arith.index_cast %and3A_94 : i32 to index
        %parallel_loop3A_759 = arith.index_cast %parallel_loop3A_172 : i32 to index
        %parallel_loop3A_760 = arith.constant 576 : index
        %parallel_loop3A_761 = tpu.vector_load %arg10[%parallel_loop3A_758, %parallel_loop3A_759, %parallel_loop3A_760] {strides = array<i32>} : memref<2x32x768xf32, #tpu.memory_space<vmem>>, vector<16xf32>,
        tpu.vector_store %arg10[%parallel_loop3A_758, %parallel_loop3A_759, %parallel_loop3A_760], %parallel_loop3A_757 {strides = array<i32>} : memref<2x32x768xf32, #tpu.memory_space<vmem>>, vector<16xf32>,
        %parallel_loop3A_762 = arith.addf %parallel_loop3A_698, %parallel_loop3A_757 : vector<16xf32>
        %parallel_loop3A_763 = arith.mulf %parallel_loop3A_757, %parallel_loop3A_757 : vector<16xf32>
        %parallel_loop3A_764 = arith.addf %parallel_loop3A_700, %parallel_loop3A_763 : vector<16xf32>
        %parallel_loop3A_765 = arith.index_cast %and3A_94 : i32 to index
        %parallel_loop3A_766 = arith.index_cast %parallel_loop3A_172 : i32 to index
        %parallel_loop3A_767 = arith.constant 592 : index
        %parallel_loop3A_768 = tpu.vector_load %arg10[%parallel_loop3A_765, %parallel_loop3A_766, %parallel_loop3A_767] {strides = array<i32>} : memref<2x32x768xf32, #tpu.memory_space<vmem>>, vector<16xf32>,
        %parallel_loop3A_769 = arith.index_cast %and3A_94 : i32 to index
        %parallel_loop3A_770 = arith.index_cast %parallel_loop3A_172 : i32 to index
        %parallel_loop3A_771 = arith.constant 592 : index
        %parallel_loop3A_772 = tpu.vector_load %arg11[%parallel_loop3A_769, %parallel_loop3A_770, %parallel_loop3A_771] {strides = array<i32>} : memref<2x32x768xf32, #tpu.memory_space<vmem>>, vector<16xf32>,
        %parallel_loop3A_773 = arith.addf %parallel_loop3A_768, %parallel_loop3A_772 : vector<16xf32>
        %parallel_loop3A_774 = arith.index_cast %and3A_94 : i32 to index
        %parallel_loop3A_775 = arith.index_cast %parallel_loop3A_172 : i32 to index
        %parallel_loop3A_776 = arith.constant 592 : index
        %parallel_loop3A_777 = tpu.vector_load %arg10[%parallel_loop3A_774, %parallel_loop3A_775, %parallel_loop3A_776] {strides = array<i32>} : memref<2x32x768xf32, #tpu.memory_space<vmem>>, vector<16xf32>,
        tpu.vector_store %arg10[%parallel_loop3A_774, %parallel_loop3A_775, %parallel_loop3A_776], %parallel_loop3A_773 {strides = array<i32>} : memref<2x32x768xf32, #tpu.memory_space<vmem>>, vector<16xf32>,
        %parallel_loop3A_778 = arith.addf %parallel_loop3A_714, %parallel_loop3A_773 : vector<16xf32>
        %parallel_loop3A_779 = arith.mulf %parallel_loop3A_773, %parallel_loop3A_773 : vector<16xf32>
        %parallel_loop3A_780 = arith.addf %parallel_loop3A_716, %parallel_loop3A_779 : vector<16xf32>
        %parallel_loop3A_781 = arith.index_cast %and3A_94 : i32 to index
        %parallel_loop3A_782 = arith.index_cast %parallel_loop3A_172 : i32 to index
        %parallel_loop3A_783 = arith.constant 608 : index
        %parallel_loop3A_784 = tpu.vector_load %arg10[%parallel_loop3A_781, %parallel_loop3A_782, %parallel_loop3A_783] {strides = array<i32>} : memref<2x32x768xf32, #tpu.memory_space<vmem>>, vector<16xf32>,
        %parallel_loop3A_785 = arith.index_cast %and3A_94 : i32 to index
        %parallel_loop3A_786 = arith.index_cast %parallel_loop3A_172 : i32 to index
        %parallel_loop3A_787 = arith.constant 608 : index
        %parallel_loop3A_788 = tpu.vector_load %arg11[%parallel_loop3A_785, %parallel_loop3A_786, %parallel_loop3A_787] {strides = array<i32>} : memref<2x32x768xf32, #tpu.memory_space<vmem>>, vector<16xf32>,
        %parallel_loop3A_789 = arith.addf %parallel_loop3A_784, %parallel_loop3A_788 : vector<16xf32>
        %parallel_loop3A_790 = arith.index_cast %and3A_94 : i32 to index
        %parallel_loop3A_791 = arith.index_cast %parallel_loop3A_172 : i32 to index
        %parallel_loop3A_792 = arith.constant 608 : index
        %parallel_loop3A_793 = tpu.vector_load %arg10[%parallel_loop3A_790, %parallel_loop3A_791, %parallel_loop3A_792] {strides = array<i32>} : memref<2x32x768xf32, #tpu.memory_space<vmem>>, vector<16xf32>,
        tpu.vector_store %arg10[%parallel_loop3A_790, %parallel_loop3A_791, %parallel_loop3A_792], %parallel_loop3A_789 {strides = array<i32>} : memref<2x32x768xf32, #tpu.memory_space<vmem>>, vector<16xf32>,
        %parallel_loop3A_794 = arith.addf %parallel_loop3A_730, %parallel_loop3A_789 : vector<16xf32>
        %parallel_loop3A_795 = arith.mulf %parallel_loop3A_789, %parallel_loop3A_789 : vector<16xf32>
        %parallel_loop3A_796 = arith.addf %parallel_loop3A_732, %parallel_loop3A_795 : vector<16xf32>
        %parallel_loop3A_797 = arith.index_cast %and3A_94 : i32 to index
        %parallel_loop3A_798 = arith.index_cast %parallel_loop3A_172 : i32 to index
        %parallel_loop3A_799 = arith.constant 624 : index
        %parallel_loop3A_800 = tpu.vector_load %arg10[%parallel_loop3A_797, %parallel_loop3A_798, %parallel_loop3A_799] {strides = array<i32>} : memref<2x32x768xf32, #tpu.memory_space<vmem>>, vector<16xf32>,
        %parallel_loop3A_801 = arith.index_cast %and3A_94 : i32 to index
        %parallel_loop3A_802 = arith.index_cast %parallel_loop3A_172 : i32 to index
        %parallel_loop3A_803 = arith.constant 624 : index
        %parallel_loop3A_804 = tpu.vector_load %arg11[%parallel_loop3A_801, %parallel_loop3A_802, %parallel_loop3A_803] {strides = array<i32>} : memref<2x32x768xf32, #tpu.memory_space<vmem>>, vector<16xf32>,
        %parallel_loop3A_805 = arith.addf %parallel_loop3A_800, %parallel_loop3A_804 : vector<16xf32>
        %parallel_loop3A_806 = arith.index_cast %and3A_94 : i32 to index
        %parallel_loop3A_807 = arith.index_cast %parallel_loop3A_172 : i32 to index
        %parallel_loop3A_808 = arith.constant 624 : index
        %parallel_loop3A_809 = tpu.vector_load %arg10[%parallel_loop3A_806, %parallel_loop3A_807, %parallel_loop3A_808] {strides = array<i32>} : memref<2x32x768xf32, #tpu.memory_space<vmem>>, vector<16xf32>,
        tpu.vector_store %arg10[%parallel_loop3A_806, %parallel_loop3A_807, %parallel_loop3A_808], %parallel_loop3A_805 {strides = array<i32>} : memref<2x32x768xf32, #tpu.memory_space<vmem>>, vector<16xf32>,
        %parallel_loop3A_810 = arith.addf %parallel_loop3A_746, %parallel_loop3A_805 : vector<16xf32>
        %parallel_loop3A_811 = arith.mulf %parallel_loop3A_805, %parallel_loop3A_805 : vector<16xf32>
        %parallel_loop3A_812 = arith.addf %parallel_loop3A_748, %parallel_loop3A_811 : vector<16xf32>
        %parallel_loop3A_813 = arith.index_cast %and3A_94 : i32 to index
        %parallel_loop3A_814 = arith.index_cast %parallel_loop3A_172 : i32 to index
        %parallel_loop3A_815 = arith.constant 640 : index
        %parallel_loop3A_816 = tpu.vector_load %arg10[%parallel_loop3A_813, %parallel_loop3A_814, %parallel_loop3A_815] {strides = array<i32>} : memref<2x32x768xf32, #tpu.memory_space<vmem>>, vector<16xf32>,
        %parallel_loop3A_817 = arith.index_cast %and3A_94 : i32 to index
        %parallel_loop3A_818 = arith.index_cast %parallel_loop3A_172 : i32 to index
        %parallel_loop3A_819 = arith.constant 640 : index
        %parallel_loop3A_820 = tpu.vector_load %arg11[%parallel_loop3A_817, %parallel_loop3A_818, %parallel_loop3A_819] {strides = array<i32>} : memref<2x32x768xf32, #tpu.memory_space<vmem>>, vector<16xf32>,
        %parallel_loop3A_821 = arith.addf %parallel_loop3A_816, %parallel_loop3A_820 : vector<16xf32>
        %parallel_loop3A_822 = arith.index_cast %and3A_94 : i32 to index
        %parallel_loop3A_823 = arith.index_cast %parallel_loop3A_172 : i32 to index
        %parallel_loop3A_824 = arith.constant 640 : index
        %parallel_loop3A_825 = tpu.vector_load %arg10[%parallel_loop3A_822, %parallel_loop3A_823, %parallel_loop3A_824] {strides = array<i32>} : memref<2x32x768xf32, #tpu.memory_space<vmem>>, vector<16xf32>,
        tpu.vector_store %arg10[%parallel_loop3A_822, %parallel_loop3A_823, %parallel_loop3A_824], %parallel_loop3A_821 {strides = array<i32>} : memref<2x32x768xf32, #tpu.memory_space<vmem>>, vector<16xf32>,
        %parallel_loop3A_826 = arith.addf %parallel_loop3A_762, %parallel_loop3A_821 : vector<16xf32>
        %parallel_loop3A_827 = arith.mulf %parallel_loop3A_821, %parallel_loop3A_821 : vector<16xf32>
        %parallel_loop3A_828 = arith.addf %parallel_loop3A_764, %parallel_loop3A_827 : vector<16xf32>
        %parallel_loop3A_829 = arith.index_cast %and3A_94 : i32 to index
        %parallel_loop3A_830 = arith.index_cast %parallel_loop3A_172 : i32 to index
        %parallel_loop3A_831 = arith.constant 656 : index
        %parallel_loop3A_832 = tpu.vector_load %arg10[%parallel_loop3A_829, %parallel_loop3A_830, %parallel_loop3A_831] {strides = array<i32>} : memref<2x32x768xf32, #tpu.memory_space<vmem>>, vector<16xf32>,
        %parallel_loop3A_833 = arith.index_cast %and3A_94 : i32 to index
        %parallel_loop3A_834 = arith.index_cast %parallel_loop3A_172 : i32 to index
        %parallel_loop3A_835 = arith.constant 656 : index
        %parallel_loop3A_836 = tpu.vector_load %arg11[%parallel_loop3A_833, %parallel_loop3A_834, %parallel_loop3A_835] {strides = array<i32>} : memref<2x32x768xf32, #tpu.memory_space<vmem>>, vector<16xf32>,
        %parallel_loop3A_837 = arith.addf %parallel_loop3A_832, %parallel_loop3A_836 : vector<16xf32>
        %parallel_loop3A_838 = arith.index_cast %and3A_94 : i32 to index
        %parallel_loop3A_839 = arith.index_cast %parallel_loop3A_172 : i32 to index
        %parallel_loop3A_840 = arith.constant 656 : index
        %parallel_loop3A_841 = tpu.vector_load %arg10[%parallel_loop3A_838, %parallel_loop3A_839, %parallel_loop3A_840] {strides = array<i32>} : memref<2x32x768xf32, #tpu.memory_space<vmem>>, vector<16xf32>,
        tpu.vector_store %arg10[%parallel_loop3A_838, %parallel_loop3A_839, %parallel_loop3A_840], %parallel_loop3A_837 {strides = array<i32>} : memref<2x32x768xf32, #tpu.memory_space<vmem>>, vector<16xf32>,
        %parallel_loop3A_842 = arith.addf %parallel_loop3A_778, %parallel_loop3A_837 : vector<16xf32>
        %parallel_loop3A_843 = arith.mulf %parallel_loop3A_837, %parallel_loop3A_837 : vector<16xf32>
        %parallel_loop3A_844 = arith.addf %parallel_loop3A_780, %parallel_loop3A_843 : vector<16xf32>
        %parallel_loop3A_845 = arith.index_cast %and3A_94 : i32 to index
        %parallel_loop3A_846 = arith.index_cast %parallel_loop3A_172 : i32 to index
        %parallel_loop3A_847 = arith.constant 672 : index
        %parallel_loop3A_848 = tpu.vector_load %arg10[%parallel_loop3A_845, %parallel_loop3A_846, %parallel_loop3A_847] {strides = array<i32>} : memref<2x32x768xf32, #tpu.memory_space<vmem>>, vector<16xf32>,
        %parallel_loop3A_849 = arith.index_cast %and3A_94 : i32 to index
        %parallel_loop3A_850 = arith.index_cast %parallel_loop3A_172 : i32 to index
        %parallel_loop3A_851 = arith.constant 672 : index
        %parallel_loop3A_852 = tpu.vector_load %arg11[%parallel_loop3A_849, %parallel_loop3A_850, %parallel_loop3A_851] {strides = array<i32>} : memref<2x32x768xf32, #tpu.memory_space<vmem>>, vector<16xf32>,
        %parallel_loop3A_853 = arith.addf %parallel_loop3A_848, %parallel_loop3A_852 : vector<16xf32>
        %parallel_loop3A_854 = arith.index_cast %and3A_94 : i32 to index
        %parallel_loop3A_855 = arith.index_cast %parallel_loop3A_172 : i32 to index
        %parallel_loop3A_856 = arith.constant 672 : index
        %parallel_loop3A_857 = tpu.vector_load %arg10[%parallel_loop3A_854, %parallel_loop3A_855, %parallel_loop3A_856] {strides = array<i32>} : memref<2x32x768xf32, #tpu.memory_space<vmem>>, vector<16xf32>,
        tpu.vector_store %arg10[%parallel_loop3A_854, %parallel_loop3A_855, %parallel_loop3A_856], %parallel_loop3A_853 {strides = array<i32>} : memref<2x32x768xf32, #tpu.memory_space<vmem>>, vector<16xf32>,
        %parallel_loop3A_858 = arith.addf %parallel_loop3A_794, %parallel_loop3A_853 : vector<16xf32>
        %parallel_loop3A_859 = arith.mulf %parallel_loop3A_853, %parallel_loop3A_853 : vector<16xf32>
        %parallel_loop3A_860 = arith.addf %parallel_loop3A_796, %parallel_loop3A_859 : vector<16xf32>
        %parallel_loop3A_861 = arith.index_cast %and3A_94 : i32 to index
        %parallel_loop3A_862 = arith.index_cast %parallel_loop3A_172 : i32 to index
        %parallel_loop3A_863 = arith.constant 688 : index
        %parallel_loop3A_864 = tpu.vector_load %arg10[%parallel_loop3A_861, %parallel_loop3A_862, %parallel_loop3A_863] {strides = array<i32>} : memref<2x32x768xf32, #tpu.memory_space<vmem>>, vector<16xf32>,
        %parallel_loop3A_865 = arith.index_cast %and3A_94 : i32 to index
        %parallel_loop3A_866 = arith.index_cast %parallel_loop3A_172 : i32 to index
        %parallel_loop3A_867 = arith.constant 688 : index
        %parallel_loop3A_868 = tpu.vector_load %arg11[%parallel_loop3A_865, %parallel_loop3A_866, %parallel_loop3A_867] {strides = array<i32>} : memref<2x32x768xf32, #tpu.memory_space<vmem>>, vector<16xf32>,
        %parallel_loop3A_869 = arith.addf %parallel_loop3A_864, %parallel_loop3A_868 : vector<16xf32>
        %parallel_loop3A_870 = arith.index_cast %and3A_94 : i32 to index
        %parallel_loop3A_871 = arith.index_cast %parallel_loop3A_172 : i32 to index
        %parallel_loop3A_872 = arith.constant 688 : index
        %parallel_loop3A_873 = tpu.vector_load %arg10[%parallel_loop3A_870, %parallel_loop3A_871, %parallel_loop3A_872] {strides = array<i32>} : memref<2x32x768xf32, #tpu.memory_space<vmem>>, vector<16xf32>,
        tpu.vector_store %arg10[%parallel_loop3A_870, %parallel_loop3A_871, %parallel_loop3A_872], %parallel_loop3A_869 {strides = array<i32>} : memref<2x32x768xf32, #tpu.memory_space<vmem>>, vector<16xf32>,
        %parallel_loop3A_874 = arith.addf %parallel_loop3A_810, %parallel_loop3A_869 : vector<16xf32>
        %parallel_loop3A_875 = arith.mulf %parallel_loop3A_869, %parallel_loop3A_869 : vector<16xf32>
        %parallel_loop3A_876 = arith.addf %parallel_loop3A_812, %parallel_loop3A_875 : vector<16xf32>
        %parallel_loop3A_877 = arith.index_cast %and3A_94 : i32 to index
        %parallel_loop3A_878 = arith.index_cast %parallel_loop3A_172 : i32 to index
        %parallel_loop3A_879 = arith.constant 704 : index
        %parallel_loop3A_880 = tpu.vector_load %arg10[%parallel_loop3A_877, %parallel_loop3A_878, %parallel_loop3A_879] {strides = array<i32>} : memref<2x32x768xf32, #tpu.memory_space<vmem>>, vector<16xf32>,
        %parallel_loop3A_881 = arith.index_cast %and3A_94 : i32 to index
        %parallel_loop3A_882 = arith.index_cast %parallel_loop3A_172 : i32 to index
        %parallel_loop3A_883 = arith.constant 704 : index
        %parallel_loop3A_884 = tpu.vector_load %arg11[%parallel_loop3A_881, %parallel_loop3A_882, %parallel_loop3A_883] {strides = array<i32>} : memref<2x32x768xf32, #tpu.memory_space<vmem>>, vector<16xf32>,
        %parallel_loop3A_885 = arith.addf %parallel_loop3A_880, %parallel_loop3A_884 : vector<16xf32>
        %parallel_loop3A_886 = arith.index_cast %and3A_94 : i32 to index
        %parallel_loop3A_887 = arith.index_cast %parallel_loop3A_172 : i32 to index
        %parallel_loop3A_888 = arith.constant 704 : index
        %parallel_loop3A_889 = tpu.vector_load %arg10[%parallel_loop3A_886, %parallel_loop3A_887, %parallel_loop3A_888] {strides = array<i32>} : memref<2x32x768xf32, #tpu.memory_space<vmem>>, vector<16xf32>,
        tpu.vector_store %arg10[%parallel_loop3A_886, %parallel_loop3A_887, %parallel_loop3A_888], %parallel_loop3A_885 {strides = array<i32>} : memref<2x32x768xf32, #tpu.memory_space<vmem>>, vector<16xf32>,
        %parallel_loop3A_890 = arith.addf %parallel_loop3A_826, %parallel_loop3A_885 : vector<16xf32>
        %parallel_loop3A_891 = arith.mulf %parallel_loop3A_885, %parallel_loop3A_885 : vector<16xf32>
        %parallel_loop3A_892 = arith.addf %parallel_loop3A_828, %parallel_loop3A_891 : vector<16xf32>
        %parallel_loop3A_893 = arith.index_cast %and3A_94 : i32 to index
        %parallel_loop3A_894 = arith.index_cast %parallel_loop3A_172 : i32 to index
        %parallel_loop3A_895 = arith.constant 720 : index
        %parallel_loop3A_896 = tpu.vector_load %arg10[%parallel_loop3A_893, %parallel_loop3A_894, %parallel_loop3A_895] {strides = array<i32>} : memref<2x32x768xf32, #tpu.memory_space<vmem>>, vector<16xf32>,
        %parallel_loop3A_897 = arith.index_cast %and3A_94 : i32 to index
        %parallel_loop3A_898 = arith.index_cast %parallel_loop3A_172 : i32 to index
        %parallel_loop3A_899 = arith.constant 720 : index
        %parallel_loop3A_900 = tpu.vector_load %arg11[%parallel_loop3A_897, %parallel_loop3A_898, %parallel_loop3A_899] {strides = array<i32>} : memref<2x32x768xf32, #tpu.memory_space<vmem>>, vector<16xf32>,
        %parallel_loop3A_901 = arith.addf %parallel_loop3A_896, %parallel_loop3A_900 : vector<16xf32>
        %parallel_loop3A_902 = arith.index_cast %and3A_94 : i32 to index
        %parallel_loop3A_903 = arith.index_cast %parallel_loop3A_172 : i32 to index
        %parallel_loop3A_904 = arith.constant 720 : index
        %parallel_loop3A_905 = tpu.vector_load %arg10[%parallel_loop3A_902, %parallel_loop3A_903, %parallel_loop3A_904] {strides = array<i32>} : memref<2x32x768xf32, #tpu.memory_space<vmem>>, vector<16xf32>,
        tpu.vector_store %arg10[%parallel_loop3A_902, %parallel_loop3A_903, %parallel_loop3A_904], %parallel_loop3A_901 {strides = array<i32>} : memref<2x32x768xf32, #tpu.memory_space<vmem>>, vector<16xf32>,
        %parallel_loop3A_906 = arith.addf %parallel_loop3A_842, %parallel_loop3A_901 : vector<16xf32>
        %parallel_loop3A_907 = arith.mulf %parallel_loop3A_901, %parallel_loop3A_901 : vector<16xf32>
        %parallel_loop3A_908 = arith.addf %parallel_loop3A_844, %parallel_loop3A_907 : vector<16xf32>
        %parallel_loop3A_909 = arith.index_cast %and3A_94 : i32 to index
        %parallel_loop3A_910 = arith.index_cast %parallel_loop3A_172 : i32 to index
        %parallel_loop3A_911 = arith.constant 736 : index
        %parallel_loop3A_912 = tpu.vector_load %arg10[%parallel_loop3A_909, %parallel_loop3A_910, %parallel_loop3A_911] {strides = array<i32>} : memref<2x32x768xf32, #tpu.memory_space<vmem>>, vector<16xf32>,
        %parallel_loop3A_913 = arith.index_cast %and3A_94 : i32 to index
        %parallel_loop3A_914 = arith.index_cast %parallel_loop3A_172 : i32 to index
        %parallel_loop3A_915 = arith.constant 736 : index
        %parallel_loop3A_916 = tpu.vector_load %arg11[%parallel_loop3A_913, %parallel_loop3A_914, %parallel_loop3A_915] {strides = array<i32>} : memref<2x32x768xf32, #tpu.memory_space<vmem>>, vector<16xf32>,
        %parallel_loop3A_917 = arith.addf %parallel_loop3A_912, %parallel_loop3A_916 : vector<16xf32>
        %parallel_loop3A_918 = arith.index_cast %and3A_94 : i32 to index
        %parallel_loop3A_919 = arith.index_cast %parallel_loop3A_172 : i32 to index
        %parallel_loop3A_920 = arith.constant 736 : index
        %parallel_loop3A_921 = tpu.vector_load %arg10[%parallel_loop3A_918, %parallel_loop3A_919, %parallel_loop3A_920] {strides = array<i32>} : memref<2x32x768xf32, #tpu.memory_space<vmem>>, vector<16xf32>,
        tpu.vector_store %arg10[%parallel_loop3A_918, %parallel_loop3A_919, %parallel_loop3A_920], %parallel_loop3A_917 {strides = array<i32>} : memref<2x32x768xf32, #tpu.memory_space<vmem>>, vector<16xf32>,
        %parallel_loop3A_922 = arith.addf %parallel_loop3A_858, %parallel_loop3A_917 : vector<16xf32>
        %parallel_loop3A_923 = arith.mulf %parallel_loop3A_917, %parallel_loop3A_917 : vector<16xf32>
        %parallel_loop3A_924 = arith.addf %parallel_loop3A_860, %parallel_loop3A_923 : vector<16xf32>
        %parallel_loop3A_925 = arith.index_cast %and3A_94 : i32 to index
        %parallel_loop3A_926 = arith.index_cast %parallel_loop3A_172 : i32 to index
        %parallel_loop3A_927 = arith.constant 752 : index
        %parallel_loop3A_928 = tpu.vector_load %arg10[%parallel_loop3A_925, %parallel_loop3A_926, %parallel_loop3A_927] {strides = array<i32>} : memref<2x32x768xf32, #tpu.memory_space<vmem>>, vector<16xf32>,
        %parallel_loop3A_929 = arith.index_cast %and3A_94 : i32 to index
        %parallel_loop3A_930 = arith.index_cast %parallel_loop3A_172 : i32 to index
        %parallel_loop3A_931 = arith.constant 752 : index
        %parallel_loop3A_932 = tpu.vector_load %arg11[%parallel_loop3A_929, %parallel_loop3A_930, %parallel_loop3A_931] {strides = array<i32>} : memref<2x32x768xf32, #tpu.memory_space<vmem>>, vector<16xf32>,
        %parallel_loop3A_933 = arith.addf %parallel_loop3A_928, %parallel_loop3A_932 : vector<16xf32>
        %parallel_loop3A_934 = arith.index_cast %and3A_94 : i32 to index
        %parallel_loop3A_935 = arith.index_cast %parallel_loop3A_172 : i32 to index
        %parallel_loop3A_936 = arith.constant 752 : index
        %parallel_loop3A_937 = tpu.vector_load %arg10[%parallel_loop3A_934, %parallel_loop3A_935, %parallel_loop3A_936] {strides = array<i32>} : memref<2x32x768xf32, #tpu.memory_space<vmem>>, vector<16xf32>,
        tpu.vector_store %arg10[%parallel_loop3A_934, %parallel_loop3A_935, %parallel_loop3A_936], %parallel_loop3A_933 {strides = array<i32>} : memref<2x32x768xf32, #tpu.memory_space<vmem>>, vector<16xf32>,
        %parallel_loop3A_938 = arith.addf %parallel_loop3A_874, %parallel_loop3A_933 : vector<16xf32>
        %parallel_loop3A_939 = arith.mulf %parallel_loop3A_933, %parallel_loop3A_933 : vector<16xf32>
        %parallel_loop3A_940 = arith.addf %parallel_loop3A_876, %parallel_loop3A_939 : vector<16xf32>
        %parallel_loop3A_941 = arith.addf %parallel_loop3A_890, %parallel_loop3A_906 : vector<16xf32>
        %parallel_loop3A_942 = arith.addf %parallel_loop3A_922, %parallel_loop3A_938 : vector<16xf32>
        %parallel_loop3A_943 = arith.addf %parallel_loop3A_941, %parallel_loop3A_942 : vector<16xf32>
        %parallel_loop3A_944 = arith.addf %parallel_loop3A_892, %parallel_loop3A_908 : vector<16xf32>
        %parallel_loop3A_945 = arith.addf %parallel_loop3A_924, %parallel_loop3A_940 : vector<16xf32>
        %parallel_loop3A_946 = arith.addf %parallel_loop3A_944, %parallel_loop3A_945 : vector<16xf32>
        %parallel_loop3A_947 = arith.constant true
        %parallel_loop3A_948 = vector.broadcast %parallel_loop3A_947 : i1 to vector<16xi1>
        %parallel_loop3A_949 = tpu.scan <sum>, %parallel_loop3A_943 masked %parallel_loop3A_948 : vector<16xf32>, vector<16xi1> -> vector<16xf32>
        %parallel_loop3A_950 = vector.extract %parallel_loop3A_949[15] : f32 from vector<16xf32>
        %parallel_loop3A_951 = arith.mulf %parallel_loop3A_950, %scan3A_45 : f32
        %parallel_loop3A_952 = arith.constant true
        %parallel_loop3A_953 = vector.broadcast %parallel_loop3A_952 : i1 to vector<16xi1>
        %parallel_loop3A_954 = tpu.scan <sum>, %parallel_loop3A_946 masked %parallel_loop3A_953 : vector<16xf32>, vector<16xi1> -> vector<16xf32>
        %parallel_loop3A_955 = vector.extract %parallel_loop3A_954[15] : f32 from vector<16xf32>
        %parallel_loop3A_956 = arith.mulf %parallel_loop3A_955, %scan3A_45 : f32
        %parallel_loop3A_957 = arith.mulf %parallel_loop3A_951, %parallel_loop3A_951 : f32
        %parallel_loop3A_958 = arith.subf %parallel_loop3A_956, %parallel_loop3A_957 : f32
        %parallel_loop3A_959 = arith.constant 9.99999974E-6 : f32
        %parallel_loop3A_960 = arith.addf %parallel_loop3A_958, %parallel_loop3A_959 : f32
        %parallel_loop3A_961 = arith.bitcast %parallel_loop3A_960 : f32 to i32
        %parallel_loop3A_962 = arith.constant 1 : i32
        %parallel_loop3A_963 = arith.shrsi %parallel_loop3A_961, %parallel_loop3A_962 : i32
        %parallel_loop3A_964 = arith.constant 1597463007 : i32
        %parallel_loop3A_965 = arith.subi %parallel_loop3A_964, %parallel_loop3A_963 : i32
        %parallel_loop3A_966 = arith.bitcast %parallel_loop3A_965 : i32 to f32
        %parallel_loop3A_967 = arith.constant 5.000000e-01 : f32
        %parallel_loop3A_968 = arith.mulf %parallel_loop3A_967, %parallel_loop3A_960 : f32
        %parallel_loop3A_969 = arith.mulf %parallel_loop3A_968, %parallel_loop3A_966 : f32
        %parallel_loop3A_970 = arith.mulf %parallel_loop3A_969, %parallel_loop3A_966 : f32
        %parallel_loop3A_971 = arith.constant 1.500000e+00 : f32
        %parallel_loop3A_972 = arith.subf %parallel_loop3A_971, %parallel_loop3A_970 : f32
        %parallel_loop3A_973 = arith.mulf %parallel_loop3A_966, %parallel_loop3A_972 : f32
        %parallel_loop3A_974 = arith.mulf %parallel_loop3A_968, %parallel_loop3A_973 : f32
        %parallel_loop3A_975 = arith.mulf %parallel_loop3A_974, %parallel_loop3A_973 : f32
        %parallel_loop3A_976 = arith.constant 1.500000e+00 : f32
        %parallel_loop3A_977 = arith.subf %parallel_loop3A_976, %parallel_loop3A_975 : f32
        %parallel_loop3A_978 = arith.mulf %parallel_loop3A_973, %parallel_loop3A_977 : f32
        %parallel_loop3A_979 = arith.mulf %parallel_loop3A_968, %parallel_loop3A_978 : f32
        %parallel_loop3A_980 = arith.mulf %parallel_loop3A_979, %parallel_loop3A_978 : f32
        %parallel_loop3A_981 = arith.constant 1.500000e+00 : f32
        %parallel_loop3A_982 = arith.subf %parallel_loop3A_981, %parallel_loop3A_980 : f32
        %parallel_loop3A_983 = arith.mulf %parallel_loop3A_978, %parallel_loop3A_982 : f32
        %parallel_loop3A_984 = arith.constant 0 : i32
        %parallel_loop3A_985 = arith.index_cast %parallel_loop3A_984 : i32 to index
        %parallel_loop3A_986 = arith.index_cast %parallel_loop3A_172 : i32 to index
        %parallel_loop3A_987 = memref.load %arg14[%parallel_loop3A_985, %parallel_loop3A_986] : memref<2x32xf32, #tpu.memory_space<smem>>
        memref.store %parallel_loop3A_983, %arg14[%parallel_loop3A_985, %parallel_loop3A_986] : memref<2x32xf32, #tpu.memory_space<smem>>
        %parallel_loop3A_988 = arith.constant 0.000000e+00 : f32
        %parallel_loop3A_989 = arith.subf %parallel_loop3A_988, %parallel_loop3A_951 : f32
        %parallel_loop3A_990 = arith.mulf %parallel_loop3A_989, %parallel_loop3A_983 : f32
        %parallel_loop3A_991 = arith.constant 1 : i32
        %parallel_loop3A_992 = arith.index_cast %parallel_loop3A_991 : i32 to index
        %parallel_loop3A_993 = arith.index_cast %parallel_loop3A_172 : i32 to index
        %parallel_loop3A_994 = memref.load %arg14[%parallel_loop3A_992, %parallel_loop3A_993] : memref<2x32xf32, #tpu.memory_space<smem>>
        memref.store %parallel_loop3A_990, %arg14[%parallel_loop3A_992, %parallel_loop3A_993] : memref<2x32xf32, #tpu.memory_space<smem>>
      } {sc.loop_unroll_factor = 2 : i64, sc.parallel_access}
      %parallel_loop3A_127 = arith.constant 0 : i32
      %parallel_loop3A_128 = arith.constant 48 : i32
      %parallel_loop3A_129 = arith.constant 1 : i32
      scf.for %parallel_loop3A_172 = %parallel_loop3A_127 to %parallel_loop3A_128 step %parallel_loop3A_129  : i32 {
        %parallel_loop3A_173 = arith.constant 16 : i32
        %parallel_loop3A_174 = arith.muli %parallel_loop3A_172, %parallel_loop3A_173 : i32
        %parallel_loop3A_175 = arith.index_cast %parallel_loop3A_174 : i32 to index
        %parallel_loop3A_176 = tpu.vector_load %arg12[%parallel_loop3A_175] {strides = array<i32>} : memref<768xf32, #tpu.memory_space<vmem>>, vector<16xf32>,
        %parallel_loop3A_177 = arith.index_cast %parallel_loop3A_174 : i32 to index
        %parallel_loop3A_178 = tpu.vector_load %arg13[%parallel_loop3A_177] {strides = array<i32>} : memref<768xf32, #tpu.memory_space<vmem>>, vector<16xf32>,
        %parallel_loop3A_179 = arith.constant 0 : i32
        %parallel_loop3A_180 = arith.constant 0 : i32
        %parallel_loop3A_181 = arith.index_cast %parallel_loop3A_179 : i32 to index
        %parallel_loop3A_182 = arith.index_cast %parallel_loop3A_180 : i32 to index
        %parallel_loop3A_183 = memref.load %arg14[%parallel_loop3A_181, %parallel_loop3A_182] : memref<2x32xf32, #tpu.memory_space<smem>>
        %parallel_loop3A_184 = vector.broadcast %parallel_loop3A_183 : f32 to vector<16xf32>
        %parallel_loop3A_185 = arith.constant 1 : i32
        %parallel_loop3A_186 = arith.constant 0 : i32
        %parallel_loop3A_187 = arith.index_cast %parallel_loop3A_185 : i32 to index
        %parallel_loop3A_188 = arith.index_cast %parallel_loop3A_186 : i32 to index
        %parallel_loop3A_189 = memref.load %arg14[%parallel_loop3A_187, %parallel_loop3A_188] : memref<2x32xf32, #tpu.memory_space<smem>>
        %parallel_loop3A_190 = vector.broadcast %parallel_loop3A_189 : f32 to vector<16xf32>
        %parallel_loop3A_191 = arith.constant 0 : i32
        %parallel_loop3A_192 = arith.index_cast %and3A_94 : i32 to index
        %parallel_loop3A_193 = arith.index_cast %parallel_loop3A_191 : i32 to index
        %parallel_loop3A_194 = arith.index_cast %parallel_loop3A_174 : i32 to index
        %parallel_loop3A_195 = tpu.vector_load %arg10[%parallel_loop3A_192, %parallel_loop3A_193, %parallel_loop3A_194] {strides = array<i32>} : memref<2x32x768xf32, #tpu.memory_space<vmem>>, vector<16xf32>,
        %parallel_loop3A_196 = arith.mulf %parallel_loop3A_195, %parallel_loop3A_184 : vector<16xf32>
        %parallel_loop3A_197 = arith.addf %parallel_loop3A_196, %parallel_loop3A_190 : vector<16xf32>
        %parallel_loop3A_198 = arith.mulf %parallel_loop3A_197, %parallel_loop3A_176 : vector<16xf32>
        %parallel_loop3A_199 = arith.addf %parallel_loop3A_198, %parallel_loop3A_178 : vector<16xf32>
        %parallel_loop3A_200 = arith.constant 0 : i32
        %parallel_loop3A_201 = arith.index_cast %and3A_94 : i32 to index
        %parallel_loop3A_202 = arith.index_cast %parallel_loop3A_200 : i32 to index
        %parallel_loop3A_203 = arith.index_cast %parallel_loop3A_174 : i32 to index
        %parallel_loop3A_204 = tpu.vector_load %arg10[%parallel_loop3A_201, %parallel_loop3A_202, %parallel_loop3A_203] {strides = array<i32>} : memref<2x32x768xf32, #tpu.memory_space<vmem>>, vector<16xf32>,
        tpu.vector_store %arg10[%parallel_loop3A_201, %parallel_loop3A_202, %parallel_loop3A_203], %parallel_loop3A_199 {strides = array<i32>} : memref<2x32x768xf32, #tpu.memory_space<vmem>>, vector<16xf32>,
        %parallel_loop3A_205 = arith.constant 0 : i32
        %parallel_loop3A_206 = arith.constant 1 : i32
        %parallel_loop3A_207 = arith.index_cast %parallel_loop3A_205 : i32 to index
        %parallel_loop3A_208 = arith.index_cast %parallel_loop3A_206 : i32 to index
        %parallel_loop3A_209 = memref.load %arg14[%parallel_loop3A_207, %parallel_loop3A_208] : memref<2x32xf32, #tpu.memory_space<smem>>
        %parallel_loop3A_210 = vector.broadcast %parallel_loop3A_209 : f32 to vector<16xf32>
        %parallel_loop3A_211 = arith.constant 1 : i32
        %parallel_loop3A_212 = arith.constant 1 : i32
        %parallel_loop3A_213 = arith.index_cast %parallel_loop3A_211 : i32 to index
        %parallel_loop3A_214 = arith.index_cast %parallel_loop3A_212 : i32 to index
        %parallel_loop3A_215 = memref.load %arg14[%parallel_loop3A_213, %parallel_loop3A_214] : memref<2x32xf32, #tpu.memory_space<smem>>
        %parallel_loop3A_216 = vector.broadcast %parallel_loop3A_215 : f32 to vector<16xf32>
        %parallel_loop3A_217 = arith.constant 1 : i32
        %parallel_loop3A_218 = arith.index_cast %and3A_94 : i32 to index
        %parallel_loop3A_219 = arith.index_cast %parallel_loop3A_217 : i32 to index
        %parallel_loop3A_220 = arith.index_cast %parallel_loop3A_174 : i32 to index
        %parallel_loop3A_221 = tpu.vector_load %arg10[%parallel_loop3A_218, %parallel_loop3A_219, %parallel_loop3A_220] {strides = array<i32>} : memref<2x32x768xf32, #tpu.memory_space<vmem>>, vector<16xf32>,
        %parallel_loop3A_222 = arith.mulf %parallel_loop3A_221, %parallel_loop3A_210 : vector<16xf32>
        %parallel_loop3A_223 = arith.addf %parallel_loop3A_222, %parallel_loop3A_216 : vector<16xf32>
        %parallel_loop3A_224 = arith.mulf %parallel_loop3A_223, %parallel_loop3A_176 : vector<16xf32>
        %parallel_loop3A_225 = arith.addf %parallel_loop3A_224, %parallel_loop3A_178 : vector<16xf32>
        %parallel_loop3A_226 = arith.constant 1 : i32
        %parallel_loop3A_227 = arith.index_cast %and3A_94 : i32 to index
        %parallel_loop3A_228 = arith.index_cast %parallel_loop3A_226 : i32 to index
        %parallel_loop3A_229 = arith.index_cast %parallel_loop3A_174 : i32 to index
        %parallel_loop3A_230 = tpu.vector_load %arg10[%parallel_loop3A_227, %parallel_loop3A_228, %parallel_loop3A_229] {strides = array<i32>} : memref<2x32x768xf32, #tpu.memory_space<vmem>>, vector<16xf32>,
        tpu.vector_store %arg10[%parallel_loop3A_227, %parallel_loop3A_228, %parallel_loop3A_229], %parallel_loop3A_225 {strides = array<i32>} : memref<2x32x768xf32, #tpu.memory_space<vmem>>, vector<16xf32>,
        %parallel_loop3A_231 = arith.constant 0 : i32
        %parallel_loop3A_232 = arith.constant 2 : i32
        %parallel_loop3A_233 = arith.index_cast %parallel_loop3A_231 : i32 to index
        %parallel_loop3A_234 = arith.index_cast %parallel_loop3A_232 : i32 to index
        %parallel_loop3A_235 = memref.load %arg14[%parallel_loop3A_233, %parallel_loop3A_234] : memref<2x32xf32, #tpu.memory_space<smem>>
        %parallel_loop3A_236 = vector.broadcast %parallel_loop3A_235 : f32 to vector<16xf32>
        %parallel_loop3A_237 = arith.constant 1 : i32
        %parallel_loop3A_238 = arith.constant 2 : i32
        %parallel_loop3A_239 = arith.index_cast %parallel_loop3A_237 : i32 to index
        %parallel_loop3A_240 = arith.index_cast %parallel_loop3A_238 : i32 to index
        %parallel_loop3A_241 = memref.load %arg14[%parallel_loop3A_239, %parallel_loop3A_240] : memref<2x32xf32, #tpu.memory_space<smem>>
        %parallel_loop3A_242 = vector.broadcast %parallel_loop3A_241 : f32 to vector<16xf32>
        %parallel_loop3A_243 = arith.constant 2 : i32
        %parallel_loop3A_244 = arith.index_cast %and3A_94 : i32 to index
        %parallel_loop3A_245 = arith.index_cast %parallel_loop3A_243 : i32 to index
        %parallel_loop3A_246 = arith.index_cast %parallel_loop3A_174 : i32 to index
        %parallel_loop3A_247 = tpu.vector_load %arg10[%parallel_loop3A_244, %parallel_loop3A_245, %parallel_loop3A_246] {strides = array<i32>} : memref<2x32x768xf32, #tpu.memory_space<vmem>>, vector<16xf32>,
        %parallel_loop3A_248 = arith.mulf %parallel_loop3A_247, %parallel_loop3A_236 : vector<16xf32>
        %parallel_loop3A_249 = arith.addf %parallel_loop3A_248, %parallel_loop3A_242 : vector<16xf32>
        %parallel_loop3A_250 = arith.mulf %parallel_loop3A_249, %parallel_loop3A_176 : vector<16xf32>
        %parallel_loop3A_251 = arith.addf %parallel_loop3A_250, %parallel_loop3A_178 : vector<16xf32>
        %parallel_loop3A_252 = arith.constant 2 : i32
        %parallel_loop3A_253 = arith.index_cast %and3A_94 : i32 to index
        %parallel_loop3A_254 = arith.index_cast %parallel_loop3A_252 : i32 to index
        %parallel_loop3A_255 = arith.index_cast %parallel_loop3A_174 : i32 to index
        %parallel_loop3A_256 = tpu.vector_load %arg10[%parallel_loop3A_253, %parallel_loop3A_254, %parallel_loop3A_255] {strides = array<i32>} : memref<2x32x768xf32, #tpu.memory_space<vmem>>, vector<16xf32>,
        tpu.vector_store %arg10[%parallel_loop3A_253, %parallel_loop3A_254, %parallel_loop3A_255], %parallel_loop3A_251 {strides = array<i32>} : memref<2x32x768xf32, #tpu.memory_space<vmem>>, vector<16xf32>,
        %parallel_loop3A_257 = arith.constant 0 : i32
        %parallel_loop3A_258 = arith.constant 3 : i32
        %parallel_loop3A_259 = arith.index_cast %parallel_loop3A_257 : i32 to index
        %parallel_loop3A_260 = arith.index_cast %parallel_loop3A_258 : i32 to index
        %parallel_loop3A_261 = memref.load %arg14[%parallel_loop3A_259, %parallel_loop3A_260] : memref<2x32xf32, #tpu.memory_space<smem>>
        %parallel_loop3A_262 = vector.broadcast %parallel_loop3A_261 : f32 to vector<16xf32>
        %parallel_loop3A_263 = arith.constant 1 : i32
        %parallel_loop3A_264 = arith.constant 3 : i32
        %parallel_loop3A_265 = arith.index_cast %parallel_loop3A_263 : i32 to index
        %parallel_loop3A_266 = arith.index_cast %parallel_loop3A_264 : i32 to index
        %parallel_loop3A_267 = memref.load %arg14[%parallel_loop3A_265, %parallel_loop3A_266] : memref<2x32xf32, #tpu.memory_space<smem>>
        %parallel_loop3A_268 = vector.broadcast %parallel_loop3A_267 : f32 to vector<16xf32>
        %parallel_loop3A_269 = arith.constant 3 : i32
        %parallel_loop3A_270 = arith.index_cast %and3A_94 : i32 to index
        %parallel_loop3A_271 = arith.index_cast %parallel_loop3A_269 : i32 to index
        %parallel_loop3A_272 = arith.index_cast %parallel_loop3A_174 : i32 to index
        %parallel_loop3A_273 = tpu.vector_load %arg10[%parallel_loop3A_270, %parallel_loop3A_271, %parallel_loop3A_272] {strides = array<i32>} : memref<2x32x768xf32, #tpu.memory_space<vmem>>, vector<16xf32>,
        %parallel_loop3A_274 = arith.mulf %parallel_loop3A_273, %parallel_loop3A_262 : vector<16xf32>
        %parallel_loop3A_275 = arith.addf %parallel_loop3A_274, %parallel_loop3A_268 : vector<16xf32>
        %parallel_loop3A_276 = arith.mulf %parallel_loop3A_275, %parallel_loop3A_176 : vector<16xf32>
        %parallel_loop3A_277 = arith.addf %parallel_loop3A_276, %parallel_loop3A_178 : vector<16xf32>
        %parallel_loop3A_278 = arith.constant 3 : i32
        %parallel_loop3A_279 = arith.index_cast %and3A_94 : i32 to index
        %parallel_loop3A_280 = arith.index_cast %parallel_loop3A_278 : i32 to index
        %parallel_loop3A_281 = arith.index_cast %parallel_loop3A_174 : i32 to index
        %parallel_loop3A_282 = tpu.vector_load %arg10[%parallel_loop3A_279, %parallel_loop3A_280, %parallel_loop3A_281] {strides = array<i32>} : memref<2x32x768xf32, #tpu.memory_space<vmem>>, vector<16xf32>,
        tpu.vector_store %arg10[%parallel_loop3A_279, %parallel_loop3A_280, %parallel_loop3A_281], %parallel_loop3A_277 {strides = array<i32>} : memref<2x32x768xf32, #tpu.memory_space<vmem>>, vector<16xf32>,
        %parallel_loop3A_283 = arith.constant 0 : i32
        %parallel_loop3A_284 = arith.constant 4 : i32
        %parallel_loop3A_285 = arith.index_cast %parallel_loop3A_283 : i32 to index
        %parallel_loop3A_286 = arith.index_cast %parallel_loop3A_284 : i32 to index
        %parallel_loop3A_287 = memref.load %arg14[%parallel_loop3A_285, %parallel_loop3A_286] : memref<2x32xf32, #tpu.memory_space<smem>>
        %parallel_loop3A_288 = vector.broadcast %parallel_loop3A_287 : f32 to vector<16xf32>
        %parallel_loop3A_289 = arith.constant 1 : i32
        %parallel_loop3A_290 = arith.constant 4 : i32
        %parallel_loop3A_291 = arith.index_cast %parallel_loop3A_289 : i32 to index
        %parallel_loop3A_292 = arith.index_cast %parallel_loop3A_290 : i32 to index
        %parallel_loop3A_293 = memref.load %arg14[%parallel_loop3A_291, %parallel_loop3A_292] : memref<2x32xf32, #tpu.memory_space<smem>>
        %parallel_loop3A_294 = vector.broadcast %parallel_loop3A_293 : f32 to vector<16xf32>
        %parallel_loop3A_295 = arith.constant 4 : i32
        %parallel_loop3A_296 = arith.index_cast %and3A_94 : i32 to index
        %parallel_loop3A_297 = arith.index_cast %parallel_loop3A_295 : i32 to index
        %parallel_loop3A_298 = arith.index_cast %parallel_loop3A_174 : i32 to index
        %parallel_loop3A_299 = tpu.vector_load %arg10[%parallel_loop3A_296, %parallel_loop3A_297, %parallel_loop3A_298] {strides = array<i32>} : memref<2x32x768xf32, #tpu.memory_space<vmem>>, vector<16xf32>,
        %parallel_loop3A_300 = arith.mulf %parallel_loop3A_299, %parallel_loop3A_288 : vector<16xf32>
        %parallel_loop3A_301 = arith.addf %parallel_loop3A_300, %parallel_loop3A_294 : vector<16xf32>
        %parallel_loop3A_302 = arith.mulf %parallel_loop3A_301, %parallel_loop3A_176 : vector<16xf32>
        %parallel_loop3A_303 = arith.addf %parallel_loop3A_302, %parallel_loop3A_178 : vector<16xf32>
        %parallel_loop3A_304 = arith.constant 4 : i32
        %parallel_loop3A_305 = arith.index_cast %and3A_94 : i32 to index
        %parallel_loop3A_306 = arith.index_cast %parallel_loop3A_304 : i32 to index
        %parallel_loop3A_307 = arith.index_cast %parallel_loop3A_174 : i32 to index
        %parallel_loop3A_308 = tpu.vector_load %arg10[%parallel_loop3A_305, %parallel_loop3A_306, %parallel_loop3A_307] {strides = array<i32>} : memref<2x32x768xf32, #tpu.memory_space<vmem>>, vector<16xf32>,
        tpu.vector_store %arg10[%parallel_loop3A_305, %parallel_loop3A_306, %parallel_loop3A_307], %parallel_loop3A_303 {strides = array<i32>} : memref<2x32x768xf32, #tpu.memory_space<vmem>>, vector<16xf32>,
        %parallel_loop3A_309 = arith.constant 0 : i32
        %parallel_loop3A_310 = arith.constant 5 : i32
        %parallel_loop3A_311 = arith.index_cast %parallel_loop3A_309 : i32 to index
        %parallel_loop3A_312 = arith.index_cast %parallel_loop3A_310 : i32 to index
        %parallel_loop3A_313 = memref.load %arg14[%parallel_loop3A_311, %parallel_loop3A_312] : memref<2x32xf32, #tpu.memory_space<smem>>
        %parallel_loop3A_314 = vector.broadcast %parallel_loop3A_313 : f32 to vector<16xf32>
        %parallel_loop3A_315 = arith.constant 1 : i32
        %parallel_loop3A_316 = arith.constant 5 : i32
        %parallel_loop3A_317 = arith.index_cast %parallel_loop3A_315 : i32 to index
        %parallel_loop3A_318 = arith.index_cast %parallel_loop3A_316 : i32 to index
        %parallel_loop3A_319 = memref.load %arg14[%parallel_loop3A_317, %parallel_loop3A_318] : memref<2x32xf32, #tpu.memory_space<smem>>
        %parallel_loop3A_320 = vector.broadcast %parallel_loop3A_319 : f32 to vector<16xf32>
        %parallel_loop3A_321 = arith.constant 5 : i32
        %parallel_loop3A_322 = arith.index_cast %and3A_94 : i32 to index
        %parallel_loop3A_323 = arith.index_cast %parallel_loop3A_321 : i32 to index
        %parallel_loop3A_324 = arith.index_cast %parallel_loop3A_174 : i32 to index
        %parallel_loop3A_325 = tpu.vector_load %arg10[%parallel_loop3A_322, %parallel_loop3A_323, %parallel_loop3A_324] {strides = array<i32>} : memref<2x32x768xf32, #tpu.memory_space<vmem>>, vector<16xf32>,
        %parallel_loop3A_326 = arith.mulf %parallel_loop3A_325, %parallel_loop3A_314 : vector<16xf32>
        %parallel_loop3A_327 = arith.addf %parallel_loop3A_326, %parallel_loop3A_320 : vector<16xf32>
        %parallel_loop3A_328 = arith.mulf %parallel_loop3A_327, %parallel_loop3A_176 : vector<16xf32>
        %parallel_loop3A_329 = arith.addf %parallel_loop3A_328, %parallel_loop3A_178 : vector<16xf32>
        %parallel_loop3A_330 = arith.constant 5 : i32
        %parallel_loop3A_331 = arith.index_cast %and3A_94 : i32 to index
        %parallel_loop3A_332 = arith.index_cast %parallel_loop3A_330 : i32 to index
        %parallel_loop3A_333 = arith.index_cast %parallel_loop3A_174 : i32 to index
        %parallel_loop3A_334 = tpu.vector_load %arg10[%parallel_loop3A_331, %parallel_loop3A_332, %parallel_loop3A_333] {strides = array<i32>} : memref<2x32x768xf32, #tpu.memory_space<vmem>>, vector<16xf32>,
        tpu.vector_store %arg10[%parallel_loop3A_331, %parallel_loop3A_332, %parallel_loop3A_333], %parallel_loop3A_329 {strides = array<i32>} : memref<2x32x768xf32, #tpu.memory_space<vmem>>, vector<16xf32>,
        %parallel_loop3A_335 = arith.constant 0 : i32
        %parallel_loop3A_336 = arith.constant 6 : i32
        %parallel_loop3A_337 = arith.index_cast %parallel_loop3A_335 : i32 to index
        %parallel_loop3A_338 = arith.index_cast %parallel_loop3A_336 : i32 to index
        %parallel_loop3A_339 = memref.load %arg14[%parallel_loop3A_337, %parallel_loop3A_338] : memref<2x32xf32, #tpu.memory_space<smem>>
        %parallel_loop3A_340 = vector.broadcast %parallel_loop3A_339 : f32 to vector<16xf32>
        %parallel_loop3A_341 = arith.constant 1 : i32
        %parallel_loop3A_342 = arith.constant 6 : i32
        %parallel_loop3A_343 = arith.index_cast %parallel_loop3A_341 : i32 to index
        %parallel_loop3A_344 = arith.index_cast %parallel_loop3A_342 : i32 to index
        %parallel_loop3A_345 = memref.load %arg14[%parallel_loop3A_343, %parallel_loop3A_344] : memref<2x32xf32, #tpu.memory_space<smem>>
        %parallel_loop3A_346 = vector.broadcast %parallel_loop3A_345 : f32 to vector<16xf32>
        %parallel_loop3A_347 = arith.constant 6 : i32
        %parallel_loop3A_348 = arith.index_cast %and3A_94 : i32 to index
        %parallel_loop3A_349 = arith.index_cast %parallel_loop3A_347 : i32 to index
        %parallel_loop3A_350 = arith.index_cast %parallel_loop3A_174 : i32 to index
        %parallel_loop3A_351 = tpu.vector_load %arg10[%parallel_loop3A_348, %parallel_loop3A_349, %parallel_loop3A_350] {strides = array<i32>} : memref<2x32x768xf32, #tpu.memory_space<vmem>>, vector<16xf32>,
        %parallel_loop3A_352 = arith.mulf %parallel_loop3A_351, %parallel_loop3A_340 : vector<16xf32>
        %parallel_loop3A_353 = arith.addf %parallel_loop3A_352, %parallel_loop3A_346 : vector<16xf32>
        %parallel_loop3A_354 = arith.mulf %parallel_loop3A_353, %parallel_loop3A_176 : vector<16xf32>
        %parallel_loop3A_355 = arith.addf %parallel_loop3A_354, %parallel_loop3A_178 : vector<16xf32>
        %parallel_loop3A_356 = arith.constant 6 : i32
        %parallel_loop3A_357 = arith.index_cast %and3A_94 : i32 to index
        %parallel_loop3A_358 = arith.index_cast %parallel_loop3A_356 : i32 to index
        %parallel_loop3A_359 = arith.index_cast %parallel_loop3A_174 : i32 to index
        %parallel_loop3A_360 = tpu.vector_load %arg10[%parallel_loop3A_357, %parallel_loop3A_358, %parallel_loop3A_359] {strides = array<i32>} : memref<2x32x768xf32, #tpu.memory_space<vmem>>, vector<16xf32>,
        tpu.vector_store %arg10[%parallel_loop3A_357, %parallel_loop3A_358, %parallel_loop3A_359], %parallel_loop3A_355 {strides = array<i32>} : memref<2x32x768xf32, #tpu.memory_space<vmem>>, vector<16xf32>,
        %parallel_loop3A_361 = arith.constant 0 : i32
        %parallel_loop3A_362 = arith.constant 7 : i32
        %parallel_loop3A_363 = arith.index_cast %parallel_loop3A_361 : i32 to index
        %parallel_loop3A_364 = arith.index_cast %parallel_loop3A_362 : i32 to index
        %parallel_loop3A_365 = memref.load %arg14[%parallel_loop3A_363, %parallel_loop3A_364] : memref<2x32xf32, #tpu.memory_space<smem>>
        %parallel_loop3A_366 = vector.broadcast %parallel_loop3A_365 : f32 to vector<16xf32>
        %parallel_loop3A_367 = arith.constant 1 : i32
        %parallel_loop3A_368 = arith.constant 7 : i32
        %parallel_loop3A_369 = arith.index_cast %parallel_loop3A_367 : i32 to index
        %parallel_loop3A_370 = arith.index_cast %parallel_loop3A_368 : i32 to index
        %parallel_loop3A_371 = memref.load %arg14[%parallel_loop3A_369, %parallel_loop3A_370] : memref<2x32xf32, #tpu.memory_space<smem>>
        %parallel_loop3A_372 = vector.broadcast %parallel_loop3A_371 : f32 to vector<16xf32>
        %parallel_loop3A_373 = arith.constant 7 : i32
        %parallel_loop3A_374 = arith.index_cast %and3A_94 : i32 to index
        %parallel_loop3A_375 = arith.index_cast %parallel_loop3A_373 : i32 to index
        %parallel_loop3A_376 = arith.index_cast %parallel_loop3A_174 : i32 to index
        %parallel_loop3A_377 = tpu.vector_load %arg10[%parallel_loop3A_374, %parallel_loop3A_375, %parallel_loop3A_376] {strides = array<i32>} : memref<2x32x768xf32, #tpu.memory_space<vmem>>, vector<16xf32>,
        %parallel_loop3A_378 = arith.mulf %parallel_loop3A_377, %parallel_loop3A_366 : vector<16xf32>
        %parallel_loop3A_379 = arith.addf %parallel_loop3A_378, %parallel_loop3A_372 : vector<16xf32>
        %parallel_loop3A_380 = arith.mulf %parallel_loop3A_379, %parallel_loop3A_176 : vector<16xf32>
        %parallel_loop3A_381 = arith.addf %parallel_loop3A_380, %parallel_loop3A_178 : vector<16xf32>
        %parallel_loop3A_382 = arith.constant 7 : i32
        %parallel_loop3A_383 = arith.index_cast %and3A_94 : i32 to index
        %parallel_loop3A_384 = arith.index_cast %parallel_loop3A_382 : i32 to index
        %parallel_loop3A_385 = arith.index_cast %parallel_loop3A_174 : i32 to index
        %parallel_loop3A_386 = tpu.vector_load %arg10[%parallel_loop3A_383, %parallel_loop3A_384, %parallel_loop3A_385] {strides = array<i32>} : memref<2x32x768xf32, #tpu.memory_space<vmem>>, vector<16xf32>,
        tpu.vector_store %arg10[%parallel_loop3A_383, %parallel_loop3A_384, %parallel_loop3A_385], %parallel_loop3A_381 {strides = array<i32>} : memref<2x32x768xf32, #tpu.memory_space<vmem>>, vector<16xf32>,
        %parallel_loop3A_387 = arith.constant 0 : i32
        %parallel_loop3A_388 = arith.constant 8 : i32
        %parallel_loop3A_389 = arith.index_cast %parallel_loop3A_387 : i32 to index
        %parallel_loop3A_390 = arith.index_cast %parallel_loop3A_388 : i32 to index
        %parallel_loop3A_391 = memref.load %arg14[%parallel_loop3A_389, %parallel_loop3A_390] : memref<2x32xf32, #tpu.memory_space<smem>>
        %parallel_loop3A_392 = vector.broadcast %parallel_loop3A_391 : f32 to vector<16xf32>
        %parallel_loop3A_393 = arith.constant 1 : i32
        %parallel_loop3A_394 = arith.constant 8 : i32
        %parallel_loop3A_395 = arith.index_cast %parallel_loop3A_393 : i32 to index
        %parallel_loop3A_396 = arith.index_cast %parallel_loop3A_394 : i32 to index
        %parallel_loop3A_397 = memref.load %arg14[%parallel_loop3A_395, %parallel_loop3A_396] : memref<2x32xf32, #tpu.memory_space<smem>>
        %parallel_loop3A_398 = vector.broadcast %parallel_loop3A_397 : f32 to vector<16xf32>
        %parallel_loop3A_399 = arith.constant 8 : i32
        %parallel_loop3A_400 = arith.index_cast %and3A_94 : i32 to index
        %parallel_loop3A_401 = arith.index_cast %parallel_loop3A_399 : i32 to index
        %parallel_loop3A_402 = arith.index_cast %parallel_loop3A_174 : i32 to index
        %parallel_loop3A_403 = tpu.vector_load %arg10[%parallel_loop3A_400, %parallel_loop3A_401, %parallel_loop3A_402] {strides = array<i32>} : memref<2x32x768xf32, #tpu.memory_space<vmem>>, vector<16xf32>,
        %parallel_loop3A_404 = arith.mulf %parallel_loop3A_403, %parallel_loop3A_392 : vector<16xf32>
        %parallel_loop3A_405 = arith.addf %parallel_loop3A_404, %parallel_loop3A_398 : vector<16xf32>
        %parallel_loop3A_406 = arith.mulf %parallel_loop3A_405, %parallel_loop3A_176 : vector<16xf32>
        %parallel_loop3A_407 = arith.addf %parallel_loop3A_406, %parallel_loop3A_178 : vector<16xf32>
        %parallel_loop3A_408 = arith.constant 8 : i32
        %parallel_loop3A_409 = arith.index_cast %and3A_94 : i32 to index
        %parallel_loop3A_410 = arith.index_cast %parallel_loop3A_408 : i32 to index
        %parallel_loop3A_411 = arith.index_cast %parallel_loop3A_174 : i32 to index
        %parallel_loop3A_412 = tpu.vector_load %arg10[%parallel_loop3A_409, %parallel_loop3A_410, %parallel_loop3A_411] {strides = array<i32>} : memref<2x32x768xf32, #tpu.memory_space<vmem>>, vector<16xf32>,
        tpu.vector_store %arg10[%parallel_loop3A_409, %parallel_loop3A_410, %parallel_loop3A_411], %parallel_loop3A_407 {strides = array<i32>} : memref<2x32x768xf32, #tpu.memory_space<vmem>>, vector<16xf32>,
        %parallel_loop3A_413 = arith.constant 0 : i32
        %parallel_loop3A_414 = arith.constant 9 : i32
        %parallel_loop3A_415 = arith.index_cast %parallel_loop3A_413 : i32 to index
        %parallel_loop3A_416 = arith.index_cast %parallel_loop3A_414 : i32 to index
        %parallel_loop3A_417 = memref.load %arg14[%parallel_loop3A_415, %parallel_loop3A_416] : memref<2x32xf32, #tpu.memory_space<smem>>
        %parallel_loop3A_418 = vector.broadcast %parallel_loop3A_417 : f32 to vector<16xf32>
        %parallel_loop3A_419 = arith.constant 1 : i32
        %parallel_loop3A_420 = arith.constant 9 : i32
        %parallel_loop3A_421 = arith.index_cast %parallel_loop3A_419 : i32 to index
        %parallel_loop3A_422 = arith.index_cast %parallel_loop3A_420 : i32 to index
        %parallel_loop3A_423 = memref.load %arg14[%parallel_loop3A_421, %parallel_loop3A_422] : memref<2x32xf32, #tpu.memory_space<smem>>
        %parallel_loop3A_424 = vector.broadcast %parallel_loop3A_423 : f32 to vector<16xf32>
        %parallel_loop3A_425 = arith.constant 9 : i32
        %parallel_loop3A_426 = arith.index_cast %and3A_94 : i32 to index
        %parallel_loop3A_427 = arith.index_cast %parallel_loop3A_425 : i32 to index
        %parallel_loop3A_428 = arith.index_cast %parallel_loop3A_174 : i32 to index
        %parallel_loop3A_429 = tpu.vector_load %arg10[%parallel_loop3A_426, %parallel_loop3A_427, %parallel_loop3A_428] {strides = array<i32>} : memref<2x32x768xf32, #tpu.memory_space<vmem>>, vector<16xf32>,
        %parallel_loop3A_430 = arith.mulf %parallel_loop3A_429, %parallel_loop3A_418 : vector<16xf32>
        %parallel_loop3A_431 = arith.addf %parallel_loop3A_430, %parallel_loop3A_424 : vector<16xf32>
        %parallel_loop3A_432 = arith.mulf %parallel_loop3A_431, %parallel_loop3A_176 : vector<16xf32>
        %parallel_loop3A_433 = arith.addf %parallel_loop3A_432, %parallel_loop3A_178 : vector<16xf32>
        %parallel_loop3A_434 = arith.constant 9 : i32
        %parallel_loop3A_435 = arith.index_cast %and3A_94 : i32 to index
        %parallel_loop3A_436 = arith.index_cast %parallel_loop3A_434 : i32 to index
        %parallel_loop3A_437 = arith.index_cast %parallel_loop3A_174 : i32 to index
        %parallel_loop3A_438 = tpu.vector_load %arg10[%parallel_loop3A_435, %parallel_loop3A_436, %parallel_loop3A_437] {strides = array<i32>} : memref<2x32x768xf32, #tpu.memory_space<vmem>>, vector<16xf32>,
        tpu.vector_store %arg10[%parallel_loop3A_435, %parallel_loop3A_436, %parallel_loop3A_437], %parallel_loop3A_433 {strides = array<i32>} : memref<2x32x768xf32, #tpu.memory_space<vmem>>, vector<16xf32>,
        %parallel_loop3A_439 = arith.constant 0 : i32
        %parallel_loop3A_440 = arith.constant 10 : i32
        %parallel_loop3A_441 = arith.index_cast %parallel_loop3A_439 : i32 to index
        %parallel_loop3A_442 = arith.index_cast %parallel_loop3A_440 : i32 to index
        %parallel_loop3A_443 = memref.load %arg14[%parallel_loop3A_441, %parallel_loop3A_442] : memref<2x32xf32, #tpu.memory_space<smem>>
        %parallel_loop3A_444 = vector.broadcast %parallel_loop3A_443 : f32 to vector<16xf32>
        %parallel_loop3A_445 = arith.constant 1 : i32
        %parallel_loop3A_446 = arith.constant 10 : i32
        %parallel_loop3A_447 = arith.index_cast %parallel_loop3A_445 : i32 to index
        %parallel_loop3A_448 = arith.index_cast %parallel_loop3A_446 : i32 to index
        %parallel_loop3A_449 = memref.load %arg14[%parallel_loop3A_447, %parallel_loop3A_448] : memref<2x32xf32, #tpu.memory_space<smem>>
        %parallel_loop3A_450 = vector.broadcast %parallel_loop3A_449 : f32 to vector<16xf32>
        %parallel_loop3A_451 = arith.constant 10 : i32
        %parallel_loop3A_452 = arith.index_cast %and3A_94 : i32 to index
        %parallel_loop3A_453 = arith.index_cast %parallel_loop3A_451 : i32 to index
        %parallel_loop3A_454 = arith.index_cast %parallel_loop3A_174 : i32 to index
        %parallel_loop3A_455 = tpu.vector_load %arg10[%parallel_loop3A_452, %parallel_loop3A_453, %parallel_loop3A_454] {strides = array<i32>} : memref<2x32x768xf32, #tpu.memory_space<vmem>>, vector<16xf32>,
        %parallel_loop3A_456 = arith.mulf %parallel_loop3A_455, %parallel_loop3A_444 : vector<16xf32>
        %parallel_loop3A_457 = arith.addf %parallel_loop3A_456, %parallel_loop3A_450 : vector<16xf32>
        %parallel_loop3A_458 = arith.mulf %parallel_loop3A_457, %parallel_loop3A_176 : vector<16xf32>
        %parallel_loop3A_459 = arith.addf %parallel_loop3A_458, %parallel_loop3A_178 : vector<16xf32>
        %parallel_loop3A_460 = arith.constant 10 : i32
        %parallel_loop3A_461 = arith.index_cast %and3A_94 : i32 to index
        %parallel_loop3A_462 = arith.index_cast %parallel_loop3A_460 : i32 to index
        %parallel_loop3A_463 = arith.index_cast %parallel_loop3A_174 : i32 to index
        %parallel_loop3A_464 = tpu.vector_load %arg10[%parallel_loop3A_461, %parallel_loop3A_462, %parallel_loop3A_463] {strides = array<i32>} : memref<2x32x768xf32, #tpu.memory_space<vmem>>, vector<16xf32>,
        tpu.vector_store %arg10[%parallel_loop3A_461, %parallel_loop3A_462, %parallel_loop3A_463], %parallel_loop3A_459 {strides = array<i32>} : memref<2x32x768xf32, #tpu.memory_space<vmem>>, vector<16xf32>,
        %parallel_loop3A_465 = arith.constant 0 : i32
        %parallel_loop3A_466 = arith.constant 11 : i32
        %parallel_loop3A_467 = arith.index_cast %parallel_loop3A_465 : i32 to index
        %parallel_loop3A_468 = arith.index_cast %parallel_loop3A_466 : i32 to index
        %parallel_loop3A_469 = memref.load %arg14[%parallel_loop3A_467, %parallel_loop3A_468] : memref<2x32xf32, #tpu.memory_space<smem>>
        %parallel_loop3A_470 = vector.broadcast %parallel_loop3A_469 : f32 to vector<16xf32>
        %parallel_loop3A_471 = arith.constant 1 : i32
        %parallel_loop3A_472 = arith.constant 11 : i32
        %parallel_loop3A_473 = arith.index_cast %parallel_loop3A_471 : i32 to index
        %parallel_loop3A_474 = arith.index_cast %parallel_loop3A_472 : i32 to index
        %parallel_loop3A_475 = memref.load %arg14[%parallel_loop3A_473, %parallel_loop3A_474] : memref<2x32xf32, #tpu.memory_space<smem>>
        %parallel_loop3A_476 = vector.broadcast %parallel_loop3A_475 : f32 to vector<16xf32>
        %parallel_loop3A_477 = arith.constant 11 : i32
        %parallel_loop3A_478 = arith.index_cast %and3A_94 : i32 to index
        %parallel_loop3A_479 = arith.index_cast %parallel_loop3A_477 : i32 to index
        %parallel_loop3A_480 = arith.index_cast %parallel_loop3A_174 : i32 to index
        %parallel_loop3A_481 = tpu.vector_load %arg10[%parallel_loop3A_478, %parallel_loop3A_479, %parallel_loop3A_480] {strides = array<i32>} : memref<2x32x768xf32, #tpu.memory_space<vmem>>, vector<16xf32>,
        %parallel_loop3A_482 = arith.mulf %parallel_loop3A_481, %parallel_loop3A_470 : vector<16xf32>
        %parallel_loop3A_483 = arith.addf %parallel_loop3A_482, %parallel_loop3A_476 : vector<16xf32>
        %parallel_loop3A_484 = arith.mulf %parallel_loop3A_483, %parallel_loop3A_176 : vector<16xf32>
        %parallel_loop3A_485 = arith.addf %parallel_loop3A_484, %parallel_loop3A_178 : vector<16xf32>
        %parallel_loop3A_486 = arith.constant 11 : i32
        %parallel_loop3A_487 = arith.index_cast %and3A_94 : i32 to index
        %parallel_loop3A_488 = arith.index_cast %parallel_loop3A_486 : i32 to index
        %parallel_loop3A_489 = arith.index_cast %parallel_loop3A_174 : i32 to index
        %parallel_loop3A_490 = tpu.vector_load %arg10[%parallel_loop3A_487, %parallel_loop3A_488, %parallel_loop3A_489] {strides = array<i32>} : memref<2x32x768xf32, #tpu.memory_space<vmem>>, vector<16xf32>,
        tpu.vector_store %arg10[%parallel_loop3A_487, %parallel_loop3A_488, %parallel_loop3A_489], %parallel_loop3A_485 {strides = array<i32>} : memref<2x32x768xf32, #tpu.memory_space<vmem>>, vector<16xf32>,
        %parallel_loop3A_491 = arith.constant 0 : i32
        %parallel_loop3A_492 = arith.constant 12 : i32
        %parallel_loop3A_493 = arith.index_cast %parallel_loop3A_491 : i32 to index
        %parallel_loop3A_494 = arith.index_cast %parallel_loop3A_492 : i32 to index
        %parallel_loop3A_495 = memref.load %arg14[%parallel_loop3A_493, %parallel_loop3A_494] : memref<2x32xf32, #tpu.memory_space<smem>>
        %parallel_loop3A_496 = vector.broadcast %parallel_loop3A_495 : f32 to vector<16xf32>
        %parallel_loop3A_497 = arith.constant 1 : i32
        %parallel_loop3A_498 = arith.constant 12 : i32
        %parallel_loop3A_499 = arith.index_cast %parallel_loop3A_497 : i32 to index
        %parallel_loop3A_500 = arith.index_cast %parallel_loop3A_498 : i32 to index
        %parallel_loop3A_501 = memref.load %arg14[%parallel_loop3A_499, %parallel_loop3A_500] : memref<2x32xf32, #tpu.memory_space<smem>>
        %parallel_loop3A_502 = vector.broadcast %parallel_loop3A_501 : f32 to vector<16xf32>
        %parallel_loop3A_503 = arith.constant 12 : i32
        %parallel_loop3A_504 = arith.index_cast %and3A_94 : i32 to index
        %parallel_loop3A_505 = arith.index_cast %parallel_loop3A_503 : i32 to index
        %parallel_loop3A_506 = arith.index_cast %parallel_loop3A_174 : i32 to index
        %parallel_loop3A_507 = tpu.vector_load %arg10[%parallel_loop3A_504, %parallel_loop3A_505, %parallel_loop3A_506] {strides = array<i32>} : memref<2x32x768xf32, #tpu.memory_space<vmem>>, vector<16xf32>,
        %parallel_loop3A_508 = arith.mulf %parallel_loop3A_507, %parallel_loop3A_496 : vector<16xf32>
        %parallel_loop3A_509 = arith.addf %parallel_loop3A_508, %parallel_loop3A_502 : vector<16xf32>
        %parallel_loop3A_510 = arith.mulf %parallel_loop3A_509, %parallel_loop3A_176 : vector<16xf32>
        %parallel_loop3A_511 = arith.addf %parallel_loop3A_510, %parallel_loop3A_178 : vector<16xf32>
        %parallel_loop3A_512 = arith.constant 12 : i32
        %parallel_loop3A_513 = arith.index_cast %and3A_94 : i32 to index
        %parallel_loop3A_514 = arith.index_cast %parallel_loop3A_512 : i32 to index
        %parallel_loop3A_515 = arith.index_cast %parallel_loop3A_174 : i32 to index
        %parallel_loop3A_516 = tpu.vector_load %arg10[%parallel_loop3A_513, %parallel_loop3A_514, %parallel_loop3A_515] {strides = array<i32>} : memref<2x32x768xf32, #tpu.memory_space<vmem>>, vector<16xf32>,
        tpu.vector_store %arg10[%parallel_loop3A_513, %parallel_loop3A_514, %parallel_loop3A_515], %parallel_loop3A_511 {strides = array<i32>} : memref<2x32x768xf32, #tpu.memory_space<vmem>>, vector<16xf32>,
        %parallel_loop3A_517 = arith.constant 0 : i32
        %parallel_loop3A_518 = arith.constant 13 : i32
        %parallel_loop3A_519 = arith.index_cast %parallel_loop3A_517 : i32 to index
        %parallel_loop3A_520 = arith.index_cast %parallel_loop3A_518 : i32 to index
        %parallel_loop3A_521 = memref.load %arg14[%parallel_loop3A_519, %parallel_loop3A_520] : memref<2x32xf32, #tpu.memory_space<smem>>
        %parallel_loop3A_522 = vector.broadcast %parallel_loop3A_521 : f32 to vector<16xf32>
        %parallel_loop3A_523 = arith.constant 1 : i32
        %parallel_loop3A_524 = arith.constant 13 : i32
        %parallel_loop3A_525 = arith.index_cast %parallel_loop3A_523 : i32 to index
        %parallel_loop3A_526 = arith.index_cast %parallel_loop3A_524 : i32 to index
        %parallel_loop3A_527 = memref.load %arg14[%parallel_loop3A_525, %parallel_loop3A_526] : memref<2x32xf32, #tpu.memory_space<smem>>
        %parallel_loop3A_528 = vector.broadcast %parallel_loop3A_527 : f32 to vector<16xf32>
        %parallel_loop3A_529 = arith.constant 13 : i32
        %parallel_loop3A_530 = arith.index_cast %and3A_94 : i32 to index
        %parallel_loop3A_531 = arith.index_cast %parallel_loop3A_529 : i32 to index
        %parallel_loop3A_532 = arith.index_cast %parallel_loop3A_174 : i32 to index
        %parallel_loop3A_533 = tpu.vector_load %arg10[%parallel_loop3A_530, %parallel_loop3A_531, %parallel_loop3A_532] {strides = array<i32>} : memref<2x32x768xf32, #tpu.memory_space<vmem>>, vector<16xf32>,
        %parallel_loop3A_534 = arith.mulf %parallel_loop3A_533, %parallel_loop3A_522 : vector<16xf32>
        %parallel_loop3A_535 = arith.addf %parallel_loop3A_534, %parallel_loop3A_528 : vector<16xf32>
        %parallel_loop3A_536 = arith.mulf %parallel_loop3A_535, %parallel_loop3A_176 : vector<16xf32>
        %parallel_loop3A_537 = arith.addf %parallel_loop3A_536, %parallel_loop3A_178 : vector<16xf32>
        %parallel_loop3A_538 = arith.constant 13 : i32
        %parallel_loop3A_539 = arith.index_cast %and3A_94 : i32 to index
        %parallel_loop3A_540 = arith.index_cast %parallel_loop3A_538 : i32 to index
        %parallel_loop3A_541 = arith.index_cast %parallel_loop3A_174 : i32 to index
        %parallel_loop3A_542 = tpu.vector_load %arg10[%parallel_loop3A_539, %parallel_loop3A_540, %parallel_loop3A_541] {strides = array<i32>} : memref<2x32x768xf32, #tpu.memory_space<vmem>>, vector<16xf32>,
        tpu.vector_store %arg10[%parallel_loop3A_539, %parallel_loop3A_540, %parallel_loop3A_541], %parallel_loop3A_537 {strides = array<i32>} : memref<2x32x768xf32, #tpu.memory_space<vmem>>, vector<16xf32>,
        %parallel_loop3A_543 = arith.constant 0 : i32
        %parallel_loop3A_544 = arith.constant 14 : i32
        %parallel_loop3A_545 = arith.index_cast %parallel_loop3A_543 : i32 to index
        %parallel_loop3A_546 = arith.index_cast %parallel_loop3A_544 : i32 to index
        %parallel_loop3A_547 = memref.load %arg14[%parallel_loop3A_545, %parallel_loop3A_546] : memref<2x32xf32, #tpu.memory_space<smem>>
        %parallel_loop3A_548 = vector.broadcast %parallel_loop3A_547 : f32 to vector<16xf32>
        %parallel_loop3A_549 = arith.constant 1 : i32
        %parallel_loop3A_550 = arith.constant 14 : i32
        %parallel_loop3A_551 = arith.index_cast %parallel_loop3A_549 : i32 to index
        %parallel_loop3A_552 = arith.index_cast %parallel_loop3A_550 : i32 to index
        %parallel_loop3A_553 = memref.load %arg14[%parallel_loop3A_551, %parallel_loop3A_552] : memref<2x32xf32, #tpu.memory_space<smem>>
        %parallel_loop3A_554 = vector.broadcast %parallel_loop3A_553 : f32 to vector<16xf32>
        %parallel_loop3A_555 = arith.constant 14 : i32
        %parallel_loop3A_556 = arith.index_cast %and3A_94 : i32 to index
        %parallel_loop3A_557 = arith.index_cast %parallel_loop3A_555 : i32 to index
        %parallel_loop3A_558 = arith.index_cast %parallel_loop3A_174 : i32 to index
        %parallel_loop3A_559 = tpu.vector_load %arg10[%parallel_loop3A_556, %parallel_loop3A_557, %parallel_loop3A_558] {strides = array<i32>} : memref<2x32x768xf32, #tpu.memory_space<vmem>>, vector<16xf32>,
        %parallel_loop3A_560 = arith.mulf %parallel_loop3A_559, %parallel_loop3A_548 : vector<16xf32>
        %parallel_loop3A_561 = arith.addf %parallel_loop3A_560, %parallel_loop3A_554 : vector<16xf32>
        %parallel_loop3A_562 = arith.mulf %parallel_loop3A_561, %parallel_loop3A_176 : vector<16xf32>
        %parallel_loop3A_563 = arith.addf %parallel_loop3A_562, %parallel_loop3A_178 : vector<16xf32>
        %parallel_loop3A_564 = arith.constant 14 : i32
        %parallel_loop3A_565 = arith.index_cast %and3A_94 : i32 to index
        %parallel_loop3A_566 = arith.index_cast %parallel_loop3A_564 : i32 to index
        %parallel_loop3A_567 = arith.index_cast %parallel_loop3A_174 : i32 to index
        %parallel_loop3A_568 = tpu.vector_load %arg10[%parallel_loop3A_565, %parallel_loop3A_566, %parallel_loop3A_567] {strides = array<i32>} : memref<2x32x768xf32, #tpu.memory_space<vmem>>, vector<16xf32>,
        tpu.vector_store %arg10[%parallel_loop3A_565, %parallel_loop3A_566, %parallel_loop3A_567], %parallel_loop3A_563 {strides = array<i32>} : memref<2x32x768xf32, #tpu.memory_space<vmem>>, vector<16xf32>,
        %parallel_loop3A_569 = arith.constant 0 : i32
        %parallel_loop3A_570 = arith.constant 15 : i32
        %parallel_loop3A_571 = arith.index_cast %parallel_loop3A_569 : i32 to index
        %parallel_loop3A_572 = arith.index_cast %parallel_loop3A_570 : i32 to index
        %parallel_loop3A_573 = memref.load %arg14[%parallel_loop3A_571, %parallel_loop3A_572] : memref<2x32xf32, #tpu.memory_space<smem>>
        %parallel_loop3A_574 = vector.broadcast %parallel_loop3A_573 : f32 to vector<16xf32>
        %parallel_loop3A_575 = arith.constant 1 : i32
        %parallel_loop3A_576 = arith.constant 15 : i32
        %parallel_loop3A_577 = arith.index_cast %parallel_loop3A_575 : i32 to index
        %parallel_loop3A_578 = arith.index_cast %parallel_loop3A_576 : i32 to index
        %parallel_loop3A_579 = memref.load %arg14[%parallel_loop3A_577, %parallel_loop3A_578] : memref<2x32xf32, #tpu.memory_space<smem>>
        %parallel_loop3A_580 = vector.broadcast %parallel_loop3A_579 : f32 to vector<16xf32>
        %parallel_loop3A_581 = arith.constant 15 : i32
        %parallel_loop3A_582 = arith.index_cast %and3A_94 : i32 to index
        %parallel_loop3A_583 = arith.index_cast %parallel_loop3A_581 : i32 to index
        %parallel_loop3A_584 = arith.index_cast %parallel_loop3A_174 : i32 to index
        %parallel_loop3A_585 = tpu.vector_load %arg10[%parallel_loop3A_582, %parallel_loop3A_583, %parallel_loop3A_584] {strides = array<i32>} : memref<2x32x768xf32, #tpu.memory_space<vmem>>, vector<16xf32>,
        %parallel_loop3A_586 = arith.mulf %parallel_loop3A_585, %parallel_loop3A_574 : vector<16xf32>
        %parallel_loop3A_587 = arith.addf %parallel_loop3A_586, %parallel_loop3A_580 : vector<16xf32>
        %parallel_loop3A_588 = arith.mulf %parallel_loop3A_587, %parallel_loop3A_176 : vector<16xf32>
        %parallel_loop3A_589 = arith.addf %parallel_loop3A_588, %parallel_loop3A_178 : vector<16xf32>
        %parallel_loop3A_590 = arith.constant 15 : i32
        %parallel_loop3A_591 = arith.index_cast %and3A_94 : i32 to index
        %parallel_loop3A_592 = arith.index_cast %parallel_loop3A_590 : i32 to index
        %parallel_loop3A_593 = arith.index_cast %parallel_loop3A_174 : i32 to index
        %parallel_loop3A_594 = tpu.vector_load %arg10[%parallel_loop3A_591, %parallel_loop3A_592, %parallel_loop3A_593] {strides = array<i32>} : memref<2x32x768xf32, #tpu.memory_space<vmem>>, vector<16xf32>,
        tpu.vector_store %arg10[%parallel_loop3A_591, %parallel_loop3A_592, %parallel_loop3A_593], %parallel_loop3A_589 {strides = array<i32>} : memref<2x32x768xf32, #tpu.memory_space<vmem>>, vector<16xf32>,
      } {sc.loop_unroll_factor = 1 : i64, sc.parallel_access}
      %mul3A_130 = arith.constant 32 : i32
      %mul3A_131 = arith.muli %scan3A_92, %mul3A_130 : i32
      %add3A_132 = arith.addi %mul3A_2, %mul3A_131 : i32
      %add3A_133 = arith.constant 0 : i32
      %add3A_134 = arith.addi %add3A_132, %add3A_133 : i32
      %dma_start3A_135 = arith.constant 0 : i32
      %dma_start3A_136 = arith.constant 0 : i32
      %dma_start3A_137 = tpu.memref_slice %arg10[%and3A_94, %dma_start3A_135, %dma_start3A_136] : memref<2x32x768xf32, #tpu.memory_space<vmem>> -> memref<1x16x768xf32, #tpu.memory_space<vmem>>
      %dma_start3A_138 = tpu.memref_squeeze %dma_start3A_137 : memref<1x16x768xf32, #tpu.memory_space<vmem>> -> memref<16x768xf32, #tpu.memory_space<vmem>>
      %dma_start3A_139 = arith.constant 0 : i32
      %dma_start3A_140 = tpu.memref_slice %arg7[%add3A_134, %dma_start3A_139] : memref<32768x768xf32, #tpu.memory_space<hbm>> -> memref<16x768xf32, #tpu.memory_space<hbm>>
      %dma_start3A_141 = tpu.memref_slice %arg17[%and3A_94] : memref<2x!tpu.dma_semaphore, #tpu.memory_space<semaphore_mem>> -> memref<1x!tpu.dma_semaphore, #tpu.memory_space<semaphore_mem>>
      %dma_start3A_142 = tpu.memref_squeeze %dma_start3A_141 : memref<1x!tpu.dma_semaphore, #tpu.memory_space<semaphore_mem>> -> memref<!tpu.dma_semaphore, #tpu.memory_space<semaphore_mem>>
      %dma_start3A_143 = arith.constant 0 : i32
      %dma_start3A_144 = tpu.memref_slice %arg7[%add3A_134, %dma_start3A_143] : memref<32768x768xf32, #tpu.memory_space<hbm>> -> memref<16x768xf32, #tpu.memory_space<hbm>>
      %dma_start3A_145 = arith.constant 0 : i32
      %dma_start3A_146 = arith.constant 0 : i32
      %dma_start3A_147 = tpu.memref_slice %arg10[%and3A_94, %dma_start3A_145, %dma_start3A_146] : memref<2x32x768xf32, #tpu.memory_space<vmem>> -> memref<1x16x768xf32, #tpu.memory_space<vmem>>
      %dma_start3A_148 = tpu.memref_squeeze %dma_start3A_147 : memref<1x16x768xf32, #tpu.memory_space<vmem>> -> memref<16x768xf32, #tpu.memory_space<vmem>>
      tpu.enqueue_dma source(%dma_start3A_148 : memref<16x768xf32, #tpu.memory_space<vmem>>) target(%dma_start3A_144 : memref<16x768xf32, #tpu.memory_space<hbm>>) target_semaphore(%dma_start3A_142 : memref<!tpu.dma_semaphore, #tpu.memory_space<semaphore_mem>>)
      %parallel_loop3A_149 = arith.constant 0 : i32
      %parallel_loop3A_150 = arith.constant 48 : i32
      %parallel_loop3A_151 = arith.constant 1 : i32
      scf.for %parallel_loop3A_172 = %parallel_loop3A_149 to %parallel_loop3A_150 step %parallel_loop3A_151  : i32 {
        %parallel_loop3A_173 = arith.constant 16 : i32
        %parallel_loop3A_174 = arith.muli %parallel_loop3A_172, %parallel_loop3A_173 : i32
        %parallel_loop3A_175 = arith.index_cast %parallel_loop3A_174 : i32 to index
        %parallel_loop3A_176 = tpu.vector_load %arg12[%parallel_loop3A_175] {strides = array<i32>} : memref<768xf32, #tpu.memory_space<vmem>>, vector<16xf32>,
        %parallel_loop3A_177 = arith.index_cast %parallel_loop3A_174 : i32 to index
        %parallel_loop3A_178 = tpu.vector_load %arg13[%parallel_loop3A_177] {strides = array<i32>} : memref<768xf32, #tpu.memory_space<vmem>>, vector<16xf32>,
        %parallel_loop3A_179 = arith.constant 0 : i32
        %parallel_loop3A_180 = arith.constant 16 : i32
        %parallel_loop3A_181 = arith.index_cast %parallel_loop3A_179 : i32 to index
        %parallel_loop3A_182 = arith.index_cast %parallel_loop3A_180 : i32 to index
        %parallel_loop3A_183 = memref.load %arg14[%parallel_loop3A_181, %parallel_loop3A_182] : memref<2x32xf32, #tpu.memory_space<smem>>
        %parallel_loop3A_184 = vector.broadcast %parallel_loop3A_183 : f32 to vector<16xf32>
        %parallel_loop3A_185 = arith.constant 1 : i32
        %parallel_loop3A_186 = arith.constant 16 : i32
        %parallel_loop3A_187 = arith.index_cast %parallel_loop3A_185 : i32 to index
        %parallel_loop3A_188 = arith.index_cast %parallel_loop3A_186 : i32 to index
        %parallel_loop3A_189 = memref.load %arg14[%parallel_loop3A_187, %parallel_loop3A_188] : memref<2x32xf32, #tpu.memory_space<smem>>
        %parallel_loop3A_190 = vector.broadcast %parallel_loop3A_189 : f32 to vector<16xf32>
        %parallel_loop3A_191 = arith.constant 16 : i32
        %parallel_loop3A_192 = arith.index_cast %and3A_94 : i32 to index
        %parallel_loop3A_193 = arith.index_cast %parallel_loop3A_191 : i32 to index
        %parallel_loop3A_194 = arith.index_cast %parallel_loop3A_174 : i32 to index
        %parallel_loop3A_195 = tpu.vector_load %arg10[%parallel_loop3A_192, %parallel_loop3A_193, %parallel_loop3A_194] {strides = array<i32>} : memref<2x32x768xf32, #tpu.memory_space<vmem>>, vector<16xf32>,
        %parallel_loop3A_196 = arith.mulf %parallel_loop3A_195, %parallel_loop3A_184 : vector<16xf32>
        %parallel_loop3A_197 = arith.addf %parallel_loop3A_196, %parallel_loop3A_190 : vector<16xf32>
        %parallel_loop3A_198 = arith.mulf %parallel_loop3A_197, %parallel_loop3A_176 : vector<16xf32>
        %parallel_loop3A_199 = arith.addf %parallel_loop3A_198, %parallel_loop3A_178 : vector<16xf32>
        %parallel_loop3A_200 = arith.constant 16 : i32
        %parallel_loop3A_201 = arith.index_cast %and3A_94 : i32 to index
        %parallel_loop3A_202 = arith.index_cast %parallel_loop3A_200 : i32 to index
        %parallel_loop3A_203 = arith.index_cast %parallel_loop3A_174 : i32 to index
        %parallel_loop3A_204 = tpu.vector_load %arg10[%parallel_loop3A_201, %parallel_loop3A_202, %parallel_loop3A_203] {strides = array<i32>} : memref<2x32x768xf32, #tpu.memory_space<vmem>>, vector<16xf32>,
        tpu.vector_store %arg10[%parallel_loop3A_201, %parallel_loop3A_202, %parallel_loop3A_203], %parallel_loop3A_199 {strides = array<i32>} : memref<2x32x768xf32, #tpu.memory_space<vmem>>, vector<16xf32>,
        %parallel_loop3A_205 = arith.constant 0 : i32
        %parallel_loop3A_206 = arith.constant 17 : i32
        %parallel_loop3A_207 = arith.index_cast %parallel_loop3A_205 : i32 to index
        %parallel_loop3A_208 = arith.index_cast %parallel_loop3A_206 : i32 to index
        %parallel_loop3A_209 = memref.load %arg14[%parallel_loop3A_207, %parallel_loop3A_208] : memref<2x32xf32, #tpu.memory_space<smem>>
        %parallel_loop3A_210 = vector.broadcast %parallel_loop3A_209 : f32 to vector<16xf32>
        %parallel_loop3A_211 = arith.constant 1 : i32
        %parallel_loop3A_212 = arith.constant 17 : i32
        %parallel_loop3A_213 = arith.index_cast %parallel_loop3A_211 : i32 to index
        %parallel_loop3A_214 = arith.index_cast %parallel_loop3A_212 : i32 to index
        %parallel_loop3A_215 = memref.load %arg14[%parallel_loop3A_213, %parallel_loop3A_214] : memref<2x32xf32, #tpu.memory_space<smem>>
        %parallel_loop3A_216 = vector.broadcast %parallel_loop3A_215 : f32 to vector<16xf32>
        %parallel_loop3A_217 = arith.constant 17 : i32
        %parallel_loop3A_218 = arith.index_cast %and3A_94 : i32 to index
        %parallel_loop3A_219 = arith.index_cast %parallel_loop3A_217 : i32 to index
        %parallel_loop3A_220 = arith.index_cast %parallel_loop3A_174 : i32 to index
        %parallel_loop3A_221 = tpu.vector_load %arg10[%parallel_loop3A_218, %parallel_loop3A_219, %parallel_loop3A_220] {strides = array<i32>} : memref<2x32x768xf32, #tpu.memory_space<vmem>>, vector<16xf32>,
        %parallel_loop3A_222 = arith.mulf %parallel_loop3A_221, %parallel_loop3A_210 : vector<16xf32>
        %parallel_loop3A_223 = arith.addf %parallel_loop3A_222, %parallel_loop3A_216 : vector<16xf32>
        %parallel_loop3A_224 = arith.mulf %parallel_loop3A_223, %parallel_loop3A_176 : vector<16xf32>
        %parallel_loop3A_225 = arith.addf %parallel_loop3A_224, %parallel_loop3A_178 : vector<16xf32>
        %parallel_loop3A_226 = arith.constant 17 : i32
        %parallel_loop3A_227 = arith.index_cast %and3A_94 : i32 to index
        %parallel_loop3A_228 = arith.index_cast %parallel_loop3A_226 : i32 to index
        %parallel_loop3A_229 = arith.index_cast %parallel_loop3A_174 : i32 to index
        %parallel_loop3A_230 = tpu.vector_load %arg10[%parallel_loop3A_227, %parallel_loop3A_228, %parallel_loop3A_229] {strides = array<i32>} : memref<2x32x768xf32, #tpu.memory_space<vmem>>, vector<16xf32>,
        tpu.vector_store %arg10[%parallel_loop3A_227, %parallel_loop3A_228, %parallel_loop3A_229], %parallel_loop3A_225 {strides = array<i32>} : memref<2x32x768xf32, #tpu.memory_space<vmem>>, vector<16xf32>,
        %parallel_loop3A_231 = arith.constant 0 : i32
        %parallel_loop3A_232 = arith.constant 18 : i32
        %parallel_loop3A_233 = arith.index_cast %parallel_loop3A_231 : i32 to index
        %parallel_loop3A_234 = arith.index_cast %parallel_loop3A_232 : i32 to index
        %parallel_loop3A_235 = memref.load %arg14[%parallel_loop3A_233, %parallel_loop3A_234] : memref<2x32xf32, #tpu.memory_space<smem>>
        %parallel_loop3A_236 = vector.broadcast %parallel_loop3A_235 : f32 to vector<16xf32>
        %parallel_loop3A_237 = arith.constant 1 : i32
        %parallel_loop3A_238 = arith.constant 18 : i32
        %parallel_loop3A_239 = arith.index_cast %parallel_loop3A_237 : i32 to index
        %parallel_loop3A_240 = arith.index_cast %parallel_loop3A_238 : i32 to index
        %parallel_loop3A_241 = memref.load %arg14[%parallel_loop3A_239, %parallel_loop3A_240] : memref<2x32xf32, #tpu.memory_space<smem>>
        %parallel_loop3A_242 = vector.broadcast %parallel_loop3A_241 : f32 to vector<16xf32>
        %parallel_loop3A_243 = arith.constant 18 : i32
        %parallel_loop3A_244 = arith.index_cast %and3A_94 : i32 to index
        %parallel_loop3A_245 = arith.index_cast %parallel_loop3A_243 : i32 to index
        %parallel_loop3A_246 = arith.index_cast %parallel_loop3A_174 : i32 to index
        %parallel_loop3A_247 = tpu.vector_load %arg10[%parallel_loop3A_244, %parallel_loop3A_245, %parallel_loop3A_246] {strides = array<i32>} : memref<2x32x768xf32, #tpu.memory_space<vmem>>, vector<16xf32>,
        %parallel_loop3A_248 = arith.mulf %parallel_loop3A_247, %parallel_loop3A_236 : vector<16xf32>
        %parallel_loop3A_249 = arith.addf %parallel_loop3A_248, %parallel_loop3A_242 : vector<16xf32>
        %parallel_loop3A_250 = arith.mulf %parallel_loop3A_249, %parallel_loop3A_176 : vector<16xf32>
        %parallel_loop3A_251 = arith.addf %parallel_loop3A_250, %parallel_loop3A_178 : vector<16xf32>
        %parallel_loop3A_252 = arith.constant 18 : i32
        %parallel_loop3A_253 = arith.index_cast %and3A_94 : i32 to index
        %parallel_loop3A_254 = arith.index_cast %parallel_loop3A_252 : i32 to index
        %parallel_loop3A_255 = arith.index_cast %parallel_loop3A_174 : i32 to index
        %parallel_loop3A_256 = tpu.vector_load %arg10[%parallel_loop3A_253, %parallel_loop3A_254, %parallel_loop3A_255] {strides = array<i32>} : memref<2x32x768xf32, #tpu.memory_space<vmem>>, vector<16xf32>,
        tpu.vector_store %arg10[%parallel_loop3A_253, %parallel_loop3A_254, %parallel_loop3A_255], %parallel_loop3A_251 {strides = array<i32>} : memref<2x32x768xf32, #tpu.memory_space<vmem>>, vector<16xf32>,
        %parallel_loop3A_257 = arith.constant 0 : i32
        %parallel_loop3A_258 = arith.constant 19 : i32
        %parallel_loop3A_259 = arith.index_cast %parallel_loop3A_257 : i32 to index
        %parallel_loop3A_260 = arith.index_cast %parallel_loop3A_258 : i32 to index
        %parallel_loop3A_261 = memref.load %arg14[%parallel_loop3A_259, %parallel_loop3A_260] : memref<2x32xf32, #tpu.memory_space<smem>>
        %parallel_loop3A_262 = vector.broadcast %parallel_loop3A_261 : f32 to vector<16xf32>
        %parallel_loop3A_263 = arith.constant 1 : i32
        %parallel_loop3A_264 = arith.constant 19 : i32
        %parallel_loop3A_265 = arith.index_cast %parallel_loop3A_263 : i32 to index
        %parallel_loop3A_266 = arith.index_cast %parallel_loop3A_264 : i32 to index
        %parallel_loop3A_267 = memref.load %arg14[%parallel_loop3A_265, %parallel_loop3A_266] : memref<2x32xf32, #tpu.memory_space<smem>>
        %parallel_loop3A_268 = vector.broadcast %parallel_loop3A_267 : f32 to vector<16xf32>
        %parallel_loop3A_269 = arith.constant 19 : i32
        %parallel_loop3A_270 = arith.index_cast %and3A_94 : i32 to index
        %parallel_loop3A_271 = arith.index_cast %parallel_loop3A_269 : i32 to index
        %parallel_loop3A_272 = arith.index_cast %parallel_loop3A_174 : i32 to index
        %parallel_loop3A_273 = tpu.vector_load %arg10[%parallel_loop3A_270, %parallel_loop3A_271, %parallel_loop3A_272] {strides = array<i32>} : memref<2x32x768xf32, #tpu.memory_space<vmem>>, vector<16xf32>,
        %parallel_loop3A_274 = arith.mulf %parallel_loop3A_273, %parallel_loop3A_262 : vector<16xf32>
        %parallel_loop3A_275 = arith.addf %parallel_loop3A_274, %parallel_loop3A_268 : vector<16xf32>
        %parallel_loop3A_276 = arith.mulf %parallel_loop3A_275, %parallel_loop3A_176 : vector<16xf32>
        %parallel_loop3A_277 = arith.addf %parallel_loop3A_276, %parallel_loop3A_178 : vector<16xf32>
        %parallel_loop3A_278 = arith.constant 19 : i32
        %parallel_loop3A_279 = arith.index_cast %and3A_94 : i32 to index
        %parallel_loop3A_280 = arith.index_cast %parallel_loop3A_278 : i32 to index
        %parallel_loop3A_281 = arith.index_cast %parallel_loop3A_174 : i32 to index
        %parallel_loop3A_282 = tpu.vector_load %arg10[%parallel_loop3A_279, %parallel_loop3A_280, %parallel_loop3A_281] {strides = array<i32>} : memref<2x32x768xf32, #tpu.memory_space<vmem>>, vector<16xf32>,
        tpu.vector_store %arg10[%parallel_loop3A_279, %parallel_loop3A_280, %parallel_loop3A_281], %parallel_loop3A_277 {strides = array<i32>} : memref<2x32x768xf32, #tpu.memory_space<vmem>>, vector<16xf32>,
        %parallel_loop3A_283 = arith.constant 0 : i32
        %parallel_loop3A_284 = arith.constant 20 : i32
        %parallel_loop3A_285 = arith.index_cast %parallel_loop3A_283 : i32 to index
        %parallel_loop3A_286 = arith.index_cast %parallel_loop3A_284 : i32 to index
        %parallel_loop3A_287 = memref.load %arg14[%parallel_loop3A_285, %parallel_loop3A_286] : memref<2x32xf32, #tpu.memory_space<smem>>
        %parallel_loop3A_288 = vector.broadcast %parallel_loop3A_287 : f32 to vector<16xf32>
        %parallel_loop3A_289 = arith.constant 1 : i32
        %parallel_loop3A_290 = arith.constant 20 : i32
        %parallel_loop3A_291 = arith.index_cast %parallel_loop3A_289 : i32 to index
        %parallel_loop3A_292 = arith.index_cast %parallel_loop3A_290 : i32 to index
        %parallel_loop3A_293 = memref.load %arg14[%parallel_loop3A_291, %parallel_loop3A_292] : memref<2x32xf32, #tpu.memory_space<smem>>
        %parallel_loop3A_294 = vector.broadcast %parallel_loop3A_293 : f32 to vector<16xf32>
        %parallel_loop3A_295 = arith.constant 20 : i32
        %parallel_loop3A_296 = arith.index_cast %and3A_94 : i32 to index
        %parallel_loop3A_297 = arith.index_cast %parallel_loop3A_295 : i32 to index
        %parallel_loop3A_298 = arith.index_cast %parallel_loop3A_174 : i32 to index
        %parallel_loop3A_299 = tpu.vector_load %arg10[%parallel_loop3A_296, %parallel_loop3A_297, %parallel_loop3A_298] {strides = array<i32>} : memref<2x32x768xf32, #tpu.memory_space<vmem>>, vector<16xf32>,
        %parallel_loop3A_300 = arith.mulf %parallel_loop3A_299, %parallel_loop3A_288 : vector<16xf32>
        %parallel_loop3A_301 = arith.addf %parallel_loop3A_300, %parallel_loop3A_294 : vector<16xf32>
        %parallel_loop3A_302 = arith.mulf %parallel_loop3A_301, %parallel_loop3A_176 : vector<16xf32>
        %parallel_loop3A_303 = arith.addf %parallel_loop3A_302, %parallel_loop3A_178 : vector<16xf32>
        %parallel_loop3A_304 = arith.constant 20 : i32
        %parallel_loop3A_305 = arith.index_cast %and3A_94 : i32 to index
        %parallel_loop3A_306 = arith.index_cast %parallel_loop3A_304 : i32 to index
        %parallel_loop3A_307 = arith.index_cast %parallel_loop3A_174 : i32 to index
        %parallel_loop3A_308 = tpu.vector_load %arg10[%parallel_loop3A_305, %parallel_loop3A_306, %parallel_loop3A_307] {strides = array<i32>} : memref<2x32x768xf32, #tpu.memory_space<vmem>>, vector<16xf32>,
        tpu.vector_store %arg10[%parallel_loop3A_305, %parallel_loop3A_306, %parallel_loop3A_307], %parallel_loop3A_303 {strides = array<i32>} : memref<2x32x768xf32, #tpu.memory_space<vmem>>, vector<16xf32>,
        %parallel_loop3A_309 = arith.constant 0 : i32
        %parallel_loop3A_310 = arith.constant 21 : i32
        %parallel_loop3A_311 = arith.index_cast %parallel_loop3A_309 : i32 to index
        %parallel_loop3A_312 = arith.index_cast %parallel_loop3A_310 : i32 to index
        %parallel_loop3A_313 = memref.load %arg14[%parallel_loop3A_311, %parallel_loop3A_312] : memref<2x32xf32, #tpu.memory_space<smem>>
        %parallel_loop3A_314 = vector.broadcast %parallel_loop3A_313 : f32 to vector<16xf32>
        %parallel_loop3A_315 = arith.constant 1 : i32
        %parallel_loop3A_316 = arith.constant 21 : i32
        %parallel_loop3A_317 = arith.index_cast %parallel_loop3A_315 : i32 to index
        %parallel_loop3A_318 = arith.index_cast %parallel_loop3A_316 : i32 to index
        %parallel_loop3A_319 = memref.load %arg14[%parallel_loop3A_317, %parallel_loop3A_318] : memref<2x32xf32, #tpu.memory_space<smem>>
        %parallel_loop3A_320 = vector.broadcast %parallel_loop3A_319 : f32 to vector<16xf32>
        %parallel_loop3A_321 = arith.constant 21 : i32
        %parallel_loop3A_322 = arith.index_cast %and3A_94 : i32 to index
        %parallel_loop3A_323 = arith.index_cast %parallel_loop3A_321 : i32 to index
        %parallel_loop3A_324 = arith.index_cast %parallel_loop3A_174 : i32 to index
        %parallel_loop3A_325 = tpu.vector_load %arg10[%parallel_loop3A_322, %parallel_loop3A_323, %parallel_loop3A_324] {strides = array<i32>} : memref<2x32x768xf32, #tpu.memory_space<vmem>>, vector<16xf32>,
        %parallel_loop3A_326 = arith.mulf %parallel_loop3A_325, %parallel_loop3A_314 : vector<16xf32>
        %parallel_loop3A_327 = arith.addf %parallel_loop3A_326, %parallel_loop3A_320 : vector<16xf32>
        %parallel_loop3A_328 = arith.mulf %parallel_loop3A_327, %parallel_loop3A_176 : vector<16xf32>
        %parallel_loop3A_329 = arith.addf %parallel_loop3A_328, %parallel_loop3A_178 : vector<16xf32>
        %parallel_loop3A_330 = arith.constant 21 : i32
        %parallel_loop3A_331 = arith.index_cast %and3A_94 : i32 to index
        %parallel_loop3A_332 = arith.index_cast %parallel_loop3A_330 : i32 to index
        %parallel_loop3A_333 = arith.index_cast %parallel_loop3A_174 : i32 to index
        %parallel_loop3A_334 = tpu.vector_load %arg10[%parallel_loop3A_331, %parallel_loop3A_332, %parallel_loop3A_333] {strides = array<i32>} : memref<2x32x768xf32, #tpu.memory_space<vmem>>, vector<16xf32>,
        tpu.vector_store %arg10[%parallel_loop3A_331, %parallel_loop3A_332, %parallel_loop3A_333], %parallel_loop3A_329 {strides = array<i32>} : memref<2x32x768xf32, #tpu.memory_space<vmem>>, vector<16xf32>,
        %parallel_loop3A_335 = arith.constant 0 : i32
        %parallel_loop3A_336 = arith.constant 22 : i32
        %parallel_loop3A_337 = arith.index_cast %parallel_loop3A_335 : i32 to index
        %parallel_loop3A_338 = arith.index_cast %parallel_loop3A_336 : i32 to index
        %parallel_loop3A_339 = memref.load %arg14[%parallel_loop3A_337, %parallel_loop3A_338] : memref<2x32xf32, #tpu.memory_space<smem>>
        %parallel_loop3A_340 = vector.broadcast %parallel_loop3A_339 : f32 to vector<16xf32>
        %parallel_loop3A_341 = arith.constant 1 : i32
        %parallel_loop3A_342 = arith.constant 22 : i32
        %parallel_loop3A_343 = arith.index_cast %parallel_loop3A_341 : i32 to index
        %parallel_loop3A_344 = arith.index_cast %parallel_loop3A_342 : i32 to index
        %parallel_loop3A_345 = memref.load %arg14[%parallel_loop3A_343, %parallel_loop3A_344] : memref<2x32xf32, #tpu.memory_space<smem>>
        %parallel_loop3A_346 = vector.broadcast %parallel_loop3A_345 : f32 to vector<16xf32>
        %parallel_loop3A_347 = arith.constant 22 : i32
        %parallel_loop3A_348 = arith.index_cast %and3A_94 : i32 to index
        %parallel_loop3A_349 = arith.index_cast %parallel_loop3A_347 : i32 to index
        %parallel_loop3A_350 = arith.index_cast %parallel_loop3A_174 : i32 to index
        %parallel_loop3A_351 = tpu.vector_load %arg10[%parallel_loop3A_348, %parallel_loop3A_349, %parallel_loop3A_350] {strides = array<i32>} : memref<2x32x768xf32, #tpu.memory_space<vmem>>, vector<16xf32>,
        %parallel_loop3A_352 = arith.mulf %parallel_loop3A_351, %parallel_loop3A_340 : vector<16xf32>
        %parallel_loop3A_353 = arith.addf %parallel_loop3A_352, %parallel_loop3A_346 : vector<16xf32>
        %parallel_loop3A_354 = arith.mulf %parallel_loop3A_353, %parallel_loop3A_176 : vector<16xf32>
        %parallel_loop3A_355 = arith.addf %parallel_loop3A_354, %parallel_loop3A_178 : vector<16xf32>
        %parallel_loop3A_356 = arith.constant 22 : i32
        %parallel_loop3A_357 = arith.index_cast %and3A_94 : i32 to index
        %parallel_loop3A_358 = arith.index_cast %parallel_loop3A_356 : i32 to index
        %parallel_loop3A_359 = arith.index_cast %parallel_loop3A_174 : i32 to index
        %parallel_loop3A_360 = tpu.vector_load %arg10[%parallel_loop3A_357, %parallel_loop3A_358, %parallel_loop3A_359] {strides = array<i32>} : memref<2x32x768xf32, #tpu.memory_space<vmem>>, vector<16xf32>,
        tpu.vector_store %arg10[%parallel_loop3A_357, %parallel_loop3A_358, %parallel_loop3A_359], %parallel_loop3A_355 {strides = array<i32>} : memref<2x32x768xf32, #tpu.memory_space<vmem>>, vector<16xf32>,
        %parallel_loop3A_361 = arith.constant 0 : i32
        %parallel_loop3A_362 = arith.constant 23 : i32
        %parallel_loop3A_363 = arith.index_cast %parallel_loop3A_361 : i32 to index
        %parallel_loop3A_364 = arith.index_cast %parallel_loop3A_362 : i32 to index
        %parallel_loop3A_365 = memref.load %arg14[%parallel_loop3A_363, %parallel_loop3A_364] : memref<2x32xf32, #tpu.memory_space<smem>>
        %parallel_loop3A_366 = vector.broadcast %parallel_loop3A_365 : f32 to vector<16xf32>
        %parallel_loop3A_367 = arith.constant 1 : i32
        %parallel_loop3A_368 = arith.constant 23 : i32
        %parallel_loop3A_369 = arith.index_cast %parallel_loop3A_367 : i32 to index
        %parallel_loop3A_370 = arith.index_cast %parallel_loop3A_368 : i32 to index
        %parallel_loop3A_371 = memref.load %arg14[%parallel_loop3A_369, %parallel_loop3A_370] : memref<2x32xf32, #tpu.memory_space<smem>>
        %parallel_loop3A_372 = vector.broadcast %parallel_loop3A_371 : f32 to vector<16xf32>
        %parallel_loop3A_373 = arith.constant 23 : i32
        %parallel_loop3A_374 = arith.index_cast %and3A_94 : i32 to index
        %parallel_loop3A_375 = arith.index_cast %parallel_loop3A_373 : i32 to index
        %parallel_loop3A_376 = arith.index_cast %parallel_loop3A_174 : i32 to index
        %parallel_loop3A_377 = tpu.vector_load %arg10[%parallel_loop3A_374, %parallel_loop3A_375, %parallel_loop3A_376] {strides = array<i32>} : memref<2x32x768xf32, #tpu.memory_space<vmem>>, vector<16xf32>,
        %parallel_loop3A_378 = arith.mulf %parallel_loop3A_377, %parallel_loop3A_366 : vector<16xf32>
        %parallel_loop3A_379 = arith.addf %parallel_loop3A_378, %parallel_loop3A_372 : vector<16xf32>
        %parallel_loop3A_380 = arith.mulf %parallel_loop3A_379, %parallel_loop3A_176 : vector<16xf32>
        %parallel_loop3A_381 = arith.addf %parallel_loop3A_380, %parallel_loop3A_178 : vector<16xf32>
        %parallel_loop3A_382 = arith.constant 23 : i32
        %parallel_loop3A_383 = arith.index_cast %and3A_94 : i32 to index
        %parallel_loop3A_384 = arith.index_cast %parallel_loop3A_382 : i32 to index
        %parallel_loop3A_385 = arith.index_cast %parallel_loop3A_174 : i32 to index
        %parallel_loop3A_386 = tpu.vector_load %arg10[%parallel_loop3A_383, %parallel_loop3A_384, %parallel_loop3A_385] {strides = array<i32>} : memref<2x32x768xf32, #tpu.memory_space<vmem>>, vector<16xf32>,
        tpu.vector_store %arg10[%parallel_loop3A_383, %parallel_loop3A_384, %parallel_loop3A_385], %parallel_loop3A_381 {strides = array<i32>} : memref<2x32x768xf32, #tpu.memory_space<vmem>>, vector<16xf32>,
        %parallel_loop3A_387 = arith.constant 0 : i32
        %parallel_loop3A_388 = arith.constant 24 : i32
        %parallel_loop3A_389 = arith.index_cast %parallel_loop3A_387 : i32 to index
        %parallel_loop3A_390 = arith.index_cast %parallel_loop3A_388 : i32 to index
        %parallel_loop3A_391 = memref.load %arg14[%parallel_loop3A_389, %parallel_loop3A_390] : memref<2x32xf32, #tpu.memory_space<smem>>
        %parallel_loop3A_392 = vector.broadcast %parallel_loop3A_391 : f32 to vector<16xf32>
        %parallel_loop3A_393 = arith.constant 1 : i32
        %parallel_loop3A_394 = arith.constant 24 : i32
        %parallel_loop3A_395 = arith.index_cast %parallel_loop3A_393 : i32 to index
        %parallel_loop3A_396 = arith.index_cast %parallel_loop3A_394 : i32 to index
        %parallel_loop3A_397 = memref.load %arg14[%parallel_loop3A_395, %parallel_loop3A_396] : memref<2x32xf32, #tpu.memory_space<smem>>
        %parallel_loop3A_398 = vector.broadcast %parallel_loop3A_397 : f32 to vector<16xf32>
        %parallel_loop3A_399 = arith.constant 24 : i32
        %parallel_loop3A_400 = arith.index_cast %and3A_94 : i32 to index
        %parallel_loop3A_401 = arith.index_cast %parallel_loop3A_399 : i32 to index
        %parallel_loop3A_402 = arith.index_cast %parallel_loop3A_174 : i32 to index
        %parallel_loop3A_403 = tpu.vector_load %arg10[%parallel_loop3A_400, %parallel_loop3A_401, %parallel_loop3A_402] {strides = array<i32>} : memref<2x32x768xf32, #tpu.memory_space<vmem>>, vector<16xf32>,
        %parallel_loop3A_404 = arith.mulf %parallel_loop3A_403, %parallel_loop3A_392 : vector<16xf32>
        %parallel_loop3A_405 = arith.addf %parallel_loop3A_404, %parallel_loop3A_398 : vector<16xf32>
        %parallel_loop3A_406 = arith.mulf %parallel_loop3A_405, %parallel_loop3A_176 : vector<16xf32>
        %parallel_loop3A_407 = arith.addf %parallel_loop3A_406, %parallel_loop3A_178 : vector<16xf32>
        %parallel_loop3A_408 = arith.constant 24 : i32
        %parallel_loop3A_409 = arith.index_cast %and3A_94 : i32 to index
        %parallel_loop3A_410 = arith.index_cast %parallel_loop3A_408 : i32 to index
        %parallel_loop3A_411 = arith.index_cast %parallel_loop3A_174 : i32 to index
        %parallel_loop3A_412 = tpu.vector_load %arg10[%parallel_loop3A_409, %parallel_loop3A_410, %parallel_loop3A_411] {strides = array<i32>} : memref<2x32x768xf32, #tpu.memory_space<vmem>>, vector<16xf32>,
        tpu.vector_store %arg10[%parallel_loop3A_409, %parallel_loop3A_410, %parallel_loop3A_411], %parallel_loop3A_407 {strides = array<i32>} : memref<2x32x768xf32, #tpu.memory_space<vmem>>, vector<16xf32>,
        %parallel_loop3A_413 = arith.constant 0 : i32
        %parallel_loop3A_414 = arith.constant 25 : i32
        %parallel_loop3A_415 = arith.index_cast %parallel_loop3A_413 : i32 to index
        %parallel_loop3A_416 = arith.index_cast %parallel_loop3A_414 : i32 to index
        %parallel_loop3A_417 = memref.load %arg14[%parallel_loop3A_415, %parallel_loop3A_416] : memref<2x32xf32, #tpu.memory_space<smem>>
        %parallel_loop3A_418 = vector.broadcast %parallel_loop3A_417 : f32 to vector<16xf32>
        %parallel_loop3A_419 = arith.constant 1 : i32
        %parallel_loop3A_420 = arith.constant 25 : i32
        %parallel_loop3A_421 = arith.index_cast %parallel_loop3A_419 : i32 to index
        %parallel_loop3A_422 = arith.index_cast %parallel_loop3A_420 : i32 to index
        %parallel_loop3A_423 = memref.load %arg14[%parallel_loop3A_421, %parallel_loop3A_422] : memref<2x32xf32, #tpu.memory_space<smem>>
        %parallel_loop3A_424 = vector.broadcast %parallel_loop3A_423 : f32 to vector<16xf32>
        %parallel_loop3A_425 = arith.constant 25 : i32
        %parallel_loop3A_426 = arith.index_cast %and3A_94 : i32 to index
        %parallel_loop3A_427 = arith.index_cast %parallel_loop3A_425 : i32 to index
        %parallel_loop3A_428 = arith.index_cast %parallel_loop3A_174 : i32 to index
        %parallel_loop3A_429 = tpu.vector_load %arg10[%parallel_loop3A_426, %parallel_loop3A_427, %parallel_loop3A_428] {strides = array<i32>} : memref<2x32x768xf32, #tpu.memory_space<vmem>>, vector<16xf32>,
        %parallel_loop3A_430 = arith.mulf %parallel_loop3A_429, %parallel_loop3A_418 : vector<16xf32>
        %parallel_loop3A_431 = arith.addf %parallel_loop3A_430, %parallel_loop3A_424 : vector<16xf32>
        %parallel_loop3A_432 = arith.mulf %parallel_loop3A_431, %parallel_loop3A_176 : vector<16xf32>
        %parallel_loop3A_433 = arith.addf %parallel_loop3A_432, %parallel_loop3A_178 : vector<16xf32>
        %parallel_loop3A_434 = arith.constant 25 : i32
        %parallel_loop3A_435 = arith.index_cast %and3A_94 : i32 to index
        %parallel_loop3A_436 = arith.index_cast %parallel_loop3A_434 : i32 to index
        %parallel_loop3A_437 = arith.index_cast %parallel_loop3A_174 : i32 to index
        %parallel_loop3A_438 = tpu.vector_load %arg10[%parallel_loop3A_435, %parallel_loop3A_436, %parallel_loop3A_437] {strides = array<i32>} : memref<2x32x768xf32, #tpu.memory_space<vmem>>, vector<16xf32>,
        tpu.vector_store %arg10[%parallel_loop3A_435, %parallel_loop3A_436, %parallel_loop3A_437], %parallel_loop3A_433 {strides = array<i32>} : memref<2x32x768xf32, #tpu.memory_space<vmem>>, vector<16xf32>,
        %parallel_loop3A_439 = arith.constant 0 : i32
        %parallel_loop3A_440 = arith.constant 26 : i32
        %parallel_loop3A_441 = arith.index_cast %parallel_loop3A_439 : i32 to index
        %parallel_loop3A_442 = arith.index_cast %parallel_loop3A_440 : i32 to index
        %parallel_loop3A_443 = memref.load %arg14[%parallel_loop3A_441, %parallel_loop3A_442] : memref<2x32xf32, #tpu.memory_space<smem>>
        %parallel_loop3A_444 = vector.broadcast %parallel_loop3A_443 : f32 to vector<16xf32>
        %parallel_loop3A_445 = arith.constant 1 : i32
        %parallel_loop3A_446 = arith.constant 26 : i32
        %parallel_loop3A_447 = arith.index_cast %parallel_loop3A_445 : i32 to index
        %parallel_loop3A_448 = arith.index_cast %parallel_loop3A_446 : i32 to index
        %parallel_loop3A_449 = memref.load %arg14[%parallel_loop3A_447, %parallel_loop3A_448] : memref<2x32xf32, #tpu.memory_space<smem>>
        %parallel_loop3A_450 = vector.broadcast %parallel_loop3A_449 : f32 to vector<16xf32>
        %parallel_loop3A_451 = arith.constant 26 : i32
        %parallel_loop3A_452 = arith.index_cast %and3A_94 : i32 to index
        %parallel_loop3A_453 = arith.index_cast %parallel_loop3A_451 : i32 to index
        %parallel_loop3A_454 = arith.index_cast %parallel_loop3A_174 : i32 to index
        %parallel_loop3A_455 = tpu.vector_load %arg10[%parallel_loop3A_452, %parallel_loop3A_453, %parallel_loop3A_454] {strides = array<i32>} : memref<2x32x768xf32, #tpu.memory_space<vmem>>, vector<16xf32>,
        %parallel_loop3A_456 = arith.mulf %parallel_loop3A_455, %parallel_loop3A_444 : vector<16xf32>
        %parallel_loop3A_457 = arith.addf %parallel_loop3A_456, %parallel_loop3A_450 : vector<16xf32>
        %parallel_loop3A_458 = arith.mulf %parallel_loop3A_457, %parallel_loop3A_176 : vector<16xf32>
        %parallel_loop3A_459 = arith.addf %parallel_loop3A_458, %parallel_loop3A_178 : vector<16xf32>
        %parallel_loop3A_460 = arith.constant 26 : i32
        %parallel_loop3A_461 = arith.index_cast %and3A_94 : i32 to index
        %parallel_loop3A_462 = arith.index_cast %parallel_loop3A_460 : i32 to index
        %parallel_loop3A_463 = arith.index_cast %parallel_loop3A_174 : i32 to index
        %parallel_loop3A_464 = tpu.vector_load %arg10[%parallel_loop3A_461, %parallel_loop3A_462, %parallel_loop3A_463] {strides = array<i32>} : memref<2x32x768xf32, #tpu.memory_space<vmem>>, vector<16xf32>,
        tpu.vector_store %arg10[%parallel_loop3A_461, %parallel_loop3A_462, %parallel_loop3A_463], %parallel_loop3A_459 {strides = array<i32>} : memref<2x32x768xf32, #tpu.memory_space<vmem>>, vector<16xf32>,
        %parallel_loop3A_465 = arith.constant 0 : i32
        %parallel_loop3A_466 = arith.constant 27 : i32
        %parallel_loop3A_467 = arith.index_cast %parallel_loop3A_465 : i32 to index
        %parallel_loop3A_468 = arith.index_cast %parallel_loop3A_466 : i32 to index
        %parallel_loop3A_469 = memref.load %arg14[%parallel_loop3A_467, %parallel_loop3A_468] : memref<2x32xf32, #tpu.memory_space<smem>>
        %parallel_loop3A_470 = vector.broadcast %parallel_loop3A_469 : f32 to vector<16xf32>
        %parallel_loop3A_471 = arith.constant 1 : i32
        %parallel_loop3A_472 = arith.constant 27 : i32
        %parallel_loop3A_473 = arith.index_cast %parallel_loop3A_471 : i32 to index
        %parallel_loop3A_474 = arith.index_cast %parallel_loop3A_472 : i32 to index
        %parallel_loop3A_475 = memref.load %arg14[%parallel_loop3A_473, %parallel_loop3A_474] : memref<2x32xf32, #tpu.memory_space<smem>>
        %parallel_loop3A_476 = vector.broadcast %parallel_loop3A_475 : f32 to vector<16xf32>
        %parallel_loop3A_477 = arith.constant 27 : i32
        %parallel_loop3A_478 = arith.index_cast %and3A_94 : i32 to index
        %parallel_loop3A_479 = arith.index_cast %parallel_loop3A_477 : i32 to index
        %parallel_loop3A_480 = arith.index_cast %parallel_loop3A_174 : i32 to index
        %parallel_loop3A_481 = tpu.vector_load %arg10[%parallel_loop3A_478, %parallel_loop3A_479, %parallel_loop3A_480] {strides = array<i32>} : memref<2x32x768xf32, #tpu.memory_space<vmem>>, vector<16xf32>,
        %parallel_loop3A_482 = arith.mulf %parallel_loop3A_481, %parallel_loop3A_470 : vector<16xf32>
        %parallel_loop3A_483 = arith.addf %parallel_loop3A_482, %parallel_loop3A_476 : vector<16xf32>
        %parallel_loop3A_484 = arith.mulf %parallel_loop3A_483, %parallel_loop3A_176 : vector<16xf32>
        %parallel_loop3A_485 = arith.addf %parallel_loop3A_484, %parallel_loop3A_178 : vector<16xf32>
        %parallel_loop3A_486 = arith.constant 27 : i32
        %parallel_loop3A_487 = arith.index_cast %and3A_94 : i32 to index
        %parallel_loop3A_488 = arith.index_cast %parallel_loop3A_486 : i32 to index
        %parallel_loop3A_489 = arith.index_cast %parallel_loop3A_174 : i32 to index
        %parallel_loop3A_490 = tpu.vector_load %arg10[%parallel_loop3A_487, %parallel_loop3A_488, %parallel_loop3A_489] {strides = array<i32>} : memref<2x32x768xf32, #tpu.memory_space<vmem>>, vector<16xf32>,
        tpu.vector_store %arg10[%parallel_loop3A_487, %parallel_loop3A_488, %parallel_loop3A_489], %parallel_loop3A_485 {strides = array<i32>} : memref<2x32x768xf32, #tpu.memory_space<vmem>>, vector<16xf32>,
        %parallel_loop3A_491 = arith.constant 0 : i32
        %parallel_loop3A_492 = arith.constant 28 : i32
        %parallel_loop3A_493 = arith.index_cast %parallel_loop3A_491 : i32 to index
        %parallel_loop3A_494 = arith.index_cast %parallel_loop3A_492 : i32 to index
        %parallel_loop3A_495 = memref.load %arg14[%parallel_loop3A_493, %parallel_loop3A_494] : memref<2x32xf32, #tpu.memory_space<smem>>
        %parallel_loop3A_496 = vector.broadcast %parallel_loop3A_495 : f32 to vector<16xf32>
        %parallel_loop3A_497 = arith.constant 1 : i32
        %parallel_loop3A_498 = arith.constant 28 : i32
        %parallel_loop3A_499 = arith.index_cast %parallel_loop3A_497 : i32 to index
        %parallel_loop3A_500 = arith.index_cast %parallel_loop3A_498 : i32 to index
        %parallel_loop3A_501 = memref.load %arg14[%parallel_loop3A_499, %parallel_loop3A_500] : memref<2x32xf32, #tpu.memory_space<smem>>
        %parallel_loop3A_502 = vector.broadcast %parallel_loop3A_501 : f32 to vector<16xf32>
        %parallel_loop3A_503 = arith.constant 28 : i32
        %parallel_loop3A_504 = arith.index_cast %and3A_94 : i32 to index
        %parallel_loop3A_505 = arith.index_cast %parallel_loop3A_503 : i32 to index
        %parallel_loop3A_506 = arith.index_cast %parallel_loop3A_174 : i32 to index
        %parallel_loop3A_507 = tpu.vector_load %arg10[%parallel_loop3A_504, %parallel_loop3A_505, %parallel_loop3A_506] {strides = array<i32>} : memref<2x32x768xf32, #tpu.memory_space<vmem>>, vector<16xf32>,
        %parallel_loop3A_508 = arith.mulf %parallel_loop3A_507, %parallel_loop3A_496 : vector<16xf32>
        %parallel_loop3A_509 = arith.addf %parallel_loop3A_508, %parallel_loop3A_502 : vector<16xf32>
        %parallel_loop3A_510 = arith.mulf %parallel_loop3A_509, %parallel_loop3A_176 : vector<16xf32>
        %parallel_loop3A_511 = arith.addf %parallel_loop3A_510, %parallel_loop3A_178 : vector<16xf32>
        %parallel_loop3A_512 = arith.constant 28 : i32
        %parallel_loop3A_513 = arith.index_cast %and3A_94 : i32 to index
        %parallel_loop3A_514 = arith.index_cast %parallel_loop3A_512 : i32 to index
        %parallel_loop3A_515 = arith.index_cast %parallel_loop3A_174 : i32 to index
        %parallel_loop3A_516 = tpu.vector_load %arg10[%parallel_loop3A_513, %parallel_loop3A_514, %parallel_loop3A_515] {strides = array<i32>} : memref<2x32x768xf32, #tpu.memory_space<vmem>>, vector<16xf32>,
        tpu.vector_store %arg10[%parallel_loop3A_513, %parallel_loop3A_514, %parallel_loop3A_515], %parallel_loop3A_511 {strides = array<i32>} : memref<2x32x768xf32, #tpu.memory_space<vmem>>, vector<16xf32>,
        %parallel_loop3A_517 = arith.constant 0 : i32
        %parallel_loop3A_518 = arith.constant 29 : i32
        %parallel_loop3A_519 = arith.index_cast %parallel_loop3A_517 : i32 to index
        %parallel_loop3A_520 = arith.index_cast %parallel_loop3A_518 : i32 to index
        %parallel_loop3A_521 = memref.load %arg14[%parallel_loop3A_519, %parallel_loop3A_520] : memref<2x32xf32, #tpu.memory_space<smem>>
        %parallel_loop3A_522 = vector.broadcast %parallel_loop3A_521 : f32 to vector<16xf32>
        %parallel_loop3A_523 = arith.constant 1 : i32
        %parallel_loop3A_524 = arith.constant 29 : i32
        %parallel_loop3A_525 = arith.index_cast %parallel_loop3A_523 : i32 to index
        %parallel_loop3A_526 = arith.index_cast %parallel_loop3A_524 : i32 to index
        %parallel_loop3A_527 = memref.load %arg14[%parallel_loop3A_525, %parallel_loop3A_526] : memref<2x32xf32, #tpu.memory_space<smem>>
        %parallel_loop3A_528 = vector.broadcast %parallel_loop3A_527 : f32 to vector<16xf32>
        %parallel_loop3A_529 = arith.constant 29 : i32
        %parallel_loop3A_530 = arith.index_cast %and3A_94 : i32 to index
        %parallel_loop3A_531 = arith.index_cast %parallel_loop3A_529 : i32 to index
        %parallel_loop3A_532 = arith.index_cast %parallel_loop3A_174 : i32 to index
        %parallel_loop3A_533 = tpu.vector_load %arg10[%parallel_loop3A_530, %parallel_loop3A_531, %parallel_loop3A_532] {strides = array<i32>} : memref<2x32x768xf32, #tpu.memory_space<vmem>>, vector<16xf32>,
        %parallel_loop3A_534 = arith.mulf %parallel_loop3A_533, %parallel_loop3A_522 : vector<16xf32>
        %parallel_loop3A_535 = arith.addf %parallel_loop3A_534, %parallel_loop3A_528 : vector<16xf32>
        %parallel_loop3A_536 = arith.mulf %parallel_loop3A_535, %parallel_loop3A_176 : vector<16xf32>
        %parallel_loop3A_537 = arith.addf %parallel_loop3A_536, %parallel_loop3A_178 : vector<16xf32>
        %parallel_loop3A_538 = arith.constant 29 : i32
        %parallel_loop3A_539 = arith.index_cast %and3A_94 : i32 to index
        %parallel_loop3A_540 = arith.index_cast %parallel_loop3A_538 : i32 to index
        %parallel_loop3A_541 = arith.index_cast %parallel_loop3A_174 : i32 to index
        %parallel_loop3A_542 = tpu.vector_load %arg10[%parallel_loop3A_539, %parallel_loop3A_540, %parallel_loop3A_541] {strides = array<i32>} : memref<2x32x768xf32, #tpu.memory_space<vmem>>, vector<16xf32>,
        tpu.vector_store %arg10[%parallel_loop3A_539, %parallel_loop3A_540, %parallel_loop3A_541], %parallel_loop3A_537 {strides = array<i32>} : memref<2x32x768xf32, #tpu.memory_space<vmem>>, vector<16xf32>,
        %parallel_loop3A_543 = arith.constant 0 : i32
        %parallel_loop3A_544 = arith.constant 30 : i32
        %parallel_loop3A_545 = arith.index_cast %parallel_loop3A_543 : i32 to index
        %parallel_loop3A_546 = arith.index_cast %parallel_loop3A_544 : i32 to index
        %parallel_loop3A_547 = memref.load %arg14[%parallel_loop3A_545, %parallel_loop3A_546] : memref<2x32xf32, #tpu.memory_space<smem>>
        %parallel_loop3A_548 = vector.broadcast %parallel_loop3A_547 : f32 to vector<16xf32>
        %parallel_loop3A_549 = arith.constant 1 : i32
        %parallel_loop3A_550 = arith.constant 30 : i32
        %parallel_loop3A_551 = arith.index_cast %parallel_loop3A_549 : i32 to index
        %parallel_loop3A_552 = arith.index_cast %parallel_loop3A_550 : i32 to index
        %parallel_loop3A_553 = memref.load %arg14[%parallel_loop3A_551, %parallel_loop3A_552] : memref<2x32xf32, #tpu.memory_space<smem>>
        %parallel_loop3A_554 = vector.broadcast %parallel_loop3A_553 : f32 to vector<16xf32>
        %parallel_loop3A_555 = arith.constant 30 : i32
        %parallel_loop3A_556 = arith.index_cast %and3A_94 : i32 to index
        %parallel_loop3A_557 = arith.index_cast %parallel_loop3A_555 : i32 to index
        %parallel_loop3A_558 = arith.index_cast %parallel_loop3A_174 : i32 to index
        %parallel_loop3A_559 = tpu.vector_load %arg10[%parallel_loop3A_556, %parallel_loop3A_557, %parallel_loop3A_558] {strides = array<i32>} : memref<2x32x768xf32, #tpu.memory_space<vmem>>, vector<16xf32>,
        %parallel_loop3A_560 = arith.mulf %parallel_loop3A_559, %parallel_loop3A_548 : vector<16xf32>
        %parallel_loop3A_561 = arith.addf %parallel_loop3A_560, %parallel_loop3A_554 : vector<16xf32>
        %parallel_loop3A_562 = arith.mulf %parallel_loop3A_561, %parallel_loop3A_176 : vector<16xf32>
        %parallel_loop3A_563 = arith.addf %parallel_loop3A_562, %parallel_loop3A_178 : vector<16xf32>
        %parallel_loop3A_564 = arith.constant 30 : i32
        %parallel_loop3A_565 = arith.index_cast %and3A_94 : i32 to index
        %parallel_loop3A_566 = arith.index_cast %parallel_loop3A_564 : i32 to index
        %parallel_loop3A_567 = arith.index_cast %parallel_loop3A_174 : i32 to index
        %parallel_loop3A_568 = tpu.vector_load %arg10[%parallel_loop3A_565, %parallel_loop3A_566, %parallel_loop3A_567] {strides = array<i32>} : memref<2x32x768xf32, #tpu.memory_space<vmem>>, vector<16xf32>,
        tpu.vector_store %arg10[%parallel_loop3A_565, %parallel_loop3A_566, %parallel_loop3A_567], %parallel_loop3A_563 {strides = array<i32>} : memref<2x32x768xf32, #tpu.memory_space<vmem>>, vector<16xf32>,
        %parallel_loop3A_569 = arith.constant 0 : i32
        %parallel_loop3A_570 = arith.constant 31 : i32
        %parallel_loop3A_571 = arith.index_cast %parallel_loop3A_569 : i32 to index
        %parallel_loop3A_572 = arith.index_cast %parallel_loop3A_570 : i32 to index
        %parallel_loop3A_573 = memref.load %arg14[%parallel_loop3A_571, %parallel_loop3A_572] : memref<2x32xf32, #tpu.memory_space<smem>>
        %parallel_loop3A_574 = vector.broadcast %parallel_loop3A_573 : f32 to vector<16xf32>
        %parallel_loop3A_575 = arith.constant 1 : i32
        %parallel_loop3A_576 = arith.constant 31 : i32
        %parallel_loop3A_577 = arith.index_cast %parallel_loop3A_575 : i32 to index
        %parallel_loop3A_578 = arith.index_cast %parallel_loop3A_576 : i32 to index
        %parallel_loop3A_579 = memref.load %arg14[%parallel_loop3A_577, %parallel_loop3A_578] : memref<2x32xf32, #tpu.memory_space<smem>>
        %parallel_loop3A_580 = vector.broadcast %parallel_loop3A_579 : f32 to vector<16xf32>
        %parallel_loop3A_581 = arith.constant 31 : i32
        %parallel_loop3A_582 = arith.index_cast %and3A_94 : i32 to index
        %parallel_loop3A_583 = arith.index_cast %parallel_loop3A_581 : i32 to index
        %parallel_loop3A_584 = arith.index_cast %parallel_loop3A_174 : i32 to index
        %parallel_loop3A_585 = tpu.vector_load %arg10[%parallel_loop3A_582, %parallel_loop3A_583, %parallel_loop3A_584] {strides = array<i32>} : memref<2x32x768xf32, #tpu.memory_space<vmem>>, vector<16xf32>,
        %parallel_loop3A_586 = arith.mulf %parallel_loop3A_585, %parallel_loop3A_574 : vector<16xf32>
        %parallel_loop3A_587 = arith.addf %parallel_loop3A_586, %parallel_loop3A_580 : vector<16xf32>
        %parallel_loop3A_588 = arith.mulf %parallel_loop3A_587, %parallel_loop3A_176 : vector<16xf32>
        %parallel_loop3A_589 = arith.addf %parallel_loop3A_588, %parallel_loop3A_178 : vector<16xf32>
        %parallel_loop3A_590 = arith.constant 31 : i32
        %parallel_loop3A_591 = arith.index_cast %and3A_94 : i32 to index
        %parallel_loop3A_592 = arith.index_cast %parallel_loop3A_590 : i32 to index
        %parallel_loop3A_593 = arith.index_cast %parallel_loop3A_174 : i32 to index
        %parallel_loop3A_594 = tpu.vector_load %arg10[%parallel_loop3A_591, %parallel_loop3A_592, %parallel_loop3A_593] {strides = array<i32>} : memref<2x32x768xf32, #tpu.memory_space<vmem>>, vector<16xf32>,
        tpu.vector_store %arg10[%parallel_loop3A_591, %parallel_loop3A_592, %parallel_loop3A_593], %parallel_loop3A_589 {strides = array<i32>} : memref<2x32x768xf32, #tpu.memory_space<vmem>>, vector<16xf32>,
      } {sc.loop_unroll_factor = 1 : i64, sc.parallel_access}
      %mul3A_152 = arith.constant 32 : i32
      %mul3A_153 = arith.muli %scan3A_92, %mul3A_152 : i32
      %add3A_154 = arith.addi %mul3A_2, %mul3A_153 : i32
      %add3A_155 = arith.constant 16 : i32
      %add3A_156 = arith.addi %add3A_154, %add3A_155 : i32
      %dma_start3A_157 = arith.constant 16 : i32
      %dma_start3A_158 = arith.constant 0 : i32
      %dma_start3A_159 = tpu.memref_slice %arg10[%and3A_94, %dma_start3A_157, %dma_start3A_158] : memref<2x32x768xf32, #tpu.memory_space<vmem>> -> memref<1x16x768xf32, #tpu.memory_space<vmem>>
      %dma_start3A_160 = tpu.memref_squeeze %dma_start3A_159 : memref<1x16x768xf32, #tpu.memory_space<vmem>> -> memref<16x768xf32, #tpu.memory_space<vmem>>
      %dma_start3A_161 = arith.constant 0 : i32
      %dma_start3A_162 = tpu.memref_slice %arg7[%add3A_156, %dma_start3A_161] : memref<32768x768xf32, #tpu.memory_space<hbm>> -> memref<16x768xf32, #tpu.memory_space<hbm>>
      %dma_start3A_163 = tpu.memref_slice %arg17[%and3A_94] : memref<2x!tpu.dma_semaphore, #tpu.memory_space<semaphore_mem>> -> memref<1x!tpu.dma_semaphore, #tpu.memory_space<semaphore_mem>>
      %dma_start3A_164 = tpu.memref_squeeze %dma_start3A_163 : memref<1x!tpu.dma_semaphore, #tpu.memory_space<semaphore_mem>> -> memref<!tpu.dma_semaphore, #tpu.memory_space<semaphore_mem>>
      %dma_start3A_165 = arith.constant 0 : i32
      %dma_start3A_166 = tpu.memref_slice %arg7[%add3A_156, %dma_start3A_165] : memref<32768x768xf32, #tpu.memory_space<hbm>> -> memref<16x768xf32, #tpu.memory_space<hbm>>
      %dma_start3A_167 = arith.constant 16 : i32
      %dma_start3A_168 = arith.constant 0 : i32
      %dma_start3A_169 = tpu.memref_slice %arg10[%and3A_94, %dma_start3A_167, %dma_start3A_168] : memref<2x32x768xf32, #tpu.memory_space<vmem>> -> memref<1x16x768xf32, #tpu.memory_space<vmem>>
      %dma_start3A_170 = tpu.memref_squeeze %dma_start3A_169 : memref<1x16x768xf32, #tpu.memory_space<vmem>> -> memref<16x768xf32, #tpu.memory_space<vmem>>
      tpu.enqueue_dma source(%dma_start3A_170 : memref<16x768xf32, #tpu.memory_space<vmem>>) target(%dma_start3A_166 : memref<16x768xf32, #tpu.memory_space<hbm>>) target_semaphore(%dma_start3A_164 : memref<!tpu.dma_semaphore, #tpu.memory_space<semaphore_mem>>)
      %scan3A_171 = arith.constant 0 : i32
      scf.yield %scan3A_171 : i32
    }
    %scan3A_52 = arith.constant 32 : i32
    %add3A_53 = arith.constant 992 : i32
    %add3A_54 = arith.addi %mul3A_2, %add3A_53 : i32
    %add3A_55 = arith.constant 0 : i32
    %add3A_56 = arith.addi %add3A_54, %add3A_55 : i32
    %dma_wait3A = arith.constant 1 : i32
    %dma_wait3A_57 = arith.constant 1 : i32
    %dma_wait3A_58 = arith.constant 0 : i32
    %dma_wait3A_59 = arith.constant 0 : i32
    %dma_wait3A_60 = tpu.memref_slice %arg10[%dma_wait3A, %dma_wait3A_58, %dma_wait3A_59] : memref<2x32x768xf32, #tpu.memory_space<vmem>> -> memref<1x16x768xf32, #tpu.memory_space<vmem>>
    %dma_wait3A_61 = tpu.memref_squeeze %dma_wait3A_60 : memref<1x16x768xf32, #tpu.memory_space<vmem>> -> memref<16x768xf32, #tpu.memory_space<vmem>>
    %dma_wait3A_62 = arith.constant 0 : i32
    %dma_wait3A_63 = tpu.memref_slice %arg7[%add3A_56, %dma_wait3A_62] : memref<32768x768xf32, #tpu.memory_space<hbm>> -> memref<16x768xf32, #tpu.memory_space<hbm>>
    %dma_wait3A_64 = tpu.memref_slice %arg17[%dma_wait3A_57] : memref<2x!tpu.dma_semaphore, #tpu.memory_space<semaphore_mem>> -> memref<1x!tpu.dma_semaphore, #tpu.memory_space<semaphore_mem>>
    %dma_wait3A_65 = tpu.memref_squeeze %dma_wait3A_64 : memref<1x!tpu.dma_semaphore, #tpu.memory_space<semaphore_mem>> -> memref<!tpu.dma_semaphore, #tpu.memory_space<semaphore_mem>>
    %dma_wait3A_66 = arith.constant 0 : i32
    %dma_wait3A_67 = tpu.memref_slice %arg7[%add3A_56, %dma_wait3A_66] : memref<32768x768xf32, #tpu.memory_space<hbm>> -> memref<16x768xf32, #tpu.memory_space<hbm>>
    %dma_wait3A_68 = arith.constant 0 : i32
    %dma_wait3A_69 = arith.constant 0 : i32
    %dma_wait3A_70 = tpu.memref_slice %arg10[%dma_wait3A, %dma_wait3A_68, %dma_wait3A_69] : memref<2x32x768xf32, #tpu.memory_space<vmem>> -> memref<1x16x768xf32, #tpu.memory_space<vmem>>
    %dma_wait3A_71 = tpu.memref_squeeze %dma_wait3A_70 : memref<1x16x768xf32, #tpu.memory_space<vmem>> -> memref<16x768xf32, #tpu.memory_space<vmem>>
    tpu.wait_dma2 semaphore(%dma_wait3A_65 : memref<!tpu.dma_semaphore, #tpu.memory_space<semaphore_mem>>) src(%dma_wait3A_71 : memref<16x768xf32, #tpu.memory_space<vmem>>) dst(%dma_wait3A_67 : memref<16x768xf32, #tpu.memory_space<hbm>>)
    %add3A_72 = arith.constant 992 : i32
    %add3A_73 = arith.addi %mul3A_2, %add3A_72 : i32
    %add3A_74 = arith.constant 16 : i32
    %add3A_75 = arith.addi %add3A_73, %add3A_74 : i32
    %dma_wait3A_76 = arith.constant 1 : i32
    %dma_wait3A_77 = arith.constant 1 : i32
    %dma_wait3A_78 = arith.constant 16 : i32
    %dma_wait3A_79 = arith.constant 0 : i32
    %dma_wait3A_80 = tpu.memref_slice %arg10[%dma_wait3A_76, %dma_wait3A_78, %dma_wait3A_79] : memref<2x32x768xf32, #tpu.memory_space<vmem>> -> memref<1x16x768xf32, #tpu.memory_space<vmem>>
    %dma_wait3A_81 = tpu.memref_squeeze %dma_wait3A_80 : memref<1x16x768xf32, #tpu.memory_space<vmem>> -> memref<16x768xf32, #tpu.memory_space<vmem>>
    %dma_wait3A_82 = arith.constant 0 : i32
    %dma_wait3A_83 = tpu.memref_slice %arg7[%add3A_75, %dma_wait3A_82] : memref<32768x768xf32, #tpu.memory_space<hbm>> -> memref<16x768xf32, #tpu.memory_space<hbm>>
    %dma_wait3A_84 = tpu.memref_slice %arg17[%dma_wait3A_77] : memref<2x!tpu.dma_semaphore, #tpu.memory_space<semaphore_mem>> -> memref<1x!tpu.dma_semaphore, #tpu.memory_space<semaphore_mem>>
    %dma_wait3A_85 = tpu.memref_squeeze %dma_wait3A_84 : memref<1x!tpu.dma_semaphore, #tpu.memory_space<semaphore_mem>> -> memref<!tpu.dma_semaphore, #tpu.memory_space<semaphore_mem>>
    %dma_wait3A_86 = arith.constant 0 : i32
    %dma_wait3A_87 = tpu.memref_slice %arg7[%add3A_75, %dma_wait3A_86] : memref<32768x768xf32, #tpu.memory_space<hbm>> -> memref<16x768xf32, #tpu.memory_space<hbm>>
    %dma_wait3A_88 = arith.constant 16 : i32
    %dma_wait3A_89 = arith.constant 0 : i32
    %dma_wait3A_90 = tpu.memref_slice %arg10[%dma_wait3A_76, %dma_wait3A_88, %dma_wait3A_89] : memref<2x32x768xf32, #tpu.memory_space<vmem>> -> memref<1x16x768xf32, #tpu.memory_space<vmem>>
    %dma_wait3A_91 = tpu.memref_squeeze %dma_wait3A_90 : memref<1x16x768xf32, #tpu.memory_space<vmem>> -> memref<16x768xf32, #tpu.memory_space<vmem>>
    tpu.wait_dma2 semaphore(%dma_wait3A_85 : memref<!tpu.dma_semaphore, #tpu.memory_space<semaphore_mem>>) src(%dma_wait3A_91 : memref<16x768xf32, #tpu.memory_space<vmem>>) dst(%dma_wait3A_87 : memref<16x768xf32, #tpu.memory_space<hbm>>)
    return
  }
}

</mosaic_0001>

<sc_bundles>
// kernel: _embed.3.cloned.1.call-start
scs
__scs_entry_jumppad:
0x0: {  	(pc) =	sbr.rel $0x88, $3  }
0x1: {  	(tag) =	ssettag $0x0;
	lr =	simm.s32 $0x1  }
0x2: {  	[smem:$0x3F9C] =	sst lr;
	_ =	strace $0xD0000000  }
0x3: {  	_ = 	snop  }
0x4: {  	_ = 	snop  }
0x5: {  	_ = 	snop  }
0x6: {  	_ = 	snop  }
0x7: {  	_ = 	snop  }
__scs_overlays_trampoline_lowered:
0x8: {  	[smem:$0x3FAB] =	sst s0  }
0x9: {  	[smem:$0x3FAC] =	sst s1  }
0xa: {  	[smem:$0x3FAD] =	sst s2  }
0xb: {  	[smem:$0x3FAE] =	sst s3  }
0xc: {  	[smem:$0x3FAF] =	sst s4  }
0xd: {  	[smem:$0x3FB0] =	sst s5  }
0xe: {  	[smem:$0x3FB1] =	sst s6  }
0xf: {  	[smem:$0x3FB2] =	sst s7  }
0x10: {  	[smem:$0x3FB3] =	sst s8  }
0x11: {  	[smem:$0x3FB4] =	sst s9;
	s0 =	simm.s32 @!p0 $0x0  }
0x12: {  	s1 =	sld [smem:$0x3F9A];
	s0 =	simm.s32 @p0 $0x1  }
0x13: {  	[smem:$0x3FB5] =	sst s0;
	s0 =	simm.s32 @!p1 $0x0  }
0x14: {  	s2 =	sld [smem:$0x3F99];
	s0 =	simm.s32 @p1 $0x1  }
0x15: {  	[smem:$0x3FB6] =	sst s0;
	s0 =	simm.s32 @!p2 $0x0  }
0x16: {  	s3 =	sld [smem:$0x3FDB];
	s0 =	simm.s32 @p2 $0x1  }
0x17: {  	s4 =	simm.s32 $0x1BF5;
	[smem:$0x3FB8] =	sst s0  }
0x18: {  	s0 =	sld [smem:$0x3F9B];
	_ =	swait.ge [sflag:s4], $0x0  }
0x19: {  	s7 =	sld [smem:$0x3F9C]  }
0x1a: {  	s8 =	sadd.s32 $0xFFFFE003, lr  }
0x1b: {  	s9 =	sadd.s32 $0xFFFFFEF7, lr;
	s5 =	simm.s32 $0xFFFFFFFF;
	p2 =	slt.u32 s8, $0xFFFFF086  }
0x1c: {  	p1 =	slt.u32 s9, $0xF7A;
	s5 =	simm.s32 @!p2 $0x0  }
0x1d: {  	s5 =	simm.s32 @p1 $0x1;
	p0 =	seq.s32 s7, s2  }
0x1e: {  	s7 =	smul.u32 @!p0 $0xF7A, s2;
	p2 =	seq.s32 @!p0 s5, $0x0  }
0x1f: {  	s9 =	smul.u32 $0xF7A, s1;
	s8 =	simm.s32 @!p0 $0x1BF5;
	p2 =	por !p2, p0  }
0x20: {  	[sflag:s8] =	ssyncset.s32 @!p0 $0xFFFFF086;
	s6 =	sadd.s32 @!p0 s3, s7;
	s7 =	simm.s32 @!p0 $0x108  }
0x21: {  	s3 =	sadd.s32 s3, s9;
	s6 =	sadd.s32 @!p0 $0x88, s6;
	s7 =	simm.s32 @p2 $0x1082  }
0x22: {  	[simem:s7], [sflag:s8] =	dma.local @!p0 [hbm:s6], $0xF7A  }
0x23: {  	s9 =	sor.u32 $0xD0000000, s2;
	s6 =	simm.s32 $0x108;
	_ =	swait.ge @!p0 [sflag:s8], $0x0  }
0x24: {  	s3 =	sadd.s32 $0x88, s3;
	s6 =	simm.s32 @!p1 $0x1082;
	[sflag:s4] =	ssyncset.s32 $0xFFFFF086  }
0x25: {  	[simem:s6], [sflag:s4] =	dma.local [hbm:s3], $0xF7A  }
0x26: {  	[smem:$0x3F9C] =	sst s1;
	(tag) =	ssettag s2;
	_ =	strace s9  }
0x27: {  	s1 =	sld [smem:$0x3FAC]  }
0x28: {  	s2 =	sld [smem:$0x3FAD]  }
0x29: {  	s4 =	sld [smem:$0x3FAF]  }
0x2a: {  	p0 =	seq.s32 s5, $0x0;
	s5 =	sld [smem:$0x3FB0]  }
0x2b: {  	s6 =	sld [smem:$0x3FB1]  }
0x2c: {  	s7 =	sld [smem:$0x3FB2]  }
0x2d: {  	s3 =	simm.s32 $0x108;
	s8 =	sld [smem:$0x3FB3]  }
0x2e: {  	s3 =	simm.s32 @!p0 $0x1082;
	s9 =	sld [smem:$0x3FB4]  }
0x2f: {  	lr =	sadd.s32 s0, s3;
	s0 =	sld [smem:$0x3FAB]  }
0x30: {  	s3 =	sld [smem:$0x3FAE]  }
0x31: {  	[smem:$0x3FB7] =	sst s10  }
0x32: {  	s10 =	sld [smem:$0x3FB5];
	_ =	sdelay $0x3  }
0x33: {  	p0 =	seq.s32 s10, $0x1;
	s10 =	sld [smem:$0x3FB7];
	_ =	sdelay $0x3  }
0x34: {  	[smem:$0x3FB7] =	sst s10  }
0x35: {  	s10 =	sld [smem:$0x3FB6];
	_ =	sdelay $0x3  }
0x36: {  	p1 =	seq.s32 s10, $0x1;
	s10 =	sld [smem:$0x3FB7];
	_ =	sdelay $0x3  }
0x37: {  	[smem:$0x3FB7] =	sst s10  }
0x38: {  	s10 =	sld [smem:$0x3FB8]  }
0x39: {  	_ = 	snop;
	(pc) =	sbr.ind lr, $3  }
0x3a: {  	_ = 	snop  }
0x3b: {  	_ = 	snop  }
0x3c: {  	p2 =	seq.s32 s10, $0x1;
	s10 =	sld [smem:$0x3FB7]  }
0x3d: {  	_ =	shalt  }
0x3e: {  	_ =	shalt  }
0x3f: {  	_ =	shalt  }
0x40: {  	_ =	shalt  }
0x41: {  	_ =	shalt  }
0x42: {  	_ =	shalt  }
0x43: {  	_ =	shalt  }
0x44: {  	_ =	shalt  }
0x45: {  	_ =	shalt  }
0x46: {  	_ =	shalt  }
0x47: {  	_ =	shalt  }
0x48: {  	_ =	shalt  }
0x49: {  	_ =	shalt  }
0x4a: {  	_ =	shalt  }
0x4b: {  	_ =	shalt  }
0x4c: {  	_ =	shalt  }
0x4d: {  	_ =	shalt  }
0x4e: {  	_ =	shalt  }
0x4f: {  	_ =	shalt  }
0x50: {  	_ =	shalt  }
0x51: {  	_ =	shalt  }
0x52: {  	_ =	shalt  }
0x53: {  	_ =	shalt  }
0x54: {  	_ =	shalt  }
0x55: {  	_ =	shalt  }
0x56: {  	_ =	shalt  }
0x57: {  	_ =	shalt  }
0x58: {  	_ =	shalt  }
0x59: {  	_ =	shalt  }
0x5a: {  	_ =	shalt  }
0x5b: {  	_ =	shalt  }
0x5c: {  	_ =	shalt  }
0x5d: {  	_ =	shalt  }
0x5e: {  	_ =	shalt  }
0x5f: {  	_ =	shalt  }
0x60: {  	_ =	shalt  }
0x61: {  	_ =	shalt  }
0x62: {  	_ =	shalt  }
0x63: {  	_ =	shalt  }
0x64: {  	_ =	shalt  }
0x65: {  	_ =	shalt  }
0x66: {  	_ =	shalt  }
0x67: {  	_ =	shalt  }
0x68: {  	_ =	shalt  }
0x69: {  	_ =	shalt  }
0x6a: {  	_ =	shalt  }
0x6b: {  	_ =	shalt  }
0x6c: {  	_ =	shalt  }
0x6d: {  	_ =	shalt  }
0x6e: {  	_ =	shalt  }
0x6f: {  	_ =	shalt  }
0x70: {  	_ =	shalt  }
0x71: {  	_ =	shalt  }
0x72: {  	_ =	shalt  }
0x73: {  	_ =	shalt  }
0x74: {  	_ =	shalt  }
0x75: {  	_ =	shalt  }
0x76: {  	_ =	shalt  }
0x77: {  	_ =	shalt  }
0x78: {  	_ =	shalt  }
0x79: {  	_ =	shalt  }
0x7a: {  	_ =	shalt  }
0x7b: {  	_ =	shalt  }
0x7c: {  	_ =	shalt  }
0x7d: {  	_ =	shalt  }
0x7e: {  	_ =	shalt  }
0x7f: {  	_ =	shalt  }
0x80: {  	_ =	shalt  }
0x81: {  	_ =	shalt  }
0x82: {  	_ =	shalt  }
0x83: {  	_ =	shalt  }
0x84: {  	_ =	shalt  }
0x85: {  	_ =	shalt  }
0x86: {  	_ =	shalt  }
0x87: {  	_ =	shalt  }
.Lfunc_end0:
.L_simem_size_0:
called_computation_lowered:
.L_overlay_start_0:
0x88: {  	s2 =	sld [smem:$0x3FD9]  }
0x89: {  	s3 =	sld [smem:$0x3FFE];
	_ =	sdelay $0x1  }
0x8a: {  	s1 =	srdreg.scid  }
0x8b: {  	s0 =	sand.u32 $0x1, s1  }
0x8c: {  	s18 =	sshll.u32 s0, $0xA;
	s2 =	sadd.s32 s3, s2  }
0x8d: {  	s2 =	sadd.s32 s2, s18  }
0x8e: {  	[smem:$0x3FC3] =	sst s2  }
0x8f: {  	_ = 	snop  }
0x90: {  	s2 =	sld [smem:$0x3FC9]  }
0x91: {  	s19 =	sld [smem:$0x3FC8]  }
0x92: {  	s4 =	sld [smem:$0x3FC7]  }
0x93: {  	s5 =	sld [smem:$0x3FC6]  }
0x94: {  	s6 =	sld [smem:$0x3FC5]  }
0x95: {  	s7 =	sld [smem:$0x3FD0];
	(tm) =	ssettm $0x1  }
0x96: {  	s8 =	sld [smem:$0x3FFB];
	_ =	sdelay $0x3  }
0x97: {  	_ =	strace s8  }
0x98: {  	s8 =	sld [smem:$0x3FFC];
	_ =	sdelay $0x3  }
0x99: {  	_ =	strace s8  }
0x9a: {  	s8 =	sld [smem:$0x3FFD];
	_ =	sdelay $0x3  }
0x9b: {  	_ =	strace s8  }
0x9c: {  	_ =	strace $0x8FFFFFFF  }
0x9d: {  	s20 =	sld [smem:$0x3FDB];
	_ =	sdelay $0x1  }
0x9e: {  	s9 =	simm.s32 $_scs_section_size  }
0x9f: {  	s10 =	simm.s32 $_size__tile_overlayer_lowered;
	s11 =	simm.s32 $_tile_overlayer_lowered  }
0xa0: {  	s23 =	simm.s32 $0x1BFF;
	s22 =	sshll.u32 s11, $0x1;
	s8 =	sadd.s32 s9, s20  }
0xa1: {  	s12 =	simm.s32 $0x0;
	s21 =	sshll.u32 s10, $0x1;
	s10 =	sadd.s32 s22, s8  }
0xa2: {  	[timem:s12], [sflag:s23] =	dma.local [hbm:s10], s21  }
0xa3: {  	_ =	swait.ge [sflag:s23], s21  }
0xa4: {  	s9 =	ssub.s32 $0x0, s21;
	[sflag:s23] =	ssyncset.done $0x0  }
0xa5: {  	[sflag:s23] =	ssyncadd.s32 s9;
	_ =	sdelay $0x1  }
0xa6: {  	s24 =	simm.s32 $0x1B8B  }
0xa7: {  	_ =	swait.ge [sflag:s24], $0x1  }
0xa8: {  	[sflag:s24] =	ssyncset.done $0x0  }
0xa9: {  	s25 =	simm.s32 $0x1B8E;
	[sflag:s24] =	ssyncadd.s32 $0xFFFFFFFF  }
0xaa: {  	s26 =	simm.s32 $execute0_lowered;
	[smem:$0x3FD2] =	sst s25  }
0xab: {  	s9 =	sshll.u32 s26, $0x1;
	_ =	strace $0x80000046;
	[dreg:$0x1] =	wrdreg $0xFFFFFFFF  }
0xac: {  	s28 =	simm.s32 $_size_execute0_lowered;
	s8 =	sadd.s32 s8, s9;
	[dreg:$0x0] =	wrdreg $0x0  }
0xad: {  	s9 =	sshll.u32 s28, $0x1;
	[dreg:$0x2] =	wrdreg s8  }
0xae: {  	[dreg:$0x3] =	wrdreg s9  }
0xaf: {  	[dreg:$0x4] =	wrdreg $0xC0  }
0xb0: {  	_ =	task [dreg:s12], $0x5FFFF  }
0xb1: {  	[dreg:$0x1] =	wrdreg $0xFFFFFFFF  }
0xb2: {  	[dreg:$0x0] =	wrdreg $0x60  }
0xb3: {  	[dreg:$0x2] =	wrdreg s2  }
0xb4: {  	[dreg:$0x3] =	wrdreg s19  }
0xb5: {  	[dreg:$0x4] =	wrdreg s4  }
0xb6: {  	[dreg:$0x5] =	wrdreg s5  }
0xb7: {  	[dreg:$0x6] =	wrdreg s6  }
0xb8: {  	[dreg:$0x7] =	wrdreg s7  }
0xb9: {  	[dreg:$0x8] =	wrdreg $0x9  }
0xba: {  	_ =	task.clear_ibuf [dreg:s12], $0x9FFFF;
	_ =	strace $0x90000046  }
0xbb: {  	s29 =	simm.s32 $0x9;
	_ =	strace $0x80000048  }
0xbc: {  	_ =	swait.ge [sflag:s29], $0x1  }
0xbd: {  	[sflag:s29] =	ssyncadd.s32 $0xFFFFFFFF  }
0xbe: {  	_ =	strace $0x90000048  }
0xbf: {  	_ =	sfence  }
0xc0: {  	s30 =	sld [smem:$0x0];
	_ =	sdelay $0x2  }
0xc1: {  	s31 =	sshll.u32 s1, $0xD;
	s1 =	sshrl.u32 s1, $0x2  }
0xc2: {  	s3 =	sand.u32 $0x4000, s31;
	s1 =	sadd.s32 s1, s30  }
0xc3: {  	s0 =	sor.u32 s3, s0;
	s1 =	sshll.u32 s1, $0x11  }
0xc4: {  	s0 =	sor.u32 s1, s0  }
0xc5: {  	s0 =	sadd.s32 $0x8F2B, s0  }
0xc6: {  	[sflag:s0] =	ssyncadd.remote.s32 $0x1  }
0xc7: {  	_ =	sfence.sel $0xFFFF  }
0xc8: {  	[dreg:$0x0] =	wrdreg $0xFFFFFFFF;
	(pc) =	sbr.abs _section_cstart, $3  }
0xc9: {  	[dreg:$0x1] =	wrdreg $0xFFFFFFFF  }
0xca: {  	_ =	task.clear_ibuf [dreg:s12], $0x2FFFF;
	_ =	strace $0x9FFFFFFF  }
0xcb: {  	(tm) =	ssettm $0x7FFFFFFF  }
tec
execute0_lowered:
.L_overlay_start_1:
0x0: {  	(tag) =	ssettag $0x1  }
0x1: {  	s0 =	rddreg [dreg:$0x0]  }
0x2: {  	s1 =	rddreg [dreg:$0x1]  }
0x3: {  	s2 =	rddreg [dreg:$0x2]  }
0x4: {  	s11 =	rddreg [dreg:$0x5];
	s3 =	srdreg.scid  }
0x5: {  	s4 =	stileid.u32;
	s7 =	simm.s32 $0x0;
	s3 =	sand.u32 $0x1, s3  }
0x6: {  	s4 =	sshll.u32 s4, $0xB;
	[smem:$0x7FF] =	sst s7;
	s29 =	sadd.s32 $0x100, s1  }
0x7: {  	v1 =	vlaneseq.u32;
	s30 =	sadd.s32 $0x200, s1;
	s5 =	sshll.u32 s3, $0xA;
	s3 =	ssub.s32 $0x2, s3  }
0x8: {  	v2 =	vand.u32 $0x7, v1;
	_ =	strace $0x80000047;
	[dreg:$0x9] =	wrdreg s29;
	s5 =	sor.u32 s5, s4  }
0x9: {  	[tilespmem:$0x1FFD0] =	vst v2;
	v2 =	vshrl.u32 v1, $0x3;
	s28 =	sshrl.u32 s3, $0x1;
	[dreg:$0x7] =	wrdreg s5;
	s5 =	sshrl.u32 s5, $0x3  }
0xa: {  	[dreg:$0xa] =	wrdreg s30;
	v1 =	vor.u32 $0x8, v1;
	v2 =	vmul.u32 $0x8, v2;
	s3 =	ssub.s32 s3, s28;
	s0 =	sadd.s32 s0, s5  }
0xb: {  	s12 =	sadd.s32 $0x100, s2;
	[tilespmem:$0x1FFF0] =	vst v1;
	s31 =	smax.u32 s3, $0x1;
	[dreg:$0x8] =	wrdreg s0  }
0xc: {  	v0 =	vimm.s32 $0x0;
	vm0 =	vmmov $0xffff;
	s13 =	sadd.s32 $0x200, s2;
	s2 =	simm.s32 $0x0;
	[tilespmem:$0x1FFE0] =	vst v2;
	[dreg:$0xb] =	wrdreg s31  }
.LBB2_1:
0xd: {  	[dreg:$0xc] =	wrdreg s2  }
0xe: {  	s0 =	rddreg [dreg:$0x8];
	s1 =	simm.s32 $0x7  }
0xf: {  	[tilespmem:s7], [sflag:$0x7] =	stream.linear.gather [hbm4b:s0+s7], $0x400, $0x38;
	[tilespmem:$0x18E00] =	vst v63  }
0x10: {  	_ =	swait.ge [sflag:s1], $0x400  }
0x11: {  	[sflag:s1] =	ssyncset.done $0x0  }
0x12: {  	[sflag:s1] =	ssyncadd.s32 $0xFFFFFC00  }
0x13: {  	s29 =	simm.s32 $0x18800;
	s28 =	rddreg [dreg:$0x3]  }
0x14: {  	[tilespmem:s29], [sflag:$0x7] =	stream.linear.gather [hbm4b:s28+s7], $0x300, $0x38;
	[tilespmem:$0x18E00] =	vst v63  }
0x15: {  	_ =	swait.ge [sflag:s1], $0x300  }
0x16: {  	[sflag:s1] =	ssyncset.done $0x0  }
0x17: {  	[sflag:s1] =	ssyncadd.s32 $0xFFFFFD00  }
0x18: {  	s31 =	simm.s32 $0x18B00;
	s30 =	rddreg [dreg:$0x4]  }
0x19: {  	[tilespmem:s31], [sflag:$0x7] =	stream.linear.gather [hbm4b:s30+s7], $0x300, $0x38;
	[tilespmem:$0x18E00] =	vst v63  }
0x1a: {  	_ =	swait.ge [sflag:s1], $0x300  }
0x1b: {  	[sflag:s1] =	ssyncset.done $0x0  }
0x1c: {  	s4 =	simm.s32 $0x0;
	[sflag:s1] =	ssyncadd.s32 $0xFFFFFD00  }
0x1d: {  	v1 =	vld [tilespmem:s4+$0x0];
	_ =	sdelay $0x1  }
0x1e: {  	s3 =	simm.s32 $0x10  }
0x1f: {  	s0 =	simm.s32 $0x20;
	v2 =	vld [tilespmem:s3+$0x0]  }
0x20: {  	v3 =	vld [tilespmem:s0+$0x0]  }
0x21: {  	vm1 =	vne.s32 v1, $0x1  }
0x22: {  	v1 =	vsel vm1, $0x1, v0  }
0x23: {  	(xrf0) =	vadd.scan.msk.s32 $0xffff, v1  }
0x24: {  	vm2 =	vne.s32 v2, $0x1  }
0x25: {  	vm3 =	vne.s32 v3, $0x1;
	v1 =	vsel vm2, $0x1, v0  }
0x26: {  	(xrf0) =	vadd.scan.msk.s32 $0xffff, v1;
	v1 =	vsel vm3, $0x1, v0  }
0x27: {  	(xrf0) =	vadd.scan.msk.s32 $0xffff, v1;
	_ =	sdelay $0x1  }
0x28: {  	v3, _, _ =	vpop (xrf0)  }
0x29: {  	(v2sf) =	vpush v3, $0xF;
	_ =	sdelay $0x1  }
0x2a: {  	s5 =	simm.s32 $0x30;
	v2, _, _ =	vpop (xrf0)  }
0x2b: {  	v4 =	vld [tilespmem:s5+$0x0];
	(v2sf) =	vpush v2, $0xF;
	v1, _, _ =	vpop (xrf0)  }
0x2c: {  	(v2sf) =	vpush v1, $0xF;
	_ =	sdelay $0x3  }
0x2d: {  	vm5 =	vne.s32 v4, $0x1  }
0x2e: {  	v5 =	vmov s7;
	s16 =	simm.s32 $0x40;
	vm1 =	vmmov vm1;
	v4 =	vsel vm5, $0x1, v0  }
0x2f: {  	v5 =	vadd.s32 $0x1, v5;
	vm1 =	vmmov vm1;
	(xrf0) =	vadd.scan.msk.s32 $0xffff, v4;
	v4 =	vld [tilespmem:s16+$0x0]  }
0x30: {  	v5 =	vbroadcast v5, $0x0;
	vm2 =	vmmov vm2;
	vm1 =	vmmov vm1  }
0x31: {  	vm2 =	vmmov vm2;
	vm3 =	vmmov vm3;
	vm1 =	vmmov vm1  }
0x32: {  	s17 =	simm.s32 $0x140;
	s18 =	simm.s32 $0x0;
	vm2 =	vmmov vm2;
	vm4 =	vmmov vm3;
	vm3 =	vmmov vm5  }
.LBB2_2:
0x33: {  	s19 =	sshra.s32 s17, $0x2;
	p0 =	sne.s32 s17, $0x7C0  }
.Ltmp0:
0x34: {  	s17 =	sadd.s32 $0x40, s17;
	vm5 =	vne.s32 v4, $0x1;
	v7 =	vadd.s32 v3, v5;
	s20 =	spop (v2sf);
	(pc) =	sbr.rel @p0 .LBB2_2-.Ltmp0, $4  }
0x35: {  	v3 =	vmovc v2;
	v2 =	vmovc v1;
	v4 =	vld [tilespmem:s19+$0x0];
	v5 =	vsel vm5, $0x1, v0;
	v6 =	vnsel vm1, $0x1, v7;
	s18 =	sadd.s32 s18, s20;
	vm1 =	vmmov vm2  }
0x36: {  	vm2 =	vmmov vm4;
	(xrf0) =	vadd.scan.msk.s32 $0xffff, v5;
	v1, _, _ =	vpop (xrf0);
	v5 =	vmov s18;
	[tilespmem:s4+$0x400] =	vst v6;
	s4 =	smov.u32 s3;
	s3 =	smov.u32 s0;
	s0 =	smov.u32 s5  }
0x37: {  	vm4 =	vmmov vm3;
	s5 =	smov.u32 s16;
	s16 =	smov.u32 s19;
	(v2sf) =	vpush v1, $0xF;
	v5 =	vadd.s32 $0x1, v5  }
0x38: {  	vm3 =	vmmov vm5;
	v5 =	vbroadcast v5, $0x0  }
0x39: {  	_ =	sdelay $0x2  }
0x3a: {  	v6, _, _ =	vpop (xrf0)  }
0x3b: {  	(v2sf) =	vpush v6, $0xF;
	_ =	sdelay $0x6  }
0x3c: {  	s17 =	spop (v2sf)  }
0x3d: {  	s17 =	sadd.s32 s18, s17  }
0x3e: {  	v7 =	vmov s17  }
0x3f: {  	v7 =	vadd.s32 $0x1, v7  }
0x40: {  	v3 =	vadd.s32 v3, v5;
	s28 =	spop (v2sf);
	v5 =	vbroadcast v7, $0x0  }
0x41: {  	vm3 =	vmmov vm3;
	vm5 =	vne.s32 v4, $0x1;
	s17 =	sadd.s32 s17, s28  }
0x42: {  	v4 =	vsel vm5, $0x1, v0;
	v2 =	vadd.s32 v2, v5;
	v5 =	vmov s17  }
0x43: {  	v3 =	vnsel vm1, $0x1, v3;
	vm1 =	vmmov vm2;
	(xrf0) =	vadd.scan.msk.s32 $0xffff, v4;
	v4 =	vadd.s32 $0x1, v5;
	s29 =	spop (v2sf)  }
0x44: {  	vm2 =	vmmov vm4;
	vm4 =	vmmov vm5;
	v4 =	vbroadcast v4, $0x0;
	s17 =	sadd.s32 s17, s29;
	s30 =	spop (v2sf)  }
0x45: {  	v2 =	vnsel vm1, $0x1, v2;
	vm1 =	vmmov vm2;
	v5 =	vmov s17;
	s17 =	sadd.s32 s17, s30  }
0x46: {  	v1 =	vadd.s32 v1, v4;
	v4 =	vadd.s32 $0x1, v5;
	v5 =	vmov s17  }
0x47: {  	vm2 =	vmmov vm3;
	v4 =	vbroadcast v4, $0x0;
	v5 =	vadd.s32 $0x1, v5  }
0x48: {  	[tilespmem:s4+$0x400] =	vst v3;
	vm3 =	vmmov vm4;
	v1 =	vnsel vm1, $0x1, v1;
	v3 =	vbroadcast v5, $0x0  }
0x49: {  	[tilespmem:s3+$0x400] =	vst v2;
	v2, _, _ =	vpop (xrf0);
	vm1 =	vmmov vm2;
	vm2 =	vmmov vm3;
	v4 =	vadd.s32 v6, v4  }
0x4a: {  	[tilespmem:s0+$0x400] =	vst v1;
	v1 =	vnsel vm1, $0x1, v4;
	vm1 =	vmmov vm2;
	v3 =	vadd.s32 v2, v3  }
0x4b: {  	[tilespmem:s5+$0x400] =	vst v1;
	v1 =	vnsel vm1, $0x1, v3  }
0x4c: {  	s4 =	simm.s32 $0x0;
	[tilespmem:s16+$0x400] =	vst v1  }
0x4d: {  	v1 =	vld [tilespmem:s4+$0x200];
	_ =	sdelay $0x1  }
0x4e: {  	s3 =	simm.s32 $0x10  }
0x4f: {  	s0 =	simm.s32 $0x20;
	v3 =	vld [tilespmem:s3+$0x200]  }
0x50: {  	(v2sf) =	vpush v2, $0xF;
	v2 =	vld [tilespmem:s0+$0x200]  }
0x51: {  	vm1 =	vne.s32 v1, $0x1  }
0x52: {  	v1 =	vsel vm1, $0x1, v0  }
0x53: {  	(xrf0) =	vadd.scan.msk.s32 $0xffff, v1  }
0x54: {  	vm2 =	vne.s32 v3, $0x1  }
0x55: {  	vm3 =	vne.s32 v2, $0x1;
	v1 =	vsel vm2, $0x1, v0  }
0x56: {  	(xrf0) =	vadd.scan.msk.s32 $0xffff, v1;
	v1 =	vsel vm3, $0x1, v0  }
0x57: {  	s5 =	simm.s32 $0x30;
	(xrf0) =	vadd.scan.msk.s32 $0xffff, v1  }
0x58: {  	v3 =	vld [tilespmem:s5+$0x200]  }
0x59: {  	v2, _, _ =	vpop (xrf0)  }
0x5a: {  	(v2sf) =	vpush v2, $0xF;
	_ =	sdelay $0x1  }
0x5b: {  	v1, _, _ =	vpop (xrf0)  }
0x5c: {  	vm5 =	vne.s32 v3, $0x1;
	(v2sf) =	vpush v1, $0xF;
	v3, _, _ =	vpop (xrf0)  }
0x5d: {  	(v2sf) =	vpush v3, $0xF;
	_ =	sdelay $0x3  }
0x5e: {  	s17 =	simm.s32 $0x0  }
0x5f: {  	v5 =	vmov s17;
	s16 =	simm.s32 $0x40;
	vm1 =	vmmov vm1;
	v4 =	vsel vm5, $0x1, v0  }
0x60: {  	v5 =	vadd.s32 $0x1, v5;
	vm1 =	vmmov vm1;
	(xrf0) =	vadd.scan.msk.s32 $0xffff, v4;
	v4 =	vld [tilespmem:s16+$0x200]  }
0x61: {  	v5 =	vbroadcast v5, $0x0;
	vm2 =	vmmov vm2;
	vm1 =	vmmov vm1  }
0x62: {  	vm2 =	vmmov vm2;
	vm3 =	vmmov vm3;
	vm1 =	vmmov vm1  }
0x63: {  	s18 =	simm.s32 $0x140;
	s31 =	spop (v2sf);
	vm2 =	vmmov vm2;
	vm4 =	vmmov vm3;
	vm3 =	vmmov vm5  }
.LBB2_4:
0x64: {  	s19 =	sshra.s32 s18, $0x2;
	p0 =	sne.s32 s18, $0x7C0  }
.Ltmp1:
0x65: {  	s18 =	sadd.s32 $0x40, s18;
	vm5 =	vne.s32 v4, $0x1;
	v7 =	vadd.s32 v2, v5;
	s20 =	spop (v2sf);
	(pc) =	sbr.rel @p0 .LBB2_4-.Ltmp1, $4  }
0x66: {  	v2 =	vmovc v1;
	v1 =	vmovc v3;
	v4 =	vld [tilespmem:s19+$0x200];
	v5 =	vsel vm5, $0x1, v0;
	v6 =	vnsel vm1, $0x1, v7;
	s17 =	sadd.s32 s17, s20;
	vm1 =	vmmov vm2  }
0x67: {  	vm2 =	vmmov vm4;
	(xrf0) =	vadd.scan.msk.s32 $0xffff, v5;
	v3, _, _ =	vpop (xrf0);
	v5 =	vmov s17;
	[tilespmem:s4+$0x600] =	vst v6;
	s4 =	smov.u32 s3;
	s3 =	smov.u32 s0;
	s0 =	smov.u32 s5  }
0x68: {  	vm4 =	vmmov vm3;
	s5 =	smov.u32 s16;
	s16 =	smov.u32 s19;
	(v2sf) =	vpush v3, $0xF;
	v5 =	vadd.s32 $0x1, v5  }
0x69: {  	vm3 =	vmmov vm5;
	v5 =	vbroadcast v5, $0x0  }
0x6a: {  	_ =	sdelay $0x2  }
0x6b: {  	v6, _, _ =	vpop (xrf0)  }
0x6c: {  	(v2sf) =	vpush v6, $0xF;
	_ =	sdelay $0x8  }
0x6d: {  	s18 =	spop (v2sf)  }
0x6e: {  	v0 =	vimm.s32 $0x0;
	s17 =	sadd.s32 s17, s18;
	s23 =	spop (v2sf)  }
0x6f: {  	vm5 =	vne.s32 v4, $0x1;
	v2 =	vadd.s32 v2, v5;
	v7 =	vmov s17;
	s17 =	sadd.s32 s17, s23  }
0x70: {  	v9 =	vsel vm5, $0x1, v0;
	v7 =	vadd.s32 $0x1, v7;
	v8 =	vmov s17  }
0x71: {  	v2 =	vnsel vm1, $0x1, v2;
	v46 =	vbroadcast v7, $0x0;
	v47 =	vadd.s32 $0x1, v8  }
0x72: {  	vm1 =	vmmov vm2;
	vm2 =	vmmov vm3;
	(xrf0) =	vadd.scan.msk.s32 $0xffff, v9;
	v7 =	vbroadcast v47, $0x0;
	s24 =	spop (v2sf)  }
0x73: {  	vm3 =	vmmov vm5;
	vm2 =	vmmov vm2;
	v1 =	vadd.s32 v1, v46;
	s17 =	sadd.s32 s17, s24;
	s25 =	spop (v2sf)  }
0x74: {  	v3 =	vadd.s32 v3, v7;
	v1 =	vnsel vm1, $0x1, v1;
	v48 =	vmov s17;
	s17 =	sadd.s32 s17, s25  }
0x75: {  	vm1 =	vmmov vm4;
	v49 =	vadd.s32 $0x1, v48;
	v10 =	vmov s17  }
0x76: {  	vm1 =	vmmov vm1;
	v4 =	vbroadcast v49, $0x0;
	v50 =	vadd.s32 $0x1, v10  }
0x77: {  	[tilespmem:s4+$0x600] =	vst v2;
	vm3 =	vmmov vm3;
	v51 =	vnsel vm1, $0x1, v3;
	v52 =	vbroadcast v50, $0x0  }
0x78: {  	[tilespmem:s3+$0x600] =	vst v1;
	v53, _, _ =	vpop (xrf0);
	vm1 =	vmmov vm2;
	vm2 =	vmmov vm3;
	v4 =	vadd.s32 v6, v4  }
0x79: {  	[tilespmem:s0+$0x600] =	vst v51;
	v54 =	vnsel vm1, $0x1, v4;
	vm1 =	vmmov vm2;
	v3 =	vadd.s32 v53, v52  }
0x7a: {  	[tilespmem:s5+$0x600] =	vst v54;
	v55 =	vnsel vm1, $0x1, v3  }
0x7b: {  	[tilespmem:s16+$0x600] =	vst v55  }
0x7c: {  	v2 =	vld [tilespmem:$0x0];
	_ =	sdelay $0x3  }
0x7d: {  	v57 =	vld [tilespmem:$0x1FFD0]  }
0x7e: {  	v56 =	vshrl.u32 v2, $0x3  }
0x7f: {  	v58 =	vld [tilespmem:$0x1FFE0];
	v3 =	vmul.u32 $0x30, v56  }
0x80: {  	v2 =	vand.u32 $0x7, v2  }
0x81: {  	v2 =	vor.u32 v2, v3  }
0x82: {  	v3 =	vperm.xlane v2, v57  }
0x83: {  	v59 =	vld [tilespmem:$0x1FFF0]  }
0x84: {  	v3 =	vadd.s32 v58, v3;
	_ =	sdelay $0x3  }
0x85: {  	s26 =	rddreg [dreg:$0x1];
	s1 =	simm.s32 $0x800;
	s25 =	simm.s32 $0x0;
	v2 =	vperm.xlane v2, v59  }
0x86: {  	[tilespmem:s1], [sflag:$0x1] =	stream.indirect_vreg.gather [hbm4b:s26+s25], $0x80, v3, vm0, $0xb8;
	[tilespmem:$0x18E00] =	vst v63  }
0x87: {  	s28 =	rddreg [dreg:$0x9];
	s2 =	simm.s32 $0x1000;
	v2 =	vadd.s32 v58, v2  }
0x88: {  	[tilespmem:s2], [sflag:$0x1] =	stream.indirect_vreg.gather [hbm4b:s28+s25], $0x80, v3, vm0, $0xb8;
	[tilespmem:$0x18E00] =	vst v63  }
0x89: {  	s29 =	rddreg [dreg:$0xa];
	s30 =	simm.s32 $0x1800  }
0x8a: {  	[tilespmem:s30], [sflag:$0x1] =	stream.indirect_vreg.gather [hbm4b:s29+s25], $0x80, v3, vm0, $0xb8;
	[tilespmem:$0x18E00] =	vst v63  }
0x8b: {  	s31 =	simm.s32 $0x2000  }
0x8c: {  	[tilespmem:s31], [sflag:$0x1] =	stream.indirect_vreg.gather [hbm4b:s26+s25], $0x80, v2, vm0, $0xb8;
	[tilespmem:$0x18E00] =	vst v63  }
0x8d: {  	s4 =	simm.s32 $0x2800  }
0x8e: {  	[tilespmem:s4], [sflag:$0x1] =	stream.indirect_vreg.gather [hbm4b:s28+s25], $0x80, v2, vm0, $0xb8;
	[tilespmem:$0x18E00] =	vst v63  }
0x8f: {  	s5 =	simm.s32 $0x3000  }
0x90: {  	[tilespmem:s5], [sflag:$0x1] =	stream.indirect_vreg.gather [hbm4b:s29+s25], $0x80, v2, vm0, $0xb8;
	[tilespmem:$0x18E00] =	vst v63  }
0x91: {  	v2 =	vld [tilespmem:$0x10];
	_ =	sdelay $0x4  }
0x92: {  	v60 =	vshrl.u32 v2, $0x3  }
0x93: {  	v3 =	vmul.u32 $0x30, v60  }
0x94: {  	v2 =	vand.u32 $0x7, v2  }
0x95: {  	v2 =	vor.u32 v2, v3  }
0x96: {  	v3 =	vperm.xlane v2, v57;
	_ =	sdelay $0x1  }
0x97: {  	v3 =	vadd.s32 v58, v3;
	_ =	sdelay $0x3  }
0x98: {  	s6 =	simm.s32 $0x3800;
	v2 =	vperm.xlane v2, v59  }
0x99: {  	[tilespmem:s6], [sflag:$0x1] =	stream.indirect_vreg.gather [hbm4b:s26+s25], $0x80, v3, vm0, $0xb8;
	[tilespmem:$0x18E00] =	vst v63  }
0x9a: {  	s8 =	simm.s32 $0x4000;
	v2 =	vadd.s32 v58, v2  }
0x9b: {  	[tilespmem:s8], [sflag:$0x1] =	stream.indirect_vreg.gather [hbm4b:s28+s25], $0x80, v3, vm0, $0xb8;
	[tilespmem:$0x18E00] =	vst v63  }
0x9c: {  	s9 =	simm.s32 $0x4800  }
0x9d: {  	[tilespmem:s9], [sflag:$0x1] =	stream.indirect_vreg.gather [hbm4b:s29+s25], $0x80, v3, vm0, $0xb8;
	[tilespmem:$0x18E00] =	vst v63  }
0x9e: {  	s10 =	simm.s32 $0x5000  }
0x9f: {  	[tilespmem:s10], [sflag:$0x1] =	stream.indirect_vreg.gather [hbm4b:s26+s25], $0x80, v2, vm0, $0xb8;
	[tilespmem:$0x18E00] =	vst v63  }
0xa0: {  	s14 =	simm.s32 $0x5800  }
0xa1: {  	[tilespmem:s14], [sflag:$0x1] =	stream.indirect_vreg.gather [hbm4b:s28+s25], $0x80, v2, vm0, $0xb8;
	[tilespmem:$0x18E00] =	vst v63  }
0xa2: {  	s15 =	simm.s32 $0x6000  }
0xa3: {  	[tilespmem:s15], [sflag:$0x1] =	stream.indirect_vreg.gather [hbm4b:s29+s25], $0x80, v2, vm0, $0xb8;
	[tilespmem:$0x18E00] =	vst v63  }
0xa4: {  	v2 =	vld [tilespmem:$0x400];
	_ =	sdelay $0x4  }
0xa5: {  	v61 =	vshrl.u32 v2, $0x3  }
0xa6: {  	v3 =	vmul.u32 $0x30, v61  }
0xa7: {  	v2 =	vand.u32 $0x7, v2  }
0xa8: {  	v2 =	vor.u32 v2, v3  }
0xa9: {  	v3 =	vperm.xlane v2, v57;
	_ =	sdelay $0x1  }
0xaa: {  	v3 =	vadd.s32 v58, v3;
	_ =	sdelay $0x3  }
0xab: {  	s17 =	simm.s32 $0xC800;
	s16 =	rddreg [dreg:$0x2];
	v2 =	vperm.xlane v2, v59  }
0xac: {  	[tilespmem:s17], [sflag:$0x3] =	stream.indirect_vreg.gather [hbm4b:s16+s25], $0x80, v3, vm0, $0xb8;
	[tilespmem:$0x18E00] =	vst v63  }
0xad: {  	s18 =	simm.s32 $0xD000;
	v2 =	vadd.s32 v58, v2  }
0xae: {  	[tilespmem:s18], [sflag:$0x3] =	stream.indirect_vreg.gather [hbm4b:s12+s25], $0x80, v3, vm0, $0xb8;
	[tilespmem:$0x18E00] =	vst v63  }
0xaf: {  	s19 =	simm.s32 $0xD800  }
0xb0: {  	[tilespmem:s19], [sflag:$0x3] =	stream.indirect_vreg.gather [hbm4b:s13+s25], $0x80, v3, vm0, $0xb8;
	[tilespmem:$0x18E00] =	vst v63  }
0xb1: {  	s20 =	simm.s32 $0xE000  }
0xb2: {  	[tilespmem:s20], [sflag:$0x3] =	stream.indirect_vreg.gather [hbm4b:s16+s25], $0x80, v2, vm0, $0xb8;
	[tilespmem:$0x18E00] =	vst v63  }
0xb3: {  	s21 =	simm.s32 $0xE800  }
0xb4: {  	[tilespmem:s21], [sflag:$0x3] =	stream.indirect_vreg.gather [hbm4b:s12+s25], $0x80, v2, vm0, $0xb8;
	[tilespmem:$0x18E00] =	vst v63  }
0xb5: {  	s22 =	simm.s32 $0xF000  }
0xb6: {  	[tilespmem:s22], [sflag:$0x3] =	stream.indirect_vreg.gather [hbm4b:s13+s25], $0x80, v2, vm0, $0xb8;
	[tilespmem:$0x18E00] =	vst v63  }
0xb7: {  	v2 =	vld [tilespmem:$0x410];
	_ =	sdelay $0x4  }
0xb8: {  	v62 =	vshrl.u32 v2, $0x3  }
0xb9: {  	v3 =	vmul.u32 $0x30, v62  }
0xba: {  	v2 =	vand.u32 $0x7, v2  }
0xbb: {  	v2 =	vor.u32 v2, v3  }
0xbc: {  	v3 =	vperm.xlane v2, v57  }
0xbd: {  	(v2sf) =	vpush v53, $0xF  }
0xbe: {  	v3 =	vadd.s32 v58, v3;
	_ =	sdelay $0x3  }
0xbf: {  	s23 =	simm.s32 $0xF800;
	v63 =	vperm.xlane v2, v59  }
0xc0: {  	[tilespmem:s23], [sflag:$0x3] =	stream.indirect_vreg.gather [hbm4b:s16+s25], $0x80, v3, vm0, $0xb8;
	[tilespmem:$0x18E00] =	vst v63  }
0xc1: {  	s24 =	simm.s32 $0x10000;
	v1 =	vadd.s32 v58, v63  }
0xc2: {  	[tilespmem:s24], [sflag:$0x3] =	stream.indirect_vreg.gather [hbm4b:s12+s25], $0x80, v3, vm0, $0xb8;
	[tilespmem:$0x18E00] =	vst v63  }
0xc3: {  	s26 =	simm.s32 $0x10800  }
0xc4: {  	[tilespmem:s26], [sflag:$0x3] =	stream.indirect_vreg.gather [hbm4b:s13+s25], $0x80, v3, vm0, $0xb8;
	[tilespmem:$0x18E00] =	vst v63  }
0xc5: {  	s28 =	simm.s32 $0x11000  }
0xc6: {  	[tilespmem:s28], [sflag:$0x3] =	stream.indirect_vreg.gather [hbm4b:s16+s25], $0x80, v1, vm0, $0xb8;
	[tilespmem:$0x18E00] =	vst v63  }
0xc7: {  	s29 =	simm.s32 $0x11800  }
0xc8: {  	[tilespmem:s29], [sflag:$0x3] =	stream.indirect_vreg.gather [hbm4b:s12+s25], $0x80, v1, vm0, $0xb8;
	[tilespmem:$0x18E00] =	vst v63  }
0xc9: {  	s30 =	simm.s32 $0x12000;
	s31 =	spop (v2sf)  }
0xca: {  	[tilespmem:s30], [sflag:$0x3] =	stream.indirect_vreg.gather [hbm4b:s13+s25], $0x80, v1, vm0, $0xb8;
	[tilespmem:$0x18E00] =	vst v63  }
.LBB2_6:
0xcb: {  	s26 =	sand.u32 $0x1, s25  }
0xcc: {  	p0 =	seq.s32 s25, $0x0;
	s3 =	sxor.u32 $0x1, s26  }
0xcd: {  	p1 =	seq.s32 @!p0 s25, $0x1F;
	s0 =	sadd.s32 @!p0 $0x5, s3  }
0xce: {  	p1 =	por p0, !p1;
	_ =	swait.ge @!p0 [sflag:s0], $0x3000  }
.Ltmp2:
0xcf: {  	[sflag:s0] =	ssyncset.done @!p0 $0x0;
	(pc) =	sbr.rel @!p1 .LBB2_8-.Ltmp2, $4  }
0xd0: {  	[sflag:s0] =	ssyncadd.s32 @!p0 $0xFFFFD000  }
0xd1: {  	_ =	swait.ge @!p0 [sflag:s0], $0x3000  }
0xd2: {  	[sflag:s0] =	ssyncset.done @!p0 $0x0  }
0xd3: {  	[sflag:s0] =	ssyncadd.s32 @!p0 $0xFFFFD000  }
0xd4: {  	s4 =	sshll.u32 s25, $0x5  }
0xd5: {  	v1 =	vld [tilespmem:s4+$0x20];
	_ =	sdelay $0x3  }
0xd6: {  	v0 =	vld [tilespmem:$0x1FFD0]  }
0xd7: {  	v2 =	vshrl.u32 v1, $0x3  }
0xd8: {  	v3 =	vld [tilespmem:$0x1FFE0];
	v2 =	vmul.u32 $0x30, v2  }
0xd9: {  	v1 =	vand.u32 $0x7, v1  }
0xda: {  	v1 =	vor.u32 v1, v2  }
0xdb: {  	v2 =	vperm.xlane v1, v0  }
0xdc: {  	v4 =	vld [tilespmem:$0x1FFF0]  }
0xdd: {  	v2 =	vadd.s32 v3, v2;
	_ =	sdelay $0x1  }
0xde: {  	s0 =	smul.u32 $0x6000, s3;
	_ =	sdelay $0x1  }
0xdf: {  	s16 =	sadd.s32 $0x1, s3;
	s1 =	rddreg [dreg:$0x1];
	s5 =	sor.u32 $0x800, s0;
	v1 =	vperm.xlane v1, v4  }
0xe0: {  	[tilespmem:s5], [sflag:s16] =	stream.indirect_vreg.gather [hbm4b:s1+s7], $0x80, v2, vm0, $0xb8;
	[tilespmem:$0x18E00] =	vst v63  }
0xe1: {  	s2 =	rddreg [dreg:$0x9];
	s23 =	sor.u32 $0x1000, s0;
	v1 =	vadd.s32 v3, v1  }
0xe2: {  	[tilespmem:s23], [sflag:s16] =	stream.indirect_vreg.gather [hbm4b:s2+s7], $0x80, v2, vm0, $0xb8;
	[tilespmem:$0x18E00] =	vst v63  }
0xe3: {  	s6 =	rddreg [dreg:$0xa];
	s24 =	sor.u32 $0x1800, s0  }
0xe4: {  	[tilespmem:s24], [sflag:s16] =	stream.indirect_vreg.gather [hbm4b:s6+s7], $0x80, v2, vm0, $0xb8;
	[tilespmem:$0x18E00] =	vst v63  }
0xe5: {  	s28 =	sadd.s32 $0x2000, s0  }
0xe6: {  	[tilespmem:s28], [sflag:s16] =	stream.indirect_vreg.gather [hbm4b:s1+s7], $0x80, v1, vm0, $0xb8;
	[tilespmem:$0x18E00] =	vst v63  }
0xe7: {  	s29 =	sadd.s32 $0x2800, s0  }
0xe8: {  	[tilespmem:s29], [sflag:s16] =	stream.indirect_vreg.gather [hbm4b:s2+s7], $0x80, v1, vm0, $0xb8;
	[tilespmem:$0x18E00] =	vst v63  }
0xe9: {  	s30 =	sadd.s32 $0x3000, s0  }
0xea: {  	[tilespmem:s30], [sflag:s16] =	stream.indirect_vreg.gather [hbm4b:s6+s7], $0x80, v1, vm0, $0xb8;
	[tilespmem:$0x18E00] =	vst v63  }
0xeb: {  	v1 =	vld [tilespmem:s4+$0x30];
	_ =	sdelay $0x4  }
0xec: {  	v61 =	vshrl.u32 v1, $0x3  }
0xed: {  	v2 =	vmul.u32 $0x30, v61  }
0xee: {  	v1 =	vand.u32 $0x7, v1  }
0xef: {  	v1 =	vor.u32 v1, v2  }
0xf0: {  	v2 =	vperm.xlane v1, v0;
	_ =	sdelay $0x1  }
0xf1: {  	v2 =	vadd.s32 v3, v2;
	_ =	sdelay $0x3  }
0xf2: {  	s31 =	sadd.s32 $0x3800, s0;
	v1 =	vperm.xlane v1, v4  }
0xf3: {  	[tilespmem:s31], [sflag:s16] =	stream.indirect_vreg.gather [hbm4b:s1+s7], $0x80, v2, vm0, $0xb8;
	[tilespmem:$0x18E00] =	vst v63  }
0xf4: {  	s8 =	sadd.s32 $0x4000, s0;
	v1 =	vadd.s32 v3, v1  }
0xf5: {  	[tilespmem:s8], [sflag:s16] =	stream.indirect_vreg.gather [hbm4b:s2+s7], $0x80, v2, vm0, $0xb8;
	[tilespmem:$0x18E00] =	vst v63  }
0xf6: {  	s9 =	sadd.s32 $0x4800, s0  }
0xf7: {  	[tilespmem:s9], [sflag:s16] =	stream.indirect_vreg.gather [hbm4b:s6+s7], $0x80, v2, vm0, $0xb8;
	[tilespmem:$0x18E00] =	vst v63  }
0xf8: {  	s10 =	sadd.s32 $0x5000, s0  }
0xf9: {  	[tilespmem:s10], [sflag:s16] =	stream.indirect_vreg.gather [hbm4b:s1+s7], $0x80, v1, vm0, $0xb8;
	[tilespmem:$0x18E00] =	vst v63  }
0xfa: {  	s14 =	sadd.s32 $0x5800, s0  }
0xfb: {  	[tilespmem:s14], [sflag:s16] =	stream.indirect_vreg.gather [hbm4b:s2+s7], $0x80, v1, vm0, $0xb8;
	[tilespmem:$0x18E00] =	vst v63  }
0xfc: {  	s15 =	sadd.s32 $0x6000, s0  }
0xfd: {  	[tilespmem:s15], [sflag:s16] =	stream.indirect_vreg.gather [hbm4b:s6+s7], $0x80, v1, vm0, $0xb8;
	[tilespmem:$0x18E00] =	vst v63  }
0xfe: {  	v1 =	vld [tilespmem:s4+$0x420];
	_ =	sdelay $0x4  }
0xff: {  	v62 =	vshrl.u32 v1, $0x3  }
0x100: {  	v2 =	vmul.u32 $0x30, v62  }
0x101: {  	v1 =	vand.u32 $0x7, v1  }
0x102: {  	v1 =	vor.u32 v1, v2  }
0x103: {  	v2 =	vperm.xlane v1, v0;
	_ =	sdelay $0x1  }
0x104: {  	v2 =	vadd.s32 v3, v2;
	_ =	sdelay $0x3  }
0x105: {  	s17 =	sadd.s32 $0x3, s3;
	s18 =	rddreg [dreg:$0x2];
	s16 =	sadd.s32 $0xC800, s0;
	v1 =	vperm.xlane v1, v4  }
0x106: {  	[tilespmem:s16], [sflag:s17] =	stream.indirect_vreg.gather [hbm4b:s18+s7], $0x80, v2, vm0, $0xb8;
	[tilespmem:$0x18E00] =	vst v63  }
0x107: {  	s19 =	sadd.s32 $0xD000, s0;
	v1 =	vadd.s32 v3, v1  }
0x108: {  	[tilespmem:s19], [sflag:s17] =	stream.indirect_vreg.gather [hbm4b:s12+s7], $0x80, v2, vm0, $0xb8;
	[tilespmem:$0x18E00] =	vst v63  }
0x109: {  	s20 =	sadd.s32 $0xD800, s0  }
0x10a: {  	[tilespmem:s20], [sflag:s17] =	stream.indirect_vreg.gather [hbm4b:s13+s7], $0x80, v2, vm0, $0xb8;
	[tilespmem:$0x18E00] =	vst v63  }
0x10b: {  	s21 =	sadd.s32 $0xE000, s0  }
0x10c: {  	[tilespmem:s21], [sflag:s17] =	stream.indirect_vreg.gather [hbm4b:s18+s7], $0x80, v1, vm0, $0xb8;
	[tilespmem:$0x18E00] =	vst v63  }
0x10d: {  	s22 =	sadd.s32 $0xE800, s0  }
0x10e: {  	[tilespmem:s22], [sflag:s17] =	stream.indirect_vreg.gather [hbm4b:s12+s7], $0x80, v1, vm0, $0xb8;
	[tilespmem:$0x18E00] =	vst v63  }
0x10f: {  	s23 =	sadd.s32 $0xF000, s0  }
0x110: {  	[tilespmem:s23], [sflag:s17] =	stream.indirect_vreg.gather [hbm4b:s13+s7], $0x80, v1, vm0, $0xb8;
	[tilespmem:$0x18E00] =	vst v63  }
0x111: {  	v1 =	vld [tilespmem:s4+$0x430];
	_ =	sdelay $0x4  }
0x112: {  	v63 =	vshrl.u32 v1, $0x3  }
0x113: {  	v2 =	vmul.u32 $0x30, v63  }
0x114: {  	v1 =	vand.u32 $0x7, v1  }
0x115: {  	v1 =	vor.u32 v1, v2  }
0x116: {  	v2 =	vperm.xlane v1, v0;
	_ =	sdelay $0x1  }
0x117: {  	v2 =	vadd.s32 v3, v2;
	_ =	sdelay $0x3  }
0x118: {  	s24 =	sadd.s32 $0xF800, s0;
	v1 =	vperm.xlane v1, v4  }
0x119: {  	[tilespmem:s24], [sflag:s17] =	stream.indirect_vreg.gather [hbm4b:s18+s7], $0x80, v2, vm0, $0xb8;
	[tilespmem:$0x18E00] =	vst v63  }
0x11a: {  	s28 =	sor.u32 $0x10000, s0;
	v1 =	vadd.s32 v3, v1  }
0x11b: {  	[tilespmem:s28], [sflag:s17] =	stream.indirect_vreg.gather [hbm4b:s12+s7], $0x80, v2, vm0, $0xb8;
	[tilespmem:$0x18E00] =	vst v63  }
0x11c: {  	s29 =	sor.u32 $0x10800, s0  }
0x11d: {  	[tilespmem:s29], [sflag:s17] =	stream.indirect_vreg.gather [hbm4b:s13+s7], $0x80, v2, vm0, $0xb8;
	[tilespmem:$0x18E00] =	vst v63  }
0x11e: {  	s30 =	sor.u32 $0x11000, s0  }
0x11f: {  	[tilespmem:s30], [sflag:s17] =	stream.indirect_vreg.gather [hbm4b:s18+s7], $0x80, v1, vm0, $0xb8;
	[tilespmem:$0x18E00] =	vst v63  }
0x120: {  	s31 =	sor.u32 $0x11800, s0  }
0x121: {  	[tilespmem:s31], [sflag:s17] =	stream.indirect_vreg.gather [hbm4b:s12+s7], $0x80, v1, vm0, $0xb8;
	[tilespmem:$0x18E00] =	vst v63  }
0x122: {  	s0 =	sadd.s32 $0x12000, s0  }
0x123: {  	[tilespmem:s0], [sflag:s17] =	stream.indirect_vreg.gather [hbm4b:s13+s7], $0x80, v1, vm0, $0xb8;
	[tilespmem:$0x18E00] =	vst v63  }
.LBB2_8:
0x124: {  	s0 =	sadd.s32 $0x1, s26  }
0x125: {  	_ =	swait.ge [sflag:s0], $0x6000  }
0x126: {  	s28 =	smul.u32 $0x6000, s26;
	s19 =	simm.s32 $0x0;
	[sflag:s0] =	ssyncset.done $0x0  }
0x127: {  	s18 =	sadd.s32 $0x3, s26;
	[sflag:s0] =	ssyncadd.s32 $0xFFFFA000;
	s0 =	smul.u32 $0x1800, s19  }
0x128: {  	s1 =	simm.s32 $0x0;
	_ =	swait.ge [sflag:s18], $0x6000  }
0x129: {  	s20 =	sand.u32 $0x300, s1;
	[sflag:s18] =	ssyncset.done $0x0;
	s4 =	sadd.s32 s28, s0  }
0x12a: {  	[sflag:s18] =	ssyncadd.s32 $0xFFFFA000;
	s16 =	sor.u32 s20, s4  }
0x12b: {  	v1 =	vld [tilespmem:s16+$0x800]  }
0x12c: {  	v2 =	vld [tilespmem:s16+$0xC800]  }
0x12d: {  	v3 =	vld [tilespmem:s16+$0x810]  }
0x12e: {  	v4 =	vld [tilespmem:s16+$0xC810]  }
0x12f: {  	v5 =	vld [tilespmem:s16+$0x820]  }
0x130: {  	v6 =	vld [tilespmem:s16+$0xC820]  }
0x131: {  	v7 =	vld [tilespmem:s16+$0x830]  }
0x132: {  	v8 =	vld [tilespmem:s16+$0xC830]  }
0x133: {  	v9 =	vld [tilespmem:s16+$0x840]  }
0x134: {  	v10 =	vld [tilespmem:s16+$0xC840]  }
0x135: {  	v11 =	vld [tilespmem:s16+$0x850]  }
0x136: {  	v12 =	vld [tilespmem:s16+$0xC850]  }
0x137: {  	v13 =	vld [tilespmem:s16+$0x860]  }
0x138: {  	v16 =	vld [tilespmem:s16+$0xC860]  }
0x139: {  	v17 =	vld [tilespmem:s16+$0x870]  }
0x13a: {  	v18 =	vld [tilespmem:s16+$0xC870]  }
0x13b: {  	v19 =	vld [tilespmem:s16+$0xC00]  }
0x13c: {  	v20 =	vld [tilespmem:s16+$0xCC00]  }
0x13d: {  	v21 =	vld [tilespmem:s16+$0xC10]  }
0x13e: {  	v22 =	vld [tilespmem:s16+$0xCC10]  }
0x13f: {  	v23 =	vld [tilespmem:s16+$0xC20]  }
0x140: {  	v25 =	vld [tilespmem:s16+$0xCC20]  }
0x141: {  	v27 =	vld [tilespmem:s16+$0xC30]  }
0x142: {  	v28 =	vld [tilespmem:s16+$0xCC30]  }
0x143: {  	v29 =	vld [tilespmem:s16+$0xC40]  }
0x144: {  	v31 =	vld [tilespmem:s16+$0xCC40]  }
0x145: {  	v32 =	vld [tilespmem:s16+$0xC50]  }
0x146: {  	v33 =	vld [tilespmem:s16+$0xCC50]  }
0x147: {  	v34 =	vld [tilespmem:s16+$0xC60]  }
0x148: {  	s3 =	simm.s32 $0x80;
	v35 =	vld [tilespmem:s16+$0xCC60]  }
0x149: {  	s3 =	sand.u32 $0x380, s3;
	v36 =	vld [tilespmem:s16+$0xC70]  }
0x14a: {  	s5 =	sor.u32 s3, s4;
	v37 =	vld [tilespmem:s16+$0xCC70]  }
0x14b: {  	v38 =	vld [tilespmem:s5+$0x800]  }
0x14c: {  	v39 =	vld [tilespmem:s5+$0xC800]  }
0x14d: {  	v42 =	vld [tilespmem:s5+$0x810]  }
0x14e: {  	v43 =	vld [tilespmem:s5+$0xC810]  }
0x14f: {  	v44 =	vld [tilespmem:s5+$0x820]  }
0x150: {  	v45 =	vld [tilespmem:s5+$0xC820]  }
0x151: {  	v53 =	vld [tilespmem:s5+$0x830]  }
0x152: {  	v54 =	vld [tilespmem:s5+$0xC830]  }
0x153: {  	v55 =	vld [tilespmem:s5+$0x840]  }
0x154: {  	v56 =	vld [tilespmem:s5+$0xC840]  }
0x155: {  	v57 =	vld [tilespmem:s5+$0x850]  }
0x156: {  	v58 =	vld [tilespmem:s5+$0xC850]  }
0x157: {  	v59 =	vld [tilespmem:s5+$0x860]  }
0x158: {  	v60 =	vld [tilespmem:s5+$0xC860];
	v26 =	vadd.f32 v2, v1  }
0x159: {  	v61 =	vld [tilespmem:s5+$0x870];
	v40 =	vadd.f32 v4, v3  }
0x15a: {  	v1 =	vld [tilespmem:s5+$0xC870];
	v46 =	vadd.f32 v6, v5;
	[tilespmem:s16+$0x800] =	vst v26  }
0x15b: {  	v2 =	vld [tilespmem:s5+$0xC00];
	v41 =	vadd.f32 v8, v7;
	[tilespmem:s16+$0x810] =	vst v40  }
0x15c: {  	v3 =	vld [tilespmem:s5+$0xCC00];
	v24 =	vadd.f32 v10, v9;
	[tilespmem:s16+$0x820] =	vst v46  }
0x15d: {  	v4 =	vld [tilespmem:s5+$0xC10];
	v47 =	vadd.f32 v12, v11;
	[tilespmem:s16+$0x830] =	vst v41  }
0x15e: {  	v5 =	vld [tilespmem:s5+$0xCC10];
	v48 =	vadd.f32 v16, v13;
	[tilespmem:s16+$0x840] =	vst v24  }
0x15f: {  	v6 =	vld [tilespmem:s5+$0xC20];
	v49 =	vadd.f32 v18, v17;
	[tilespmem:s16+$0x850] =	vst v47  }
0x160: {  	v7 =	vld [tilespmem:s5+$0xCC20];
	v0 =	vadd.f32 v22, v21;
	[tilespmem:s16+$0x860] =	vst v48  }
0x161: {  	v12 =	vld [tilespmem:s5+$0xC30];
	v30 =	vadd.f32 v20, v19;
	[tilespmem:s16+$0x870] =	vst v49  }
0x162: {  	v13 =	vld [tilespmem:s5+$0xCC30];
	v8 =	vadd.f32 v25, v23;
	[tilespmem:$0x1FB00] =	vst v0  }
0x163: {  	[tilespmem:s16+$0xC00] =	vst v30  }
0x164: {  	v16 =	vld [tilespmem:s5+$0xC40];
	[tilespmem:$0x1FB10] =	vst v8  }
0x165: {  	[tilespmem:s16+$0xC10] =	vst v0;
	v0 =	vadd.f32 v31, v29  }
0x166: {  	v27 =	vadd.f32 v28, v27;
	v17 =	vld [tilespmem:s5+$0xCC40];
	[tilespmem:s16+$0xC20] =	vst v8  }
0x167: {  	v9 =	vadd.f32 v33, v32;
	v18 =	vld [tilespmem:s5+$0xC50];
	[tilespmem:$0x1FB20] =	vst v0  }
0x168: {  	[tilespmem:s16+$0xC30] =	vst v27  }
0x169: {  	v8 =	vadd.f32 v35, v34;
	v19 =	vld [tilespmem:s5+$0xCC50];
	[tilespmem:$0x1FB30] =	vst v9  }
0x16a: {  	[tilespmem:s16+$0xC40] =	vst v0  }
0x16b: {  	v20 =	vld [tilespmem:s5+$0xC60];
	v0 =	vadd.f32 v37, v36;
	[tilespmem:$0x1FB40] =	vst v8  }
0x16c: {  	[tilespmem:s16+$0xC50] =	vst v9  }
0x16d: {  	v21 =	vld [tilespmem:s5+$0xCC60];
	[tilespmem:$0x1FB50] =	vst v0  }
0x16e: {  	v50 =	vadd.f32 v39, v38;
	[tilespmem:s16+$0xC60] =	vst v8  }
0x16f: {  	s21 =	sadd.s32 $0x800, s4;
	v51 =	vadd.f32 v43, v42;
	v22 =	vld [tilespmem:s5+$0xC70];
	[tilespmem:s16+$0xC70] =	vst v0  }
0x170: {  	s18 =	sor.u32 s20, s21;
	v52 =	vadd.f32 v45, v44;
	v23 =	vld [tilespmem:s5+$0xCC70];
	[tilespmem:s5+$0x800] =	vst v50  }
0x171: {  	v53 =	vadd.f32 v54, v53;
	[tilespmem:s5+$0x810] =	vst v51;
	v25 =	vld [tilespmem:s18+$0x800]  }
0x172: {  	v55 =	vadd.f32 v56, v55;
	[tilespmem:s5+$0x820] =	vst v52;
	v31 =	vld [tilespmem:s18+$0xC800]  }
0x173: {  	v54 =	vadd.f32 v58, v57;
	[tilespmem:s5+$0x830] =	vst v53;
	v32 =	vld [tilespmem:s18+$0x810]  }
0x174: {  	v56 =	vadd.f32 v60, v59;
	[tilespmem:s5+$0x840] =	vst v55;
	v33 =	vld [tilespmem:s18+$0xC810]  }
0x175: {  	v57 =	vadd.f32 v1, v61;
	[tilespmem:s5+$0x850] =	vst v54;
	v34 =	vld [tilespmem:s18+$0x820]  }
0x176: {  	v44 =	vadd.f32 v3, v2;
	[tilespmem:s5+$0x860] =	vst v56;
	v35 =	vld [tilespmem:s18+$0xC820]  }
0x177: {  	v42 =	vadd.f32 v5, v4;
	[tilespmem:s5+$0x870] =	vst v57;
	v1 =	vld [tilespmem:s18+$0x830]  }
0x178: {  	v45 =	vadd.f32 v7, v6;
	[tilespmem:s5+$0xC00] =	vst v44;
	v2 =	vld [tilespmem:s18+$0xC830]  }
0x179: {  	v43 =	vadd.f32 v13, v12;
	[tilespmem:s5+$0xC10] =	vst v42;
	v3 =	vld [tilespmem:s18+$0x840]  }
0x17a: {  	v29 =	vadd.f32 v19, v18;
	[tilespmem:s5+$0xC20] =	vst v45;
	v4 =	vld [tilespmem:s18+$0xC840]  }
0x17b: {  	[tilespmem:s5+$0xC30] =	vst v43;
	v6 =	vld [tilespmem:s18+$0x850];
	v0 =	vadd.f32 v23, v22  }
0x17c: {  	v7 =	vld [tilespmem:s18+$0xC850];
	[tilespmem:s5+$0xC50] =	vst v29;
	v28 =	vadd.f32 v21, v20  }
0x17d: {  	v12 =	vld [tilespmem:s18+$0x860];
	[tilespmem:$0x1FB60] =	vst v0  }
0x17e: {  	v38 =	vadd.f32 v17, v16;
	v13 =	vld [tilespmem:s18+$0xC860];
	[tilespmem:s5+$0xC60] =	vst v28  }
0x17f: {  	v16 =	vld [tilespmem:s18+$0x870];
	[tilespmem:s5+$0xC70] =	vst v0  }
0x180: {  	s19 =	sor.u32 s3, s21;
	v17 =	vld [tilespmem:s18+$0xC870];
	[tilespmem:s5+$0xC40] =	vst v38  }
0x181: {  	v18 =	vld [tilespmem:s19+$0x800]  }
0x182: {  	v20 =	vld [tilespmem:s19+$0xC800]  }
0x183: {  	v36 =	vld [tilespmem:s19+$0x810]  }
0x184: {  	v37 =	vld [tilespmem:s19+$0xC810]  }
0x185: {  	v58 =	vld [tilespmem:s19+$0x820]  }
0x186: {  	v5 =	vadd.f32 v33, v32;
	v59 =	vld [tilespmem:s19+$0xC820]  }
0x187: {  	v39 =	vadd.f32 v31, v25;
	v60 =	vld [tilespmem:s19+$0x830]  }
0x188: {  	v0 =	vadd.f32 v35, v34;
	v25 =	vld [tilespmem:s19+$0xC830];
	[tilespmem:$0x1FB70] =	vst v5  }
0x189: {  	[tilespmem:s18+$0x800] =	vst v39  }
0x18a: {  	v32 =	vld [tilespmem:s19+$0x840];
	[tilespmem:$0x1FB80] =	vst v0  }
0x18b: {  	[tilespmem:s18+$0x810] =	vst v5;
	v5 =	vadd.f32 v2, v1;
	_ =	sdelay $0x1  }
0x18c: {  	v33 =	vld [tilespmem:s19+$0xC840];
	[tilespmem:$0x1FB90] =	vst v5  }
0x18d: {  	[tilespmem:s18+$0x820] =	vst v0;
	v0 =	vadd.f32 v4, v3;
	_ =	sdelay $0x1  }
0x18e: {  	v1 =	vld [tilespmem:s19+$0x850];
	v4 =	vadd.f32 v7, v6;
	[tilespmem:$0x1FBD0] =	vst v0  }
0x18f: {  	[tilespmem:s18+$0x830] =	vst v5  }
0x190: {  	v2 =	vld [tilespmem:s19+$0xC850];
	v5 =	vadd.f32 v13, v12;
	[tilespmem:$0x1FBE0] =	vst v4  }
0x191: {  	[tilespmem:s18+$0x840] =	vst v0  }
0x192: {  	v3 =	vld [tilespmem:s19+$0x860];
	v0 =	vadd.f32 v17, v16;
	[tilespmem:$0x1FBF0] =	vst v5  }
0x193: {  	[tilespmem:s18+$0x850] =	vst v4  }
0x194: {  	v13 =	vld [tilespmem:s19+$0xC860];
	[tilespmem:$0x1FC00] =	vst v0  }
0x195: {  	s22 =	sadd.s32 $0xC00, s4;
	v16 =	vld [tilespmem:s19+$0x870];
	[tilespmem:s18+$0x860] =	vst v5  }
0x196: {  	s17 =	sor.u32 s20, s22;
	v17 =	vld [tilespmem:s19+$0xC870];
	[tilespmem:s18+$0x870] =	vst v0  }
0x197: {  	v61 =	vld [tilespmem:s17+$0x800]  }
0x198: {  	v62 =	vld [tilespmem:s17+$0xC800]  }
0x199: {  	v63 =	vld [tilespmem:s17+$0x810]  }
0x19a: {  	v4 =	vld [tilespmem:s17+$0xC810]  }
0x19b: {  	v0 =	vadd.f32 v20, v18;
	v6 =	vld [tilespmem:s17+$0x820]  }
0x19c: {  	v5 =	vadd.f32 v37, v36;
	v12 =	vld [tilespmem:s17+$0xC820]  }
0x19d: {  	v7 =	vld [tilespmem:s17+$0x830];
	[tilespmem:$0x1FBA0] =	vst v0  }
0x19e: {  	v18 =	vld [tilespmem:s17+$0xC830];
	[tilespmem:$0x1FBB0] =	vst v5  }
0x19f: {  	[tilespmem:s19+$0x800] =	vst v0;
	v0 =	vadd.f32 v59, v58;
	_ =	sdelay $0x1  }
0x1a0: {  	v8 =	vld [tilespmem:s17+$0x840];
	[tilespmem:$0x1FBC0] =	vst v0  }
0x1a1: {  	[tilespmem:s19+$0x820] =	vst v0;
	v0 =	vadd.f32 v2, v1  }
0x1a2: {  	v37 =	vadd.f32 v25, v60;
	v58 =	vld [tilespmem:s17+$0xC840];
	[tilespmem:s19+$0x810] =	vst v5  }
0x1a3: {  	v59 =	vld [tilespmem:s17+$0x850];
	v1 =	vadd.f32 v13, v3;
	[tilespmem:$0x1FC20] =	vst v0  }
0x1a4: {  	[tilespmem:s19+$0x830] =	vst v37  }
0x1a5: {  	v5 =	vld [tilespmem:s17+$0xC850];
	[tilespmem:$0x1FC30] =	vst v1  }
0x1a6: {  	[tilespmem:s19+$0x850] =	vst v0;
	v0 =	vadd.f32 v17, v16  }
0x1a7: {  	v2 =	vadd.f32 v33, v32  }
0x1a8: {  	v3 =	vld [tilespmem:s17+$0x860];
	[tilespmem:$0x1FC40] =	vst v0  }
0x1a9: {  	v60 =	vld [tilespmem:s17+$0xC860];
	[tilespmem:$0x1FC10] =	vst v2  }
0x1aa: {  	[tilespmem:s19+$0x860] =	vst v1  }
0x1ab: {  	v17 =	vld [tilespmem:s17+$0x870];
	[tilespmem:s19+$0x870] =	vst v0  }
0x1ac: {  	s23 =	sor.u32 s3, s22;
	v25 =	vld [tilespmem:s17+$0xC870];
	[tilespmem:s19+$0x840] =	vst v2  }
0x1ad: {  	v20 =	vld [tilespmem:s23+$0x800]  }
0x1ae: {  	v36 =	vmul.f32 v46, v46;
	v61 =	vadd.f32 v62, v61;
	v62 =	vmul.f32 v51, v51;
	v16 =	vld [tilespmem:s23+$0xC800]  }
0x1af: {  	v32 =	vmul.f32 v26, v26;
	v0 =	vmul.f32 v24, v24;
	v19 =	vld [tilespmem:s23+$0x810]  }
0x1b0: {  	v33 =	vmul.f32 v40, v40;
	v1 =	vmul.f32 v47, v47;
	v15 =	vld [tilespmem:s23+$0xC810]  }
0x1b1: {  	v10 =	vld [tilespmem:s23+$0xC820];
	v9 =	vadd.f32 v0, v32;
	v32 =	vmul.f32 v41, v41;
	v0 =	vmul.f32 v49, v49  }
0x1b2: {  	v63 =	vadd.f32 v4, v63;
	v21 =	vadd.f32 v58, v8;
	v2 =	vmul.f32 v48, v48;
	v11 =	vld [tilespmem:s23+$0x830]  }
0x1b3: {  	v4 =	vld [tilespmem:s23+$0xC830];
	v1 =	vadd.f32 v1, v33;
	v14 =	vadd.f32 v0, v32;
	v0 =	vmul.f32 v54, v54  }
0x1b4: {  	[tilespmem:s17+$0x800] =	vst v61;
	v2 =	vadd.f32 v2, v36;
	v33 =	vld [tilespmem:s23+$0x820];
	v36 =	vadd.f32 v18, v7  }
0x1b5: {  	[tilespmem:s17+$0x810] =	vst v63;
	v7 =	vld [tilespmem:s23+$0xC840];
	v13 =	vadd.f32 v0, v62;
	v62 =	vadd.f32 v12, v6  }
0x1b6: {  	v12 =	vld [tilespmem:s23+$0x840];
	[tilespmem:$0x1FC50] =	vst v21;
	v0 =	vadd.f32 v5, v59  }
0x1b7: {  	v8 =	vadd.f32 $0.0e+00, v26;
	[tilespmem:s17+$0x820] =	vst v62  }
0x1b8: {  	v18 =	vmul.f32 v56, v56;
	v3 =	vadd.f32 v60, v3;
	v6 =	vmul.f32 v52, v52;
	v26 =	vld [tilespmem:s23+$0x850];
	[tilespmem:$0x1FC60] =	vst v0  }
0x1b9: {  	[tilespmem:s17+$0x830] =	vst v36  }
0x1ba: {  	v18 =	vadd.f32 v18, v6;
	v6 =	vadd.f32 v25, v17;
	v5 =	vld [tilespmem:s23+$0xC850];
	[tilespmem:$0x1FC70] =	vst v3  }
0x1bb: {  	[tilespmem:s17+$0x840] =	vst v21  }
0x1bc: {  	v8 =	vadd.f32 v24, v8;
	v24 =	vld [tilespmem:s23+$0x860];
	[tilespmem:$0x1FC80] =	vst v6  }
0x1bd: {  	[tilespmem:s17+$0x850] =	vst v0;
	v60 =	vld [tilespmem:s23+$0xC860]  }
0x1be: {  	s24 =	sadd.s32 $0x1000, s4;
	[tilespmem:s17+$0x860] =	vst v3;
	v0 =	vld [tilespmem:s23+$0x870]  }
0x1bf: {  	s1 =	sor.u32 s20, s24;
	v46 =	vadd.f32 $0.0e+00, v46;
	v40 =	vadd.f32 $0.0e+00, v40;
	[tilespmem:s17+$0x870] =	vst v6;
	v59 =	vld [tilespmem:s23+$0xC870]  }
0x1c0: {  	v35 =	vmul.f32 v57, v57;
	v25 =	vmul.f32 v53, v53;
	v22 =	vld [tilespmem:s1+$0x800]  }
0x1c1: {  	v34 =	vmul.f32 v55, v55;
	v46 =	vadd.f32 v48, v46;
	v40 =	vadd.f32 v47, v40;
	v21 =	vld [tilespmem:s1+$0xC800]  }
0x1c2: {  	v32 =	vmul.f32 v50, v50;
	v25 =	vadd.f32 v35, v25;
	v35 =	vadd.f32 $0.0e+00, v51;
	v51 =	vld [tilespmem:s1+$0x810]  }
0x1c3: {  	v58 =	vadd.f32 $0.0e+00, v52;
	v47 =	vadd.f32 $0.0e+00, v53;
	v53 =	vld [tilespmem:s1+$0xC810]  }
0x1c4: {  	v32 =	vadd.f32 v34, v32;
	v34 =	vadd.f32 $0.0e+00, v50;
	v6 =	vld [tilespmem:$0x1FB10]  }
0x1c5: {  	v41 =	vadd.f32 $0.0e+00, v41;
	v57 =	vadd.f32 v57, v47;
	v3 =	vld [tilespmem:$0x1FB00]  }
0x1c6: {  	v52 =	vadd.f32 v55, v34;
	v55 =	vadd.f32 v56, v58;
	v56 =	vld [tilespmem:s1+$0x820]  }
0x1c7: {  	v23 =	vmovc v30;
	v41 =	vadd.f32 v49, v41;
	v34 =	vmul.f32 v30, v30;
	v30 =	vadd.f32 v16, v20;
	v47 =	vld [tilespmem:s1+$0xC820]  }
0x1c8: {  	v50 =	vadd.f32 v4, v11;
	v20 =	vmul.f32 v27, v27;
	v17 =	vadd.f32 v15, v19;
	v48 =	vld [tilespmem:s1+$0x830]  }
0x1c9: {  	v33 =	vadd.f32 v10, v33;
	v9 =	vadd.f32 v34, v9;
	v19 =	vld [tilespmem:s1+$0xC830];
	[tilespmem:s23+$0x800] =	vst v30;
	v58 =	vmul.f32 v6, v6  }
0x1ca: {  	v4 =	vmul.f32 v45, v45;
	v20 =	vadd.f32 v20, v14;
	v54 =	vadd.f32 v54, v35;
	v14 =	vld [tilespmem:s1+$0x840];
	[tilespmem:s23+$0x810] =	vst v17  }
0x1cb: {  	v11 =	vld [tilespmem:s1+$0xC840];
	[tilespmem:s23+$0x820] =	vst v33;
	v35 =	vmul.f32 v3, v3;
	v49 =	vadd.f32 v58, v2;
	v58 =	vadd.f32 v5, v26  }
0x1cc: {  	v4 =	vadd.f32 v4, v18;
	[tilespmem:s23+$0x830] =	vst v50;
	v18 =	vld [tilespmem:s1+$0xC850];
	v34 =	vadd.f32 v60, v24  }
0x1cd: {  	v1 =	vadd.f32 v35, v1;
	v5 =	vld [tilespmem:s1+$0x850];
	v35 =	vadd.f32 v59, v0;
	[tilespmem:s23+$0x850] =	vst v58  }
0x1ce: {  	v31 =	vadd.f32 v7, v12;
	v2 =	vld [tilespmem:s1+$0x860];
	[tilespmem:s23+$0x860] =	vst v34  }
0x1cf: {  	[tilespmem:s23+$0x870] =	vst v35  }
0x1d0: {  	v10 =	vmul.f32 v42, v42;
	v15 =	vmul.f32 v44, v44;
	v12 =	vld [tilespmem:s1+$0xC860];
	[tilespmem:s23+$0x840] =	vst v31  }
0x1d1: {  	v0 =	vld [tilespmem:$0x1FB30]  }
0x1d2: {  	v10 =	vadd.f32 v10, v13;
	v13 =	vmul.f32 v43, v43;
	v32 =	vadd.f32 v15, v32;
	v26 =	vld [tilespmem:s1+$0x870]  }
0x1d3: {  	v45 =	vadd.f32 v45, v55;
	v55 =	vadd.f32 v43, v57;
	v7 =	vld [tilespmem:$0x1FB20]  }
0x1d4: {  	v43 =	vmul.f32 v38, v38;
	v13 =	vadd.f32 v13, v25;
	v25 =	vadd.f32 v6, v46;
	v46 =	vld [tilespmem:s1+$0xC870]  }
0x1d5: {  	v8 =	vadd.f32 v23, v8;
	v27 =	vadd.f32 v27, v41;
	v23 =	vld [tilespmem:$0x1FB40]  }
0x1d6: {  	s2 =	sor.u32 s3, s24;
	v32 =	vadd.f32 v43, v32;
	v24 =	vadd.f32 v3, v40;
	v15 =	vld [tilespmem:$0x1FB50];
	v60 =	vmul.f32 v0, v0  }
0x1d7: {  	v40 =	vadd.f32 v44, v52;
	v52 =	vadd.f32 v42, v54;
	v44 =	vmul.f32 v28, v28;
	v54 =	vld [tilespmem:s2+$0x810]  }
0x1d8: {  	v43 =	vadd.f32 v53, v51;
	v59 =	vmul.f32 v7, v7;
	v16 =	vadd.f32 v60, v1;
	v1 =	vld [tilespmem:$0x1FB60]  }
0x1d9: {  	v4 =	vadd.f32 v44, v4;
	v44 =	vadd.f32 v19, v48;
	v57 =	vld [tilespmem:s2+$0xC810]  }
0x1da: {  	v6 =	vld [tilespmem:s2+$0x830];
	v25 =	vadd.f32 v23, v25;
	v41 =	vadd.f32 v59, v9;
	v9 =	vmul.f32 v23, v23  }
0x1db: {  	v3 =	vld [tilespmem:s2+$0xC830];
	v42 =	vmul.f32 v15, v15;
	v48 =	vadd.f32 v15, v27;
	v15 =	vadd.f32 v18, v5;
	[tilespmem:s1+$0x810] =	vst v43  }
0x1dc: {  	v51 =	vld [tilespmem:s2+$0x840];
	v18 =	vadd.f32 v12, v2;
	[tilespmem:s1+$0x830] =	vst v44;
	v49 =	vadd.f32 v9, v49;
	v9 =	vmul.f32 v29, v29  }
0x1dd: {  	v19 =	vld [tilespmem:s2+$0x850];
	v20 =	vadd.f32 v42, v20;
	v23 =	vadd.f32 v11, v14;
	[tilespmem:s1+$0x850] =	vst v15;
	v42 =	vmul.f32 v1, v1  }
0x1de: {  	v5 =	vld [tilespmem:s2+$0x860];
	[tilespmem:s1+$0x860] =	vst v18;
	v10 =	vadd.f32 v9, v10;
	v9 =	vadd.f32 v21, v22  }
0x1df: {  	v2 =	vld [tilespmem:s2+$0xC860];
	[tilespmem:s1+$0x840] =	vst v23;
	v13 =	vadd.f32 v42, v13;
	v42 =	vadd.f32 v47, v56  }
0x1e0: {  	v59 =	vld [tilespmem:s2+$0x820];
	[tilespmem:s1+$0x800] =	vst v9;
	v56 =	vadd.f32 v0, v24;
	v24 =	vadd.f32 v46, v26  }
0x1e1: {  	s4 =	sadd.s32 $0x1400, s4;
	v60 =	vld [tilespmem:s2+$0xC820];
	[tilespmem:s1+$0x820] =	vst v42  }
0x1e2: {  	s0 =	sor.u32 s20, s4;
	v11 =	vld [tilespmem:s2+$0xC850];
	[tilespmem:s1+$0x870] =	vst v24  }
0x1e3: {  	v53 =	vadd.f32 v7, v8;
	v0 =	vld [tilespmem:s0+$0x840]  }
0x1e4: {  	v12 =	vadd.f32 v29, v52;
	v21 =	vld [tilespmem:s2+$0xC870]  }
0x1e5: {  	v52 =	vadd.f32 v57, v54;
	v57 =	vadd.f32 v39, v53;
	v22 =	vmul.f32 v39, v39;
	v39 =	vld [tilespmem:s2+$0x800]  }
0x1e6: {  	v53 =	vadd.f32 v60, v59;
	v60 =	vld [tilespmem:s2+$0xC800]  }
0x1e7: {  	[tilespmem:s2+$0x810] =	vst v52;
	v47 =	vld [tilespmem:s2+$0xC840]  }
0x1e8: {  	v26 =	vld [tilespmem:s2+$0x870];
	[tilespmem:$0x1FC90] =	vst v0  }
0x1e9: {  	v0 =	vld [tilespmem:s0+$0xC840];
	_ =	sdelay $0x3  }
0x1ea: {  	[tilespmem:s2+$0x820] =	vst v53  }
0x1eb: {  	[tilespmem:$0x1FCA0] =	vst v0  }
0x1ec: {  	v0 =	vld [tilespmem:s0+$0x850];
	_ =	sdelay $0x1  }
0x1ed: {  	v54 =	vadd.f32 v3, v6;
	_ =	sdelay $0x1  }
0x1ee: {  	[tilespmem:s2+$0x830] =	vst v54  }
0x1ef: {  	[tilespmem:$0x1FCB0] =	vst v0;
	v0 =	vld [tilespmem:$0x1FB70];
	_ =	sdelay $0x3  }
0x1f0: {  	v29 =	vadd.f32 v2, v5  }
0x1f1: {  	v55 =	vadd.f32 v1, v55;
	v1 =	vadd.f32 v0, v56;
	v5 =	vmul.f32 v0, v0;
	v0 =	vld [tilespmem:s0+$0xC850];
	_ =	sdelay $0x1  }
0x1f2: {  	v40 =	vadd.f32 v38, v40;
	v38 =	vadd.f32 v47, v51;
	_ =	sdelay $0x1  }
0x1f3: {  	v3 =	vld [tilespmem:$0x1FB80];
	[tilespmem:s2+$0x840] =	vst v38  }
0x1f4: {  	[tilespmem:$0x1FCC0] =	vst v0;
	v0 =	vld [tilespmem:$0x1FB90];
	_ =	sdelay $0x3  }
0x1f5: {  	v46 =	vadd.f32 v28, v45  }
0x1f6: {  	v28 =	vadd.f32 v11, v19;
	v11 =	vadd.f32 v0, v48;
	v51 =	vmul.f32 v0, v0;
	v0 =	vld [tilespmem:s0+$0x860];
	_ =	sdelay $0x3  }
0x1f7: {  	[tilespmem:s2+$0x850] =	vst v28  }
0x1f8: {  	[tilespmem:$0x1FCD0] =	vst v0  }
0x1f9: {  	v0 =	vld [tilespmem:s0+$0xC860];
	_ =	sdelay $0x3  }
0x1fa: {  	[tilespmem:s2+$0x860] =	vst v29  }
0x1fb: {  	[tilespmem:$0x1FCE0] =	vst v0  }
0x1fc: {  	v0 =	vld [tilespmem:s0+$0x870];
	_ =	sdelay $0x1  }
0x1fd: {  	v27 =	vadd.f32 v21, v26;
	_ =	sdelay $0x1  }
0x1fe: {  	[tilespmem:s2+$0x870] =	vst v27  }
0x1ff: {  	[tilespmem:$0x1FCF0] =	vst v0  }
0x200: {  	v0 =	vld [tilespmem:s0+$0xC870]  }
0x201: {  	v2 =	vadd.f32 v3, v25;
	v25 =	vmul.f32 v3, v3;
	v3 =	vld [tilespmem:$0x1FBA0]  }
0x202: {  	v19 =	vadd.f32 v60, v39;
	_ =	sdelay $0x1  }
0x203: {  	v7 =	vld [tilespmem:$0x1FBB0];
	[tilespmem:s2+$0x800] =	vst v19  }
0x204: {  	s31 =	sor.u32 s3, s4;
	[tilespmem:$0x1FD00] =	vst v0  }
0x205: {  	v6 =	vadd.f32 v5, v16;
	v40 =	vadd.f32 v3, v40;
	v5 =	vmul.f32 v3, v3;
	v3 =	vld [tilespmem:s31+$0x840]  }
0x206: {  	v0 =	vld [tilespmem:$0x1FBC0];
	_ =	sdelay $0x3  }
0x207: {  	[tilespmem:$0x1FD10] =	vst v3  }
0x208: {  	v46 =	vadd.f32 v0, v46;
	v59 =	vmul.f32 v0, v0;
	v0 =	vld [tilespmem:s31+$0xC840];
	_ =	sdelay $0x4  }
0x209: {  	[tilespmem:$0x1FD20] =	vst v0  }
0x20a: {  	v0 =	vld [tilespmem:s31+$0x850];
	_ =	sdelay $0x4  }
0x20b: {  	[tilespmem:$0x1FD30] =	vst v0  }
0x20c: {  	v0 =	vld [tilespmem:s31+$0xC850];
	_ =	sdelay $0x4  }
0x20d: {  	[tilespmem:$0x1FD40] =	vst v0;
	v0 =	vld [tilespmem:$0x1FBD0];
	_ =	sdelay $0x1  }
0x20e: {  	v48 =	vadd.f32 v37, v55;
	v37 =	vmul.f32 v37, v37  }
0x20f: {  	v56 =	vmul.f32 v7, v7  }
0x210: {  	v25 =	vadd.f32 v25, v49;
	v49 =	vadd.f32 v37, v13  }
0x211: {  	v10 =	vadd.f32 v56, v10;
	v56 =	vadd.f32 v0, v57;
	v13 =	vmul.f32 v0, v0;
	v0 =	vld [tilespmem:$0x1FBE0];
	_ =	sdelay $0x4  }
0x212: {  	v47 =	vadd.f32 v59, v4;
	v4 =	vadd.f32 v0, v1;
	v1 =	vld [tilespmem:s31+$0x860];
	_ =	sdelay $0x4  }
0x213: {  	[tilespmem:$0x1FD50] =	vst v1  }
0x214: {  	v60 =	vmul.f32 v0, v0;
	v0 =	vld [tilespmem:s31+$0xC860];
	_ =	sdelay $0x3  }
0x215: {  	v1 =	vld [tilespmem:$0x1FBF0]  }
0x216: {  	[tilespmem:$0x1FD60] =	vst v0;
	v0 =	vld [tilespmem:$0x1FC00];
	_ =	sdelay $0x3  }
0x217: {  	v2 =	vadd.f32 v1, v2  }
0x218: {  	v37 =	vmul.f32 v1, v1;
	v1 =	vadd.f32 v0, v11;
	v11 =	vmul.f32 v0, v0;
	v0 =	vld [tilespmem:s31+$0x870];
	_ =	sdelay $0x4  }
0x219: {  	[tilespmem:$0x1FD70] =	vst v0  }
0x21a: {  	v0 =	vld [tilespmem:s31+$0xC870];
	_ =	sdelay $0x4  }
0x21b: {  	[tilespmem:$0x1FD80] =	vst v0;
	v0 =	vld [tilespmem:$0x1FC10];
	_ =	sdelay $0x4  }
0x21c: {  	v40 =	vadd.f32 v0, v40;
	v39 =	vmul.f32 v0, v0;
	v0 =	vld [tilespmem:s0+$0x800];
	_ =	sdelay $0x4  }
0x21d: {  	[tilespmem:$0x1FD90] =	vst v0;
	v0 =	vld [tilespmem:$0x1FC20];
	_ =	sdelay $0x2  }
0x21e: {  	v12 =	vadd.f32 v7, v12;
	_ =	sdelay $0x1  }
0x21f: {  	v3 =	vadd.f32 v0, v12;
	v55 =	vmul.f32 v0, v0;
	v0 =	vld [tilespmem:s0+$0xC800]  }
0x220: {  	v32 =	vadd.f32 v5, v32;
	v5 =	vld [tilespmem:$0x1FC30];
	_ =	sdelay $0x3  }
0x221: {  	[tilespmem:$0x1FDA0] =	vst v0  }
0x222: {  	v7 =	vadd.f32 v5, v46;
	v57 =	vmul.f32 v5, v5;
	v5 =	vld [tilespmem:s0+$0x810];
	_ =	sdelay $0x4  }
0x223: {  	v0 =	vld [tilespmem:$0x1FC40];
	[tilespmem:$0x1FDB0] =	vst v5  }
0x224: {  	v5 =	vld [tilespmem:s0+$0xC810];
	_ =	sdelay $0x3  }
0x225: {  	v48 =	vadd.f32 v0, v48;
	v0 =	vmul.f32 v0, v0  }
0x226: {  	[tilespmem:$0x1FDC0] =	vst v5  }
0x227: {  	v8 =	vadd.f32 v0, v49;
	v0 =	vld [tilespmem:s0+$0x820];
	_ =	sdelay $0x4  }
0x228: {  	v25 =	vadd.f32 v37, v25;
	[tilespmem:$0x1FDD0] =	vst v0;
	v0 =	vmul.f32 v62, v62;
	_ =	sdelay $0x1  }
0x229: {  	v25 =	vadd.f32 v0, v25;
	v0 =	vld [tilespmem:$0x1FC50];
	_ =	sdelay $0x1  }
0x22a: {  	v16 =	vmul.f32 v17, v17;
	v56 =	vadd.f32 v61, v56;
	v46 =	vadd.f32 v55, v10;
	v10 =	vld [tilespmem:$0x1FC70]  }
0x22b: {  	v3 =	vadd.f32 v17, v3;
	v17 =	vmul.f32 v33, v33;
	v5 =	vadd.f32 v57, v47;
	v57 =	vld [tilespmem:s0+$0xC820]  }
0x22c: {  	v41 =	vadd.f32 v22, v41;
	v32 =	vadd.f32 v39, v32;
	v22 =	vld [tilespmem:s0+$0x830]  }
0x22d: {  	s5 =	simm.s32 $0x0;
	v5 =	vadd.f32 v17, v5;
	v17 =	vadd.f32 v0, v56;
	v39 =	vmul.f32 v0, v0;
	v0 =	vld [tilespmem:$0x1FC60]  }
0x22e: {  	s1 =	smul.u32 $0x1800, s5;
	v20 =	vadd.f32 v51, v20;
	v41 =	vadd.f32 v13, v41;
	v13 =	vld [tilespmem:s0+$0xC830]  }
0x22f: {  	s2 =	simm.s32 $0x100;
	v6 =	vadd.f32 v60, v6;
	v60 =	vadd.f32 v62, v2;
	v21 =	vld [tilespmem:s31+$0x800]  }
0x230: {  	s4 =	sadd.s32 s28, s1;
	s3 =	sand.u32 $0x300, s2;
	v4 =	vadd.f32 v63, v4;
	v37 =	vld [tilespmem:s31+$0xC800]  }
0x231: {  	s6 =	sor.u32 s3, s4;
	v11 =	vadd.f32 v11, v20;
	v47 =	vadd.f32 v10, v60;
	v20 =	vld [tilespmem:s31+$0x810]  }
0x232: {  	v4 =	vadd.f32 v0, v4;
	v51 =	vmul.f32 v0, v0;
	v0 =	vmul.f32 v10, v10;
	v10 =	vld [tilespmem:s6+$0x800]  }
0x233: {  	v2 =	vmul.f32 v61, v61;
	v49 =	vld [tilespmem:s31+$0xC810]  }
0x234: {  	v61 =	vmul.f32 v63, v63;
	v63 =	vmul.f32 v50, v50;
	v48 =	vadd.f32 v50, v48;
	v50 =	vld [tilespmem:s31+$0x820]  }
0x235: {  	v26 =	vld [tilespmem:s31+$0xC820]  }
0x236: {  	v45 =	vld [tilespmem:s31+$0x830]  }
0x237: {  	v12 =	vld [tilespmem:s31+$0xC830];
	[tilespmem:$0x1FDE0] =	vst v10  }
0x238: {  	v10 =	vld [tilespmem:s6+$0xC800];
	_ =	sdelay $0x4  }
0x239: {  	[tilespmem:$0x1FDF0] =	vst v10  }
0x23a: {  	v10 =	vld [tilespmem:s6+$0x810];
	_ =	sdelay $0x4  }
0x23b: {  	[tilespmem:$0x1FE00] =	vst v10  }
0x23c: {  	v10 =	vld [tilespmem:s6+$0x820];
	_ =	sdelay $0x2  }
0x23d: {  	v41 =	vadd.f32 v2, v41;
	_ =	sdelay $0x1  }
0x23e: {  	v7 =	vadd.f32 v33, v7;
	v33 =	vadd.f32 v39, v41;
	v41 =	vld [tilespmem:s6+$0xC810];
	[tilespmem:$0x1FE10] =	vst v10  }
0x23f: {  	v10 =	vld [tilespmem:s6+$0xC820]  }
0x240: {  	v1 =	vadd.f32 v36, v1;
	v36 =	vmul.f32 v36, v36;
	_ =	sdelay $0x1  }
0x241: {  	v36 =	vadd.f32 v36, v11;
	v16 =	vadd.f32 v16, v46  }
0x242: {  	v11 =	vld [tilespmem:$0x1FC80];
	v0 =	vadd.f32 v0, v25;
	v25 =	vadd.f32 v58, v3;
	v3 =	vmul.f32 v58, v58  }
0x243: {  	[tilespmem:$0x1FE20] =	vst v10  }
0x244: {  	v7 =	vadd.f32 v34, v7;
	v16 =	vadd.f32 v3, v16;
	v3 =	vld [tilespmem:s6+$0x830]  }
0x245: {  	v2 =	vmul.f32 v30, v30  }
0x246: {  	v14 =	vmul.f32 v31, v31;
	v7 =	vadd.f32 v53, v7;
	v40 =	vadd.f32 v30, v40  }
0x247: {  	v32 =	vadd.f32 v2, v32;
	v2 =	vadd.f32 v11, v1;
	v1 =	vmul.f32 v11, v11  }
0x248: {  	v6 =	vadd.f32 v61, v6;
	v40 =	vadd.f32 v31, v40  }
0x249: {  	v1 =	vadd.f32 v1, v36;
	v32 =	vadd.f32 v14, v32;
	[tilespmem:$0x1FE30] =	vst v3  }
0x24a: {  	v2 =	vadd.f32 v44, v2;
	v40 =	vadd.f32 v19, v40;
	v19 =	vmul.f32 v19, v19;
	v59 =	vld [tilespmem:s6+$0xC830]  }
0x24b: {  	v14 =	vmul.f32 v35, v35;
	v8 =	vadd.f32 v63, v8;
	v60 =	vadd.f32 v35, v48;
	v58 =	vld [tilespmem:s6+$0x840]  }
0x24c: {  	v34 =	vmul.f32 v34, v34;
	v19 =	vadd.f32 v19, v32;
	v6 =	vadd.f32 v51, v6;
	v51 =	vld [tilespmem:s6+$0xC840]  }
0x24d: {  	v8 =	vadd.f32 v14, v8;
	v63 =	vadd.f32 v54, v60;
	v39 =	vld [tilespmem:s6+$0x850]  }
0x24e: {  	v54 =	vmul.f32 v54, v54;
	v5 =	vadd.f32 v34, v5;
	v62 =	vmul.f32 v53, v53;
	v36 =	vld [tilespmem:s6+$0xC850]  }
0x24f: {  	v61 =	vmul.f32 v52, v52;
	v47 =	vadd.f32 v42, v47;
	v17 =	vadd.f32 v9, v17;
	v34 =	vld [tilespmem:s6+$0x860]  }
0x250: {  	v14 =	vmul.f32 v42, v42;
	v8 =	vadd.f32 v54, v8;
	v5 =	vadd.f32 v62, v5;
	v30 =	vld [tilespmem:s6+$0xC860]  }
0x251: {  	v44 =	vmul.f32 v44, v44;
	v11 =	vadd.f32 v23, v17;
	v4 =	vadd.f32 v43, v4;
	v56 =	vld [tilespmem:s6+$0x870]  }
0x252: {  	v0 =	vadd.f32 v14, v0;
	v10 =	vadd.f32 v24, v2;
	v2 =	vmul.f32 v18, v18;
	v55 =	vld [tilespmem:s6+$0xC00]  }
0x253: {  	v25 =	vadd.f32 v52, v25;
	v3 =	vmul.f32 v9, v9;
	v9 =	vmul.f32 v43, v43;
	v52 =	vld [tilespmem:s6+$0xCC00]  }
0x254: {  	v17 =	vmul.f32 v23, v23;
	v54 =	vadd.f32 v15, v4;
	v2 =	vadd.f32 v2, v0;
	v48 =	vld [tilespmem:s6+$0xC10]  }
0x255: {  	v4 =	vmul.f32 v15, v15;
	v0 =	vld [tilespmem:s6+$0xC30];
	v3 =	vadd.f32 v3, v33;
	v6 =	vadd.f32 v9, v6  }
0x256: {  	v25 =	vadd.f32 v28, v25;
	v42 =	vld [tilespmem:s6+$0xCC10];
	v9 =	vadd.f32 v44, v1  }
0x257: {  	v43 =	vld [tilespmem:s6+$0xC20];
	v1 =	vadd.f32 v17, v3;
	v3 =	vadd.f32 v4, v6;
	v6 =	vmul.f32 v38, v38  }
0x258: {  	v31 =	vld [tilespmem:s6+$0xCC20];
	v17 =	vmul.f32 v28, v28;
	v28 =	vadd.f32 v29, v7;
	v7 =	vmul.f32 v29, v29  }
0x259: {  	v44 =	vld [tilespmem:s6+$0xC870];
	v29 =	vadd.f32 v6, v19;
	v6 =	vmul.f32 v27, v27  }
0x25a: {  	[tilespmem:$0x1FE40] =	vst v0;
	v0 =	vadd.f32 v7, v5;
	v5 =	vld [tilespmem:$0x1FC90]  }
0x25b: {  	v4 =	vadd.f32 v6, v8;
	v6 =	vld [tilespmem:$0x1FCA0];
	_ =	sdelay $0x4  }
0x25c: {  	v46 =	vadd.f32 v6, v5;
	v5 =	vld [tilespmem:$0x1FCB0]  }
0x25d: {  	v6 =	vld [tilespmem:$0x1FCC0];
	_ =	sdelay $0x4  }
0x25e: {  	v23 =	vadd.f32 v6, v5;
	v5 =	vld [tilespmem:$0x1FCD0]  }
0x25f: {  	v6 =	vld [tilespmem:$0x1FCE0];
	_ =	sdelay $0x4  }
0x260: {  	v47 =	vadd.f32 v18, v47;
	v18 =	vadd.f32 v6, v5;
	v5 =	vld [tilespmem:s6+$0xC50]  }
0x261: {  	v32 =	vadd.f32 v27, v63;
	v27 =	vld [tilespmem:s6+$0xCC30]  }
0x262: {  	v33 =	vld [tilespmem:s6+$0xC40]  }
0x263: {  	v15 =	vmul.f32 v24, v24;
	v24 =	vld [tilespmem:s6+$0xCC40]  }
0x264: {  	v6 =	vld [tilespmem:$0x1FD00]  }
0x265: {  	[tilespmem:$0x1FE50] =	vst v5;
	v5 =	vld [tilespmem:$0x1FCF0];
	_ =	sdelay $0x2  }
0x266: {  	v16 =	vadd.f32 v61, v16  }
0x267: {  	v40 =	vadd.f32 v38, v40  }
0x268: {  	v38 =	vadd.f32 v17, v16;
	v17 =	vadd.f32 v6, v5;
	v5 =	vld [tilespmem:$0x1FD10]  }
0x269: {  	v6 =	vld [tilespmem:$0x1FD20];
	_ =	sdelay $0x4  }
0x26a: {  	v53 =	vadd.f32 v6, v5;
	v5 =	vld [tilespmem:$0x1FD30]  }
0x26b: {  	v6 =	vld [tilespmem:$0x1FD40];
	_ =	sdelay $0x4  }
0x26c: {  	v60 =	vadd.f32 v6, v5;
	v5 =	vld [tilespmem:$0x1FD50]  }
0x26d: {  	v6 =	vld [tilespmem:$0x1FD60];
	_ =	sdelay $0x4  }
0x26e: {  	v5 =	vadd.f32 v6, v5;
	v6 =	vld [tilespmem:s6+$0xC60];
	_ =	sdelay $0x2  }
0x26f: {  	v7 =	vld [tilespmem:$0x1FD80]  }
0x270: {  	v63 =	vld [tilespmem:s6+$0xCC50]  }
0x271: {  	[tilespmem:$0x1FE60] =	vst v6;
	v6 =	vld [tilespmem:$0x1FD70];
	_ =	sdelay $0x4  }
0x272: {  	v61 =	vadd.f32 v7, v6;
	v6 =	vld [tilespmem:$0x1FD90]  }
0x273: {  	v7 =	vld [tilespmem:$0x1FDA0];
	_ =	sdelay $0x3  }
0x274: {  	v8 =	vld [tilespmem:$0x1FDC0]  }
0x275: {  	v6 =	vadd.f32 v7, v6;
	v7 =	vld [tilespmem:$0x1FDB0];
	_ =	sdelay $0x4  }
0x276: {  	v7 =	vadd.f32 v8, v7;
	v8 =	vld [tilespmem:$0x1FDD0];
	_ =	sdelay $0x4  }
0x277: {  	v9 =	vadd.f32 v15, v9;
	v15 =	vadd.f32 v57, v8;
	v8 =	vld [tilespmem:s6+$0xC70];
	_ =	sdelay $0x3  }
0x278: {  	s30 =	simm.s32 $0x180;
	v62 =	vld [tilespmem:s6+$0xCC60];
	[tilespmem:$0x1FF10] =	vst v6  }
0x279: {  	s5 =	sand.u32 $0x380, s30;
	[tilespmem:$0x1FE70] =	vst v8  }
0x27a: {  	s8 =	sor.u32 s5, s4;
	v14 =	vadd.f32 v13, v22;
	v13 =	vadd.f32 v37, v21;
	v35 =	vmul.f32 v6, v6;
	v19 =	vld [tilespmem:s6+$0xCC70];
	[tilespmem:$0x1FF20] =	vst v7  }
0x27b: {  	v22 =	vmovc v6;
	v21 =	vmov v7;
	v6 =	vadd.f32 v26, v50;
	v26 =	vmul.f32 v7, v7;
	v7 =	vld [tilespmem:s8+$0x800];
	_ =	sdelay $0x3  }
0x27c: {  	[tilespmem:$0x1FF30] =	vst v15  }
0x27d: {  	[tilespmem:$0x1FE80] =	vst v7  }
0x27e: {  	v8 =	vadd.f32 v49, v20;
	v50 =	vld [tilespmem:s8+$0xC800];
	[tilespmem:$0x1FF40] =	vst v14  }
0x27f: {  	[tilespmem:$0x1FF50] =	vst v13  }
0x280: {  	v3 =	vadd.f32 v26, v3;
	v26 =	vmul.f32 v14, v14;
	v57 =	vld [tilespmem:s8+$0x810];
	[tilespmem:$0x1FF60] =	vst v8  }
0x281: {  	v11 =	vadd.f32 v22, v11;
	v49 =	vmul.f32 v13, v13;
	[tilespmem:$0x1FF70] =	vst v6  }
0x282: {  	v9 =	vadd.f32 v26, v9;
	v7 =	vadd.f32 v12, v45;
	v45 =	vld [tilespmem:s8+$0xC810]  }
0x283: {  	v26 =	vadd.f32 v49, v29;
	v29 =	vadd.f32 v21, v54;
	v49 =	vld [tilespmem:s8+$0x820]  }
0x284: {  	v1 =	vadd.f32 v35, v1;
	v11 =	vadd.f32 v46, v11;
	v37 =	vmul.f32 v6, v6;
	v20 =	vmovc v15;
	v16 =	vld [tilespmem:s8+$0xC820]  }
0x285: {  	v35 =	vadd.f32 v20, v47;
	v29 =	vadd.f32 v23, v29;
	v12 =	vmul.f32 v15, v15;
	v15 =	vmovc v14;
	v54 =	vld [tilespmem:s8+$0x830]  }
0x286: {  	v14 =	vadd.f32 v37, v0;
	v47 =	vmul.f32 v7, v7;
	v0 =	vmovc v7;
	v22 =	vld [tilespmem:s8+$0xC830];
	[tilespmem:$0x1FF80] =	vst v7;
	v7 =	vmov v18  }
0x287: {  	v11 =	vadd.f32 v29, v11;
	v2 =	vadd.f32 v12, v2;
	v29 =	vmul.f32 v7, v7  }
0x288: {  	v21 =	vld [tilespmem:$0x1FDE0]  }
0x289: {  	v2 =	vadd.f32 v29, v2;
	v29 =	vld [tilespmem:$0x1FDF0]  }
0x28a: {  	[tilespmem:$0x1FED0] =	vst v46  }
0x28b: {  	v10 =	vadd.f32 v15, v10;
	v15 =	vmov v23;
	[tilespmem:$0x1FEE0] =	vst v23;
	v46 =	vmul.f32 v46, v46  }
0x28c: {  	v23 =	vld [tilespmem:s8+$0x840];
	v4 =	vadd.f32 v47, v4;
	v47 =	vmul.f32 v15, v15  }
0x28d: {  	[tilespmem:$0x1FEF0] =	vst v18;
	v1 =	vadd.f32 v46, v1;
	v46 =	vld [tilespmem:$0x1FE20]  }
0x28e: {  	[tilespmem:$0x1FF00] =	vst v17;
	v3 =	vadd.f32 v47, v3;
	v47 =	vadd.f32 v29, v21;
	v29 =	vld [tilespmem:$0x1FE10]  }
0x28f: {  	v35 =	vadd.f32 v18, v35;
	v18 =	vld [tilespmem:s8+$0xC840]  }
0x290: {  	v20 =	vld [tilespmem:s8+$0x850]  }
0x291: {  	v12 =	vmul.f32 v8, v8;
	v21 =	vld [tilespmem:$0x1FE00]  }
0x292: {  	v10 =	vadd.f32 v17, v10;
	v7 =	vld [tilespmem:s8+$0xC850]  }
0x293: {  	v12 =	vadd.f32 v12, v38;
	v38 =	vadd.f32 v46, v29;
	v29 =	vld [tilespmem:$0x1FE30]  }
0x294: {  	v39 =	vadd.f32 v36, v39;
	v15 =	vld [tilespmem:s8+$0x860]  }
0x295: {  	v37 =	vadd.f32 v30, v34;
	v10 =	vadd.f32 v10, v35;
	v34 =	vld [tilespmem:s8+$0xCC00]  }
0x296: {  	v36 =	vadd.f32 v44, v56;
	v44 =	vld [tilespmem:s8+$0xCC10];
	v41 =	vadd.f32 v41, v21  }
0x297: {  	v10 =	vadd.f32 v10, v11;
	v11 =	vld [tilespmem:s8+$0xC860];
	[tilespmem:s6+$0x800] =	vst v47  }
0x298: {  	v21 =	vld [tilespmem:s8+$0x870];
	[tilespmem:s6+$0x810] =	vst v41;
	v35 =	vadd.f32 v59, v29  }
0x299: {  	v46 =	vadd.f32 v51, v58;
	v51 =	vld [tilespmem:s8+$0xC00];
	[tilespmem:s6+$0x820] =	vst v38  }
0x29a: {  	v59 =	vld [tilespmem:s8+$0xC870];
	[tilespmem:s6+$0x830] =	vst v35  }
0x29b: {  	v29 =	vadd.f32 v13, v40;
	v40 =	vld [tilespmem:s8+$0xC10];
	[tilespmem:$0x1FF90] =	vst v53  }
0x29c: {  	[tilespmem:$0x1FFA0] =	vst v60  }
0x29d: {  	[tilespmem:s6+$0x840] =	vst v46  }
0x29e: {  	v56 =	vld [tilespmem:s8+$0xC20];
	[tilespmem:$0x1FFB0] =	vst v5  }
0x29f: {  	v28 =	vadd.f32 v6, v28;
	[tilespmem:$0x1FFC0] =	vst v61  }
0x2a0: {  	v32 =	vadd.f32 v0, v32;
	[tilespmem:s6+$0x850] =	vst v39  }
0x2a1: {  	v0 =	vmov v5;
	v5 =	vadd.f32 v5, v28;
	v28 =	vadd.f32 v52, v55;
	[tilespmem:s6+$0x860] =	vst v37  }
0x2a2: {  	v32 =	vadd.f32 v61, v32;
	[tilespmem:s6+$0x870] =	vst v36  }
0x2a3: {  	[tilespmem:s6+$0xC00] =	vst v28  }
0x2a4: {  	v25 =	vadd.f32 v8, v25;
	v32 =	vadd.f32 v32, v5;
	v5 =	vld [tilespmem:$0x1FE40];
	_ =	sdelay $0x1  }
0x2a5: {  	v25 =	vadd.f32 v60, v25;
	v29 =	vadd.f32 v53, v29  }
0x2a6: {  	v30 =	vadd.f32 v31, v43;
	v58 =	vld [tilespmem:s8+$0xCC20]  }
0x2a7: {  	v25 =	vadd.f32 v25, v29;
	v29 =	vadd.f32 v42, v48;
	v55 =	vld [tilespmem:s8+$0xC30]  }
0x2a8: {  	v48 =	vld [tilespmem:s8+$0xCC30];
	v31 =	vadd.f32 v27, v5;
	v5 =	vadd.f32 v24, v33  }
0x2a9: {  	v42 =	vmul.f32 v53, v53;
	v53 =	vmul.f32 v60, v60;
	v60 =	vld [tilespmem:s8+$0xC40];
	[tilespmem:s6+$0xC10] =	vst v29  }
0x2aa: {  	v27 =	vld [tilespmem:s8+$0xCC40];
	[tilespmem:$0x1FE90] =	vst v5  }
0x2ab: {  	[tilespmem:s6+$0xC20] =	vst v30  }
0x2ac: {  	v6 =	vld [tilespmem:$0x1FE50];
	[tilespmem:s6+$0xC30] =	vst v31  }
0x2ad: {  	v3 =	vadd.f32 v3, v1;
	v1 =	vld [tilespmem:$0x1FE60];
	_ =	sdelay $0x4  }
0x2ae: {  	v63 =	vadd.f32 v63, v6;
	v6 =	vadd.f32 v62, v1  }
0x2af: {  	v33 =	vld [tilespmem:s8+$0xC50]  }
0x2b0: {  	v24 =	vld [tilespmem:s8+$0xCC50];
	[tilespmem:$0x1FEA0] =	vst v6  }
0x2b1: {  	[tilespmem:s6+$0xC40] =	vst v5  }
0x2b2: {  	v1 =	vmul.f32 v0, v0;
	v0 =	vld [tilespmem:$0x1FE70];
	_ =	sdelay $0x4  }
0x2b3: {  	v52 =	vmul.f32 v17, v17;
	v5 =	vadd.f32 v19, v0;
	_ =	sdelay $0x1  }
0x2b4: {  	v26 =	vadd.f32 v42, v26;
	v9 =	vadd.f32 v52, v9;
	v42 =	vld [tilespmem:s8+$0xC60];
	[tilespmem:$0x1FEB0] =	vst v5  }
0x2b5: {  	v54 =	vadd.f32 v22, v54;
	v19 =	vld [tilespmem:s8+$0xCC60]  }
0x2b6: {  	v12 =	vadd.f32 v53, v12;
	v2 =	vadd.f32 v9, v2;
	v9 =	vmul.f32 v61, v61;
	[tilespmem:s6+$0xC50] =	vst v63;
	v62 =	vld [tilespmem:s8+$0xC70]  }
0x2b7: {  	s9 =	sadd.s32 $0x800, s4;
	v52 =	vadd.f32 v45, v57;
	v0 =	vadd.f32 v1, v14;
	v1 =	vld [tilespmem:$0x1FE80];
	[tilespmem:s6+$0xC60] =	vst v6  }
0x2b8: {  	s10 =	sor.u32 s3, s9;
	v53 =	vadd.f32 v16, v49;
	v4 =	vadd.f32 v9, v4;
	v9 =	vld [tilespmem:s8+$0xCC70];
	[tilespmem:s6+$0xC70] =	vst v5  }
0x2b9: {  	(xrf2) =	vadd.scan.msk.f32 $0xffff, v10;
	v25 =	vadd.f32 v32, v25;
	v2 =	vadd.f32 v2, v3;
	[tilespmem:s8+$0x810] =	vst v52;
	v16 =	vld [tilespmem:s10+$0x800]  }
0x2ba: {  	v3 =	vadd.f32 v18, v23;
	v0 =	vadd.f32 v4, v0;
	[tilespmem:s8+$0x820] =	vst v53;
	v4 =	vld [tilespmem:s10+$0xC800]  }
0x2bb: {  	v49 =	vadd.f32 v44, v40;
	(xrf2) =	vadd.scan.msk.f32 $0xffff, v25;
	[tilespmem:s8+$0x830] =	vst v54;
	v8 =	vld [tilespmem:s10+$0x810]  }
0x2bc: {  	v12 =	vadd.f32 v12, v26;
	v48 =	vadd.f32 v48, v55;
	[tilespmem:s8+$0x840] =	vst v3;
	v10 =	vld [tilespmem:s10+$0xC810]  }
0x2bd: {  	(xrf2) =	vadd.scan.msk.f32 $0xffff, v2;
	v44 =	vadd.f32 v27, v60;
	v32 =	vadd.f32 v24, v33;
	[tilespmem:s8+$0xC10] =	vst v49;
	v2 =	vld [tilespmem:s10+$0x820]  }
0x2be: {  	v5 =	vadd.f32 v7, v20;
	v7 =	vadd.f32 v11, v15;
	[tilespmem:s8+$0xC30] =	vst v48;
	v11 =	vld [tilespmem:s10+$0x830]  }
0x2bf: {  	v0 =	vadd.f32 v0, v12;
	[tilespmem:s8+$0xC50] =	vst v32;
	v12 =	vld [tilespmem:s10+$0xC830]  }
0x2c0: {  	[tilespmem:s8+$0xC40] =	vst v44;
	v13 =	vld [tilespmem:s10+$0x840]  }
0x2c1: {  	v6 =	vadd.f32 v59, v21;
	v14 =	vld [tilespmem:s10+$0xC840];
	[tilespmem:s8+$0x850] =	vst v5  }
0x2c2: {  	v15 =	vld [tilespmem:s10+$0x850];
	(xrf2) =	vadd.scan.msk.f32 $0xffff, v0;
	[tilespmem:s8+$0x860] =	vst v7;
	v33 =	vadd.f32 v19, v42  }
0x2c3: {  	v18, _, _ =	vpop (xrf2);
	v17 =	vld [tilespmem:s10+$0xC850];
	[tilespmem:s8+$0x870] =	vst v6;
	v1 =	vadd.f32 v50, v1  }
0x2c4: {  	(v2sf) =	vpush v18, $0xF;
	v18 =	vld [tilespmem:s10+$0xC860];
	v50 =	vadd.f32 v34, v51;
	[tilespmem:s8+$0xC60] =	vst v33  }
0x2c5: {  	v55 =	vld [tilespmem:s10+$0xC870];
	v51 =	vadd.f32 v58, v56;
	v34 =	vadd.f32 v9, v62;
	v9, _, _ =	vpop (xrf2);
	[tilespmem:s8+$0x800] =	vst v1  }
0x2c6: {  	(v2sf) =	vpush v9, $0xF;
	v9 =	vld [tilespmem:s10+$0x870];
	[tilespmem:s8+$0xC00] =	vst v50  }
0x2c7: {  	v0 =	vld [tilespmem:s10+$0xC820];
	[tilespmem:s8+$0xC20] =	vst v51  }
0x2c8: {  	s18 =	sor.u32 s5, s9;
	v19 =	vld [tilespmem:s10+$0x860];
	[tilespmem:s8+$0xC70] =	vst v34  }
0x2c9: {  	v45 =	vadd.f32 v4, v16;
	v56 =	vld [tilespmem:s18+$0x800]  }
0x2ca: {  	v42 =	vadd.f32 v10, v8;
	v43 =	vadd.f32 v12, v11;
	v4 =	vld [tilespmem:s18+$0xC800]  }
0x2cb: {  	v24, _, _ =	vpop (xrf2);
	v27 =	vadd.f32 v14, v13;
	v20 =	vld [tilespmem:s18+$0x810];
	v9 =	vadd.f32 v55, v9  }
0x2cc: {  	v10 =	vmul.f32 v47, v47;
	v11 =	vmul.f32 v46, v46;
	(v2sf) =	vpush v24, $0xF;
	v8 =	vld [tilespmem:s18+$0x820];
	v24, _, _ =	vpop (xrf2)  }
0x2cd: {  	v12 =	vmul.f32 v41, v41;
	v13 =	vmul.f32 v39, v39;
	(v2sf) =	vpush v24, $0xF;
	v24 =	vld [tilespmem:s18+$0xC810];
	[tilespmem:$0x1FEC0] =	vst v9  }
0x2ce: {  	v62 =	vadd.f32 v17, v15;
	v14 =	vmul.f32 v38, v38;
	v15 =	vmul.f32 v37, v37;
	v23 =	vld [tilespmem:s18+$0xC820]  }
0x2cf: {  	v16 =	vmul.f32 v35, v35;
	v25 =	vadd.f32 v0, v2;
	v10 =	vadd.f32 v11, v10;
	v11 =	vld [tilespmem:s18+$0x830]  }
0x2d0: {  	v17 =	vmul.f32 v36, v36;
	v12 =	vadd.f32 v13, v12;
	v2 =	vadd.f32 v15, v14;
	v13 =	vld [tilespmem:s18+$0xC830]  }
0x2d1: {  	v26 =	vadd.f32 v18, v19;
	v18 =	vmul.f32 v1, v1;
	v19 =	vmul.f32 v3, v3;
	[tilespmem:s10+$0x800] =	vst v45;
	v15 =	vld [tilespmem:s18+$0x840]  }
0x2d2: {  	v16 =	vadd.f32 v17, v16;
	[tilespmem:s10+$0x810] =	vst v42;
	v17 =	vld [tilespmem:s18+$0xC840]  }
0x2d3: {  	v61 =	vmul.f32 v53, v53;
	v40 =	vmul.f32 v7, v7;
	v18 =	vadd.f32 v19, v18;
	[tilespmem:s10+$0x820] =	vst v25;
	v19 =	vld [tilespmem:s18+$0x850]  }
0x2d4: {  	v60 =	vmul.f32 v5, v5;
	v47 =	vadd.f32 $0.0e+00, v47;
	v55 =	vmul.f32 v52, v52;
	[tilespmem:s10+$0x830] =	vst v43;
	v57 =	vld [tilespmem:s18+$0xC850]  }
0x2d5: {  	v58 =	vadd.f32 v40, v61;
	v61 =	vmul.f32 v6, v6;
	v41 =	vadd.f32 $0.0e+00, v41;
	[tilespmem:s10+$0x840] =	vst v27;
	v59 =	vld [tilespmem:s18+$0x860]  }
0x2d6: {  	v46 =	vadd.f32 v46, v47;
	v55 =	vadd.f32 v60, v55;
	v60 =	vmul.f32 v54, v54;
	[tilespmem:s10+$0x850] =	vst v62;
	v47 =	vld [tilespmem:s18+$0xC860]  }
0x2d7: {  	s14 =	sadd.s32 $0xC00, s4;
	v0 =	vadd.f32 v39, v41;
	[tilespmem:s10+$0x860] =	vst v26;
	v39 =	vld [tilespmem:s18+$0xC870]  }
0x2d8: {  	s15 =	sor.u32 s3, s14;
	v40 =	vadd.f32 $0.0e+00, v53;
	[tilespmem:s10+$0x870] =	vst v9;
	v60 =	vadd.f32 v61, v60;
	v61 =	vld [tilespmem:s18+$0x870]  }
0x2d9: {  	v38 =	vadd.f32 $0.0e+00, v38;
	v41 =	vadd.f32 $0.0e+00, v52;
	v22 =	vld [tilespmem:s15+$0x800]  }
0x2da: {  	v35 =	vadd.f32 $0.0e+00, v35;
	v1 =	vadd.f32 $0.0e+00, v1;
	v21 =	vld [tilespmem:s15+$0xC800]  }
0x2db: {  	v37 =	vadd.f32 v37, v38;
	v5 =	vadd.f32 v5, v41;
	v53 =	vld [tilespmem:s15+$0x810]  }
0x2dc: {  	v41 =	vadd.f32 $0.0e+00, v54;
	v1 =	vadd.f32 v3, v1;
	v54 =	vld [tilespmem:s15+$0xC810]  }
0x2dd: {  	v3 =	vadd.f32 v29, v0;
	v14 =	vadd.f32 v4, v56;
	v56 =	vld [tilespmem:s15+$0x820]  }
0x2de: {  	v9 =	vadd.f32 v6, v41;
	v6 =	vmul.f32 v29, v29;
	v29 =	vadd.f32 v30, v37;
	v37 =	vld [tilespmem:s15+$0x870]  }
0x2df: {  	v7 =	vadd.f32 v7, v40;
	v4 =	vmul.f32 v28, v28;
	v38 =	vadd.f32 v24, v20;
	v20 =	vld [tilespmem:s15+$0xC820]  }
0x2e0: {  	v35 =	vadd.f32 v36, v35;
	v24 =	vld [tilespmem:s15+$0x830];
	v41 =	vadd.f32 v23, v8  }
0x2e1: {  	[tilespmem:s18+$0x800] =	vst v14;
	v8 =	vadd.f32 v4, v10;
	v52 =	vadd.f32 v13, v11;
	v11 =	vld [tilespmem:s15+$0xC830]  }
0x2e2: {  	v10 =	vadd.f32 v6, v12;
	v6 =	vadd.f32 v57, v19;
	v57 =	vld [tilespmem:s15+$0x850];
	[tilespmem:s18+$0x810] =	vst v38  }
0x2e3: {  	v4 =	vmul.f32 v30, v30;
	v12 =	vmul.f32 v31, v31;
	v40 =	vadd.f32 v47, v59;
	v59 =	vld [tilespmem:s15+$0xC860];
	[tilespmem:s18+$0x820] =	vst v41  }
0x2e4: {  	v19 =	vmul.f32 v50, v50;
	v36 =	vadd.f32 v39, v61;
	v39 =	vadd.f32 v17, v15;
	v15 =	vld [tilespmem:s15+$0xC850];
	[tilespmem:s18+$0x830] =	vst v52  }
0x2e5: {  	v47 =	vmul.f32 v49, v49;
	v61 =	vmul.f32 v51, v51;
	v13 =	vadd.f32 v4, v2;
	v4 =	vld [tilespmem:s15+$0x840];
	[tilespmem:s18+$0x850] =	vst v6  }
0x2e6: {  	v17 =	vmul.f32 v48, v48;
	v12 =	vadd.f32 v12, v16;
	v16 =	vld [tilespmem:s15+$0xC840];
	v18 =	vadd.f32 v19, v18;
	[tilespmem:s18+$0x860] =	vst v40  }
0x2e7: {  	v19 =	vadd.f32 v47, v55;
	v55 =	vadd.f32 v61, v58;
	v58 =	vld [tilespmem:s15+$0x860];
	[tilespmem:s18+$0x870] =	vst v36  }
0x2e8: {  	v17 =	vadd.f32 v17, v60;
	[tilespmem:s18+$0x840] =	vst v39;
	v60 =	vld [tilespmem:s15+$0xC870]  }
0x2e9: {  	s16 =	sor.u32 s5, s14;
	v23 =	vld [tilespmem:$0x1FE90]  }
0x2ea: {  	v5 =	vadd.f32 v49, v5;
	v49 =	vld [tilespmem:s16+$0x800]  }
0x2eb: {  	v7 =	vadd.f32 v51, v7;
	v0 =	vld [tilespmem:$0x1FEA0]  }
0x2ec: {  	v28 =	vadd.f32 v28, v46;
	v46 =	vmul.f32 v44, v44;
	v2 =	vld [tilespmem:$0x1FEB0]  }
0x2ed: {  	v35 =	vadd.f32 v31, v35;
	v7 =	vadd.f32 v33, v7;
	v51 =	vld [tilespmem:s16+$0xC800]  }
0x2ee: {  	v9 =	vadd.f32 v48, v9;
	v48 =	vld [tilespmem:s16+$0x810];
	v18 =	vadd.f32 v46, v18;
	v46 =	vmul.f32 v33, v33  }
0x2ef: {  	v50 =	vadd.f32 v50, v1;
	v47 =	vadd.f32 v54, v53;
	v61 =	vld [tilespmem:s16+$0xC810]  }
0x2f0: {  	v54 =	vld [tilespmem:s16+$0x830];
	v53 =	vadd.f32 v46, v55;
	v46 =	vadd.f32 v20, v56;
	v1 =	vmul.f32 v23, v23  }
0x2f1: {  	v33 =	vld [tilespmem:s16+$0xC860];
	v20 =	vadd.f32 v11, v24;
	v30 =	vmul.f32 v0, v0;
	v31 =	vmul.f32 v2, v2  }
0x2f2: {  	v55 =	vld [tilespmem:s16+$0xC830];
	v11 =	vadd.f32 v63, v3;
	v8 =	vadd.f32 v1, v8  }
0x2f3: {  	v24 =	vld [tilespmem:s16+$0x840];
	v1 =	vmul.f32 v63, v63;
	v13 =	vadd.f32 v30, v13;
	v12 =	vadd.f32 v31, v12  }
0x2f4: {  	[tilespmem:s15+$0x810] =	vst v47;
	v30 =	vmul.f32 v32, v32;
	v31 =	vld [tilespmem:s16+$0x820];
	v63 =	vadd.f32 v16, v4;
	v16 =	vadd.f32 v0, v29  }
0x2f5: {  	[tilespmem:s15+$0x820] =	vst v46;
	v4 =	vld [tilespmem:s16+$0xC840];
	v10 =	vadd.f32 v1, v10;
	v1 =	vadd.f32 v21, v22;
	v22 =	vmul.f32 v34, v34  }
0x2f6: {  	[tilespmem:s15+$0x830] =	vst v20;
	v29 =	vadd.f32 v59, v58;
	v19 =	vadd.f32 v30, v19;
	v21 =	vld [tilespmem:s16+$0xC820]  }
0x2f7: {  	v30 =	vadd.f32 v15, v57;
	v15 =	vld [tilespmem:s16+$0x850];
	[tilespmem:s15+$0x840] =	vst v63;
	v17 =	vadd.f32 v22, v17  }
0x2f8: {  	[tilespmem:s15+$0x860] =	vst v29;
	v22 =	vadd.f32 v23, v28;
	v23 =	vadd.f32 v2, v35;
	v35 =	vld [tilespmem:s16+$0xC850]  }
0x2f9: {  	[tilespmem:s15+$0x800] =	vst v1;
	v28 =	vadd.f32 v60, v37;
	v37 =	vadd.f32 v44, v50;
	v44 =	vld [tilespmem:s16+$0x860]  }
0x2fa: {  	s20 =	sadd.s32 $0x1000, s4;
	[tilespmem:s15+$0x850] =	vst v30;
	v2 =	vmul.f32 v45, v45;
	v50 =	vadd.f32 v45, v22;
	v45 =	vld [tilespmem:s16+$0x870]  }
0x2fb: {  	s19 =	sor.u32 s3, s20;
	v11 =	vadd.f32 v42, v11;
	[tilespmem:s15+$0x870] =	vst v28;
	v22 =	vmul.f32 v42, v42;
	v42 =	vld [tilespmem:s16+$0xC870]  }
0x2fc: {  	v3 =	vmul.f32 v14, v14;
	v60 =	vmul.f32 v43, v43;
	v56 =	vadd.f32 v43, v23;
	v43 =	vld [tilespmem:s19+$0x800]  }
0x2fd: {  	v5 =	vadd.f32 v32, v5;
	v57 =	vld [tilespmem:s19+$0xC800]  }
0x2fe: {  	v3 =	vadd.f32 v3, v18;
	v18 =	vmul.f32 v38, v38;
	v32 =	vadd.f32 v34, v9;
	v0 =	vld [tilespmem:s19+$0x810]  }
0x2ff: {  	v8 =	vadd.f32 v2, v8;
	v2 =	vadd.f32 v51, v49;
	v49 =	vld [tilespmem:s19+$0xC810]  }
0x300: {  	v11 =	vadd.f32 v62, v11;
	v18 =	vadd.f32 v18, v19;
	v23 =	vmul.f32 v25, v25;
	v51 =	vld [tilespmem:s19+$0x830]  }
0x301: {  	v59 =	vmul.f32 v52, v52;
	v19 =	vadd.f32 v52, v32;
	v12 =	vadd.f32 v60, v12;
	v52 =	vld [tilespmem:s19+$0xC830]  }
0x302: {  	v60 =	vld [tilespmem:s19+$0x840];
	v13 =	vadd.f32 v23, v13;
	v23 =	vadd.f32 v61, v48  }
0x303: {  	v9 =	vld [tilespmem:s19+$0x850];
	v10 =	vadd.f32 v22, v10;
	v22 =	vadd.f32 v21, v31;
	[tilespmem:s16+$0x800] =	vst v2  }
0x304: {  	v16 =	vadd.f32 v25, v16;
	v25 =	vmul.f32 v62, v62;
	v62 =	vld [tilespmem:s19+$0xC860];
	v21 =	vadd.f32 v55, v54;
	[tilespmem:s16+$0x810] =	vst v23  }
0x305: {  	v5 =	vadd.f32 v38, v5;
	v31 =	vld [tilespmem:s19+$0x820];
	v32 =	vadd.f32 v35, v15;
	[tilespmem:s16+$0x820] =	vst v22  }
0x306: {  	v38 =	vadd.f32 v4, v24;
	v48 =	vld [tilespmem:s19+$0xC820];
	v34 =	vadd.f32 v33, v44;
	[tilespmem:s16+$0x830] =	vst v21  }
0x307: {  	v37 =	vadd.f32 v14, v37;
	v61 =	vld [tilespmem:s19+$0xC840];
	v14 =	vadd.f32 v27, v50;
	v27 =	vmul.f32 v27, v27;
	[tilespmem:s16+$0x850] =	vst v32  }
0x308: {  	v33 =	vadd.f32 v42, v45;
	v4 =	vld [tilespmem:$0x1FEC0];
	[tilespmem:s16+$0x860] =	vst v34  }
0x309: {  	v54 =	vld [tilespmem:s19+$0xC870];
	v8 =	vadd.f32 v27, v8;
	v27 =	vmul.f32 v6, v6;
	[tilespmem:s16+$0x840] =	vst v38  }
0x30a: {  	v10 =	vadd.f32 v25, v10;
	v25 =	vld [tilespmem:s19+$0x870];
	[tilespmem:s16+$0x870] =	vst v33  }
0x30b: {  	v16 =	vadd.f32 v26, v16;
	v26 =	vmul.f32 v26, v26;
	v18 =	vadd.f32 v27, v18;
	v27 =	vld [tilespmem:$0x1FED0]  }
0x30c: {  	v7 =	vadd.f32 v41, v7;
	v58 =	vmul.f32 v41, v41;
	v42 =	vld [tilespmem:s19+$0xC850]  }
0x30d: {  	s20 =	sor.u32 s5, s20;
	v5 =	vadd.f32 v6, v5;
	v13 =	vadd.f32 v26, v13;
	v26 =	vmul.f32 v39, v39;
	v45 =	vld [tilespmem:s19+$0x860]  }
0x30e: {  	v7 =	vadd.f32 v40, v7;
	v15 =	vadd.f32 v58, v53;
	v6 =	vmul.f32 v40, v40;
	v55 =	vld [tilespmem:s20+$0x800]  }
0x30f: {  	v14 =	vadd.f32 v1, v14;
	v1 =	vmul.f32 v1, v1;
	v3 =	vadd.f32 v26, v3;
	v26 =	vld [tilespmem:s20+$0x810]  }
0x310: {  	v17 =	vadd.f32 v59, v17;
	v6 =	vadd.f32 v6, v15;
	v15 =	vld [tilespmem:s20+$0xC810];
	[tilespmem:s0+$0x840] =	vst v27  }
0x311: {  	v19 =	vadd.f32 v36, v19;
	v8 =	vadd.f32 v1, v8;
	v1 =	vmul.f32 v47, v47;
	v27 =	vld [tilespmem:$0x1FEE0]  }
0x312: {  	v41 =	vadd.f32 v49, v0;
	v40 =	vadd.f32 v48, v31;
	v31 =	vld [tilespmem:s20+$0xC820]  }
0x313: {  	v57 =	vadd.f32 v57, v43;
	v59 =	vld [tilespmem:s20+$0x830];
	v10 =	vadd.f32 v1, v10;
	v24 =	vmul.f32 v4, v4  }
0x314: {  	v35 =	vadd.f32 v62, v45;
	v62 =	vld [tilespmem:s20+$0x850];
	v50 =	vadd.f32 v4, v56;
	v4 =	vmul.f32 v36, v36  }
0x315: {  	v36 =	vadd.f32 v54, v25;
	v25 =	vld [tilespmem:s20+$0xC850];
	v12 =	vadd.f32 v24, v12;
	[tilespmem:s19+$0x810] =	vst v41  }
0x316: {  	v4 =	vadd.f32 v4, v17;
	v17 =	vld [tilespmem:s20+$0x820];
	[tilespmem:s0+$0x850] =	vst v27;
	v27 =	vadd.f32 v61, v60;
	v60 =	vmul.f32 v46, v46  }
0x317: {  	v1 =	vmul.f32 v20, v20;
	v24 =	vadd.f32 v39, v37;
	v48 =	vadd.f32 v20, v50;
	v20 =	vld [tilespmem:s20+$0x840];
	[tilespmem:s19+$0x820] =	vst v40  }
0x318: {  	v37 =	vadd.f32 v42, v9;
	[tilespmem:s19+$0x860] =	vst v35;
	v9 =	vadd.f32 v60, v13;
	v13 =	vld [tilespmem:s20+$0xC840]  }
0x319: {  	v39 =	vadd.f32 v52, v51;
	v45 =	vadd.f32 v15, v26;
	v15 =	vld [tilespmem:s20+$0x860];
	[tilespmem:s19+$0x870] =	vst v36  }
0x31a: {  	[tilespmem:s19+$0x800] =	vst v57;
	v58 =	vadd.f32 v2, v24;
	v2 =	vmul.f32 v2, v2;
	v61 =	vld [tilespmem:s20+$0xC830]  }
0x31b: {  	v16 =	vadd.f32 v46, v16;
	[tilespmem:s19+$0x830] =	vst v39;
	v46 =	vadd.f32 v31, v17;
	v17 =	vld [tilespmem:s20+$0xC860]  }
0x31c: {  	[tilespmem:s19+$0x850] =	vst v37;
	v43 =	vadd.f32 v25, v62;
	v2 =	vadd.f32 v2, v3;
	v3 =	vld [tilespmem:s20+$0x870]  }
0x31d: {  	[tilespmem:s20+$0x810] =	vst v45;
	v42 =	vadd.f32 v13, v20;
	v13 =	vld [tilespmem:s20+$0xC870]  }
0x31e: {  	v56 =	vld [tilespmem:s20+$0xC800];
	[tilespmem:s20+$0x850] =	vst v43  }
0x31f: {  	v12 =	vadd.f32 v1, v12;
	[tilespmem:s19+$0x840] =	vst v27;
	v1 =	vadd.f32 v61, v59  }
0x320: {  	[tilespmem:s20+$0x820] =	vst v46;
	v44 =	vadd.f32 v17, v15  }
0x321: {  	v11 =	vadd.f32 v47, v11;
	[tilespmem:s20+$0x830] =	vst v1  }
0x322: {  	[tilespmem:s20+$0x860] =	vst v44;
	v26 =	vadd.f32 v13, v3  }
0x323: {  	v11 =	vadd.f32 v30, v11;
	[tilespmem:s20+$0x840] =	vst v42;
	v13 =	vmul.f32 v30, v30;
	v30 =	vadd.f32 v56, v55  }
0x324: {  	[tilespmem:s20+$0x870] =	vst v26  }
0x325: {  	[tilespmem:s20+$0x800] =	vst v30  }
0x326: {  	v10 =	vadd.f32 v13, v10;
	v13 =	vld [tilespmem:$0x1FEF0];
	_ =	sdelay $0x3  }
0x327: {  	v60 =	vadd.f32 v63, v14;
	v14 =	vmul.f32 v29, v29  }
0x328: {  	[tilespmem:s0+$0x860] =	vst v13  }
0x329: {  	v9 =	vadd.f32 v14, v9;
	v14 =	vld [tilespmem:$0x1FF00];
	_ =	sdelay $0x3  }
0x32a: {  	v15 =	vmul.f32 v28, v28  }
0x32b: {  	[tilespmem:s0+$0x870] =	vst v14  }
0x32c: {  	v61 =	vadd.f32 v29, v16;
	v29 =	vadd.f32 v15, v12;
	v12 =	vld [tilespmem:$0x1FF10];
	_ =	sdelay $0x3  }
0x32d: {  	v13 =	vmul.f32 v38, v38  }
0x32e: {  	[tilespmem:s0+$0x800] =	vst v12  }
0x32f: {  	v2 =	vadd.f32 v13, v2;
	v13 =	vld [tilespmem:$0x1FF20];
	_ =	sdelay $0x1  }
0x330: {  	v20 =	vmul.f32 v22, v22  }
0x331: {  	v59 =	vadd.f32 v21, v19  }
0x332: {  	v6 =	vadd.f32 v20, v6;
	v3 =	vadd.f32 v28, v48;
	v28 =	vmul.f32 v34, v34  }
0x333: {  	[tilespmem:s0+$0x810] =	vst v13  }
0x334: {  	v62 =	vadd.f32 v33, v59;
	v12 =	vmul.f32 v33, v33;
	v33 =	vadd.f32 v28, v6;
	v6 =	vld [tilespmem:$0x1FF30];
	_ =	sdelay $0x1  }
0x335: {  	v21 =	vmul.f32 v21, v21;
	_ =	sdelay $0x1  }
0x336: {  	v7 =	vadd.f32 v22, v7;
	v4 =	vadd.f32 v21, v4  }
0x337: {  	[tilespmem:s0+$0x820] =	vst v6  }
0x338: {  	v7 =	vadd.f32 v34, v7;
	v34 =	vadd.f32 v12, v4;
	v12 =	vld [tilespmem:$0x1FF40];
	_ =	sdelay $0x4  }
0x339: {  	[tilespmem:s0+$0x830] =	vst v12  }
0x33a: {  	v28 =	vadd.f32 v41, v11;
	v11 =	vld [tilespmem:$0x1FF50];
	_ =	sdelay $0x4  }
0x33b: {  	[tilespmem:s31+$0x800] =	vst v11  }
0x33c: {  	s21 =	spop (v2sf);
	v55 =	vld [tilespmem:$0x1FF60]  }
0x33d: {  	s22 =	spop (v2sf)  }
0x33e: {  	s17 =	smul.f32 $1.302083370e-03, s22  }
0x33f: {  	s23 =	spop (v2sf)  }
0x340: {  	s8 =	smul.f32 s17, s17;
	s6 =	spop (v2sf)  }
0x341: {  	s6 =	smul.f32 $1.302083370e-03, s6;
	[tilespmem:s31+$0x810] =	vst v55  }
0x342: {  	s18 =	smul.f32 $1.302083370e-03, s21;
	v56 =	vld [tilespmem:$0x1FF70]  }
0x343: {  	s1 =	smul.f32 $1.302083370e-03, s23;
	s8 =	ssub.f32 s6, s8  }
0x344: {  	s24 =	smul.f32 s18, s18;
	v5 =	vadd.f32 v23, v5  }
0x345: {  	s2 =	sadd.f32 $9.999999740e-06, s8;
	v0 =	vmul.f32 v63, v63  }
0x346: {  	s1 =	ssub.f32 s1, s24;
	v5 =	vadd.f32 v32, v5  }
0x347: {  	s14 =	sshra.s32 s2, $0x1;
	s22 =	smul.f32 $5.000000000e-01, s2;
	v0 =	vadd.f32 v0, v8;
	[tilespmem:s31+$0x820] =	vst v56  }
0x348: {  	s1 =	sadd.f32 $9.999999740e-06, s1;
	s6 =	ssub.s32 $0x5F3759DF, s14;
	v8 =	vadd.f32 v38, v58;
	v58 =	vadd.f32 v45, v5;
	v5 =	vld [tilespmem:$0x1FF80]  }
0x349: {  	s16 =	smul.f32 s6, s22  }
0x34a: {  	s4 =	sadd.s32 $0x1400, s4;
	s9 =	sshra.s32 s1, $0x1;
	s21 =	smul.f32 $5.000000000e-01, s1;
	v23 =	vmul.f32 v23, v23  }
0x34b: {  	s10 =	ssub.s32 $0x5F3759DF, s9;
	s8 =	smul.f32 s6, s16;
	s16 =	sor.u32 s3, s4  }
0x34c: {  	s15 =	smul.f32 s10, s21;
	v31 =	vadd.f32 v23, v18;
	v18 =	vld [tilespmem:s16+$0x840]  }
0x34d: {  	v23 =	vld [tilespmem:s16+$0xC860];
	[tilespmem:s31+$0x830] =	vst v5  }
0x34e: {  	s2 =	smul.f32 s10, s15;
	v5 =	vld [tilespmem:$0x1FF90]  }
0x34f: {  	v24 =	vld [tilespmem:s16+$0x870]  }
0x350: {  	s2 =	ssub.f32 $1.500000000e+00, s2;
	v25 =	vld [tilespmem:s16+$0xC870]  }
0x351: {  	s23 =	ssub.f32 $1.500000000e+00, s8;
	v19 =	vld [tilespmem:s16+$0xC840]  }
0x352: {  	s1 =	smul.f32 s10, s2;
	v21 =	vld [tilespmem:s16+$0xC850];
	v4 =	vadd.f32 v57, v60  }
0x353: {  	s24 =	smul.f32 s6, s23;
	v22 =	vld [tilespmem:s16+$0x860];
	[tilespmem:s31+$0x840] =	vst v5  }
0x354: {  	s9 =	smul.f32 s1, s21;
	v6 =	vmul.f32 v57, v57;
	v57 =	vmul.f32 v27, v27;
	v27 =	vadd.f32 v27, v4;
	v4 =	vld [tilespmem:$0x1FFA0]  }
0x355: {  	s3 =	sor.u32 s5, s4;
	s6 =	smul.f32 s24, s22;
	v20 =	vld [tilespmem:s16+$0x850]  }
0x356: {  	s10 =	smul.f32 s9, s1;
	v17 =	vld [tilespmem:s3+$0x840]  }
0x357: {  	s6 =	smul.f32 s6, s24;
	v63 =	vmul.f32 v41, v41;
	v15 =	vld [tilespmem:s3+$0xC840]  }
0x358: {  	s14 =	ssub.f32 $1.500000000e+00, s10;
	v48 =	vadd.f32 v30, v8;
	v8 =	vmul.f32 v39, v39;
	v16 =	vld [tilespmem:s3+$0x850]  }
0x359: {  	s15 =	ssub.f32 $1.500000000e+00, s6;
	v47 =	vadd.f32 v40, v61;
	v49 =	vadd.f32 v63, v10;
	v10 =	vld [tilespmem:s3+$0xC870];
	v14 =	vmul.f32 v32, v32;
	[tilespmem:s31+$0x850] =	vst v4  }
0x35a: {  	s1 =	smul.f32 s14, s1;
	v0 =	vadd.f32 v6, v0;
	v6 =	vmul.f32 v40, v40;
	v40 =	vadd.f32 v8, v29;
	v29 =	vld [tilespmem:$0x1FFB0]  }
0x35b: {  	s2 =	smul.f32 s15, s24;
	v38 =	vld [tilespmem:s16+$0xC830]  }
0x35c: {  	s4 =	smul.f32 s1, s21;
	v31 =	vadd.f32 v14, v31;
	v14 =	vld [tilespmem:s3+$0xC850]  }
0x35d: {  	s19 =	smul.f32 s2, s22;
	v41 =	vld [tilespmem:s3+$0x800]  }
0x35e: {  	s4 =	smul.f32 s4, s1;
	v60 =	vadd.f32 v46, v7;
	v7 =	vld [tilespmem:s16+$0x810]  }
0x35f: {  	v59 =	vmul.f32 v37, v37;
	v28 =	vadd.f32 v37, v28;
	v37 =	vld [tilespmem:s16+$0x820];
	s0 =	smul.f32 s19, s2;
	[tilespmem:s31+$0x860] =	vst v29  }
0x360: {  	s4 =	ssub.f32 $1.500000000e+00, s4;
	v61 =	vadd.f32 v1, v62;
	v63 =	vmul.f32 v1, v1;
	v1 =	vld [tilespmem:$0x1FFC0]  }
0x361: {  	v13 =	vld [tilespmem:s3+$0x860];
	s0 =	ssub.f32 $1.500000000e+00, s0  }
0x362: {  	s1 =	smul.f32 s4, s1;
	v3 =	vadd.f32 v39, v3;
	s20 =	ssub.f32 $0.0e+00, s18;
	v8 =	vld [tilespmem:s16+$0xC800];
	v5 =	vmul.f32 v30, v30  }
0x363: {  	s21 =	ssub.f32 $0.0e+00, s17;
	v39 =	vadd.f32 v6, v9;
	v9 =	vld [tilespmem:s16+$0x800];
	v32 =	vadd.f32 v57, v0;
	s0 =	smul.f32 s0, s2  }
0x364: {  	v62 =	vmul.f32 v46, v46;
	s4 =	smul.f32 s1, s20;
	v6 =	vld [tilespmem:s16+$0xC810];
	v30 =	vadd.f32 v36, v3;
	v5 =	vadd.f32 v5, v2  }
0x365: {  	s22 =	simm.s32 $0x80;
	v12 =	vld [tilespmem:s3+$0xC860];
	s2 =	smul.f32 s0, s21;
	v4 =	vmul.f32 v45, v45;
	v45 =	vadd.f32 v63, v34;
	v34 =	vadd.f32 v44, v60;
	[tilespmem:s31+$0x870] =	vst v1  }
0x366: {  	s29 =	simm.s32 $0x81;
	v11 =	vld [tilespmem:s3+$0x870];
	v29 =	vadd.f32 v35, v47;
	v47 =	vmul.f32 v36, v36;
	v36 =	vadd.f32 v26, v61;
	[smem:s22] =	sst s4  }
0x367: {  	s23 =	simm.s32 $0x0;
	v46 =	vmul.f32 v35, v35;
	v3 =	vld [tilespmem:s16+$0x830];
	v35 =	vadd.f32 v59, v49;
	v1 =	vadd.f32 v4, v31;
	[smem:s29] =	sst s2  }
0x368: {  	s24 =	simm.s32 $0x1;
	v2 =	vld [tilespmem:s16+$0xC820];
	v44 =	vmul.f32 v44, v44;
	v4 =	vadd.f32 v62, v33;
	v31 =	vadd.f32 v42, v48;
	[smem:s23] =	sst s1  }
0x369: {  	v48 =	vmul.f32 v42, v42;
	v33 =	vadd.f32 v43, v58;
	v43 =	vmul.f32 v43, v43;
	s31 =	simm.s32 $0x2;
	v42 =	vld [tilespmem:s3+$0xC800];
	[smem:s24] =	sst s0  }
.LBB2_9:
0x36a: {  	s31 =	sadd.s32 $0x2, s31;
	v58 =	vld [tilespmem:s3+$0x810]  }
0x36b: {  	v60 =	vld [tilespmem:s3+$0xC810];
	s0 =	sshrl.u32 s31, $0x3  }
0x36c: {  	v61 =	vld [tilespmem:s3+$0x820];
	s30 =	sadd.s32 $0x100, s30;
	s0 =	smul.u32 $0x1800, s0  }
0x36d: {  	s1 =	sadd.s32 $0xFFFFFF80, s30;
	v62 =	vadd.f32 v19, v18;
	v18 =	vld [tilespmem:s3+$0xC820]  }
0x36e: {  	v20 =	vadd.f32 v21, v20;
	s4 =	sadd.s32 s28, s0;
	s0 =	sand.u32 $0x300, s1;
	v19 =	vld [tilespmem:s3+$0x830]  }
0x36f: {  	v59 =	vadd.f32 v48, v5;
	v21 =	vadd.f32 v23, v22;
	v23 =	vld [tilespmem:s3+$0xC830];
	s5 =	sor.u32 s0, s4;
	[tilespmem:s16+$0x840] =	vst v62  }
0x370: {  	v44 =	vadd.f32 v44, v4;
	v22 =	vadd.f32 v25, v24;
	v4 =	vld [tilespmem:s5+$0x800];
	[tilespmem:s16+$0x850] =	vst v20  }
0x371: {  	v49 =	vadd.f32 v10, v11;
	v10 =	vadd.f32 v8, v9;
	v5 =	vld [tilespmem:s5+$0xC800];
	[tilespmem:s16+$0x860] =	vst v21  }
0x372: {  	v11 =	vadd.f32 v6, v7;
	v6 =	vld [tilespmem:s5+$0x810];
	[tilespmem:s16+$0x870] =	vst v22  }
0x373: {  	v0 =	vadd.f32 v46, v39;
	v2 =	vadd.f32 v2, v37;
	v7 =	vld [tilespmem:s5+$0xC810];
	[tilespmem:s16+$0x800] =	vst v10  }
0x374: {  	v57 =	vadd.f32 v47, v40;
	v15 =	vadd.f32 v15, v17;
	v8 =	vld [tilespmem:s5+$0x820];
	[tilespmem:s16+$0x810] =	vst v11  }
0x375: {  	v17 =	vadd.f32 v18, v61;
	v18 =	vadd.f32 v23, v19;
	v9 =	vld [tilespmem:s5+$0xC820];
	[tilespmem:s16+$0x820] =	vst v2  }
0x376: {  	v3 =	vadd.f32 v38, v3;
	v19 =	vadd.f32 v10, v27;
	v23 =	vmul.f32 v10, v10;
	v10 =	vld [tilespmem:s5+$0x830]  }
0x377: {  	v25 =	vadd.f32 v14, v16;
	v53 =	vadd.f32 v18, v36;
	[tilespmem:s3+$0x830] =	vst v18;
	v56 =	vmul.f32 v18, v18;
	v18 =	vld [tilespmem:s5+$0x870]  }
0x378: {  	v63 =	vadd.f32 v12, v13;
	v14 =	vadd.f32 v42, v41;
	[tilespmem:s16+$0x830] =	vst v3;
	v36 =	vld [tilespmem:s5+$0xC70]  }
0x379: {  	v16 =	vadd.f32 v60, v58;
	v24 =	vadd.f32 v11, v28;
	v27 =	vmul.f32 v11, v11;
	v11 =	vld [tilespmem:s5+$0xC830]  }
0x37a: {  	v28 =	vadd.f32 v2, v29;
	v29 =	vadd.f32 v3, v30;
	v12 =	vld [tilespmem:s5+$0x840]  }
0x37b: {  	v30 =	vadd.f32 v14, v31;
	v55 =	vadd.f32 v20, v24;
	v13 =	vld [tilespmem:s5+$0xC840]  }
0x37c: {  	[tilespmem:s3+$0x800] =	vst v14;
	v28 =	vadd.f32 v21, v28;
	v32 =	vadd.f32 v23, v32;
	v23 =	vmul.f32 v14, v14;
	v14 =	vld [tilespmem:s5+$0x850]  }
0x37d: {  	v29 =	vadd.f32 v22, v29;
	v52 =	vadd.f32 v17, v34;
	[tilespmem:s3+$0x820] =	vst v17;
	v24 =	vmul.f32 v17, v17;
	v17 =	vld [tilespmem:s5+$0x860]  }
0x37e: {  	v2 =	vmul.f32 v2, v2;
	v3 =	vmul.f32 v3, v3;
	v54 =	vadd.f32 v62, v19;
	v19 =	vld [tilespmem:s5+$0xC860]  }
0x37f: {  	v26 =	vmul.f32 v26, v26;
	[tilespmem:s3+$0x840] =	vst v15;
	v31 =	vadd.f32 v16, v33;
	v29 =	vadd.f32 v29, v28;
	v28 =	vld [tilespmem:s5+$0xCC10]  }
0x380: {  	[tilespmem:s3+$0x810] =	vst v16;
	v0 =	vadd.f32 v2, v0;
	v2 =	vadd.f32 v3, v57;
	v3 =	vmul.f32 v16, v16;
	v16 =	vld [tilespmem:s5+$0xC850]  }
0x381: {  	v26 =	vadd.f32 v26, v45;
	[tilespmem:s3+$0x850] =	vst v25;
	v57 =	vadd.f32 v23, v59;
	v23 =	vld [tilespmem:s5+$0xC870]  }
0x382: {  	[tilespmem:s3+$0x860] =	vst v63;
	v20 =	vmul.f32 v20, v20;
	v27 =	vadd.f32 v27, v35;
	v58 =	vadd.f32 v24, v44;
	v24 =	vld [tilespmem:s5+$0xCC00]  }
0x383: {  	[tilespmem:s3+$0x870] =	vst v49;
	s3 =	sand.u32 $0x380, s30;
	v37 =	vadd.f32 v56, v26;
	v26 =	vld [tilespmem:s5+$0xC10]  }
0x384: {  	s16 =	sor.u32 s3, s4;
	v20 =	vadd.f32 v20, v27;
	v27 =	vld [tilespmem:s5+$0xC20]  }
0x385: {  	v38 =	vld [tilespmem:s16+$0xC800]  }
0x386: {  	v39 =	vld [tilespmem:s16+$0x810]  }
0x387: {  	v40 =	vld [tilespmem:s16+$0xC810]  }
0x388: {  	v41 =	vld [tilespmem:s16+$0x820]  }
0x389: {  	v42 =	vld [tilespmem:s16+$0xC820]  }
0x38a: {  	v1 =	vadd.f32 v43, v1;
	v43 =	vld [tilespmem:s16+$0x830]  }
0x38b: {  	v30 =	vadd.f32 v15, v30;
	v21 =	vmul.f32 v21, v21;
	v31 =	vadd.f32 v25, v31;
	v44 =	vld [tilespmem:s16+$0xC830]  }
0x38c: {  	v33 =	vadd.f32 v63, v52;
	v35 =	vadd.f32 v55, v54;
	v45 =	vld [tilespmem:s16+$0x840]  }
0x38d: {  	v34 =	vadd.f32 v49, v53;
	v60 =	vld [tilespmem:s16+$0xC840];
	v0 =	vadd.f32 v21, v0  }
0x38e: {  	v25 =	vmul.f32 v25, v25;
	v61 =	vld [tilespmem:s16+$0x850];
	v3 =	vadd.f32 v3, v1;
	v21 =	vadd.f32 v29, v35  }
0x38f: {  	v59 =	vmul.f32 v62, v62;
	v62 =	vld [tilespmem:s16+$0xC850];
	v29 =	vadd.f32 v31, v30;
	v30 =	vadd.f32 v34, v33  }
0x390: {  	v22 =	vmul.f32 v22, v22;
	v50 =	vld [tilespmem:s16+$0xC860]  }
0x391: {  	v15 =	vmul.f32 v15, v15;
	v51 =	vld [tilespmem:s16+$0x870];
	v3 =	vadd.f32 v25, v3;
	v25 =	vadd.f32 v30, v29  }
0x392: {  	v52 =	vld [tilespmem:s16+$0xC870];
	v32 =	vadd.f32 v59, v32;
	v2 =	vadd.f32 v22, v2;
	(xrf2) =	vadd.scan.msk.f32 $0xffff, v21  }
0x393: {  	v53 =	vld [tilespmem:s16+$0xC00];
	v15 =	vadd.f32 v15, v57;
	v22 =	vmul.f32 v63, v63;
	v21 =	vmul.f32 v49, v49;
	(xrf2) =	vadd.scan.msk.f32 $0xffff, v25  }
0x394: {  	v54 =	vld [tilespmem:s16+$0xCC00];
	v20 =	vadd.f32 v20, v32;
	v0 =	vadd.f32 v2, v0  }
0x395: {  	v55 =	vld [tilespmem:s16+$0xC10];
	v22 =	vadd.f32 v22, v58;
	v21 =	vadd.f32 v21, v37  }
0x396: {  	v56 =	vld [tilespmem:s16+$0xCC70];
	v0 =	vadd.f32 v0, v20  }
0x397: {  	v1 =	vld [tilespmem:s5+$0xC00];
	v3 =	vadd.f32 v3, v15;
	v15 =	vadd.f32 v21, v22  }
0x398: {  	v31 =	vld [tilespmem:s5+$0xCC20];
	(xrf2) =	vadd.scan.msk.f32 $0xffff, v0  }
0x399: {  	v33 =	vld [tilespmem:s5+$0xC30];
	v17 =	vadd.f32 v19, v17;
	v3 =	vadd.f32 v15, v3  }
0x39a: {  	v34 =	vld [tilespmem:s5+$0xCC50];
	v16 =	vadd.f32 v16, v14  }
0x39b: {  	v35 =	vld [tilespmem:s5+$0xCC60];
	v19 =	vadd.f32 v23, v18;
	[tilespmem:s5+$0x860] =	vst v17;
	(xrf2) =	vadd.scan.msk.f32 $0xffff, v3  }
0x39c: {  	v63 =	vld [tilespmem:s16+$0x860];
	v58 =	vadd.f32 v28, v26;
	[tilespmem:s5+$0x850] =	vst v16;
	v15, _, _ =	vpop (xrf2)  }
0x39d: {  	v29 =	vld [tilespmem:s5+$0xCC30];
	v25 =	vadd.f32 v5, v4;
	[tilespmem:s5+$0x870] =	vst v19;
	(v2sf) =	vpush v15, $0xF;
	v20, _, _ =	vpop (xrf2)  }
0x39e: {  	v2 =	vld [tilespmem:s5+$0xC40];
	v5 =	vadd.f32 v31, v27;
	[tilespmem:s5+$0xC10] =	vst v58;
	(v2sf) =	vpush v20, $0xF  }
0x39f: {  	v30 =	vld [tilespmem:s5+$0xCC40];
	[tilespmem:s5+$0x800] =	vst v25  }
0x3a0: {  	v32 =	vld [tilespmem:s5+$0xC50];
	v27 =	vadd.f32 v54, v53;
	[tilespmem:$0x1FA10] =	vst v5  }
0x3a1: {  	v14 =	vld [tilespmem:s16+$0xCC20];
	v22 =	vadd.f32 v7, v6;
	[tilespmem:s5+$0xC20] =	vst v5  }
0x3a2: {  	v18 =	vld [tilespmem:s16+$0xC30];
	v21 =	vadd.f32 v11, v10;
	[tilespmem:s16+$0xC00] =	vst v27;
	v15, _, _ =	vpop (xrf2)  }
0x3a3: {  	v23 =	vld [tilespmem:s16+$0xC40];
	v6 =	vadd.f32 v29, v33;
	[tilespmem:s5+$0x810] =	vst v22;
	(v2sf) =	vpush v15, $0xF  }
0x3a4: {  	v26 =	vld [tilespmem:s16+$0xC50];
	v4 =	vadd.f32 v30, v2;
	[tilespmem:s5+$0x830] =	vst v21  }
0x3a5: {  	v0 =	vld [tilespmem:s5+$0xC60];
	[tilespmem:$0x1FA20] =	vst v6;
	v15, _, _ =	vpop (xrf2)  }
0x3a6: {  	v28 =	vld [tilespmem:s16+$0xC60];
	v5 =	vadd.f32 v34, v32;
	[tilespmem:$0x1FA30] =	vst v4;
	(v2sf) =	vpush v15, $0xF  }
0x3a7: {  	v37 =	vld [tilespmem:s16+$0x800];
	[tilespmem:s5+$0xC30] =	vst v6  }
0x3a8: {  	[tilespmem:$0x1FA40] =	vst v5;
	v3 =	vld [tilespmem:s5+$0xCC70]  }
0x3a9: {  	v2 =	vld [tilespmem:s16+$0xCC50];
	v32 =	vadd.f32 v60, v45;
	[tilespmem:s5+$0xC40] =	vst v4  }
0x3aa: {  	[tilespmem:s5+$0xC50] =	vst v5;
	v4 =	vadd.f32 v35, v0;
	v0 =	vld [tilespmem:s16+$0xCC60]  }
0x3ab: {  	[tilespmem:s16+$0x840] =	vst v32;
	v20 =	vadd.f32 v9, v8;
	v8 =	vadd.f32 v24, v1;
	v1 =	vld [tilespmem:s16+$0xCC30]  }
0x3ac: {  	[tilespmem:s5+$0xC60] =	vst v4;
	v24 =	vld [tilespmem:s16+$0xCC40];
	s19 =	spop (v2sf)  }
0x3ad: {  	v5 =	vadd.f32 v3, v36;
	v3 =	vld [tilespmem:s16+$0xC70];
	[tilespmem:s5+$0x820] =	vst v20;
	v15 =	vadd.f32 v13, v12;
	s20 =	spop (v2sf)  }
0x3ae: {  	[tilespmem:s5+$0xC00] =	vst v8;
	v12 =	vld [tilespmem:s16+$0xCC10];
	s18 =	smul.f32 $1.302083370e-03, s20;
	s20 =	sadd.s32 $0x800, s4  }
0x3af: {  	v33 =	vadd.f32 v62, v61;
	v13 =	vld [tilespmem:s16+$0xC20];
	[tilespmem:s5+$0x840] =	vst v15;
	s17 =	sor.u32 s0, s20  }
0x3b0: {  	v34 =	vadd.f32 v50, v63;
	[tilespmem:s5+$0xC70] =	vst v5;
	s19 =	smul.f32 $1.302083370e-03, s19;
	v45 =	vld [tilespmem:s17+$0x830]  }
0x3b1: {  	[tilespmem:s16+$0x850] =	vst v33;
	v46 =	vld [tilespmem:s17+$0xC830]  }
0x3b2: {  	[tilespmem:s16+$0x860] =	vst v34;
	v35 =	vadd.f32 v52, v51;
	s2 =	smul.f32 s19, s19;
	s21 =	spop (v2sf);
	v47 =	vld [tilespmem:s17+$0x840]  }
0x3b3: {  	v2 =	vadd.f32 v2, v26;
	[tilespmem:$0x1FA50] =	vst v4;
	s1 =	smul.f32 $1.302083370e-03, s21;
	v48 =	vld [tilespmem:s17+$0xC840]  }
0x3b4: {  	[tilespmem:s16+$0x870] =	vst v35;
	s8 =	smul.f32 s18, s18;
	v49 =	vld [tilespmem:s17+$0x850]  }
0x3b5: {  	v61 =	vmul.f32 v22, v22;
	v22 =	vadd.f32 $0.0e+00, v22;
	[tilespmem:$0x1FA70] =	vst v2;
	v36 =	vadd.f32 v38, v37;
	v50 =	vld [tilespmem:s17+$0xC850];
	s1 =	ssub.f32 s1, s2;
	s6 =	spop (v2sf)  }
0x3b6: {  	[tilespmem:s16+$0xC50] =	vst v2;
	v37 =	vadd.f32 v40, v39;
	v31 =	vadd.f32 v1, v18;
	v1 =	vld [tilespmem:s17+$0x860];
	s6 =	smul.f32 $1.302083370e-03, s6  }
0x3b7: {  	v4 =	vadd.f32 v0, v28;
	[tilespmem:s16+$0x800] =	vst v36;
	v2 =	vadd.f32 v56, v3;
	v0 =	vld [tilespmem:s17+$0xC860];
	s1 =	sadd.f32 $9.999999740e-06, s1  }
0x3b8: {  	v59 =	vmul.f32 v25, v25;
	v39 =	vadd.f32 v42, v41;
	[tilespmem:s16+$0x810] =	vst v37;
	v63 =	vmul.f32 v15, v15;
	v3 =	vld [tilespmem:s17+$0x870];
	s22 =	ssub.f32 s6, s8  }
0x3b9: {  	v22 =	vadd.f32 v16, v22;
	[tilespmem:$0x1FA90] =	vst v2;
	v51 =	vld [tilespmem:s17+$0xC870];
	s23 =	sshra.s32 s1, $0x1;
	s21 =	smul.f32 $5.000000000e-01, s1  }
0x3ba: {  	v38 =	vadd.f32 v44, v43;
	[tilespmem:s16+$0xC70] =	vst v2;
	v2 =	vmul.f32 v39, v39;
	v59 =	vadd.f32 v63, v59;
	v57 =	vld [tilespmem:s17+$0x800];
	s24 =	ssub.s32 $0x5F3759DF, s23;
	s2 =	sadd.f32 $9.999999740e-06, s22  }
0x3bb: {  	[tilespmem:s16+$0x820] =	vst v39;
	v63 =	vmul.f32 v35, v35;
	v29 =	vadd.f32 v12, v55;
	v30 =	vadd.f32 v14, v13;
	v40 =	vld [tilespmem:s17+$0xC800];
	s9 =	smul.f32 s24, s21  }
0x3bc: {  	[tilespmem:$0x1FA80] =	vst v4;
	v41 =	vld [tilespmem:s17+$0x810];
	v28 =	vadd.f32 v46, v45;
	v45 =	vadd.f32 v48, v47;
	v47 =	vmul.f32 v36, v36;
	s22 =	smul.f32 $5.000000000e-01, s2  }
0x3bd: {  	[tilespmem:s16+$0xC60] =	vst v4;
	v42 =	vld [tilespmem:s17+$0xC810];
	v4 =	vadd.f32 v50, v49;
	v0 =	vadd.f32 v0, v1;
	v1 =	vmul.f32 v32, v32;
	s8 =	sshra.s32 s2, $0x1;
	s2 =	smul.f32 s24, s9  }
0x3be: {  	[tilespmem:s16+$0x830] =	vst v38;
	v43 =	vld [tilespmem:s17+$0x820];
	v13 =	vadd.f32 v51, v3;
	v51 =	vmul.f32 v38, v38;
	v49 =	vmul.f32 v34, v34  }
0x3bf: {  	v52 =	vadd.f32 v24, v23;
	[tilespmem:s16+$0xC30] =	vst v31;
	v44 =	vld [tilespmem:s17+$0xC820];
	v1 =	vadd.f32 v1, v47;
	s2 =	ssub.f32 $1.500000000e+00, s2  }
0x3c0: {  	[tilespmem:s16+$0xC10] =	vst v29;
	v2 =	vadd.f32 v49, v2;
	v47 =	vadd.f32 v63, v51;
	v63 =	vmov v58;
	v49 =	vld [tilespmem:$0x1FA20]  }
0x3c1: {  	[tilespmem:s16+$0xC20] =	vst v30;
	v22 =	vadd.f32 v63, v22;
	v63 =	vld [tilespmem:$0x1FA50];
	s1 =	smul.f32 s24, s2;
	s24 =	sor.u32 s3, s20  }
0x3c2: {  	[tilespmem:s16+$0xC40] =	vst v52;
	v9 =	vld [tilespmem:s24+$0x800]  }
0x3c3: {  	v53 =	vld [tilespmem:s24+$0xC800]  }
0x3c4: {  	v54 =	vld [tilespmem:s24+$0x810]  }
0x3c5: {  	v55 =	vld [tilespmem:s24+$0xC810]  }
0x3c6: {  	v56 =	vld [tilespmem:s24+$0x820]  }
0x3c7: {  	v12 =	vld [tilespmem:s24+$0xC820]  }
0x3c8: {  	v23 =	vadd.f32 v40, v57;
	s5 =	ssub.s32 $0x5F3759DF, s8;
	v7 =	vld [tilespmem:s24+$0x830]  }
0x3c9: {  	[tilespmem:$0x1FA60] =	vst v5;
	v24 =	vadd.f32 v42, v41;
	s10 =	smul.f32 s5, s22;
	v40 =	vld [tilespmem:s24+$0xC830]  }
0x3ca: {  	v26 =	vadd.f32 v44, v43;
	[tilespmem:s17+$0x800] =	vst v23;
	v11 =	vld [tilespmem:s24+$0x840]  }
0x3cb: {  	[tilespmem:s17+$0x810] =	vst v24;
	s6 =	smul.f32 s5, s10;
	v10 =	vld [tilespmem:s24+$0xC840]  }
0x3cc: {  	[tilespmem:s17+$0x820] =	vst v26;
	v46 =	vld [tilespmem:s24+$0x850]  }
0x3cd: {  	[tilespmem:s17+$0x830] =	vst v28;
	v48 =	vld [tilespmem:s24+$0xC850];
	s6 =	ssub.f32 $1.500000000e+00, s6  }
0x3ce: {  	[tilespmem:$0x1FAA0] =	vst v4;
	v6 =	vld [tilespmem:s24+$0x860];
	s15 =	smul.f32 s1, s21  }
0x3cf: {  	[tilespmem:s17+$0x840] =	vst v45;
	v5 =	vld [tilespmem:s24+$0xC860];
	s14 =	smul.f32 s5, s6  }
0x3d0: {  	[tilespmem:s17+$0x850] =	vst v4;
	v4 =	vld [tilespmem:s24+$0x870];
	s5 =	smul.f32 s15, s1;
	s15 =	ssub.f32 $0.0e+00, s19;
	s19 =	sadd.s32 $0xC00, s4  }
0x3d1: {  	v41 =	vmul.f32 v16, v16;
	[tilespmem:s17+$0x860] =	vst v0;
	v3 =	vld [tilespmem:s24+$0xC870];
	s20 =	sor.u32 s0, s19  }
0x3d2: {  	v57 =	vmul.f32 v21, v21;
	v44 =	vadd.f32 $0.0e+00, v25;
	v25 =	vmul.f32 v19, v19;
	[tilespmem:s17+$0x870] =	vst v13;
	v60 =	vld [tilespmem:s20+$0x800]  }
0x3d3: {  	v41 =	vadd.f32 v41, v61;
	v61 =	vld [tilespmem:s20+$0xC800]  }
0x3d4: {  	v50 =	vmul.f32 v37, v37;
	[tilespmem:$0x1FAC0] =	vst v0;
	v0 =	vmul.f32 v33, v33;
	v25 =	vadd.f32 v25, v57;
	v57 =	vld [tilespmem:s20+$0x810]  }
0x3d5: {  	v39 =	vadd.f32 $0.0e+00, v39;
	v43 =	vld [tilespmem:s20+$0xC810]  }
0x3d6: {  	v62 =	vmul.f32 v20, v20;
	v42 =	vmul.f32 v17, v17;
	v0 =	vadd.f32 v0, v50;
	v50 =	vld [tilespmem:s20+$0x820]  }
0x3d7: {  	v39 =	vadd.f32 v34, v39;
	v51 =	vld [tilespmem:s20+$0xC820]  }
0x3d8: {  	v21 =	vadd.f32 $0.0e+00, v21;
	v42 =	vadd.f32 v42, v62;
	v62 =	vld [tilespmem:s20+$0x830]  }
0x3d9: {  	v36 =	vadd.f32 $0.0e+00, v36;
	v37 =	vadd.f32 $0.0e+00, v37;
	v18 =	vld [tilespmem:s20+$0xC830]  }
0x3da: {  	v21 =	vadd.f32 v19, v21;
	v19 =	vadd.f32 v53, v9;
	v53 =	vld [tilespmem:s20+$0x840]  }
0x3db: {  	v38 =	vadd.f32 $0.0e+00, v38;
	v44 =	vadd.f32 v15, v44;
	v9 =	vmul.f32 v58, v58;
	v58 =	vld [tilespmem:$0x1FA10]  }
0x3dc: {  	v36 =	vadd.f32 v32, v36;
	v32 =	vadd.f32 v55, v54;
	v54 =	vld [tilespmem:s20+$0xC840]  }
0x3dd: {  	v15 =	vmul.f32 v8, v8;
	v37 =	vadd.f32 v33, v37;
	v33 =	vadd.f32 v12, v56;
	v56 =	vld [tilespmem:s20+$0x850]  }
0x3de: {  	v38 =	vadd.f32 v35, v38;
	v35 =	vmul.f32 v49, v49;
	v34 =	vadd.f32 v40, v7;
	v40 =	vld [tilespmem:s20+$0xC850]  }
0x3df: {  	v55 =	vadd.f32 v15, v59;
	v16 =	vadd.f32 v48, v46;
	v46 =	vld [tilespmem:s20+$0x860]  }
0x3e0: {  	[tilespmem:$0x1FAD0] =	vst v13;
	v15 =	vadd.f32 v5, v6;
	v5 =	vadd.f32 v35, v25;
	v25 =	vld [tilespmem:s20+$0xC860]  }
0x3e1: {  	v20 =	vadd.f32 $0.0e+00, v20;
	v14 =	vld [tilespmem:s20+$0x870];
	[tilespmem:s24+$0x800] =	vst v19  }
0x3e2: {  	v6 =	vmul.f32 v30, v30;
	v7 =	vld [tilespmem:$0x1FA70];
	[tilespmem:s24+$0x810] =	vst v32  }
0x3e3: {  	v20 =	vadd.f32 v17, v20;
	s23 =	ssub.f32 $1.500000000e+00, s5;
	v12 =	vld [tilespmem:$0x1FA80];
	[tilespmem:s24+$0x820] =	vst v33;
	v17 =	vmul.f32 v58, v58  }
0x3e4: {  	v9 =	vadd.f32 v9, v41;
	v41 =	vmul.f32 v27, v27;
	[tilespmem:s24+$0x830] =	vst v34;
	v48 =	vadd.f32 v6, v2;
	v6 =	vld [tilespmem:$0x1FA30]  }
0x3e5: {  	s1 =	smul.f32 s23, s1;
	[tilespmem:s24+$0x850] =	vst v16;
	v2 =	vld [tilespmem:$0x1FA90];
	v42 =	vadd.f32 v17, v42;
	v17 =	vadd.f32 v3, v4  }
0x3e6: {  	v35 =	vadd.f32 v10, v11;
	[tilespmem:s24+$0x860] =	vst v15;
	v13 =	vadd.f32 v41, v1;
	v41 =	vld [tilespmem:s20+$0xC870]  }
0x3e7: {  	s10 =	smul.f32 s1, s21;
	s21 =	sor.u32 s3, s19;
	v4 =	vmul.f32 v31, v31;
	v3 =	vld [tilespmem:$0x1FA60];
	[tilespmem:s24+$0x870] =	vst v17  }
0x3e8: {  	[tilespmem:s24+$0x840] =	vst v35;
	v1 =	vld [tilespmem:s21+$0x800]  }
0x3e9: {  	v4 =	vadd.f32 v4, v47;
	v47 =	vld [tilespmem:s21+$0xC800]  }
0x3ea: {  	v21 =	vadd.f32 v49, v21;
	v49 =	vld [tilespmem:s21+$0x810]  }
0x3eb: {  	v59 =	vmul.f32 v29, v29;
	v29 =	vadd.f32 v29, v37;
	v10 =	vmul.f32 v6, v6;
	v37 =	vld [tilespmem:s21+$0xC810]  }
0x3ec: {  	v36 =	vadd.f32 v27, v36;
	v11 =	vmul.f32 v63, v63;
	v31 =	vadd.f32 v31, v38;
	v38 =	vld [tilespmem:s21+$0x820]  }
0x3ed: {  	v30 =	vadd.f32 v30, v39;
	v39 =	vadd.f32 v10, v55;
	v10 =	vmul.f32 v52, v52;
	v55 =	vld [tilespmem:s21+$0xC820]  }
0x3ee: {  	v20 =	vadd.f32 v58, v20;
	v42 =	vadd.f32 v11, v42;
	[tilespmem:$0x1FAB0] =	vst v1;
	v1 =	vld [tilespmem:$0x1FA40]  }
0x3ef: {  	v11 =	vadd.f32 v61, v60;
	v61 =	vld [tilespmem:s21+$0xC830];
	v13 =	vadd.f32 v10, v13;
	v27 =	vmul.f32 v3, v3  }
0x3f0: {  	v10 =	vadd.f32 v18, v62;
	v18 =	vld [tilespmem:s21+$0x850];
	v21 =	vadd.f32 v3, v21  }
0x3f1: {  	v3 =	vadd.f32 v52, v36;
	v36 =	vld [tilespmem:s21+$0x870];
	v58 =	vadd.f32 v27, v5;
	v5 =	vmul.f32 v12, v12  }
0x3f2: {  	v0 =	vadd.f32 v59, v0;
	v27 =	vadd.f32 v43, v57;
	v57 =	vld [tilespmem:s21+$0x840]  }
0x3f3: {  	s6 =	smul.f32 s14, s22;
	v48 =	vadd.f32 v5, v48;
	v5 =	vadd.f32 v25, v46;
	v46 =	vld [tilespmem:s21+$0xC860];
	v59 =	vmul.f32 v1, v1  }
0x3f4: {  	v25 =	vadd.f32 v7, v29;
	v29 =	vld [tilespmem:s21+$0xC870];
	v22 =	vadd.f32 v1, v22  }
0x3f5: {  	v8 =	vadd.f32 v8, v44;
	s6 =	smul.f32 s6, s14;
	v44 =	vadd.f32 v59, v9;
	v9 =	vmul.f32 v7, v7;
	v59 =	vld [tilespmem:s21+$0x830]  }
0x3f6: {  	v20 =	vadd.f32 v63, v20;
	v22 =	vadd.f32 v24, v22;
	v24 =	vmul.f32 v24, v24;
	v7 =	vld [tilespmem:$0x1FAB0]  }
0x3f7: {  	s6 =	ssub.f32 $1.500000000e+00, s6;
	[tilespmem:s20+$0x800] =	vst v11;
	v60 =	vadd.f32 v9, v0;
	v0 =	vmul.f32 v2, v2;
	v9 =	vadd.f32 v51, v50;
	v51 =	vld [tilespmem:s21+$0xC840]  }
0x3f8: {  	v31 =	vadd.f32 v2, v31;
	[tilespmem:s20+$0x830] =	vst v10;
	v44 =	vadd.f32 v24, v44;
	v2 =	vld [tilespmem:$0x1FAA0]  }
0x3f9: {  	s2 =	smul.f32 s6, s14;
	[tilespmem:s20+$0x810] =	vst v27;
	v24 =	vadd.f32 v37, v49;
	v49 =	vld [tilespmem:$0x1FAD0];
	v50 =	vadd.f32 v0, v4  }
0x3fa: {  	[tilespmem:s20+$0x860] =	vst v5;
	v0 =	vadd.f32 v6, v8;
	v8 =	vadd.f32 v54, v53;
	v53 =	vld [tilespmem:s21+$0xC850]  }
0x3fb: {  	s14 =	smul.f32 s2, s22;
	s22 =	sadd.s32 $0x1000, s4;
	[tilespmem:s20+$0x820] =	vst v9;
	v6 =	vadd.f32 v40, v56;
	v40 =	vld [tilespmem:s21+$0x860]  }
0x3fc: {  	s23 =	sor.u32 s0, s22;
	v20 =	vadd.f32 v26, v20;
	v4 =	vadd.f32 v41, v14;
	v14 =	vld [tilespmem:$0x1FAC0];
	[tilespmem:s20+$0x840] =	vst v8  }
0x3fd: {  	v26 =	vmul.f32 v26, v26;
	v12 =	vadd.f32 v12, v30;
	[tilespmem:s20+$0x850] =	vst v6;
	v30 =	vadd.f32 v23, v0;
	v0 =	vld [tilespmem:s23+$0x800]  }
0x3fe: {  	[tilespmem:s20+$0x870] =	vst v4;
	v41 =	vld [tilespmem:s23+$0x810]  }
0x3ff: {  	v42 =	vadd.f32 v26, v42;
	v21 =	vadd.f32 v28, v21;
	v52 =	vld [tilespmem:s23+$0xC810]  }
0x400: {  	v3 =	vadd.f32 v19, v3;
	v54 =	vadd.f32 v32, v25;
	v62 =	vld [tilespmem:s23+$0x820]  }
0x401: {  	v56 =	vadd.f32 v33, v12;
	v12 =	vmul.f32 v28, v28;
	v28 =	vmul.f32 v32, v32;
	v63 =	vld [tilespmem:s23+$0xC820]  }
0x402: {  	v25 =	vadd.f32 v55, v38;
	v26 =	vadd.f32 v61, v59;
	v23 =	vmul.f32 v23, v23;
	v1 =	vld [tilespmem:s23+$0x830]  }
0x403: {  	v58 =	vadd.f32 v12, v58;
	v12 =	vmul.f32 v19, v19;
	v55 =	vadd.f32 v28, v60;
	v43 =	vld [tilespmem:s23+$0x840]  }
0x404: {  	s6 =	smul.f32 s10, s1;
	[tilespmem:s21+$0x810] =	vst v24;
	v28 =	vmul.f32 v34, v34;
	v19 =	vadd.f32 v49, v21;
	v21 =	vld [tilespmem:s23+$0xC840];
	v39 =	vadd.f32 v23, v39  }
0x405: {  	s8 =	smul.f32 s14, s2;
	[tilespmem:s21+$0x820] =	vst v25;
	v32 =	vld [tilespmem:s23+$0x850];
	v23 =	vadd.f32 v47, v7;
	v37 =	vadd.f32 v12, v13  }
0x406: {  	s6 =	ssub.f32 $1.500000000e+00, s6;
	[tilespmem:s21+$0x830] =	vst v26;
	v13 =	vmul.f32 v33, v33;
	v33 =	vld [tilespmem:s23+$0xC850];
	v60 =	vadd.f32 v28, v50;
	v28 =	vadd.f32 v51, v57  }
0x407: {  	s8 =	ssub.f32 $1.500000000e+00, s8;
	v22 =	vadd.f32 v2, v22;
	v47 =	vld [tilespmem:s23+$0x860];
	[tilespmem:s21+$0x800] =	vst v23  }
0x408: {  	s29 =	sadd.s32 $0x2, s29;
	s1 =	smul.f32 s6, s1;
	v12 =	vadd.f32 v53, v18;
	v7 =	vadd.f32 v46, v40;
	v40 =	vld [tilespmem:s23+$0xC860];
	[tilespmem:s21+$0x840] =	vst v28  }
0x409: {  	s16 =	ssub.f32 $0.0e+00, s18;
	s9 =	sadd.s32 $0xFFFFFF7F, s29;
	s2 =	smul.f32 s8, s2;
	v59 =	vmul.f32 v2, v2;
	v2 =	vadd.f32 v13, v48;
	v13 =	vadd.f32 v29, v36;
	v36 =	vld [tilespmem:s23+$0x870];
	[tilespmem:$0x1FAE0] =	vst v0  }
0x40a: {  	s18 =	sadd.s32 $0xFFFFFF80, s29;
	[smem:s9] =	sst s1;
	v48 =	vld [tilespmem:s23+$0xC870];
	[tilespmem:s21+$0x850] =	vst v12  }
0x40b: {  	[smem:s18] =	sst s2;
	s18 =	sor.u32 s3, s22;
	v30 =	vadd.f32 v45, v30;
	v45 =	vmul.f32 v45, v45;
	v0 =	vld [tilespmem:s23+$0xC800];
	[tilespmem:s21+$0x860] =	vst v7  }
0x40c: {  	v18 =	vmul.f32 v14, v14;
	[tilespmem:s21+$0x870] =	vst v13;
	v53 =	vld [tilespmem:s18+$0x830]  }
0x40d: {  	v31 =	vadd.f32 v34, v31;
	v39 =	vadd.f32 v45, v39;
	v45 =	vld [tilespmem:s18+$0x800]  }
0x40e: {  	v56 =	vadd.f32 v15, v56;
	v15 =	vmul.f32 v15, v15;
	v18 =	vadd.f32 v18, v42;
	v42 =	vld [tilespmem:s18+$0xC800]  }
0x40f: {  	v31 =	vadd.f32 v17, v31;
	v34 =	vadd.f32 v59, v44;
	v44 =	vld [tilespmem:s18+$0x810]  }
0x410: {  	v61 =	vadd.f32 v16, v54;
	v16 =	vmul.f32 v16, v16;
	v2 =	vadd.f32 v15, v2;
	v15 =	vld [tilespmem:s18+$0xC810]  }
0x411: {  	v3 =	vadd.f32 v35, v3;
	v54 =	vadd.f32 v26, v31;
	v46 =	vld [tilespmem:s18+$0x820]  }
0x412: {  	v16 =	vadd.f32 v16, v55;
	v20 =	vadd.f32 v14, v20;
	v57 =	vld [tilespmem:s18+$0xC820]  }
0x413: {  	v14 =	vmul.f32 v49, v49;
	v51 =	vadd.f32 v23, v3;
	v3 =	vadd.f32 v52, v41;
	v41 =	vld [tilespmem:s18+$0xC830]  }
0x414: {  	v29 =	vmul.f32 v35, v35;
	v38 =	vadd.f32 v11, v30;
	v30 =	vadd.f32 v63, v62;
	v52 =	vld [tilespmem:s18+$0x840]  }
0x415: {  	v22 =	vadd.f32 v27, v22;
	v14 =	vadd.f32 v14, v58;
	v58 =	vld [tilespmem:s18+$0xC840];
	[tilespmem:s23+$0x810] =	vst v3  }
0x416: {  	v17 =	vmul.f32 v17, v17;
	v37 =	vadd.f32 v29, v37;
	v59 =	vld [tilespmem:s18+$0x850];
	v29 =	vadd.f32 v33, v32;
	[tilespmem:s23+$0x820] =	vst v30  }
0x417: {  	v19 =	vadd.f32 v10, v19;
	v31 =	vadd.f32 v40, v47;
	[tilespmem:$0x1FAF0] =	vst v0;
	v0 =	vld [tilespmem:s23+$0xC830]  }
0x418: {  	v10 =	vmul.f32 v10, v10;
	v17 =	vadd.f32 v17, v60;
	v60 =	vld [tilespmem:s18+$0xC850];
	[tilespmem:s23+$0x850] =	vst v29;
	v32 =	vadd.f32 v48, v36  }
0x419: {  	v35 =	vadd.f32 v24, v61;
	v61 =	vld [tilespmem:s18+$0x860];
	[tilespmem:s23+$0x860] =	vst v31;
	v44 =	vadd.f32 v15, v44  }
0x41a: {  	v10 =	vadd.f32 v10, v14;
	v14 =	vld [tilespmem:s18+$0xC860];
	[tilespmem:s23+$0x870] =	vst v32;
	v46 =	vadd.f32 v57, v46  }
0x41b: {  	v20 =	vadd.f32 v9, v20;
	v9 =	vmul.f32 v9, v9;
	v62 =	vld [tilespmem:s18+$0x870];
	v41 =	vadd.f32 v41, v53;
	[tilespmem:s18+$0x810] =	vst v44  }
0x41c: {  	v49 =	vadd.f32 v25, v56;
	v27 =	vmul.f32 v27, v27;
	v15 =	vld [tilespmem:s18+$0xC870];
	[tilespmem:s18+$0x820] =	vst v46;
	v0 =	vadd.f32 v0, v1  }
0x41d: {  	v9 =	vadd.f32 v9, v18;
	v18 =	vld [tilespmem:$0x1FAE0];
	[tilespmem:s18+$0x830] =	vst v41;
	v1 =	vadd.f32 v21, v43  }
0x41e: {  	s24 =	sadd.s32 $0x1400, s4;
	v27 =	vadd.f32 v27, v34;
	v50 =	vadd.f32 v58, v52;
	v21 =	vld [tilespmem:$0x1FAF0];
	[tilespmem:s23+$0x830] =	vst v0  }
0x41f: {  	s8 =	smul.f32 s2, s16;
	s16 =	sor.u32 s0, s24;
	v63 =	vadd.f32 v6, v22;
	v22 =	vmul.f32 v24, v24;
	v53 =	vadd.f32 v60, v59;
	[tilespmem:s23+$0x840] =	vst v1  }
0x420: {  	v11 =	vmul.f32 v11, v11;
	v47 =	vadd.f32 v5, v20;
	v55 =	vadd.f32 v14, v61;
	[tilespmem:s18+$0x840] =	vst v50;
	v20 =	vld [tilespmem:s16+$0x850]  }
0x421: {  	v58 =	vadd.f32 v22, v16;
	v16 =	vmul.f32 v26, v26;
	[tilespmem:s18+$0x850] =	vst v53;
	v26 =	vadd.f32 v15, v62;
	v22 =	vld [tilespmem:s16+$0x860]  }
0x422: {  	v11 =	vadd.f32 v11, v39;
	v6 =	vmul.f32 v6, v6;
	v39 =	vadd.f32 v42, v45;
	[tilespmem:s18+$0x860] =	vst v55;
	v24 =	vld [tilespmem:s16+$0x870]  }
0x423: {  	s3 =	sor.u32 s3, s24;
	v5 =	vmul.f32 v5, v5;
	v36 =	vadd.f32 v8, v38;
	[tilespmem:s18+$0x870] =	vst v26;
	v38 =	vadd.f32 v21, v18;
	v18 =	vld [tilespmem:s16+$0x840]  }
0x424: {  	v6 =	vadd.f32 v6, v27;
	v8 =	vmul.f32 v8, v8;
	v59 =	vadd.f32 v16, v17;
	[tilespmem:s18+$0x800] =	vst v39;
	v17 =	vld [tilespmem:s3+$0x840]  }
0x425: {  	v63 =	vadd.f32 v3, v63;
	v5 =	vadd.f32 v5, v9;
	v9 =	vmul.f32 v13, v13;
	v15 =	vld [tilespmem:s3+$0xC840]  }
0x426: {  	v8 =	vadd.f32 v8, v11;
	v57 =	vadd.f32 v4, v19;
	v4 =	vmul.f32 v4, v4;
	v16 =	vld [tilespmem:s3+$0x850]  }
0x427: {  	v11 =	vmul.f32 v12, v12;
	v60 =	vadd.f32 v28, v51;
	v62 =	vadd.f32 v13, v54;
	v13 =	vld [tilespmem:s3+$0x860]  }
0x428: {  	v14 =	vmul.f32 v28, v28;
	v28 =	vadd.f32 v12, v35;
	v4 =	vadd.f32 v4, v10;
	v12 =	vld [tilespmem:s3+$0xC860]  }
0x429: {  	v45 =	vadd.f32 v11, v58;
	v34 =	vadd.f32 v39, v60;
	v11 =	vld [tilespmem:s3+$0x870]  }
0x42a: {  	v3 =	vmul.f32 v3, v3;
	v60 =	vadd.f32 v44, v28;
	v28 =	vadd.f32 v29, v63;
	v10 =	vld [tilespmem:s3+$0xC870]  }
0x42b: {  	v63 =	vmul.f32 v41, v41;
	v54 =	vadd.f32 v41, v62;
	v21 =	vmul.f32 v23, v23;
	v41 =	vld [tilespmem:s3+$0x800];
	[tilespmem:s23+$0x800] =	vst v38  }
0x42c: {  	v27 =	vmul.f32 v30, v30;
	v61 =	vadd.f32 v7, v49;
	v23 =	vmul.f32 v25, v25;
	v19 =	vld [tilespmem:s16+$0xC840]  }
0x42d: {  	v47 =	vadd.f32 v30, v47;
	v7 =	vmul.f32 v7, v7;
	v37 =	vadd.f32 v21, v37;
	v21 =	vld [tilespmem:s16+$0xC850]  }
0x42e: {  	v52 =	vmul.f32 v29, v29;
	v35 =	vadd.f32 v46, v61;
	v2 =	vadd.f32 v23, v2;
	v23 =	vld [tilespmem:s16+$0xC860]  }
0x42f: {  	v29 =	vadd.f32 v31, v47;
	v48 =	vadd.f32 v0, v57;
	v0 =	vmul.f32 v0, v0;
	v25 =	vld [tilespmem:s16+$0xC870]  }
0x430: {  	v33 =	vadd.f32 v9, v59;
	v62 =	vadd.f32 v3, v6;
	v3 =	vmul.f32 v39, v39;
	v9 =	vld [tilespmem:s16+$0x800]  }
0x431: {  	v39 =	vadd.f32 v27, v5;
	v40 =	vadd.f32 v0, v4;
	v4 =	vmul.f32 v46, v46;
	v6 =	vld [tilespmem:s16+$0xC810]  }
0x432: {  	v30 =	vadd.f32 v32, v48;
	v46 =	vmul.f32 v31, v31;
	v42 =	vadd.f32 v14, v37;
	v14 =	vld [tilespmem:s3+$0xC850]  }
0x433: {  	v31 =	vadd.f32 v50, v34;
	v49 =	vadd.f32 v7, v2;
	v7 =	vmul.f32 v38, v38;
	v37 =	vld [tilespmem:s16+$0x820]  }
0x434: {  	p0 =	slt.u32 s31, $0x1E;
	v47 =	vmul.f32 v32, v32;
	v34 =	vadd.f32 v55, v35;
	v2 =	vadd.f32 v38, v36;
	v38 =	vld [tilespmem:s16+$0xC830]  }
.Ltmp3:
0x435: {  	v0 =	vmul.f32 v44, v44;
	v35 =	vadd.f32 v52, v62;
	v61 =	vadd.f32 v7, v8;
	v8 =	vld [tilespmem:s16+$0xC800];
	(pc) =	sbr.rel @p0 .LBB2_9-.Ltmp3, $4  }
0x436: {  	s6 =	smul.f32 s1, s15;
	v43 =	vmul.f32 v53, v53;
	v36 =	vadd.f32 v26, v54;
	v7 =	vld [tilespmem:s16+$0x810];
	v27 =	vadd.f32 v1, v2  }
0x437: {  	s10 =	sadd.s32 $0xFFFFFFFF, s29;
	v51 =	vmul.f32 v1, v1;
	v2 =	vld [tilespmem:s16+$0xC820];
	v5 =	vadd.f32 v3, v42;
	v1 =	vadd.f32 v0, v45  }
0x438: {  	[smem:s10] =	sst s6;
	v48 =	vmul.f32 v50, v50;
	v3 =	vld [tilespmem:s16+$0x830];
	v4 =	vadd.f32 v4, v49;
	v45 =	vadd.f32 v63, v33  }
0x439: {  	[smem:s29] =	sst s8;
	v44 =	vmul.f32 v55, v55;
	v33 =	vadd.f32 v53, v60;
	v42 =	vld [tilespmem:s3+$0xC800];
	v32 =	vadd.f32 v51, v61  }
0x43a: {  	v0 =	vadd.f32 v46, v39;
	v59 =	vadd.f32 v47, v40  }
0x43b: {  	v61 =	vadd.f32 v48, v5;
	v43 =	vadd.f32 v43, v1  }
0x43c: {  	v18 =	vadd.f32 v19, v18;
	v19 =	vadd.f32 v21, v20  }
0x43d: {  	v60 =	vld [tilespmem:s3+$0x810];
	v21 =	vadd.f32 v23, v22;
	v22 =	vadd.f32 v25, v24  }
0x43e: {  	v62 =	vld [tilespmem:s3+$0xC810];
	v15 =	vadd.f32 v15, v17;
	v5 =	vadd.f32 v14, v16  }
0x43f: {  	v26 =	vmul.f32 v26, v26;
	v63 =	vld [tilespmem:s3+$0x820];
	v1 =	vadd.f32 v12, v13;
	v8 =	vadd.f32 v8, v9  }
0x440: {  	v20 =	vld [tilespmem:s3+$0xC820];
	v44 =	vadd.f32 v44, v4;
	v4 =	vadd.f32 v10, v11  }
0x441: {  	v23 =	vld [tilespmem:s3+$0x830];
	v6 =	vadd.f32 v6, v7;
	v26 =	vadd.f32 v26, v45  }
0x442: {  	v24 =	vld [tilespmem:s3+$0xC830];
	v2 =	vadd.f32 v2, v37;
	v12 =	vadd.f32 v8, v27  }
0x443: {  	v13 =	vmul.f32 v8, v8;
	v3 =	vadd.f32 v38, v3;
	v14 =	vadd.f32 v6, v28  }
0x444: {  	v7 =	vadd.f32 v42, v41;
	v17 =	vadd.f32 v2, v29  }
0x445: {  	v13 =	vadd.f32 v13, v32;
	v12 =	vadd.f32 v18, v12  }
0x446: {  	v16 =	vmul.f32 v6, v6;
	v9 =	vadd.f32 v62, v60;
	v10 =	vadd.f32 v20, v63  }
0x447: {  	v46 =	vmul.f32 v18, v18;
	v11 =	vadd.f32 v24, v23;
	v20 =	vadd.f32 v3, v30  }
0x448: {  	v47 =	vmul.f32 v19, v19;
	v16 =	vadd.f32 v16, v35;
	v14 =	vadd.f32 v19, v14  }
0x449: {  	v23 =	vmul.f32 v2, v2;
	v24 =	vadd.f32 v7, v31;
	v17 =	vadd.f32 v21, v17  }
0x44a: {  	v27 =	vmul.f32 v3, v3;
	v13 =	vadd.f32 v46, v13;
	v25 =	vadd.f32 v9, v33  }
0x44b: {  	v30 =	vmul.f32 v7, v7;
	v28 =	vadd.f32 v10, v34;
	v29 =	vadd.f32 v11, v36  }
0x44c: {  	v0 =	vadd.f32 v23, v0;
	v23 =	vadd.f32 v27, v59;
	v27 =	vmul.f32 v9, v9  }
0x44d: {  	v31 =	vmul.f32 v10, v10;
	v20 =	vadd.f32 v22, v20;
	v12 =	vadd.f32 v14, v12  }
0x44e: {  	v45 =	vmul.f32 v11, v11;
	v16 =	vadd.f32 v47, v16;
	v30 =	vadd.f32 v30, v61  }
0x44f: {  	v24 =	vadd.f32 v15, v24;
	v27 =	vadd.f32 v27, v43  }
0x450: {  	v31 =	vadd.f32 v31, v44;
	v26 =	vadd.f32 v45, v26  }
0x451: {  	v48 =	vmul.f32 v21, v21;
	v25 =	vadd.f32 v5, v25;
	v28 =	vadd.f32 v1, v28  }
0x452: {  	v29 =	vadd.f32 v4, v29;
	v14 =	vadd.f32 v20, v17;
	v17 =	vmul.f32 v22, v22  }
0x453: {  	v0 =	vadd.f32 v48, v0;
	v20 =	vmul.f32 v5, v5;
	v13 =	vadd.f32 v16, v13  }
0x454: {  	v12 =	vadd.f32 v14, v12;
	v14 =	vmul.f32 v15, v15;
	v24 =	vadd.f32 v25, v24  }
0x455: {  	v25 =	vadd.f32 v29, v28;
	v17 =	vadd.f32 v17, v23;
	v23 =	vmul.f32 v1, v1  }
0x456: {  	v20 =	vadd.f32 v20, v27;
	v27 =	vmul.f32 v4, v4;
	v14 =	vadd.f32 v14, v30  }
0x457: {  	v0 =	vadd.f32 v17, v0;
	v16 =	vadd.f32 v23, v31  }
0x458: {  	v17 =	vadd.f32 v27, v26;
	v23 =	vadd.f32 v25, v24  }
0x459: {  	(xrf2) =	vadd.scan.msk.f32 $0xffff, v12;
	v0 =	vadd.f32 v0, v13  }
0x45a: {  	v12 =	vadd.f32 v20, v14;
	v13 =	vadd.f32 v17, v16;
	(xrf2) =	vadd.scan.msk.f32 $0xffff, v23;
	_ =	sdelay $0x1  }
0x45b: {  	(xrf2) =	vadd.scan.msk.f32 $0xffff, v0;
	v0 =	vadd.f32 v13, v12;
	_ =	sdelay $0x1  }
0x45c: {  	(xrf2) =	vadd.scan.msk.f32 $0xffff, v0;
	_ =	sdelay $0x4  }
0x45d: {  	v0, _, _ =	vpop (xrf2)  }
0x45e: {  	(v2sf) =	vpush v0, $0xF;
	v12, _, _ =	vpop (xrf2)  }
0x45f: {  	(v2sf) =	vpush v12, $0xF  }
0x460: {  	v0, _, _ =	vpop (xrf2)  }
0x461: {  	(v2sf) =	vpush v0, $0xF  }
0x462: {  	v0, _, _ =	vpop (xrf2)  }
0x463: {  	(v2sf) =	vpush v0, $0xF;
	_ =	sdelay $0x9  }
0x464: {  	s0 =	spop (v2sf)  }
0x465: {  	s0 =	smul.f32 $1.302083370e-03, s0;
	s1 =	spop (v2sf)  }
0x466: {  	s1 =	smul.f32 $1.302083370e-03, s1  }
0x467: {  	s4 =	smul.f32 s0, s0;
	s2 =	spop (v2sf)  }
0x468: {  	s2 =	smul.f32 $1.302083370e-03, s2  }
0x469: {  	s6 =	smul.f32 s1, s1;
	s5 =	spop (v2sf)  }
0x46a: {  	s5 =	smul.f32 $1.302083370e-03, s5  }
0x46b: {  	s2 =	ssub.f32 s2, s4  }
0x46c: {  	s18 =	ssub.f32 s5, s6  }
0x46d: {  	s2 =	sadd.f32 $9.999999740e-06, s2  }
0x46e: {  	s4 =	sadd.f32 $9.999999740e-06, s18  }
0x46f: {  	s19 =	sshra.s32 s2, $0x1;
	s2 =	smul.f32 $5.000000000e-01, s2  }
0x470: {  	s5 =	ssub.s32 $0x5F3759DF, s19;
	s20 =	sshra.s32 s4, $0x1;
	s4 =	smul.f32 $5.000000000e-01, s4  }
0x471: {  	s8 =	smul.f32 s5, s2;
	s6 =	ssub.s32 $0x5F3759DF, s20  }
0x472: {  	s9 =	smul.f32 s6, s4  }
0x473: {  	s8 =	smul.f32 s5, s8  }
0x474: {  	s9 =	smul.f32 s6, s9  }
0x475: {  	s8 =	ssub.f32 $1.500000000e+00, s8  }
0x476: {  	s9 =	ssub.f32 $1.500000000e+00, s9  }
0x477: {  	s5 =	smul.f32 s5, s8  }
0x478: {  	s6 =	smul.f32 s6, s9  }
0x479: {  	s8 =	smul.f32 s5, s2  }
0x47a: {  	s9 =	smul.f32 s6, s4  }
0x47b: {  	[tilespmem:s16+$0x840] =	vst v18;
	s8 =	smul.f32 s8, s5  }
0x47c: {  	[tilespmem:s16+$0x850] =	vst v19;
	s9 =	smul.f32 s9, s6  }
0x47d: {  	[tilespmem:s16+$0x860] =	vst v21;
	s8 =	ssub.f32 $1.500000000e+00, s8  }
0x47e: {  	[tilespmem:s16+$0x870] =	vst v22;
	s9 =	ssub.f32 $1.500000000e+00, s9  }
0x47f: {  	[tilespmem:s16+$0x800] =	vst v8;
	s5 =	smul.f32 s8, s5  }
0x480: {  	[tilespmem:s3+$0x840] =	vst v15;
	s6 =	smul.f32 s9, s6  }
0x481: {  	[tilespmem:s3+$0x850] =	vst v5;
	s2 =	smul.f32 s5, s2  }
0x482: {  	[tilespmem:s3+$0x860] =	vst v1;
	s4 =	smul.f32 s6, s4  }
0x483: {  	[tilespmem:s16+$0x810] =	vst v6;
	s2 =	smul.f32 s2, s5  }
0x484: {  	[tilespmem:s3+$0x870] =	vst v4;
	s4 =	smul.f32 s4, s6  }
0x485: {  	[tilespmem:s16+$0x820] =	vst v2;
	s2 =	ssub.f32 $1.500000000e+00, s2  }
0x486: {  	[tilespmem:s16+$0x830] =	vst v3;
	s4 =	ssub.f32 $1.500000000e+00, s4  }
0x487: {  	[tilespmem:s3+$0x800] =	vst v7;
	s0 =	ssub.f32 $0.0e+00, s0;
	s2 =	smul.f32 s2, s5  }
0x488: {  	[tilespmem:s3+$0x810] =	vst v9;
	s1 =	ssub.f32 $0.0e+00, s1;
	s4 =	smul.f32 s4, s6  }
0x489: {  	s21 =	sadd.s32 $0x2, s29;
	[tilespmem:s3+$0x820] =	vst v10;
	s0 =	smul.f32 s2, s0  }
0x48a: {  	s22 =	sadd.s32 $0xFFFFFFFF, s21;
	[tilespmem:s3+$0x830] =	vst v11;
	s1 =	smul.f32 s4, s1  }
0x48b: {  	[smem:s22] =	sst s0  }
0x48c: {  	s23 =	sadd.s32 $0xFFFFFF7F, s21;
	[smem:s21] =	sst s1  }
0x48d: {  	s24 =	sadd.s32 $0xFFFFFF80, s21;
	[smem:s23] =	sst s2  }
0x48e: {  	[smem:s24] =	sst s4  }
0x48f: {  	s0 =	sld [smem:$0x0]  }
0x490: {  	s3 =	sld [smem:$0x80]  }
0x491: {  	s4 =	sld [smem:$0x1]  }
0x492: {  	s5 =	sld [smem:$0x81]  }
0x493: {  	s16 =	sld [smem:$0x2]  }
0x494: {  	s17 =	sld [smem:$0x82]  }
0x495: {  	s18 =	sld [smem:$0x3]  }
0x496: {  	s19 =	sld [smem:$0x83]  }
0x497: {  	s20 =	sld [smem:$0x4]  }
0x498: {  	s21 =	sld [smem:$0x84]  }
0x499: {  	s22 =	sld [smem:$0x5]  }
0x49a: {  	s29 =	sld [smem:$0x85]  }
0x49b: {  	s30 =	sld [smem:$0x6]  }
0x49c: {  	s24 =	sld [smem:$0x9]  }
0x49d: {  	s6 =	sld [smem:$0x89]  }
0x49e: {  	v29 =	vmov s4;
	s4 =	sld [smem:$0x8C]  }
0x49f: {  	v25 =	vmov s3;
	s3 =	sld [smem:$0xC]  }
0x4a0: {  	s2 =	sld [smem:$0xB];
	v24 =	vmov s21;
	s21 =	simm.s32 $0x0  }
0x4a1: {  	s31 =	sld [smem:$0x86];
	v13 =	vmov s24;
	s24 =	sand.u32 $0x1C00, s21;
	v6 =	vmov s4;
	s4 =	sadd.s32 $0x800, s28  }
0x4a2: {  	v33 =	vmov s22;
	v8 =	vmov s6;
	s22 =	simm.s32 $0x18800;
	v17 =	vmov s3;
	s3 =	sand.u32 $0x70, s21;
	s6 =	sadd.s32 s24, s4  }
0x4a3: {  	s9 =	sld [smem:$0x7];
	v11 =	vmov s2;
	v40 =	vld [tilespmem:s22+$0x0];
	s2 =	sadd.s32 s3, s6  }
0x4a4: {  	s14 =	sld [smem:$0x87];
	v0 =	vld [tilespmem:s2+$0x0]  }
0x4a5: {  	s23 =	sld [smem:$0x8];
	v1 =	vld [tilespmem:s2+$0x80]  }
0x4a6: {  	s15 =	sld [smem:$0x88];
	v28 =	vmov s0;
	v2 =	vld [tilespmem:s2+$0x100]  }
0x4a7: {  	s8 =	sld [smem:$0xA];
	v26 =	vmov s5;
	v30 =	vmov s16;
	v27 =	vmov s17;
	v3 =	vld [tilespmem:s2+$0x180]  }
0x4a8: {  	s10 =	sld [smem:$0x8B];
	v31 =	vmov s18;
	v23 =	vmov s19;
	v32 =	vmov s20;
	v49 =	vld [tilespmem:s2+$0x200]  }
0x4a9: {  	s5 =	sld [smem:$0xD];
	v22 =	vmov s29;
	v34 =	vmov s30;
	v21 =	vmov s31;
	v50 =	vld [tilespmem:s2+$0x280]  }
0x4aa: {  	v35 =	vmov s9;
	v20 =	vmov s14;
	v16 =	vmov s23;
	v51 =	vld [tilespmem:s2+$0x300]  }
0x4ab: {  	v10 =	vmov s15;
	v14 =	vmov s8;
	s23 =	simm.s32 $0x18B00;
	v52 =	vld [tilespmem:s2+$0x380];
	v0 =	vmul.f32 v28, v0  }
0x4ac: {  	v7 =	vmov s10;
	v38 =	vld [tilespmem:s23+$0x0];
	v15 =	vmov s5;
	v1 =	vmul.f32 v29, v1  }
0x4ad: {  	v2 =	vmul.f32 v30, v2;
	v3 =	vmul.f32 v31, v3;
	v0 =	vadd.f32 v25, v0  }
0x4ae: {  	v36 =	vmul.f32 v32, v49;
	v37 =	vmul.f32 v33, v50;
	v1 =	vadd.f32 v26, v1  }
0x4af: {  	s8 =	simm.s32 $0x80;
	v39 =	vmul.f32 v34, v51;
	v2 =	vadd.f32 v27, v2;
	v0 =	vmul.f32 v0, v40  }
0x4b0: {  	s9 =	simm.s32 $0x10;
	s10 =	sand.u32 $0x1C00, s8;
	v41 =	vmul.f32 v35, v52;
	v3 =	vadd.f32 v23, v3;
	v1 =	vmul.f32 v1, v40  }
0x4b1: {  	s14 =	sand.u32 $0x70, s9;
	s5 =	sadd.s32 s10, s4;
	v36 =	vadd.f32 v24, v36;
	v2 =	vmul.f32 v2, v40;
	v0 =	vadd.f32 v0, v38  }
0x4b2: {  	s15 =	sadd.s32 s14, s5;
	v37 =	vadd.f32 v22, v37;
	v3 =	vmul.f32 v3, v40;
	v1 =	vadd.f32 v1, v38  }
0x4b3: {  	v55 =	vld [tilespmem:s15+$0x180];
	v53 =	vadd.f32 v21, v39;
	[tilespmem:s2+$0x0] =	vst v0;
	v0 =	vadd.f32 v2, v38;
	v2 =	vmul.f32 v36, v40  }
0x4b4: {  	v57 =	vld [tilespmem:s15+$0x280];
	v54 =	vadd.f32 v20, v41;
	[tilespmem:s2+$0x80] =	vst v1;
	v1 =	vadd.f32 v3, v38;
	v3 =	vmul.f32 v37, v40  }
0x4b5: {  	s1 =	sld [smem:$0x8A];
	v58 =	vld [tilespmem:s15+$0x300];
	[tilespmem:s2+$0x100] =	vst v0;
	v0 =	vadd.f32 v2, v38;
	v2 =	vmul.f32 v53, v40  }
0x4b6: {  	s16 =	sld [smem:$0x8D];
	v59 =	vld [tilespmem:s15+$0x380];
	[tilespmem:s2+$0x180] =	vst v1;
	v1 =	vadd.f32 v3, v38;
	v3 =	vmul.f32 v54, v40  }
0x4b7: {  	s18 =	sld [smem:$0x8E];
	[tilespmem:s2+$0x200] =	vst v0;
	v0 =	vadd.f32 v2, v38;
	v2 =	vld [tilespmem:s15+$0x0]  }
0x4b8: {  	s17 =	sld [smem:$0xE];
	[tilespmem:s2+$0x280] =	vst v1;
	v1 =	vadd.f32 v3, v38;
	v3 =	vld [tilespmem:s15+$0x80]  }
0x4b9: {  	s19 =	sld [smem:$0xF];
	[tilespmem:s2+$0x300] =	vst v0;
	v0 =	vld [tilespmem:s15+$0x100]  }
0x4ba: {  	s20 =	sld [smem:$0x8F];
	v5 =	vmov s18;
	s18 =	simm.s32 $0x18810;
	v56 =	vld [tilespmem:s15+$0x200]  }
0x4bb: {  	v9 =	vmov s1;
	s0 =	sadd.s32 $0x2000, s28;
	v4 =	vmov s16;
	v12 =	vmov s17;
	v36 =	vld [tilespmem:s18+$0x0]  }
0x4bc: {  	s29 =	simm.s32 $0x18B10;
	s1 =	sadd.s32 s24, s0;
	v19 =	vmov s19;
	v42 =	vmul.f32 v33, v57;
	v2 =	vmul.f32 v28, v2  }
0x4bd: {  	v18 =	vmov s20;
	s3 =	sadd.s32 s3, s1;
	v43 =	vmul.f32 v34, v58;
	v37 =	vld [tilespmem:s29+$0x0];
	[tilespmem:s2+$0x380] =	vst v1;
	v3 =	vmul.f32 v29, v3  }
0x4be: {  	v44 =	vmul.f32 v35, v59;
	v1 =	vld [tilespmem:s3+$0x380];
	v0 =	vmul.f32 v30, v0;
	v2 =	vadd.f32 v25, v2  }
0x4bf: {  	v39 =	vmul.f32 v31, v55;
	v41 =	vmul.f32 v32, v56;
	v60 =	vld [tilespmem:s3+$0x0];
	v3 =	vadd.f32 v26, v3  }
0x4c0: {  	v42 =	vadd.f32 v22, v42;
	v61 =	vld [tilespmem:s3+$0x80];
	v2 =	vmul.f32 v2, v36;
	v0 =	vadd.f32 v27, v0  }
0x4c1: {  	v51 =	vadd.f32 v21, v43;
	v39 =	vadd.f32 v23, v39;
	v63 =	vld [tilespmem:s3+$0x180];
	v3 =	vmul.f32 v3, v36  }
0x4c2: {  	v41 =	vadd.f32 v24, v41;
	v49 =	vld [tilespmem:s3+$0x200];
	v2 =	vadd.f32 v2, v37;
	v0 =	vmul.f32 v0, v36  }
0x4c3: {  	v54 =	vadd.f32 v20, v44;
	v39 =	vmul.f32 v39, v36;
	v52 =	vld [tilespmem:s3+$0x280];
	v3 =	vadd.f32 v3, v37  }
0x4c4: {  	s17 =	simm.s32 $0x100;
	v53 =	vmul.f32 v42, v36;
	v55 =	vld [tilespmem:s3+$0x300];
	[tilespmem:s15+$0x0] =	vst v2;
	v0 =	vadd.f32 v0, v37;
	v2 =	vmul.f32 v41, v36  }
0x4c5: {  	s22 =	simm.s32 $0x20;
	s5 =	sand.u32 $0x1C00, s17;
	v56 =	vmul.f32 v54, v36;
	v62 =	vld [tilespmem:s3+$0x100];
	v1 =	vmul.f32 v19, v1;
	[tilespmem:s15+$0x80] =	vst v3;
	v3 =	vadd.f32 v39, v37  }
0x4c6: {  	s16 =	sand.u32 $0x70, s22;
	s23 =	sadd.s32 s5, s4;
	v57 =	vmul.f32 v16, v60;
	[tilespmem:s15+$0x100] =	vst v0;
	v0 =	vadd.f32 v2, v37;
	v2 =	vmul.f32 v51, v36  }
0x4c7: {  	s30 =	sadd.s32 s16, s23;
	v58 =	vmul.f32 v13, v61;
	v59 =	vmul.f32 v11, v63;
	[tilespmem:s15+$0x180] =	vst v3;
	v3 =	vadd.f32 v53, v37  }
0x4c8: {  	v45 =	vld [tilespmem:s30+$0x180];
	v60 =	vmul.f32 v17, v49;
	v61 =	vmul.f32 v15, v52;
	[tilespmem:s15+$0x200] =	vst v0;
	v0 =	vadd.f32 v2, v37  }
0x4c9: {  	v46 =	vld [tilespmem:s30+$0x200];
	v44 =	vmul.f32 v12, v55;
	v1 =	vadd.f32 v18, v1;
	[tilespmem:s15+$0x280] =	vst v3;
	v3 =	vadd.f32 v56, v37  }
0x4ca: {  	s24 =	sadd.s32 s10, s0;
	v48 =	vld [tilespmem:s30+$0x280];
	v47 =	vadd.f32 v6, v60;
	v2 =	vmul.f32 v14, v62;
	v62 =	vadd.f32 v8, v58;
	[tilespmem:s15+$0x300] =	vst v0  }
0x4cb: {  	s31 =	sadd.s32 s14, s24;
	v63 =	vadd.f32 v4, v61;
	v1 =	vmul.f32 v1, v40;
	v41 =	vld [tilespmem:s30+$0x80];
	v0 =	vadd.f32 v10, v57;
	[tilespmem:s15+$0x380] =	vst v3  }
0x4cc: {  	v44 =	vadd.f32 v5, v44;
	v2 =	vadd.f32 v9, v2;
	v42 =	vmul.f32 v62, v40;
	v51 =	vld [tilespmem:s31+$0x380]  }
0x4cd: {  	v50 =	vadd.f32 v1, v38;
	v1 =	vld [tilespmem:s30+$0x0];
	v3 =	vadd.f32 v7, v59;
	v0 =	vmul.f32 v0, v40  }
0x4ce: {  	v43 =	vld [tilespmem:s30+$0x100];
	v52 =	vmul.f32 v47, v40;
	v2 =	vmul.f32 v2, v40;
	v53 =	vadd.f32 v42, v38  }
0x4cf: {  	s18 =	simm.s32 $0x18820;
	v49 =	vld [tilespmem:s30+$0x300];
	v54 =	vmul.f32 v63, v40;
	[tilespmem:s3+$0x380] =	vst v50;
	v3 =	vmul.f32 v3, v40;
	v0 =	vadd.f32 v0, v38  }
0x4d0: {  	v44 =	vmul.f32 v44, v40;
	v39 =	vld [tilespmem:s18+$0x0];
	v40 =	vadd.f32 v52, v38;
	v42 =	vadd.f32 v2, v38;
	[tilespmem:s3+$0x80] =	vst v53  }
0x4d1: {  	s19 =	simm.s32 $0x30;
	v50 =	vld [tilespmem:s30+$0x380];
	v3 =	vadd.f32 v3, v38;
	v2 =	vadd.f32 v54, v38;
	[tilespmem:s3+$0x0] =	vst v0;
	v47 =	vmul.f32 v19, v51  }
.LBB2_11:
0x4d2: {  	p0 =	sne.s32 s19, $0x2F0;
	v0 =	vmul.f32 v28, v1;
	v1 =	vmul.f32 v29, v41;
	v41 =	vld [tilespmem:s31+$0x0];
	s29 =	sadd.s32 $0x10, s29;
	[tilespmem:s3+$0x100] =	vst v42;
	v38 =	vadd.f32 v44, v38  }
0x4d3: {  	v43 =	vmul.f32 v30, v43;
	v44 =	vmul.f32 v31, v45;
	v42 =	vld [tilespmem:s29+$0x0];
	v45 =	vadd.f32 v18, v47;
	[tilespmem:s3+$0x180] =	vst v3  }
0x4d4: {  	v3 =	vmul.f32 v32, v46;
	v0 =	vadd.f32 v25, v0;
	v46 =	vmul.f32 v33, v48;
	v47 =	vld [tilespmem:s31+$0x80];
	[tilespmem:s3+$0x200] =	vst v40  }
0x4d5: {  	v1 =	vadd.f32 v26, v1;
	v40 =	vmul.f32 v34, v49;
	v48 =	vld [tilespmem:s31+$0x100];
	v45 =	vmul.f32 v45, v36;
	[tilespmem:s3+$0x280] =	vst v2  }
0x4d6: {  	v2 =	vadd.f32 v27, v43;
	v0 =	vmul.f32 v0, v39;
	v43 =	vmul.f32 v35, v50;
	v49 =	vld [tilespmem:s31+$0x180];
	[tilespmem:s3+$0x300] =	vst v38;
	s3 =	smov.u32 s31  }
0x4d7: {  	v44 =	vadd.f32 v23, v44;
	v1 =	vmul.f32 v1, v39;
	v38 =	vmovc v37;
	v50 =	vld [tilespmem:s3+$0x200];
	v45 =	vadd.f32 v45, v37  }
0x4d8: {  	v3 =	vadd.f32 v24, v3;
	v2 =	vmul.f32 v2, v39;
	v0 =	vadd.f32 v0, v42;
	v51 =	vld [tilespmem:s3+$0x280];
	v37 =	vmovc v42  }
0x4d9: {  	v42 =	vmul.f32 v44, v39;
	v44 =	vadd.f32 v22, v46;
	v1 =	vadd.f32 v1, v37;
	v46 =	vld [tilespmem:s3+$0x300];
	[tilespmem:s3+$0x380] =	vst v45  }
0x4da: {  	[tilespmem:s30+$0x0] =	vst v0;
	v0 =	vadd.f32 v2, v37;
	v2 =	vmul.f32 v3, v39;
	v3 =	vadd.f32 v21, v40  }
0x4db: {  	s17 =	sadd.s32 $0x80, s17;
	v40 =	vmul.f32 v44, v39;
	[tilespmem:s30+$0x80] =	vst v1;
	v1 =	vadd.f32 v42, v37;
	v42 =	vadd.f32 v20, v43  }
0x4dc: {  	s1 =	sand.u32 $0x1C00, s17;
	[tilespmem:s30+$0x100] =	vst v0;
	v0 =	vadd.f32 v2, v37;
	v2 =	vmul.f32 v3, v39;
	v3 =	vmul.f32 v16, v41  }
0x4dd: {  	s2 =	sand.u32 $0x70, s19;
	s18 =	sadd.s32 $0x10, s18;
	s6 =	sadd.s32 s1, s4;
	v40 =	vadd.f32 v40, v37;
	[tilespmem:s30+$0x180] =	vst v1;
	v41 =	vmul.f32 v42, v39;
	v42 =	vmul.f32 v13, v47  }
0x4de: {  	s6 =	sadd.s32 s2, s6;
	v44 =	vmul.f32 v11, v49;
	v47 =	vld [tilespmem:s18+$0x0];
	[tilespmem:s30+$0x200] =	vst v0;
	v0 =	vadd.f32 v2, v37;
	v2 =	vmul.f32 v14, v48  }
0x4df: {  	v45 =	vmul.f32 v17, v50;
	v48 =	vmul.f32 v15, v51;
	v1 =	vld [tilespmem:s6+$0x0];
	[tilespmem:s30+$0x280] =	vst v40;
	v40 =	vadd.f32 v41, v37  }
0x4e0: {  	s8 =	sadd.s32 s5, s0;
	s5 =	smov.u32 s1;
	v41 =	vld [tilespmem:s6+$0x80];
	[tilespmem:s30+$0x300] =	vst v0;
	v0 =	vadd.f32 v10, v3;
	v3 =	vadd.f32 v8, v42;
	v42 =	vmul.f32 v12, v46  }
0x4e1: {  	s31 =	sadd.s32 s16, s8;
	s16 =	smov.u32 s2;
	v2 =	vadd.f32 v9, v2;
	v43 =	vld [tilespmem:s6+$0x100];
	[tilespmem:s30+$0x380] =	vst v40;
	v40 =	vadd.f32 v7, v44;
	s30 =	smov.u32 s6  }
0x4e2: {  	v49 =	vadd.f32 v4, v48;
	v44 =	vadd.f32 v6, v45;
	v51 =	vld [tilespmem:s31+$0x380];
	v0 =	vmul.f32 v0, v36  }
.Ltmp4:
0x4e3: {  	v3 =	vmul.f32 v3, v36;
	v2 =	vmul.f32 v2, v36;
	v42 =	vadd.f32 v5, v42;
	v45 =	vld [tilespmem:s30+$0x180];
	(pc) =	sbr.rel @p0 .LBB2_11-.Ltmp4, $4  }
0x4e4: {  	v40 =	vmul.f32 v40, v36;
	v52 =	vmul.f32 v44, v36;
	v46 =	vld [tilespmem:s30+$0x200];
	v0 =	vadd.f32 v0, v38  }
0x4e5: {  	v54 =	vmul.f32 v49, v36;
	v53 =	vadd.f32 v3, v38;
	v44 =	vmul.f32 v42, v36;
	v36 =	vmovc v39;
	v48 =	vld [tilespmem:s30+$0x280]  }
0x4e6: {  	v42 =	vadd.f32 v2, v38;
	v39 =	vmov v47;
	v3 =	vadd.f32 v40, v38;
	v49 =	vld [tilespmem:s30+$0x300];
	[tilespmem:s3+$0x0] =	vst v0  }
0x4e7: {  	s19 =	sadd.s32 $0x10, s19;
	v2 =	vadd.f32 v54, v38;
	v40 =	vadd.f32 v52, v38;
	v50 =	vld [tilespmem:s30+$0x380];
	v47 =	vmul.f32 v19, v51;
	[tilespmem:s3+$0x80] =	vst v53  }
0x4e8: {  	v0 =	vmul.f32 v28, v1;
	s1 =	sadd.s32 $0x10, s29  }
0x4e9: {  	v28 =	vmul.f32 v29, v41;
	v1 =	vld [tilespmem:s1+$0x0]  }
0x4ea: {  	v29 =	vmul.f32 v30, v43;
	v30 =	vmul.f32 v31, v45;
	v0 =	vadd.f32 v25, v0  }
0x4eb: {  	v25 =	vmul.f32 v32, v46;
	v31 =	vmul.f32 v33, v48;
	v26 =	vadd.f32 v26, v28  }
0x4ec: {  	v23 =	vadd.f32 v23, v30;
	v28 =	vmul.f32 v34, v49;
	v0 =	vmul.f32 v0, v39  }
0x4ed: {  	v27 =	vadd.f32 v27, v29;
	v29 =	vmul.f32 v35, v50;
	v26 =	vmul.f32 v26, v39  }
0x4ee: {  	v23 =	vmul.f32 v23, v39;
	v22 =	vadd.f32 v22, v31;
	v0 =	vadd.f32 v0, v1  }
0x4ef: {  	v27 =	vmul.f32 v27, v39;
	v24 =	vadd.f32 v24, v25;
	v25 =	vld [tilespmem:s31+$0x0];
	v26 =	vadd.f32 v26, v1  }
0x4f0: {  	v30 =	vld [tilespmem:s31+$0x80];
	v23 =	vadd.f32 v23, v1;
	v22 =	vmul.f32 v22, v39;
	v20 =	vadd.f32 v20, v29;
	[tilespmem:s30+$0x0] =	vst v0  }
0x4f1: {  	v21 =	vadd.f32 v21, v28;
	v28 =	vld [tilespmem:s31+$0x280];
	v24 =	vmul.f32 v24, v39;
	v0 =	vadd.f32 v27, v1;
	[tilespmem:s30+$0x80] =	vst v26  }
0x4f2: {  	v27 =	vld [tilespmem:s31+$0x100];
	[tilespmem:s30+$0x180] =	vst v23;
	v22 =	vadd.f32 v22, v1;
	v20 =	vmul.f32 v20, v39;
	v23 =	vadd.f32 v18, v47  }
0x4f3: {  	v21 =	vmul.f32 v21, v39;
	v26 =	vld [tilespmem:s31+$0x180];
	[tilespmem:s30+$0x100] =	vst v0;
	v0 =	vadd.f32 v24, v1  }
0x4f4: {  	v24 =	vld [tilespmem:s31+$0x200];
	[tilespmem:s30+$0x280] =	vst v22;
	v20 =	vadd.f32 v20, v1;
	v22 =	vmul.f32 v23, v36;
	v23 =	vmul.f32 v16, v25  }
0x4f5: {  	[tilespmem:s30+$0x200] =	vst v0;
	v0 =	vadd.f32 v21, v1  }
0x4f6: {  	s0 =	sadd.s32 s5, s0;
	v21 =	vld [tilespmem:s31+$0x300];
	[tilespmem:s30+$0x380] =	vst v20;
	v20 =	vadd.f32 v22, v37;
	v22 =	vmul.f32 v13, v30;
	v23 =	vadd.f32 v10, v23  }
0x4f7: {  	s0 =	sadd.s32 s16, s0;
	v28 =	vmul.f32 v15, v28;
	v25 =	vmul.f32 v14, v27;
	[tilespmem:s30+$0x300] =	vst v0  }
0x4f8: {  	v26 =	vmul.f32 v11, v26;
	v22 =	vadd.f32 v8, v22;
	v23 =	vmul.f32 v23, v36;
	v27 =	vld [tilespmem:s0+$0x380]  }
0x4f9: {  	v0 =	vadd.f32 v44, v38;
	v24 =	vmul.f32 v17, v24;
	v25 =	vadd.f32 v9, v25;
	v29 =	vld [tilespmem:s0+$0x0]  }
0x4fa: {  	[tilespmem:s3+$0x280] =	vst v2;
	v26 =	vadd.f32 v7, v26;
	v22 =	vmul.f32 v22, v36;
	v2 =	vadd.f32 v23, v37  }
0x4fb: {  	[tilespmem:s3+$0x180] =	vst v3;
	v21 =	vmul.f32 v12, v21;
	v3 =	vadd.f32 v6, v24;
	v24 =	vadd.f32 v4, v28;
	v28 =	vld [tilespmem:s0+$0x80]  }
0x4fc: {  	[tilespmem:s3+$0x300] =	vst v0;
	v25 =	vmul.f32 v25, v36;
	v23 =	vmul.f32 v26, v36;
	v26 =	vld [tilespmem:s0+$0x180];
	v0 =	vadd.f32 v22, v37  }
0x4fd: {  	[tilespmem:s3+$0x100] =	vst v42;
	v21 =	vadd.f32 v5, v21;
	v3 =	vmul.f32 v3, v36;
	v19 =	vmul.f32 v19, v27;
	v27 =	vld [tilespmem:s0+$0x100]  }
0x4fe: {  	[tilespmem:s31+$0x380] =	vst v20;
	v22 =	vmul.f32 v24, v36;
	v23 =	vadd.f32 v23, v37;
	v24 =	vld [tilespmem:s0+$0x280];
	v16 =	vmul.f32 v16, v29  }
0x4ff: {  	[tilespmem:s31+$0x0] =	vst v2;
	v20 =	vmul.f32 v21, v36;
	v21 =	vadd.f32 v25, v37;
	v18 =	vadd.f32 v18, v19;
	v19 =	vld [tilespmem:s0+$0x200]  }
0x500: {  	[tilespmem:s31+$0x80] =	vst v0;
	v2 =	vadd.f32 v3, v37;
	v0 =	vadd.f32 v22, v37  }
0x501: {  	[tilespmem:s3+$0x200] =	vst v40;
	v13 =	vmul.f32 v13, v28;
	v10 =	vadd.f32 v10, v16;
	v3 =	vmul.f32 v18, v39;
	v18 =	vld [tilespmem:s0+$0x300]  }
0x502: {  	[tilespmem:s31+$0x180] =	vst v23;
	v11 =	vmul.f32 v11, v26;
	v20 =	vadd.f32 v20, v37;
	v14 =	vmul.f32 v14, v27  }
0x503: {  	[tilespmem:s31+$0x200] =	vst v2;
	v8 =	vadd.f32 v8, v13;
	v2 =	vmul.f32 v15, v24;
	v10 =	vmul.f32 v10, v39  }
0x504: {  	[tilespmem:s31+$0x100] =	vst v21;
	v7 =	vadd.f32 v7, v11;
	v16 =	vmul.f32 v17, v19;
	v9 =	vadd.f32 v9, v14  }
0x505: {  	[tilespmem:s31+$0x280] =	vst v0;
	v3 =	vadd.f32 v3, v1;
	v8 =	vmul.f32 v8, v39;
	v10 =	vadd.f32 v10, v1  }
0x506: {  	[tilespmem:s31+$0x300] =	vst v20;
	v0 =	vmul.f32 v12, v18;
	v6 =	vadd.f32 v6, v16;
	v9 =	vmul.f32 v9, v39  }
0x507: {  	s6 =	sld [smem:$0x90];
	v2 =	vadd.f32 v4, v2;
	[tilespmem:s0+$0x380] =	vst v3;
	v4 =	vadd.f32 v8, v1  }
0x508: {  	s8 =	sld [smem:$0x11];
	[tilespmem:s0+$0x0] =	vst v10;
	v0 =	vadd.f32 v5, v0;
	v5 =	vmul.f32 v6, v39;
	v6 =	vadd.f32 v9, v1  }
0x509: {  	s9 =	sld [smem:$0x91];
	v3 =	vmul.f32 v7, v39;
	[tilespmem:s0+$0x80] =	vst v4  }
0x50a: {  	s10 =	sld [smem:$0x12];
	v2 =	vmul.f32 v2, v39;
	[tilespmem:s0+$0x100] =	vst v6  }
0x50b: {  	s3 =	sshll.u32 s25, $0x5;
	v3 =	vadd.f32 v3, v1;
	s2 =	rddreg [dreg:$0x7]  }
0x50c: {  	s14 =	sld [smem:$0x92];
	v2 =	vadd.f32 v2, v1;
	v0 =	vmul.f32 v0, v39;
	s1 =	sadd.s32 s2, s3  }
0x50d: {  	s15 =	sld [smem:$0x13];
	v4 =	vadd.f32 v5, v1;
	[tilespmem:s0+$0x180] =	vst v3;
	s3 =	sshrl.u32 s1, $0x3  }
0x50e: {  	s23 =	sld [smem:$0x93];
	[tilespmem:s0+$0x280] =	vst v2;
	v0 =	vadd.f32 v0, v1;
	s1 =	smul.u32 $0x300, s3  }
0x50f: {  	s5 =	simm.s32 $0x0;
	s19 =	sld [smem:$0x14];
	s18 =	simm.s32 $0x18800;
	[tilespmem:s0+$0x200] =	vst v4  }
0x510: {  	s20 =	sld [smem:$0x94];
	[tilespmem:s0+$0x300] =	vst v0;
	s0 =	sadd.s32 $0x5, s26;
	s1 =	sadd.s32 s11, s1  }
0x511: {  	[hbm4b:s1+s5] =	stream.linear.scatter [tilespmem:s4], [sflag:s0], $0x3000, $0x38;
	[tilespmem:$0x18E00] =	vst v63  }
0x512: {  	s21 =	sld [smem:$0x95];
	s17 =	sand.u32 $0x1C00, s5;
	s4 =	sadd.s32 $0x3800, s28  }
0x513: {  	s22 =	sld [smem:$0x16];
	s5 =	sand.u32 $0x70, s5;
	s24 =	sadd.s32 s17, s4  }
0x514: {  	s16 =	sld [smem:$0x10];
	v40 =	vld [tilespmem:s18+$0x0];
	s18 =	sadd.s32 s5, s24  }
0x515: {  	v29 =	vmov s19;
	s19 =	sld [smem:$0x97];
	v0 =	vld [tilespmem:s18+$0x0]  }
0x516: {  	v26 =	vmov s8;
	s8 =	sld [smem:$0x96];
	v1 =	vld [tilespmem:s18+$0x80]  }
0x517: {  	v28 =	vmov s15;
	s15 =	sld [smem:$0x9A];
	v2 =	vld [tilespmem:s18+$0x100]  }
0x518: {  	v32 =	vmov s22;
	v27 =	vmov s10;
	s10 =	sld [smem:$0x1A];
	v3 =	vld [tilespmem:s18+$0x180]  }
0x519: {  	v25 =	vmov s16;
	v22 =	vmov s20;
	v18 =	vmov s14;
	s14 =	sld [smem:$0x17];
	v4 =	vld [tilespmem:s18+$0x200]  }
0x51a: {  	v21 =	vmov s23;
	v15 =	vmov s19;
	v20 =	vmov s9;
	s26 =	sld [smem:$0x15];
	v5 =	vld [tilespmem:s18+$0x280]  }
0x51b: {  	v17 =	vmov s6;
	v19 =	vmov s21;
	v14 =	vmov s8;
	v6 =	vld [tilespmem:s18+$0x300]  }
0x51c: {  	s23 =	simm.s32 $0x18B00;
	v10 =	vmov s10;
	v8 =	vmov s15;
	v7 =	vld [tilespmem:s18+$0x380];
	v0 =	vmul.f32 v25, v0  }
0x51d: {  	v33 =	vmov s14;
	v31 =	vmov s26;
	v30 =	vld [tilespmem:s23+$0x0];
	v1 =	vmul.f32 v26, v1  }
0x51e: {  	v2 =	vmul.f32 v27, v2;
	v3 =	vmul.f32 v28, v3;
	v0 =	vadd.f32 v17, v0  }
0x51f: {  	s24 =	simm.s32 $0x80;
	v4 =	vmul.f32 v29, v4;
	v5 =	vmul.f32 v31, v5;
	v1 =	vadd.f32 v20, v1  }
0x520: {  	s26 =	simm.s32 $0x10;
	s20 =	sand.u32 $0x1C00, s24;
	v6 =	vmul.f32 v32, v6;
	v2 =	vadd.f32 v18, v2;
	v0 =	vmul.f32 v0, v40  }
0x521: {  	s19 =	sand.u32 $0x70, s26;
	s16 =	sadd.s32 s20, s4;
	v7 =	vmul.f32 v33, v7;
	v3 =	vadd.f32 v21, v3;
	v1 =	vmul.f32 v1, v40  }
0x522: {  	s6 =	sld [smem:$0x19];
	s31 =	sadd.s32 s19, s16;
	v4 =	vadd.f32 v22, v4;
	v2 =	vmul.f32 v2, v40;
	v0 =	vadd.f32 v0, v30  }
0x523: {  	s21 =	sld [smem:$0x1B];
	v57 =	vld [tilespmem:s31+$0x180];
	v5 =	vadd.f32 v19, v5;
	v3 =	vmul.f32 v3, v40;
	v1 =	vadd.f32 v1, v30  }
0x524: {  	s10 =	sld [smem:$0x9D];
	v58 =	vld [tilespmem:s31+$0x200];
	[tilespmem:s18+$0x0] =	vst v0;
	v0 =	vadd.f32 v2, v30;
	v2 =	vmul.f32 v4, v40;
	v4 =	vadd.f32 v14, v6  }
0x525: {  	s15 =	sld [smem:$0x9F];
	v59 =	vld [tilespmem:s31+$0x280];
	[tilespmem:s18+$0x80] =	vst v1;
	v1 =	vadd.f32 v3, v30;
	v3 =	vmul.f32 v5, v40;
	v5 =	vadd.f32 v15, v7  }
0x526: {  	s14 =	sld [smem:$0x1E];
	v42 =	vld [tilespmem:s31+$0x300];
	[tilespmem:s18+$0x100] =	vst v0;
	v0 =	vadd.f32 v2, v30;
	v2 =	vmul.f32 v4, v40  }
0x527: {  	s1 =	sld [smem:$0x18];
	v60 =	vld [tilespmem:s31+$0x380];
	[tilespmem:s18+$0x180] =	vst v1;
	v1 =	vadd.f32 v3, v30;
	v3 =	vmul.f32 v5, v40  }
0x528: {  	v12 =	vmov s6;
	v13 =	vmov s21;
	s23 =	sld [smem:$0x1C];
	[tilespmem:s18+$0x200] =	vst v0;
	v0 =	vadd.f32 v2, v30;
	v2 =	vld [tilespmem:s31+$0x0]  }
0x529: {  	v9 =	vmov s10;
	v38 =	vmov s15;
	s26 =	sld [smem:$0x1D];
	[tilespmem:s18+$0x280] =	vst v1;
	v1 =	vadd.f32 v3, v30;
	v3 =	vld [tilespmem:s31+$0x80]  }
0x52a: {  	v24 =	vmov s14;
	v11 =	vmov s1;
	[tilespmem:s18+$0x300] =	vst v0;
	v0 =	vld [tilespmem:s31+$0x100]  }
0x52b: {  	v16 =	vmov s23;
	v37 =	vmul.f32 v28, v57;
	v39 =	vmul.f32 v29, v58;
	[tilespmem:s18+$0x380] =	vst v1;
	s18 =	simm.s32 $0x18810  }
0x52c: {  	s22 =	sld [smem:$0x9B];
	v23 =	vmov s26;
	s16 =	sadd.s32 $0x5000, s28;
	v41 =	vmul.f32 v31, v59;
	v42 =	vmul.f32 v32, v42;
	v34 =	vld [tilespmem:s18+$0x0]  }
0x52d: {  	s29 =	simm.s32 $0x18B10;
	s2 =	sld [smem:$0x98];
	s17 =	sadd.s32 s17, s16;
	v43 =	vmul.f32 v33, v60;
	v37 =	vadd.f32 v21, v37;
	v2 =	vmul.f32 v25, v2  }
0x52e: {  	s8 =	sld [smem:$0x99];
	v35 =	vld [tilespmem:s29+$0x0];
	s5 =	sadd.s32 s5, s17;
	v39 =	vadd.f32 v22, v39;
	v41 =	vadd.f32 v19, v41;
	v3 =	vmul.f32 v26, v3  }
0x52f: {  	s24 =	sld [smem:$0x9C];
	v54 =	vadd.f32 v14, v42;
	v1 =	vld [tilespmem:s5+$0x380];
	v0 =	vmul.f32 v27, v0;
	v2 =	vadd.f32 v17, v2  }
0x530: {  	v43 =	vadd.f32 v15, v43;
	v5 =	vmov s2;
	s2 =	sld [smem:$0x1F];
	v61 =	vld [tilespmem:s5+$0x0];
	v3 =	vadd.f32 v20, v3  }
0x531: {  	v6 =	vmov s8;
	v62 =	vld [tilespmem:s5+$0x80];
	v2 =	vmul.f32 v2, v34;
	v0 =	vadd.f32 v18, v0  }
0x532: {  	v7 =	vmov s24;
	v4 =	vmov s22;
	v52 =	vld [tilespmem:s5+$0x180];
	v3 =	vmul.f32 v3, v34  }
0x533: {  	v36 =	vmov s2;
	v53 =	vld [tilespmem:s5+$0x200];
	v2 =	vadd.f32 v2, v35;
	v0 =	vmul.f32 v0, v34  }
0x534: {  	v55 =	vld [tilespmem:s5+$0x280];
	v1 =	vmul.f32 v36, v1;
	v37 =	vmul.f32 v37, v34;
	v3 =	vadd.f32 v3, v35  }
0x535: {  	s17 =	simm.s32 $0x100;
	v41 =	vmul.f32 v41, v34;
	[tilespmem:s31+$0x0] =	vst v2;
	v0 =	vadd.f32 v0, v35;
	v2 =	vmul.f32 v39, v34  }
0x536: {  	s26 =	sand.u32 $0x1C00, s17;
	s22 =	simm.s32 $0x20;
	v63 =	vld [tilespmem:s5+$0x100];
	v58 =	vmul.f32 v43, v34;
	v59 =	vmul.f32 v11, v61;
	[tilespmem:s31+$0x80] =	vst v3;
	v3 =	vadd.f32 v37, v35  }
0x537: {  	s23 =	sadd.s32 s26, s4;
	s28 =	sand.u32 $0x70, s22;
	v60 =	vmul.f32 v12, v62;
	[tilespmem:s31+$0x100] =	vst v0;
	v0 =	vadd.f32 v2, v35;
	v2 =	vmul.f32 v54, v34  }
0x538: {  	s30 =	sadd.s32 s28, s23;
	v56 =	vld [tilespmem:s5+$0x300];
	v61 =	vmul.f32 v13, v52;
	v1 =	vadd.f32 v38, v1;
	[tilespmem:s31+$0x180] =	vst v3;
	v3 =	vadd.f32 v41, v35  }
0x539: {  	v45 =	vld [tilespmem:s30+$0x180];
	v62 =	vmul.f32 v16, v53;
	v42 =	vmul.f32 v23, v55;
	[tilespmem:s31+$0x200] =	vst v0;
	v0 =	vadd.f32 v2, v35  }
0x53a: {  	v46 =	vld [tilespmem:s30+$0x200];
	v44 =	vadd.f32 v6, v60;
	v1 =	vmul.f32 v1, v40;
	[tilespmem:s31+$0x280] =	vst v3;
	v3 =	vadd.f32 v58, v35  }
0x53b: {  	s21 =	sld [smem:$0x9E];
	s24 =	sadd.s32 s20, s16;
	v49 =	vld [tilespmem:s30+$0x300];
	v48 =	vadd.f32 v7, v62;
	v42 =	vadd.f32 v9, v42;
	v2 =	vmul.f32 v10, v63;
	[tilespmem:s31+$0x300] =	vst v0  }
0x53c: {  	v44 =	vmul.f32 v44, v40;
	v57 =	vadd.f32 v1, v30;
	v1 =	vld [tilespmem:s30+$0x0];
	v0 =	vadd.f32 v5, v59;
	[tilespmem:s31+$0x380] =	vst v3;
	s31 =	sadd.s32 s19, s24  }
0x53d: {  	v52 =	vmul.f32 v48, v40;
	v63 =	vmul.f32 v24, v56;
	v2 =	vadd.f32 v8, v2;
	v51 =	vld [tilespmem:s31+$0x380]  }
0x53e: {  	v37 =	vmov s21;
	v41 =	vld [tilespmem:s30+$0x80];
	v3 =	vadd.f32 v4, v61;
	v0 =	vmul.f32 v0, v40  }
0x53f: {  	v43 =	vld [tilespmem:s30+$0x100];
	v53 =	vadd.f32 v44, v30;
	v47 =	vadd.f32 v37, v63;
	v2 =	vmul.f32 v2, v40  }
0x540: {  	v48 =	vld [tilespmem:s30+$0x280];
	v54 =	vmul.f32 v42, v40;
	[tilespmem:s5+$0x380] =	vst v57;
	v3 =	vmul.f32 v3, v40;
	v0 =	vadd.f32 v0, v30  }
0x541: {  	v50 =	vld [tilespmem:s30+$0x380];
	s18 =	simm.s32 $0x18820;
	[tilespmem:s5+$0x80] =	vst v53;
	v44 =	vmul.f32 v47, v40;
	v40 =	vadd.f32 v52, v30;
	v42 =	vadd.f32 v2, v30  }
0x542: {  	v39 =	vld [tilespmem:s18+$0x0];
	s19 =	simm.s32 $0x30;
	v3 =	vadd.f32 v3, v30;
	v2 =	vadd.f32 v54, v30;
	[tilespmem:s5+$0x0] =	vst v0;
	v47 =	vmul.f32 v36, v51  }
.LBB2_13:
0x543: {  	p0 =	sne.s32 s19, $0x2F0;
	v0 =	vmul.f32 v25, v1;
	v1 =	vmul.f32 v26, v41;
	v41 =	vld [tilespmem:s31+$0x0];
	s29 =	sadd.s32 $0x10, s29;
	[tilespmem:s5+$0x100] =	vst v42;
	v30 =	vadd.f32 v44, v30  }
0x544: {  	v43 =	vmul.f32 v27, v43;
	v44 =	vmul.f32 v28, v45;
	v42 =	vld [tilespmem:s29+$0x0];
	v45 =	vadd.f32 v38, v47;
	[tilespmem:s5+$0x180] =	vst v3  }
0x545: {  	v3 =	vmul.f32 v29, v46;
	v0 =	vadd.f32 v17, v0;
	v46 =	vmul.f32 v31, v48;
	v47 =	vld [tilespmem:s31+$0x80];
	[tilespmem:s5+$0x200] =	vst v40  }
0x546: {  	v1 =	vadd.f32 v20, v1;
	v40 =	vmul.f32 v32, v49;
	v48 =	vld [tilespmem:s31+$0x100];
	v45 =	vmul.f32 v45, v34;
	[tilespmem:s5+$0x280] =	vst v2  }
0x547: {  	v2 =	vadd.f32 v18, v43;
	v0 =	vmul.f32 v0, v39;
	v43 =	vmul.f32 v33, v50;
	v49 =	vld [tilespmem:s31+$0x180];
	[tilespmem:s5+$0x300] =	vst v30;
	s5 =	smov.u32 s31  }
0x548: {  	v44 =	vadd.f32 v21, v44;
	v1 =	vmul.f32 v1, v39;
	v30 =	vmovc v35;
	v50 =	vld [tilespmem:s5+$0x200];
	v45 =	vadd.f32 v45, v35  }
0x549: {  	v3 =	vadd.f32 v22, v3;
	v2 =	vmul.f32 v2, v39;
	v0 =	vadd.f32 v0, v42;
	v51 =	vld [tilespmem:s5+$0x280];
	v35 =	vmovc v42  }
0x54a: {  	v42 =	vmul.f32 v44, v39;
	v44 =	vadd.f32 v19, v46;
	v1 =	vadd.f32 v1, v35;
	v46 =	vld [tilespmem:s5+$0x300];
	[tilespmem:s5+$0x380] =	vst v45  }
0x54b: {  	[tilespmem:s30+$0x0] =	vst v0;
	v0 =	vadd.f32 v2, v35;
	v2 =	vmul.f32 v3, v39;
	v3 =	vadd.f32 v14, v40  }
0x54c: {  	s17 =	sadd.s32 $0x80, s17;
	v40 =	vmul.f32 v44, v39;
	[tilespmem:s30+$0x80] =	vst v1;
	v1 =	vadd.f32 v42, v35;
	v42 =	vadd.f32 v15, v43  }
0x54d: {  	s1 =	sand.u32 $0x1C00, s17;
	[tilespmem:s30+$0x100] =	vst v0;
	v0 =	vadd.f32 v2, v35;
	v2 =	vmul.f32 v3, v39;
	v3 =	vmul.f32 v11, v41  }
0x54e: {  	s2 =	sand.u32 $0x70, s19;
	s18 =	sadd.s32 $0x10, s18;
	s6 =	sadd.s32 s1, s4;
	v40 =	vadd.f32 v40, v35;
	[tilespmem:s30+$0x180] =	vst v1;
	v41 =	vmul.f32 v42, v39;
	v42 =	vmul.f32 v12, v47  }
0x54f: {  	s6 =	sadd.s32 s2, s6;
	v44 =	vmul.f32 v13, v49;
	v47 =	vld [tilespmem:s18+$0x0];
	[tilespmem:s30+$0x200] =	vst v0;
	v0 =	vadd.f32 v2, v35;
	v2 =	vmul.f32 v10, v48  }
0x550: {  	v45 =	vmul.f32 v16, v50;
	v48 =	vmul.f32 v23, v51;
	v1 =	vld [tilespmem:s6+$0x0];
	[tilespmem:s30+$0x280] =	vst v40;
	v40 =	vadd.f32 v41, v35  }
0x551: {  	s8 =	sadd.s32 s26, s16;
	s26 =	smov.u32 s1;
	v41 =	vld [tilespmem:s6+$0x80];
	[tilespmem:s30+$0x300] =	vst v0;
	v0 =	vadd.f32 v5, v3;
	v3 =	vadd.f32 v6, v42;
	v42 =	vmul.f32 v24, v46  }
0x552: {  	s31 =	sadd.s32 s28, s8;
	s28 =	smov.u32 s2;
	v2 =	vadd.f32 v8, v2;
	v43 =	vld [tilespmem:s6+$0x100];
	[tilespmem:s30+$0x380] =	vst v40;
	v40 =	vadd.f32 v4, v44;
	s30 =	smov.u32 s6  }
0x553: {  	v49 =	vadd.f32 v9, v48;
	v44 =	vadd.f32 v7, v45;
	v51 =	vld [tilespmem:s31+$0x380];
	v0 =	vmul.f32 v0, v34  }
.Ltmp5:
0x554: {  	v3 =	vmul.f32 v3, v34;
	v2 =	vmul.f32 v2, v34;
	v42 =	vadd.f32 v37, v42;
	v45 =	vld [tilespmem:s30+$0x180];
	(pc) =	sbr.rel @p0 .LBB2_13-.Ltmp5, $4  }
0x555: {  	v40 =	vmul.f32 v40, v34;
	v52 =	vmul.f32 v44, v34;
	v46 =	vld [tilespmem:s30+$0x200];
	v0 =	vadd.f32 v0, v30  }
0x556: {  	v54 =	vmul.f32 v49, v34;
	v53 =	vadd.f32 v3, v30;
	v44 =	vmul.f32 v42, v34;
	v34 =	vmovc v39;
	v48 =	vld [tilespmem:s30+$0x280]  }
0x557: {  	v42 =	vadd.f32 v2, v30;
	v39 =	vmov v47;
	v3 =	vadd.f32 v40, v30;
	v49 =	vld [tilespmem:s30+$0x300];
	[tilespmem:s5+$0x0] =	vst v0  }
0x558: {  	s19 =	sadd.s32 $0x10, s19;
	v2 =	vadd.f32 v54, v30;
	v40 =	vadd.f32 v52, v30;
	v50 =	vld [tilespmem:s30+$0x380];
	v47 =	vmul.f32 v36, v51;
	[tilespmem:s5+$0x80] =	vst v53  }
0x559: {  	v0 =	vmul.f32 v25, v1;
	s1 =	sadd.s32 $0x10, s29  }
0x55a: {  	v57 =	vmul.f32 v26, v41;
	v1 =	vld [tilespmem:s1+$0x0]  }
0x55b: {  	v58 =	vmul.f32 v27, v43;
	v59 =	vmul.f32 v28, v45;
	v0 =	vadd.f32 v17, v0  }
0x55c: {  	v60 =	vmul.f32 v29, v46;
	v61 =	vmul.f32 v31, v48;
	v20 =	vadd.f32 v20, v57  }
0x55d: {  	v18 =	vadd.f32 v18, v58;
	v21 =	vadd.f32 v21, v59;
	v0 =	vmul.f32 v0, v39  }
0x55e: {  	v62 =	vmul.f32 v32, v49;
	v17 =	vadd.f32 v22, v60;
	v20 =	vmul.f32 v20, v39  }
0x55f: {  	v63 =	vmul.f32 v33, v50;
	v18 =	vmul.f32 v18, v39;
	v0 =	vadd.f32 v0, v1  }
0x560: {  	v41 =	vld [tilespmem:s31+$0x100];
	v21 =	vmul.f32 v21, v39;
	v19 =	vadd.f32 v19, v61;
	v20 =	vadd.f32 v20, v1  }
0x561: {  	v45 =	vld [tilespmem:s31+$0x180];
	v17 =	vmul.f32 v17, v39;
	v14 =	vadd.f32 v14, v62;
	v33 =	vadd.f32 v18, v1;
	[tilespmem:s30+$0x0] =	vst v0  }
0x562: {  	v31 =	vld [tilespmem:s31+$0x0];
	v43 =	vadd.f32 v21, v1;
	v19 =	vmul.f32 v19, v39;
	v15 =	vadd.f32 v15, v63;
	[tilespmem:s30+$0x80] =	vst v20  }
0x563: {  	v48 =	vld [tilespmem:s31+$0x200];
	v46 =	vadd.f32 v17, v1;
	v14 =	vmul.f32 v14, v39;
	[tilespmem:s30+$0x100] =	vst v33  }
0x564: {  	v32 =	vld [tilespmem:s31+$0x80];
	v49 =	vadd.f32 v38, v47;
	[tilespmem:s30+$0x180] =	vst v43;
	v19 =	vadd.f32 v19, v1;
	v15 =	vmul.f32 v15, v39  }
0x565: {  	v50 =	vld [tilespmem:s31+$0x280];
	[tilespmem:s30+$0x200] =	vst v46;
	v51 =	vadd.f32 v14, v1  }
0x566: {  	v52 =	vld [tilespmem:s31+$0x300];
	v53 =	vmul.f32 v49, v34;
	[tilespmem:s30+$0x280] =	vst v19;
	v15 =	vadd.f32 v15, v1  }
0x567: {  	s29 =	sadd.s32 s26, s16;
	v54 =	vadd.f32 v44, v30;
	v18 =	vmul.f32 v10, v41;
	[tilespmem:s30+$0x300] =	vst v51  }
0x568: {  	s16 =	sadd.s32 s28, s29;
	v21 =	vmul.f32 v13, v45;
	v55 =	vmul.f32 v11, v31;
	v56 =	vadd.f32 v53, v35;
	[tilespmem:s30+$0x380] =	vst v15  }
0x569: {  	v17 =	vmul.f32 v16, v48;
	v57 =	vmul.f32 v12, v32;
	v18 =	vadd.f32 v8, v18;
	v58 =	vld [tilespmem:s16+$0x380]  }
0x56a: {  	v21 =	vadd.f32 v4, v21;
	v20 =	vadd.f32 v5, v55;
	v25 =	vmul.f32 v23, v50;
	v59 =	vld [tilespmem:s16+$0x0]  }
0x56b: {  	[tilespmem:s5+$0x100] =	vst v42;
	v14 =	vmul.f32 v24, v52;
	v60 =	vadd.f32 v7, v17;
	v18 =	vmul.f32 v18, v34;
	v62 =	vld [tilespmem:s16+$0x80]  }
0x56c: {  	[tilespmem:s5+$0x180] =	vst v3;
	v19 =	vadd.f32 v6, v57;
	v31 =	vmul.f32 v21, v34;
	v20 =	vmul.f32 v20, v34;
	v63 =	vld [tilespmem:s16+$0x100]  }
0x56d: {  	[tilespmem:s5+$0x200] =	vst v40;
	v61 =	vadd.f32 v9, v25;
	v14 =	vadd.f32 v37, v14;
	v3 =	vmul.f32 v60, v34;
	v32 =	vld [tilespmem:s16+$0x180]  }
0x56e: {  	[tilespmem:s5+$0x280] =	vst v2;
	v19 =	vmul.f32 v19, v34;
	v40 =	vadd.f32 v18, v35;
	v41 =	vadd.f32 v31, v35;
	v42 =	vld [tilespmem:s16+$0x280]  }
0x56f: {  	[tilespmem:s5+$0x300] =	vst v54;
	v30 =	vadd.f32 v20, v35;
	v17 =	vmul.f32 v61, v34;
	v14 =	vmul.f32 v14, v34;
	v45 =	vld [tilespmem:s16+$0x300]  }
0x570: {  	[tilespmem:s31+$0x380] =	vst v56;
	v43 =	vadd.f32 v3, v35;
	v33 =	vadd.f32 v19, v35;
	v22 =	vmul.f32 v36, v58  }
0x571: {  	[tilespmem:s31+$0x100] =	vst v40;
	v47 =	vadd.f32 v17, v35;
	v14 =	vadd.f32 v14, v35;
	v46 =	vmul.f32 v11, v59  }
0x572: {  	[tilespmem:s31+$0x180] =	vst v41;
	v48 =	vmul.f32 v12, v62;
	v49 =	vmul.f32 v10, v63;
	v36 =	vadd.f32 v38, v22;
	v38 =	vld [tilespmem:s16+$0x200]  }
0x573: {  	[tilespmem:s31+$0x0] =	vst v30;
	v51 =	vmul.f32 v13, v32;
	v54 =	vmul.f32 v23, v42;
	v50 =	vadd.f32 v5, v46  }
0x574: {  	[tilespmem:s31+$0x200] =	vst v43;
	v56 =	vmul.f32 v24, v45;
	v53 =	vadd.f32 v6, v48;
	v44 =	vmul.f32 v36, v39  }
0x575: {  	[tilespmem:s31+$0x80] =	vst v33;
	v55 =	vadd.f32 v8, v49;
	v2 =	vadd.f32 v9, v54;
	v5 =	vmul.f32 v50, v39  }
0x576: {  	[tilespmem:s31+$0x280] =	vst v47;
	v0 =	vadd.f32 v37, v56;
	v6 =	vmul.f32 v53, v39;
	v3 =	vadd.f32 v44, v1  }
0x577: {  	[tilespmem:s31+$0x300] =	vst v14;
	v8 =	vmul.f32 v55, v39;
	v5 =	vadd.f32 v5, v1;
	v52 =	vmul.f32 v16, v38  }
0x578: {  	v57 =	vadd.f32 v4, v51;
	v2 =	vmul.f32 v2, v39;
	v60 =	vadd.f32 v6, v1;
	[tilespmem:s16+$0x380] =	vst v3  }
0x579: {  	v0 =	vmul.f32 v0, v39;
	v62 =	vadd.f32 v8, v1;
	[tilespmem:s16+$0x0] =	vst v5;
	v58 =	vadd.f32 v7, v52  }
0x57a: {  	s25 =	sadd.s32 $0x1, s25;
	v59 =	vmul.f32 v57, v39;
	v2 =	vadd.f32 v2, v1;
	[tilespmem:s16+$0x80] =	vst v60  }
0x57b: {  	p0 =	sne.s32 s25, $0x20;
	s31 =	smul.u32 $0x1800, s3;
	v0 =	vadd.f32 v0, v1;
	[tilespmem:s16+$0x100] =	vst v62;
	v61 =	vmul.f32 v58, v39  }
.Ltmp6:
0x57c: {  	v3 =	vadd.f32 v59, v1;
	[tilespmem:s16+$0x280] =	vst v2;
	(pc) =	sbr.rel @p0 .LBB2_6-.Ltmp6, $4  }
0x57d: {  	s1 =	sshrl.u32 s31, $0x3;
	[tilespmem:s16+$0x300] =	vst v0;
	v63 =	vadd.f32 v61, v1  }
0x57e: {  	s1 =	sadd.s32 s11, s1;
	[tilespmem:s16+$0x180] =	vst v3  }
0x57f: {  	s1 =	sadd.s32 $0x600, s1;
	[tilespmem:s16+$0x200] =	vst v63  }
0x580: {  	[hbm4b:s1+s7] =	stream.linear.scatter [tilespmem:s4], [sflag:s0], $0x3000, $0x38;
	[tilespmem:$0x18E00] =	vst v63  }
0x581: {  	s1 =	simm.s32 $0x6  }
0x582: {  	_ =	swait.ge [sflag:s1], $0x3000  }
0x583: {  	[sflag:s1] =	ssyncset.done $0x0  }
0x584: {  	[sflag:s1] =	ssyncadd.s32 $0xFFFFD000  }
0x585: {  	_ =	swait.ge [sflag:s1], $0x3000  }
0x586: {  	s2 =	rddreg [dreg:$0xc]  }
0x587: {  	s0 =	rddreg [dreg:$0xb];
	s2 =	sadd.s32 $0x1, s2  }
0x588: {  	p0 =	sne.s32 s2, s0  }
.Ltmp7:
0x589: {  	_ = 	snop;
	(pc) =	sbr.rel @p0 .LBB2_1-.Ltmp7, $3  }
0x58a: {  	_ =	sdelay $0x1  }
0x58b: {  	[sflag:s1] =	ssyncset.done $0x0  }
0x58c: {  	v0 =	vimm.s32 $0x0;
	[sflag:s1] =	ssyncadd.s32 $0xFFFFD000  }
0x58d: {  	_ =	sfence.sel $0x180000  }
0x58e: {  	[bflag:$0x0] =	sbarrier.arrive $0xFFFF  }
0x58f: {  	_ =	strace $0x90000047  }
0x590: {  	s0 =	stileid.u32;
	[bflag:$0x2] =	sbarrier.arrive $0xFFFF  }
0x591: {  	p0 =	sne.s32 s0, $0x0;
	s0 =	rddreg [dreg:$0x6]  }
0x592: {  	s0 =	sadd.s32 @!p0 $0x100000, s0  }
0x593: {  	[sflag:s0] =	ssyncadd.tile.s32 @!p0 $0x1;
	_ =	shalt  }
.Lfunc_end2:
_tile_overlayer_lowered:
.L_overlay_start_2:
0x594: {  	(tag) =	ssettag $0x2  }
0x595: {  	s0 =	rddreg [dreg:$0x0];
	s2 =	stileid.u32  }
0x596: {  	s1 =	rddreg [dreg:$0x1];
	p0 =	sne.s32 s2, $0x0  }
0x597: {  	s3 =	rddreg [dreg:$0x2];
	[bflag:$0x3] =	sbarrier.arrive $0xFFFF;
	s2 =	simm.s32 @!p0 $0x1C07  }
0x598: {  	[timem:s3], [sflag:s2] =	dma.local @!p0 [hbm:s0], s1  }
0x599: {  	s0 =	simm.s32 @!p0 $0x7  }
0x59a: {  	_ =	swait.ge @!p0 [sflag:s0], s1  }
0x59b: {  	s1 =	ssub.s32 @!p0 $0x0, s1;
	[sflag:s0] =	ssyncset.done @!p0 $0x0  }
0x59c: {  	[sflag:s0] =	ssyncadd.s32 @!p0 s1  }
0x59d: {  	[bflag:$0x3] =	sbarrier.arrive $0xFFFF  }
0x59e: {  	_ =	shalt  }

</sc_bundles>
